<compile_context>
chip_gen: v7x
topology: tpu7x:2x2x1
jax: 0.10.2.dev20260603
libtpu: 0.0.44.dev20260713+nightly
codegen_flags: <defaults>
</compile_context>

<pallas_src>
import functools

import jax
import jax.numpy as jnp
from jax import lax
from jax.experimental import pallas as pl
from jax.experimental.pallas import tpu as pltpu
from jax.experimental.pallas import tpu_sc as plsc

N_NODES = 10000
N_EDGES = 320000
D = 128
T_ROWS = 50
T_DIM = 16

NP = 10240
EP = 327680
W = 64
W2 = 128
BLK = 256


def _dense1_body(x_ref, t_ref, te_ref, wl_ref, wr_ref, bl_ref, p_ref, q_ref):
    xb = x_ref[...]
    tb = t_ref[...]
    iot = lax.broadcasted_iota(jnp.int32, (BLK, T_ROWS), 1)
    oh = (tb == iot).astype(jnp.float32)
    te = jnp.dot(oh, te_ref[...], preferred_element_type=jnp.float32)
    wl = wl_ref[...]
    wr = wr_ref[...]
    p = (jnp.dot(xb, wl[:D], preferred_element_type=jnp.float32)
         + jnp.dot(te, wl[D:], preferred_element_type=jnp.float32))
    q = (jnp.dot(xb, wr[:D], preferred_element_type=jnp.float32)
         + jnp.dot(te, wr[D:], preferred_element_type=jnp.float32)
         + bl_ref[...])
    p_ref[...] = p
    q_ref[...] = q


def _dense1(xp, tp, time_embed, Wl1, Wr1, bl1):
    return pl.pallas_call(
        _dense1_body,
        grid=(NP // BLK,),
        in_specs=[
            pl.BlockSpec((BLK, D), lambda i: (i, 0)),
            pl.BlockSpec((BLK, 1), lambda i: (i, 0)),
            pl.BlockSpec((T_ROWS, T_DIM), lambda i: (0, 0)),
            pl.BlockSpec((D + T_DIM, D), lambda i: (0, 0)),
            pl.BlockSpec((D + T_DIM, D), lambda i: (0, 0)),
            pl.BlockSpec((1, D), lambda i: (0, 0)),
        ],
        out_specs=[
            pl.BlockSpec((BLK, D), lambda i: (i, 0)),
            pl.BlockSpec((BLK, D), lambda i: (i, 0)),
        ],
        out_shape=[
            jax.ShapeDtypeStruct((NP, D), jnp.float32),
            jax.ShapeDtypeStruct((NP, D), jnp.float32),
        ],
    )(xp, tp, time_embed, Wl1, Wr1, bl1)


_STREAMS1 = EP // 32 // W
_ROWS1 = EP // 32 // 128
_DEGROWS = 8
HD = D // 2


def _sc_agg_body(p1, eidx2, zf, zd, agg_out, deg_out,
                 eidx, sA, sB, sC, sD, dD, dBig, rowA, rowB, rowC, rowD,
                 ones_v, acc, dacc, semA, semB, semC, semD):
    c = lax.axis_index("c")
    s = lax.axis_index("s")
    wid = s * 2 + c
    lo = s * (NP // 16)

    pltpu.sync_copy(zf, acc.at[pl.ds(lo, NP // 16)])
    pltpu.sync_copy(zd, dacc.at[pl.ds(lo, NP // 16)])

    def _ones(k, carry):
        ones_v[pl.ds(k * 16, 16)] = jnp.full((16,), 1.0, jnp.float32)
        return carry
    lax.fori_loop(0, _DEGROWS * 128 // 16, _ones, 0)

    pltpu.sync_copy(eidx2.at[pl.ds(wid * _ROWS1, _ROWS1)], eidx)
    plsc.subcore_barrier()

    def _unpack_src(row, cb, dref):
        for k in range(W // 16):
            dref[pl.ds(k * 16, 16)] = jax.lax.shift_right_logical(
                eidx[row, pl.ds(cb + k * 16, 16)], 14)

    def _unpack_dst(row, cb):
        for k in range(W // 16):
            dD[pl.ds(k * 16, 16)] = jax.lax.bitwise_and(
                eidx[row, pl.ds(cb + k * 16, 16)], 16383)

    rows = [rowA, rowB, rowC, rowD]
    sidxs = [sA, sB, sC, sD]
    sems = [semA, semB, semC, semD]
    NCH = 4

    for m in range(NCH):
        _unpack_src(m // 2, (m % 2) * W, sidxs[m])
        pltpu.async_copy(p1.at[sidxs[m]], rows[m], sems[m])

    def _quad(jj, carry):
        r = jj * 2
        for m in range(NCH):
            pltpu.make_async_copy(p1.at[sidxs[m]], rows[m], sems[m]).wait()
            _unpack_dst(r + m // 2, (m % 2) * W)
            pltpu.sync_copy(rows[m], acc.at[dD], add=True)
            _unpack_src(r + 2 + m // 2, (m % 2) * W, sidxs[m])
            pltpu.async_copy(p1.at[sidxs[m]], rows[m], sems[m])
        return carry
    lax.fori_loop(0, _STREAMS1 // NCH - 1, _quad, 0)

    r = _ROWS1 - 2
    for m in range(NCH):
        pltpu.make_async_copy(p1.at[sidxs[m]], rows[m], sems[m]).wait()
        _unpack_dst(r + m // 2, (m % 2) * W)
        pltpu.sync_copy(rows[m], acc.at[dD], add=True)

    def _deg(b, carry):
        for m in range(_DEGROWS):
            row = b * _DEGROWS + m
            for k in range(128 // 16):
                dBig[pl.ds(m * 128 + k * 16, 16)] = jax.lax.bitwise_and(
                    eidx[row, pl.ds(k * 16, 16)], 16383)
        pltpu.sync_copy(ones_v, dacc.at[dBig], add=True)
        return carry
    lax.fori_loop(0, _ROWS1 // _DEGROWS, _deg, 0)

    plsc.subcore_barrier()
    pltpu.sync_copy(acc.at[pl.ds(lo, NP // 16)],
                    agg_out.at[c, pl.ds(lo, NP // 16)])
    pltpu.sync_copy(dacc.at[pl.ds(lo, NP // 16)],
                    deg_out.at[c, pl.ds(lo, NP // 16)])


_sc_agg = functools.partial(
    pl.kernel,
    out_type=[
        jax.ShapeDtypeStruct((2, NP, D), jnp.float32),
        jax.ShapeDtypeStruct((2, NP), jnp.float32),
    ],
    mesh=plsc.VectorSubcoreMesh(core_axis_name="c", subcore_axis_name="s"),
    scratch_types=[
        pltpu.VMEM((_ROWS1, 128), jnp.int32),
        pltpu.VMEM((W,), jnp.int32),
        pltpu.VMEM((W,), jnp.int32),
        pltpu.VMEM((W,), jnp.int32),
        pltpu.VMEM((W,), jnp.int32),
        pltpu.VMEM((W,), jnp.int32),
        pltpu.VMEM((_DEGROWS * 128,), jnp.int32),
        pltpu.VMEM((W, D), jnp.float32),
        pltpu.VMEM((W, D), jnp.float32),
        pltpu.VMEM((W, D), jnp.float32),
        pltpu.VMEM((W, D), jnp.float32),
        pltpu.VMEM((_DEGROWS * 128,), jnp.float32),
        pltpu.VMEM_SHARED((NP, D), jnp.float32),
        pltpu.VMEM_SHARED((NP,), jnp.float32),
        pltpu.SemaphoreType.DMA,
        pltpu.SemaphoreType.DMA,
        pltpu.SemaphoreType.DMA,
        pltpu.SemaphoreType.DMA,
    ],
)(_sc_agg_body)


def _dense2_body(a0_ref, a1_ref, d0_ref, d1_ref, q_ref, wl2_ref, wr2_ref,
                 bl2_ref, s_ref, r_ref, rd_ref):
    deg = d0_ref[...] + d1_ref[...]
    rd = 1.0 / jnp.maximum(deg, 1.0)
    h = jnp.maximum((a0_ref[...] + a1_ref[...]) * rd + q_ref[...], 0.0)
    s_ref[...] = jnp.sum(h * wl2_ref[...], axis=1, keepdims=True)
    r_ref[...] = jnp.sum(h * wr2_ref[...], axis=1, keepdims=True) + bl2_ref[...]
    rd_ref[...] = rd


def _dense2(a0, a1, d0, d1, q1, wl2r, wr2r, bl2r):
    return pl.pallas_call(
        _dense2_body,
        grid=(NP // BLK,),
        in_specs=[
            pl.BlockSpec((BLK, D), lambda i: (i, 0)),
            pl.BlockSpec((BLK, D), lambda i: (i, 0)),
            pl.BlockSpec((BLK, 1), lambda i: (i, 0)),
            pl.BlockSpec((BLK, 1), lambda i: (i, 0)),
            pl.BlockSpec((BLK, D), lambda i: (i, 0)),
            pl.BlockSpec((1, D), lambda i: (0, 0)),
            pl.BlockSpec((1, D), lambda i: (0, 0)),
            pl.BlockSpec((1, 1), lambda i: (0, 0)),
        ],
        out_specs=[
            pl.BlockSpec((BLK, 1), lambda i: (i, 0)),
            pl.BlockSpec((BLK, 1), lambda i: (i, 0)),
            pl.BlockSpec((BLK, 1), lambda i: (i, 0)),
        ],
        out_shape=[
            jax.ShapeDtypeStruct((NP, 1), jnp.float32),
            jax.ShapeDtypeStruct((NP, 1), jnp.float32),
            jax.ShapeDtypeStruct((NP, 1), jnp.float32),
        ],
    )(a0, a1, d0, d1, q1, wl2r, wr2r, bl2r)


_STREAMS2 = EP // 16 // W2


def _sc_head_body(sv, eidx2, zd, rdv, rv, out,
                  eidx, s_tile, valA, valB, dDa, dDb,
                  abuf, rdbuf, rbuf, obuf, acc, semA, semB):
    s = lax.axis_index("s")
    lo = s * (NP // 16)

    pltpu.sync_copy(zd, acc.at[pl.ds(lo, NP // 16)])
    pltpu.sync_copy(eidx2.at[pl.ds(s * _STREAMS2, _STREAMS2)], eidx)
    pltpu.sync_copy(sv, s_tile)
    plsc.subcore_barrier()

    def _grp(g, val_ref, dD_ref):
        for k in range(W2 // 16):
            sl = pl.ds(k * 16, 16)
            e = eidx[g, sl]
            srcv = jax.lax.shift_right_logical(e, 14)
            dD_ref[sl] = jax.lax.bitwise_and(e, 16383)
            val_ref[sl] = plsc.load_gather(s_tile, [srcv])

    _grp(0, valA, dDa)
    pltpu.async_copy(valA, acc.at[dDa], semA, add=True)
    _grp(1, valB, dDb)
    pltpu.async_copy(valB, acc.at[dDb], semB, add=True)

    def _pair(gg, carry):
        g = gg * 2
        pltpu.make_async_copy(valA, acc.at[dDa], semA).wait()
        _grp(g + 2, valA, dDa)
        pltpu.async_copy(valA, acc.at[dDa], semA, add=True)
        pltpu.make_async_copy(valB, acc.at[dDb], semB).wait()
        _grp(g + 3, valB, dDb)
        pltpu.async_copy(valB, acc.at[dDb], semB, add=True)
        return carry
    lax.fori_loop(0, _STREAMS2 // 2 - 1, _pair, 0)

    pltpu.make_async_copy(valA, acc.at[dDa], semA).wait()
    pltpu.make_async_copy(valB, acc.at[dDb], semB).wait()

    plsc.subcore_barrier()
    pltpu.sync_copy(acc.at[pl.ds(lo, NP // 16)], abuf)
    pltpu.sync_copy(rdv.at[pl.ds(lo, NP // 16)], rdbuf)
    pltpu.sync_copy(rv.at[pl.ds(lo, NP // 16)], rbuf)

    def _fin(k, carry):
        sl = pl.ds(k * 16, 16)
        obuf[sl] = abuf[sl] * rdbuf[sl] + rbuf[sl]
        return carry
    lax.fori_loop(0, NP // 16 // 16, _fin, 0)
    pltpu.sync_copy(obuf, out.at[pl.ds(lo, NP // 16)])


_sc_head = functools.partial(
    pl.kernel,
    out_type=jax.ShapeDtypeStruct((NP,), jnp.float32),
    mesh=plsc.VectorSubcoreMesh(core_axis_name="c", subcore_axis_name="s",
                                num_cores=1),
    compiler_params=pltpu.CompilerParams(needs_layout_passes=False),
    scratch_types=[
        pltpu.VMEM((_STREAMS2, W2), jnp.int32),
        pltpu.VMEM((NP,), jnp.float32),
        pltpu.VMEM((W2,), jnp.float32),
        pltpu.VMEM((W2,), jnp.float32),
        pltpu.VMEM((W2,), jnp.int32),
        pltpu.VMEM((W2,), jnp.int32),
        pltpu.VMEM((NP // 16,), jnp.float32),
        pltpu.VMEM((NP // 16,), jnp.float32),
        pltpu.VMEM((NP // 16,), jnp.float32),
        pltpu.VMEM((NP // 16,), jnp.float32),
        pltpu.VMEM_SHARED((NP,), jnp.float32),
        pltpu.SemaphoreType.DMA,
        pltpu.SemaphoreType.DMA,
    ],
)(_sc_head_body)


def kernel(x, edge_index, timesteps, time_embed, Wl1, bl1, Wr1, Wl2, bl2, Wr2):
    src = edge_index[0].astype(jnp.int32)
    dst = edge_index[1].astype(jnp.int32)
    ts = timesteps.astype(jnp.int32)

    xp = x
    tp = ts.reshape(N_NODES, 1)

    pad_n = EP - N_EDGES
    pidx = jnp.arange(pad_n, dtype=jnp.int32)
    src_p = jnp.concatenate([src, N_NODES + (pidx % 64)])
    dst_p = jnp.concatenate([dst, N_NODES + 64 + (pidx % 64)])
    eidx_packed = jax.lax.shift_left(src_p, 14) | dst_p
    eidx_p = eidx_packed.reshape(EP // 128, 128)
    eidx_p2 = eidx_p

    zf = jnp.zeros((NP // 16, D), jnp.float32)
    zd = jnp.zeros((NP // 16,), jnp.float32)

    p1, q1 = _dense1(xp, tp, time_embed, Wl1, Wr1, bl1.reshape(1, D))

    agg_part, deg_part = _sc_agg(p1, eidx_p, zf, zd)

    sv, rv, rdv = _dense2(
        agg_part[0], agg_part[1],
        deg_part[0].reshape(NP, 1), deg_part[1].reshape(NP, 1),
        q1, Wl2.reshape(1, D), Wr2.reshape(1, D), bl2.reshape(1, 1))

    out_full = _sc_head(sv.reshape(NP), eidx_p2, zd,
                        rdv.reshape(NP), rv.reshape(NP))
    return out_full[:N_NODES]

# --- scband reference (transcript-rebuilt; emitter-appended) ---
"""Pipeline reference for scband-temporal-sage-35287451304625 (READ-ONLY COPY).

The authoritative reference and input builder live on the scoring server;
editing this copy changes nothing except your own understanding.
"""

import jax, jax.numpy as jnp
import numpy as np

N_NODES = 10000
N_EDGES = 320000
D_FEAT = 128
TIME_DIM = 16
HIDDEN = 128
NUM_TIMESTEPS = 49  # embedding table rows = 50
AUG = D_FEAT + TIME_DIM


def setup_inputs(seed: int = 0) -> dict:
    key = jax.random.key(seed)
    ks = jax.random.split(key, 10)
    x = jax.random.normal(ks[0], (N_NODES, D_FEAT), dtype=jnp.float32)
    edge_index = jax.random.randint(ks[1], (2, N_EDGES), 0, N_NODES, dtype=jnp.int64)
    timesteps = jax.random.randint(ks[2], (N_NODES,), 0, NUM_TIMESTEPS + 1, dtype=jnp.int64)
    time_embed = jax.random.normal(ks[3], (NUM_TIMESTEPS + 1, TIME_DIM), dtype=jnp.float32)
    # SAGEConv 1: aug_dim -> hidden (lin_l with bias, lin_r no bias)
    s1 = 1.0 / np.sqrt(AUG)
    Wl1 = jax.random.uniform(ks[4], (AUG, HIDDEN), minval=-s1, maxval=s1, dtype=jnp.float32)
    bl1 = jnp.zeros((HIDDEN,), dtype=jnp.float32)
    Wr1 = jax.random.uniform(ks[5], (AUG, HIDDEN), minval=-s1, maxval=s1, dtype=jnp.float32)
    # head SAGEConv: hidden -> 1
    s2 = 1.0 / np.sqrt(HIDDEN)
    Wl2 = jax.random.uniform(ks[6], (HIDDEN, 1), minval=-s2, maxval=s2, dtype=jnp.float32)
    bl2 = jnp.zeros((1,), dtype=jnp.float32)
    Wr2 = jax.random.uniform(ks[7], (HIDDEN, 1), minval=-s2, maxval=s2, dtype=jnp.float32)
    return {
        "x": x, "edge_index": edge_index, "timesteps": timesteps,
        "time_embed": time_embed,
        "Wl1": Wl1, "bl1": bl1, "Wr1": Wr1,
        "Wl2": Wl2, "bl2": bl2, "Wr2": Wr2,
    }


def _sage_conv(h, src, dst, Wl, bl, Wr, num_nodes):
    # PyG SAGEConv with mean aggregation: out = lin_l(mean_{j->i} x_j) + lin_r(x_i)
    msgs = jnp.take(h, src, axis=0)
    agg = jax.ops.segment_sum(msgs, dst, num_segments=num_nodes)
    deg = jax.ops.segment_sum(jnp.ones((src.shape[0],), dtype=h.dtype), dst, num_segments=num_nodes)
    agg = agg / jnp.clip(deg, 1.0, None)[:, None]
    return agg @ Wl + bl + h @ Wr


def reference(x, edge_index, timesteps, time_embed, Wl1, bl1, Wr1, Wl2, bl2, Wr2):
    num_nodes = x.shape[0]
    src = edge_index[0]
    dst = edge_index[1]
    # _augment: concat learnable time embedding
    t_emb = jnp.take(time_embed, timesteps, axis=0)
    h = jnp.concatenate([x, t_emb], axis=-1)
    # conv layer (num_layers=2 -> single hidden conv) + relu; dropout is identity in eval
    h = _sage_conv(h, src, dst, Wl1, bl1, Wr1, num_nodes)
    h = jax.nn.relu(h)
    # classification head SAGEConv -> squeeze(-1)
    out = _sage_conv(h, src, dst, Wl2, bl2, Wr2, num_nodes)
    return out.squeeze(-1)

if __name__ == "__main__":
    import jax
    _d = setup_inputs()
    print(jax.jit(kernel)(*tuple(_d.values())))

</pallas_src>

<mosaic_0001>
#map = affine_map<(d0, d1) -> (0, 0)>
#map1 = affine_map<(d0, d1) -> (0)>
#map2 = affine_map<(d0, d1) -> (0, 0, 0)>
module attributes {stable_mosaic.version = 14 : i64} {
  func.func @_sc_agg_body(%arg0: i32, %arg1: i32, %arg2: memref<10240x128xf32, #tpu.memory_space<hbm>>, %arg3: memref<2560x128xi32, #tpu.memory_space<hbm>>, %arg4: memref<640x128xf32, #tpu.memory_space<hbm>>, %arg5: memref<640xf32, #tpu.memory_space<hbm>>, %arg6: memref<2x10240x128xf32, #tpu.memory_space<hbm>>, %arg7: memref<2x10240xf32, #tpu.memory_space<hbm>>, %arg8: memref<80x128xi32, #tpu.memory_space<vmem>>, %arg9: memref<64xi32, #tpu.memory_space<vmem>>, %arg10: memref<64xi32, #tpu.memory_space<vmem>>, %arg11: memref<64xi32, #tpu.memory_space<vmem>>, %arg12: memref<64xi32, #tpu.memory_space<vmem>>, %arg13: memref<64xi32, #tpu.memory_space<vmem>>, %arg14: memref<1024xi32, #tpu.memory_space<vmem>>, %arg15: memref<64x128xf32, #tpu.memory_space<vmem>>, %arg16: memref<64x128xf32, #tpu.memory_space<vmem>>, %arg17: memref<64x128xf32, #tpu.memory_space<vmem>>, %arg18: memref<64x128xf32, #tpu.memory_space<vmem>>, %arg19: memref<1024xf32, #tpu.memory_space<vmem>>, %arg20: memref<10240x128xf32, #tpu.memory_space<vmem_shared>>, %arg21: memref<10240xf32, #tpu.memory_space<vmem_shared>>, %arg22: memref<!tpu.dma_semaphore, #tpu.memory_space<semaphore_mem>>, %arg23: memref<!tpu.dma_semaphore, #tpu.memory_space<semaphore_mem>>, %arg24: memref<!tpu.dma_semaphore, #tpu.memory_space<semaphore_mem>>, %arg25: memref<!tpu.dma_semaphore, #tpu.memory_space<semaphore_mem>>) attributes {dimension_semantics = [#tpu.dimension_semantics<core_parallel>, #tpu.dimension_semantics<subcore_parallel>], iteration_bounds = array<i64: 2, 16>, scalar_prefetch = 0 : i64, scratch_operands = 18 : i64, tpu.core_type = #tpu.core_type<sc_vector_subcore>, window_params = [{transform_indices = #map}, {transform_indices = #map}, {transform_indices = #map}, {transform_indices = #map1}, {transform_indices = #map2}, {transform_indices = #map}]} {
    %mul3A = arith.constant 2 : i32
    %mul3A_0 = arith.muli %arg1, %mul3A : i32
    %add3A = arith.addi %mul3A_0, %arg0 : i32
    %mul3A_1 = arith.constant 640 : i32
    %mul3A_2 = arith.muli %arg1, %mul3A_1 : i32
    "tpu.region"() ({
      %run_scoped3A = tpu.sem_alloc : memref<!tpu.dma_semaphore, #tpu.memory_space<semaphore_mem>>
      %dma_start3A_425 = arith.constant 0 : i32
      %dma_start3A_426 = tpu.memref_slice %arg20[%mul3A_2, %dma_start3A_425] : memref<10240x128xf32, #tpu.memory_space<vmem_shared>> -> memref<640x128xf32, #tpu.memory_space<vmem_shared>>
      tpu.enqueue_dma source(%arg4 : memref<640x128xf32, #tpu.memory_space<hbm>>) target(%dma_start3A_426 : memref<640x128xf32, #tpu.memory_space<vmem_shared>>) target_semaphore(%run_scoped3A : memref<!tpu.dma_semaphore, #tpu.memory_space<semaphore_mem>>)
      %dma_wait3A_427 = arith.constant 0 : i32
      %dma_wait3A_428 = tpu.memref_slice %arg20[%mul3A_2, %dma_wait3A_427] : memref<10240x128xf32, #tpu.memory_space<vmem_shared>> -> memref<640x128xf32, #tpu.memory_space<vmem_shared>>
      tpu.wait_dma2 semaphore(%run_scoped3A : memref<!tpu.dma_semaphore, #tpu.memory_space<semaphore_mem>>) src(%arg4 : memref<640x128xf32, #tpu.memory_space<hbm>>) dst(%dma_wait3A_428 : memref<640x128xf32, #tpu.memory_space<vmem_shared>>)
      tpu.yield
    }) : () -> ()
    "tpu.region"() ({
      %run_scoped3A = tpu.sem_alloc : memref<!tpu.dma_semaphore, #tpu.memory_space<semaphore_mem>>
      %dma_start3A_425 = tpu.memref_slice %arg21[%mul3A_2] : memref<10240xf32, #tpu.memory_space<vmem_shared>> -> memref<640xf32, #tpu.memory_space<vmem_shared>>
      tpu.enqueue_dma source(%arg5 : memref<640xf32, #tpu.memory_space<hbm>>) target(%dma_start3A_425 : memref<640xf32, #tpu.memory_space<vmem_shared>>) target_semaphore(%run_scoped3A : memref<!tpu.dma_semaphore, #tpu.memory_space<semaphore_mem>>)
      %dma_wait3A_426 = tpu.memref_slice %arg21[%mul3A_2] : memref<10240xf32, #tpu.memory_space<vmem_shared>> -> memref<640xf32, #tpu.memory_space<vmem_shared>>
      tpu.wait_dma2 semaphore(%run_scoped3A : memref<!tpu.dma_semaphore, #tpu.memory_space<semaphore_mem>>) src(%arg5 : memref<640xf32, #tpu.memory_space<hbm>>) dst(%dma_wait3A_426 : memref<640xf32, #tpu.memory_space<vmem_shared>>)
      tpu.yield
    }) : () -> ()
    %scan3A = arith.constant 0 : i32
    %scan3A_3 = arith.constant 0 : i32
    %scan3A_4 = arith.constant 64 : i32
    %scan3A_5 = arith.addi %scan3A_3, %scan3A_4 : i32
    %scan3A_6 = arith.constant 1 : i32
    scf.for %scan3A_425 = %scan3A_3 to %scan3A_5 step %scan3A_6  : i32 {
      %broadcast_in_dim3A = arith.constant 1.000000e+00 : f32
      %broadcast_in_dim3A_426 = vector.broadcast %broadcast_in_dim3A : f32 to vector<16xf32>
      %mul3A_427 = arith.constant 16 : i32
      %mul3A_428 = arith.muli %scan3A_425, %mul3A_427 : i32
      %swap3A_429 = arith.index_cast %mul3A_428 : i32 to index
      %swap3A_430 = tpu.vector_load %arg19[%swap3A_429] {strides = array<i32>} : memref<1024xf32, #tpu.memory_space<vmem>>, vector<16xf32>,
      %swap3A_431 = vector.shape_cast %swap3A_430 : vector<16xf32> to vector<16xf32>
      %swap3A_432 = vector.shape_cast %broadcast_in_dim3A_426 : vector<16xf32> to vector<16xf32>
      tpu.vector_store %arg19[%swap3A_429], %swap3A_432 {strides = array<i32>} : memref<1024xf32, #tpu.memory_space<vmem>>, vector<16xf32>,
    }
    %scan3A_7 = arith.constant 64 : i32
    %mul3A_8 = arith.constant 80 : i32
    %mul3A_9 = arith.muli %add3A, %mul3A_8 : i32
    "tpu.region"() ({
      %run_scoped3A = tpu.sem_alloc : memref<!tpu.dma_semaphore, #tpu.memory_space<semaphore_mem>>
      %dma_start3A_425 = arith.constant 0 : i32
      %dma_start3A_426 = tpu.memref_slice %arg3[%mul3A_9, %dma_start3A_425] : memref<2560x128xi32, #tpu.memory_space<hbm>> -> memref<80x128xi32, #tpu.memory_space<hbm>>
      %dma_start3A_427 = arith.constant 0 : i32
      %dma_start3A_428 = tpu.memref_slice %arg3[%mul3A_9, %dma_start3A_427] : memref<2560x128xi32, #tpu.memory_space<hbm>> -> memref<80x128xi32, #tpu.memory_space<hbm>>
      tpu.enqueue_dma source(%dma_start3A_428 : memref<80x128xi32, #tpu.memory_space<hbm>>) target(%arg8 : memref<80x128xi32, #tpu.memory_space<vmem>>) target_semaphore(%run_scoped3A : memref<!tpu.dma_semaphore, #tpu.memory_space<semaphore_mem>>)
      %dma_wait3A_429 = arith.constant 0 : i32
      %dma_wait3A_430 = tpu.memref_slice %arg3[%mul3A_9, %dma_wait3A_429] : memref<2560x128xi32, #tpu.memory_space<hbm>> -> memref<80x128xi32, #tpu.memory_space<hbm>>
      %dma_wait3A_431 = arith.constant 0 : i32
      %dma_wait3A_432 = tpu.memref_slice %arg3[%mul3A_9, %dma_wait3A_431] : memref<2560x128xi32, #tpu.memory_space<hbm>> -> memref<80x128xi32, #tpu.memory_space<hbm>>
      tpu.wait_dma2 semaphore(%run_scoped3A : memref<!tpu.dma_semaphore, #tpu.memory_space<semaphore_mem>>) src(%dma_wait3A_432 : memref<80x128xi32, #tpu.memory_space<hbm>>) dst(%arg8 : memref<80x128xi32, #tpu.memory_space<vmem>>)
      tpu.yield
    }) : () -> ()
    %barrier3A = arith.constant 0 : index
    tpu.barrier barrier_id(%barrier3A)
    %get3A = arith.constant 0 : i32
    %get3A_10 = arith.index_cast %get3A : i32 to index
    %get3A_11 = arith.constant 0 : index
    %get3A_12 = tpu.vector_load %arg8[%get3A_10, %get3A_11] {strides = array<i32>} : memref<80x128xi32, #tpu.memory_space<vmem>>, vector<1x16xi32>,
    %get3A_13 = vector.shape_cast %get3A_12 : vector<1x16xi32> to vector<16xi32>
    %shift_right_logical3A = arith.constant 14 : i32
    %shift_right_logical3A_14 = vector.broadcast %shift_right_logical3A : i32 to vector<16xi32>
    %shift_right_logical3A_15 = arith.shrui %get3A_13, %shift_right_logical3A_14 : vector<16xi32>
    %swap3A = arith.constant 0 : index
    %swap3A_16 = tpu.vector_load %arg9[%swap3A] {strides = array<i32>} : memref<64xi32, #tpu.memory_space<vmem>>, vector<16xi32>,
    %swap3A_17 = vector.shape_cast %swap3A_16 : vector<16xi32> to vector<16xi32>
    %swap3A_18 = vector.shape_cast %shift_right_logical3A_15 : vector<16xi32> to vector<16xi32>
    tpu.vector_store %arg9[%swap3A], %swap3A_18 {strides = array<i32>} : memref<64xi32, #tpu.memory_space<vmem>>, vector<16xi32>,
    %get3A_19 = arith.constant 0 : i32
    %get3A_20 = arith.index_cast %get3A_19 : i32 to index
    %get3A_21 = arith.constant 16 : index
    %get3A_22 = tpu.vector_load %arg8[%get3A_20, %get3A_21] {strides = array<i32>} : memref<80x128xi32, #tpu.memory_space<vmem>>, vector<1x16xi32>,
    %get3A_23 = vector.shape_cast %get3A_22 : vector<1x16xi32> to vector<16xi32>
    %shift_right_logical3A_24 = arith.constant 14 : i32
    %shift_right_logical3A_25 = vector.broadcast %shift_right_logical3A_24 : i32 to vector<16xi32>
    %shift_right_logical3A_26 = arith.shrui %get3A_23, %shift_right_logical3A_25 : vector<16xi32>
    %swap3A_27 = arith.constant 16 : index
    %swap3A_28 = tpu.vector_load %arg9[%swap3A_27] {strides = array<i32>} : memref<64xi32, #tpu.memory_space<vmem>>, vector<16xi32>,
    %swap3A_29 = vector.shape_cast %swap3A_28 : vector<16xi32> to vector<16xi32>
    %swap3A_30 = vector.shape_cast %shift_right_logical3A_26 : vector<16xi32> to vector<16xi32>
    tpu.vector_store %arg9[%swap3A_27], %swap3A_30 {strides = array<i32>} : memref<64xi32, #tpu.memory_space<vmem>>, vector<16xi32>,
    %get3A_31 = arith.constant 0 : i32
    %get3A_32 = arith.index_cast %get3A_31 : i32 to index
    %get3A_33 = arith.constant 32 : index
    %get3A_34 = tpu.vector_load %arg8[%get3A_32, %get3A_33] {strides = array<i32>} : memref<80x128xi32, #tpu.memory_space<vmem>>, vector<1x16xi32>,
    %get3A_35 = vector.shape_cast %get3A_34 : vector<1x16xi32> to vector<16xi32>
    %shift_right_logical3A_36 = arith.constant 14 : i32
    %shift_right_logical3A_37 = vector.broadcast %shift_right_logical3A_36 : i32 to vector<16xi32>
    %shift_right_logical3A_38 = arith.shrui %get3A_35, %shift_right_logical3A_37 : vector<16xi32>
    %swap3A_39 = arith.constant 32 : index
    %swap3A_40 = tpu.vector_load %arg9[%swap3A_39] {strides = array<i32>} : memref<64xi32, #tpu.memory_space<vmem>>, vector<16xi32>,
    %swap3A_41 = vector.shape_cast %swap3A_40 : vector<16xi32> to vector<16xi32>
    %swap3A_42 = vector.shape_cast %shift_right_logical3A_38 : vector<16xi32> to vector<16xi32>
    tpu.vector_store %arg9[%swap3A_39], %swap3A_42 {strides = array<i32>} : memref<64xi32, #tpu.memory_space<vmem>>, vector<16xi32>,
    %get3A_43 = arith.constant 0 : i32
    %get3A_44 = arith.index_cast %get3A_43 : i32 to index
    %get3A_45 = arith.constant 48 : index
    %get3A_46 = tpu.vector_load %arg8[%get3A_44, %get3A_45] {strides = array<i32>} : memref<80x128xi32, #tpu.memory_space<vmem>>, vector<1x16xi32>,
    %get3A_47 = vector.shape_cast %get3A_46 : vector<1x16xi32> to vector<16xi32>
    %shift_right_logical3A_48 = arith.constant 14 : i32
    %shift_right_logical3A_49 = vector.broadcast %shift_right_logical3A_48 : i32 to vector<16xi32>
    %shift_right_logical3A_50 = arith.shrui %get3A_47, %shift_right_logical3A_49 : vector<16xi32>
    %swap3A_51 = arith.constant 48 : index
    %swap3A_52 = tpu.vector_load %arg9[%swap3A_51] {strides = array<i32>} : memref<64xi32, #tpu.memory_space<vmem>>, vector<16xi32>,
    %swap3A_53 = vector.shape_cast %swap3A_52 : vector<16xi32> to vector<16xi32>
    %swap3A_54 = vector.shape_cast %shift_right_logical3A_50 : vector<16xi32> to vector<16xi32>
    tpu.vector_store %arg9[%swap3A_51], %swap3A_54 {strides = array<i32>} : memref<64xi32, #tpu.memory_space<vmem>>, vector<16xi32>,
    %dma_start3A = arith.constant 0 : i32
    %dma_start3A_55 = arith.constant 0 : i32
    %dma_start3A_56 = tpu.memref_slice %arg2[%dma_start3A, %dma_start3A_55] : memref<10240x128xf32, #tpu.memory_space<hbm>> -> memref<10240x128xf32, #tpu.memory_space<hbm>>
    tpu.enqueue_indirect_dma source(%dma_start3A_56 : memref<10240x128xf32, #tpu.memory_space<hbm>>) target(%arg15 : memref<64x128xf32, #tpu.memory_space<vmem>>) offsets(%arg9 : memref<64xi32, #tpu.memory_space<vmem>>) semaphore(%arg22 : memref<!tpu.dma_semaphore, #tpu.memory_space<semaphore_mem>>)
    %get3A_57 = arith.constant 0 : i32
    %get3A_58 = arith.index_cast %get3A_57 : i32 to index
    %get3A_59 = arith.constant 64 : index
    %get3A_60 = tpu.vector_load %arg8[%get3A_58, %get3A_59] {strides = array<i32>} : memref<80x128xi32, #tpu.memory_space<vmem>>, vector<1x16xi32>,
    %get3A_61 = vector.shape_cast %get3A_60 : vector<1x16xi32> to vector<16xi32>
    %shift_right_logical3A_62 = arith.constant 14 : i32
    %shift_right_logical3A_63 = vector.broadcast %shift_right_logical3A_62 : i32 to vector<16xi32>
    %shift_right_logical3A_64 = arith.shrui %get3A_61, %shift_right_logical3A_63 : vector<16xi32>
    %swap3A_65 = arith.constant 0 : index
    %swap3A_66 = tpu.vector_load %arg10[%swap3A_65] {strides = array<i32>} : memref<64xi32, #tpu.memory_space<vmem>>, vector<16xi32>,
    %swap3A_67 = vector.shape_cast %swap3A_66 : vector<16xi32> to vector<16xi32>
    %swap3A_68 = vector.shape_cast %shift_right_logical3A_64 : vector<16xi32> to vector<16xi32>
    tpu.vector_store %arg10[%swap3A_65], %swap3A_68 {strides = array<i32>} : memref<64xi32, #tpu.memory_space<vmem>>, vector<16xi32>,
    %get3A_69 = arith.constant 0 : i32
    %get3A_70 = arith.index_cast %get3A_69 : i32 to index
    %get3A_71 = arith.constant 80 : index
    %get3A_72 = tpu.vector_load %arg8[%get3A_70, %get3A_71] {strides = array<i32>} : memref<80x128xi32, #tpu.memory_space<vmem>>, vector<1x16xi32>,
    %get3A_73 = vector.shape_cast %get3A_72 : vector<1x16xi32> to vector<16xi32>
    %shift_right_logical3A_74 = arith.constant 14 : i32
    %shift_right_logical3A_75 = vector.broadcast %shift_right_logical3A_74 : i32 to vector<16xi32>
    %shift_right_logical3A_76 = arith.shrui %get3A_73, %shift_right_logical3A_75 : vector<16xi32>
    %swap3A_77 = arith.constant 16 : index
    %swap3A_78 = tpu.vector_load %arg10[%swap3A_77] {strides = array<i32>} : memref<64xi32, #tpu.memory_space<vmem>>, vector<16xi32>,
    %swap3A_79 = vector.shape_cast %swap3A_78 : vector<16xi32> to vector<16xi32>
    %swap3A_80 = vector.shape_cast %shift_right_logical3A_76 : vector<16xi32> to vector<16xi32>
    tpu.vector_store %arg10[%swap3A_77], %swap3A_80 {strides = array<i32>} : memref<64xi32, #tpu.memory_space<vmem>>, vector<16xi32>,
    %get3A_81 = arith.constant 0 : i32
    %get3A_82 = arith.index_cast %get3A_81 : i32 to index
    %get3A_83 = arith.constant 96 : index
    %get3A_84 = tpu.vector_load %arg8[%get3A_82, %get3A_83] {strides = array<i32>} : memref<80x128xi32, #tpu.memory_space<vmem>>, vector<1x16xi32>,
    %get3A_85 = vector.shape_cast %get3A_84 : vector<1x16xi32> to vector<16xi32>
    %shift_right_logical3A_86 = arith.constant 14 : i32
    %shift_right_logical3A_87 = vector.broadcast %shift_right_logical3A_86 : i32 to vector<16xi32>
    %shift_right_logical3A_88 = arith.shrui %get3A_85, %shift_right_logical3A_87 : vector<16xi32>
    %swap3A_89 = arith.constant 32 : index
    %swap3A_90 = tpu.vector_load %arg10[%swap3A_89] {strides = array<i32>} : memref<64xi32, #tpu.memory_space<vmem>>, vector<16xi32>,
    %swap3A_91 = vector.shape_cast %swap3A_90 : vector<16xi32> to vector<16xi32>
    %swap3A_92 = vector.shape_cast %shift_right_logical3A_88 : vector<16xi32> to vector<16xi32>
    tpu.vector_store %arg10[%swap3A_89], %swap3A_92 {strides = array<i32>} : memref<64xi32, #tpu.memory_space<vmem>>, vector<16xi32>,
    %get3A_93 = arith.constant 0 : i32
    %get3A_94 = arith.index_cast %get3A_93 : i32 to index
    %get3A_95 = arith.constant 112 : index
    %get3A_96 = tpu.vector_load %arg8[%get3A_94, %get3A_95] {strides = array<i32>} : memref<80x128xi32, #tpu.memory_space<vmem>>, vector<1x16xi32>,
    %get3A_97 = vector.shape_cast %get3A_96 : vector<1x16xi32> to vector<16xi32>
    %shift_right_logical3A_98 = arith.constant 14 : i32
    %shift_right_logical3A_99 = vector.broadcast %shift_right_logical3A_98 : i32 to vector<16xi32>
    %shift_right_logical3A_100 = arith.shrui %get3A_97, %shift_right_logical3A_99 : vector<16xi32>
    %swap3A_101 = arith.constant 48 : index
    %swap3A_102 = tpu.vector_load %arg10[%swap3A_101] {strides = array<i32>} : memref<64xi32, #tpu.memory_space<vmem>>, vector<16xi32>,
    %swap3A_103 = vector.shape_cast %swap3A_102 : vector<16xi32> to vector<16xi32>
    %swap3A_104 = vector.shape_cast %shift_right_logical3A_100 : vector<16xi32> to vector<16xi32>
    tpu.vector_store %arg10[%swap3A_101], %swap3A_104 {strides = array<i32>} : memref<64xi32, #tpu.memory_space<vmem>>, vector<16xi32>,
    %dma_start3A_105 = arith.constant 0 : i32
    %dma_start3A_106 = arith.constant 0 : i32
    %dma_start3A_107 = tpu.memref_slice %arg2[%dma_start3A_105, %dma_start3A_106] : memref<10240x128xf32, #tpu.memory_space<hbm>> -> memref<10240x128xf32, #tpu.memory_space<hbm>>
    tpu.enqueue_indirect_dma source(%dma_start3A_107 : memref<10240x128xf32, #tpu.memory_space<hbm>>) target(%arg16 : memref<64x128xf32, #tpu.memory_space<vmem>>) offsets(%arg10 : memref<64xi32, #tpu.memory_space<vmem>>) semaphore(%arg23 : memref<!tpu.dma_semaphore, #tpu.memory_space<semaphore_mem>>)
    %get3A_108 = arith.constant 1 : i32
    %get3A_109 = arith.index_cast %get3A_108 : i32 to index
    %get3A_110 = arith.constant 0 : index
    %get3A_111 = tpu.vector_load %arg8[%get3A_109, %get3A_110] {strides = array<i32>} : memref<80x128xi32, #tpu.memory_space<vmem>>, vector<1x16xi32>,
    %get3A_112 = vector.shape_cast %get3A_111 : vector<1x16xi32> to vector<16xi32>
    %shift_right_logical3A_113 = arith.constant 14 : i32
    %shift_right_logical3A_114 = vector.broadcast %shift_right_logical3A_113 : i32 to vector<16xi32>
    %shift_right_logical3A_115 = arith.shrui %get3A_112, %shift_right_logical3A_114 : vector<16xi32>
    %swap3A_116 = arith.constant 0 : index
    %swap3A_117 = tpu.vector_load %arg11[%swap3A_116] {strides = array<i32>} : memref<64xi32, #tpu.memory_space<vmem>>, vector<16xi32>,
    %swap3A_118 = vector.shape_cast %swap3A_117 : vector<16xi32> to vector<16xi32>
    %swap3A_119 = vector.shape_cast %shift_right_logical3A_115 : vector<16xi32> to vector<16xi32>
    tpu.vector_store %arg11[%swap3A_116], %swap3A_119 {strides = array<i32>} : memref<64xi32, #tpu.memory_space<vmem>>, vector<16xi32>,
    %get3A_120 = arith.constant 1 : i32
    %get3A_121 = arith.index_cast %get3A_120 : i32 to index
    %get3A_122 = arith.constant 16 : index
    %get3A_123 = tpu.vector_load %arg8[%get3A_121, %get3A_122] {strides = array<i32>} : memref<80x128xi32, #tpu.memory_space<vmem>>, vector<1x16xi32>,
    %get3A_124 = vector.shape_cast %get3A_123 : vector<1x16xi32> to vector<16xi32>
    %shift_right_logical3A_125 = arith.constant 14 : i32
    %shift_right_logical3A_126 = vector.broadcast %shift_right_logical3A_125 : i32 to vector<16xi32>
    %shift_right_logical3A_127 = arith.shrui %get3A_124, %shift_right_logical3A_126 : vector<16xi32>
    %swap3A_128 = arith.constant 16 : index
    %swap3A_129 = tpu.vector_load %arg11[%swap3A_128] {strides = array<i32>} : memref<64xi32, #tpu.memory_space<vmem>>, vector<16xi32>,
    %swap3A_130 = vector.shape_cast %swap3A_129 : vector<16xi32> to vector<16xi32>
    %swap3A_131 = vector.shape_cast %shift_right_logical3A_127 : vector<16xi32> to vector<16xi32>
    tpu.vector_store %arg11[%swap3A_128], %swap3A_131 {strides = array<i32>} : memref<64xi32, #tpu.memory_space<vmem>>, vector<16xi32>,
    %get3A_132 = arith.constant 1 : i32
    %get3A_133 = arith.index_cast %get3A_132 : i32 to index
    %get3A_134 = arith.constant 32 : index
    %get3A_135 = tpu.vector_load %arg8[%get3A_133, %get3A_134] {strides = array<i32>} : memref<80x128xi32, #tpu.memory_space<vmem>>, vector<1x16xi32>,
    %get3A_136 = vector.shape_cast %get3A_135 : vector<1x16xi32> to vector<16xi32>
    %shift_right_logical3A_137 = arith.constant 14 : i32
    %shift_right_logical3A_138 = vector.broadcast %shift_right_logical3A_137 : i32 to vector<16xi32>
    %shift_right_logical3A_139 = arith.shrui %get3A_136, %shift_right_logical3A_138 : vector<16xi32>
    %swap3A_140 = arith.constant 32 : index
    %swap3A_141 = tpu.vector_load %arg11[%swap3A_140] {strides = array<i32>} : memref<64xi32, #tpu.memory_space<vmem>>, vector<16xi32>,
    %swap3A_142 = vector.shape_cast %swap3A_141 : vector<16xi32> to vector<16xi32>
    %swap3A_143 = vector.shape_cast %shift_right_logical3A_139 : vector<16xi32> to vector<16xi32>
    tpu.vector_store %arg11[%swap3A_140], %swap3A_143 {strides = array<i32>} : memref<64xi32, #tpu.memory_space<vmem>>, vector<16xi32>,
    %get3A_144 = arith.constant 1 : i32
    %get3A_145 = arith.index_cast %get3A_144 : i32 to index
    %get3A_146 = arith.constant 48 : index
    %get3A_147 = tpu.vector_load %arg8[%get3A_145, %get3A_146] {strides = array<i32>} : memref<80x128xi32, #tpu.memory_space<vmem>>, vector<1x16xi32>,
    %get3A_148 = vector.shape_cast %get3A_147 : vector<1x16xi32> to vector<16xi32>
    %shift_right_logical3A_149 = arith.constant 14 : i32
    %shift_right_logical3A_150 = vector.broadcast %shift_right_logical3A_149 : i32 to vector<16xi32>
    %shift_right_logical3A_151 = arith.shrui %get3A_148, %shift_right_logical3A_150 : vector<16xi32>
    %swap3A_152 = arith.constant 48 : index
    %swap3A_153 = tpu.vector_load %arg11[%swap3A_152] {strides = array<i32>} : memref<64xi32, #tpu.memory_space<vmem>>, vector<16xi32>,
    %swap3A_154 = vector.shape_cast %swap3A_153 : vector<16xi32> to vector<16xi32>
    %swap3A_155 = vector.shape_cast %shift_right_logical3A_151 : vector<16xi32> to vector<16xi32>
    tpu.vector_store %arg11[%swap3A_152], %swap3A_155 {strides = array<i32>} : memref<64xi32, #tpu.memory_space<vmem>>, vector<16xi32>,
    %dma_start3A_156 = arith.constant 0 : i32
    %dma_start3A_157 = arith.constant 0 : i32
    %dma_start3A_158 = tpu.memref_slice %arg2[%dma_start3A_156, %dma_start3A_157] : memref<10240x128xf32, #tpu.memory_space<hbm>> -> memref<10240x128xf32, #tpu.memory_space<hbm>>
    tpu.enqueue_indirect_dma source(%dma_start3A_158 : memref<10240x128xf32, #tpu.memory_space<hbm>>) target(%arg17 : memref<64x128xf32, #tpu.memory_space<vmem>>) offsets(%arg11 : memref<64xi32, #tpu.memory_space<vmem>>) semaphore(%arg24 : memref<!tpu.dma_semaphore, #tpu.memory_space<semaphore_mem>>)
    %get3A_159 = arith.constant 1 : i32
    %get3A_160 = arith.index_cast %get3A_159 : i32 to index
    %get3A_161 = arith.constant 64 : index
    %get3A_162 = tpu.vector_load %arg8[%get3A_160, %get3A_161] {strides = array<i32>} : memref<80x128xi32, #tpu.memory_space<vmem>>, vector<1x16xi32>,
    %get3A_163 = vector.shape_cast %get3A_162 : vector<1x16xi32> to vector<16xi32>
    %shift_right_logical3A_164 = arith.constant 14 : i32
    %shift_right_logical3A_165 = vector.broadcast %shift_right_logical3A_164 : i32 to vector<16xi32>
    %shift_right_logical3A_166 = arith.shrui %get3A_163, %shift_right_logical3A_165 : vector<16xi32>
    %swap3A_167 = arith.constant 0 : index
    %swap3A_168 = tpu.vector_load %arg12[%swap3A_167] {strides = array<i32>} : memref<64xi32, #tpu.memory_space<vmem>>, vector<16xi32>,
    %swap3A_169 = vector.shape_cast %swap3A_168 : vector<16xi32> to vector<16xi32>
    %swap3A_170 = vector.shape_cast %shift_right_logical3A_166 : vector<16xi32> to vector<16xi32>
    tpu.vector_store %arg12[%swap3A_167], %swap3A_170 {strides = array<i32>} : memref<64xi32, #tpu.memory_space<vmem>>, vector<16xi32>,
    %get3A_171 = arith.constant 1 : i32
    %get3A_172 = arith.index_cast %get3A_171 : i32 to index
    %get3A_173 = arith.constant 80 : index
    %get3A_174 = tpu.vector_load %arg8[%get3A_172, %get3A_173] {strides = array<i32>} : memref<80x128xi32, #tpu.memory_space<vmem>>, vector<1x16xi32>,
    %get3A_175 = vector.shape_cast %get3A_174 : vector<1x16xi32> to vector<16xi32>
    %shift_right_logical3A_176 = arith.constant 14 : i32
    %shift_right_logical3A_177 = vector.broadcast %shift_right_logical3A_176 : i32 to vector<16xi32>
    %shift_right_logical3A_178 = arith.shrui %get3A_175, %shift_right_logical3A_177 : vector<16xi32>
    %swap3A_179 = arith.constant 16 : index
    %swap3A_180 = tpu.vector_load %arg12[%swap3A_179] {strides = array<i32>} : memref<64xi32, #tpu.memory_space<vmem>>, vector<16xi32>,
    %swap3A_181 = vector.shape_cast %swap3A_180 : vector<16xi32> to vector<16xi32>
    %swap3A_182 = vector.shape_cast %shift_right_logical3A_178 : vector<16xi32> to vector<16xi32>
    tpu.vector_store %arg12[%swap3A_179], %swap3A_182 {strides = array<i32>} : memref<64xi32, #tpu.memory_space<vmem>>, vector<16xi32>,
    %get3A_183 = arith.constant 1 : i32
    %get3A_184 = arith.index_cast %get3A_183 : i32 to index
    %get3A_185 = arith.constant 96 : index
    %get3A_186 = tpu.vector_load %arg8[%get3A_184, %get3A_185] {strides = array<i32>} : memref<80x128xi32, #tpu.memory_space<vmem>>, vector<1x16xi32>,
    %get3A_187 = vector.shape_cast %get3A_186 : vector<1x16xi32> to vector<16xi32>
    %shift_right_logical3A_188 = arith.constant 14 : i32
    %shift_right_logical3A_189 = vector.broadcast %shift_right_logical3A_188 : i32 to vector<16xi32>
    %shift_right_logical3A_190 = arith.shrui %get3A_187, %shift_right_logical3A_189 : vector<16xi32>
    %swap3A_191 = arith.constant 32 : index
    %swap3A_192 = tpu.vector_load %arg12[%swap3A_191] {strides = array<i32>} : memref<64xi32, #tpu.memory_space<vmem>>, vector<16xi32>,
    %swap3A_193 = vector.shape_cast %swap3A_192 : vector<16xi32> to vector<16xi32>
    %swap3A_194 = vector.shape_cast %shift_right_logical3A_190 : vector<16xi32> to vector<16xi32>
    tpu.vector_store %arg12[%swap3A_191], %swap3A_194 {strides = array<i32>} : memref<64xi32, #tpu.memory_space<vmem>>, vector<16xi32>,
    %get3A_195 = arith.constant 1 : i32
    %get3A_196 = arith.index_cast %get3A_195 : i32 to index
    %get3A_197 = arith.constant 112 : index
    %get3A_198 = tpu.vector_load %arg8[%get3A_196, %get3A_197] {strides = array<i32>} : memref<80x128xi32, #tpu.memory_space<vmem>>, vector<1x16xi32>,
    %get3A_199 = vector.shape_cast %get3A_198 : vector<1x16xi32> to vector<16xi32>
    %shift_right_logical3A_200 = arith.constant 14 : i32
    %shift_right_logical3A_201 = vector.broadcast %shift_right_logical3A_200 : i32 to vector<16xi32>
    %shift_right_logical3A_202 = arith.shrui %get3A_199, %shift_right_logical3A_201 : vector<16xi32>
    %swap3A_203 = arith.constant 48 : index
    %swap3A_204 = tpu.vector_load %arg12[%swap3A_203] {strides = array<i32>} : memref<64xi32, #tpu.memory_space<vmem>>, vector<16xi32>,
    %swap3A_205 = vector.shape_cast %swap3A_204 : vector<16xi32> to vector<16xi32>
    %swap3A_206 = vector.shape_cast %shift_right_logical3A_202 : vector<16xi32> to vector<16xi32>
    tpu.vector_store %arg12[%swap3A_203], %swap3A_206 {strides = array<i32>} : memref<64xi32, #tpu.memory_space<vmem>>, vector<16xi32>,
    %dma_start3A_207 = arith.constant 0 : i32
    %dma_start3A_208 = arith.constant 0 : i32
    %dma_start3A_209 = tpu.memref_slice %arg2[%dma_start3A_207, %dma_start3A_208] : memref<10240x128xf32, #tpu.memory_space<hbm>> -> memref<10240x128xf32, #tpu.memory_space<hbm>>
    tpu.enqueue_indirect_dma source(%dma_start3A_209 : memref<10240x128xf32, #tpu.memory_space<hbm>>) target(%arg18 : memref<64x128xf32, #tpu.memory_space<vmem>>) offsets(%arg12 : memref<64xi32, #tpu.memory_space<vmem>>) semaphore(%arg25 : memref<!tpu.dma_semaphore, #tpu.memory_space<semaphore_mem>>)
    %scan3A_210 = arith.constant 0 : i32
    %scan3A_211 = arith.constant 0 : i32
    %scan3A_212 = arith.constant 39 : i32
    %scan3A_213 = arith.addi %scan3A_211, %scan3A_212 : i32
    %scan3A_214 = arith.constant 1 : i32
    scf.for %scan3A_425 = %scan3A_211 to %scan3A_213 step %scan3A_214  : i32 {
      %mul3A_426 = arith.constant 2 : i32
      %mul3A_427 = arith.muli %scan3A_425, %mul3A_426 : i32
      %dma_wait3A_428 = arith.constant 0 : i32
      %dma_wait3A_429 = arith.constant 0 : i32
      %dma_wait3A_430 = tpu.memref_slice %arg2[%dma_wait3A_428, %dma_wait3A_429] : memref<10240x128xf32, #tpu.memory_space<hbm>> -> memref<10240x128xf32, #tpu.memory_space<hbm>>
      tpu.wait_indirect_dma semaphore(%arg22 : memref<!tpu.dma_semaphore, #tpu.memory_space<semaphore_mem>>) src(%dma_wait3A_430 : memref<10240x128xf32, #tpu.memory_space<hbm>>) dst(%arg15 : memref<64x128xf32, #tpu.memory_space<vmem>>)
      %add3A_431 = arith.constant 0 : i32
      %add3A_432 = arith.addi %mul3A_427, %add3A_431 : i32
      %get3A_433 = arith.index_cast %add3A_432 : i32 to index
      %get3A_434 = arith.constant 0 : index
      %get3A_435 = tpu.vector_load %arg8[%get3A_433, %get3A_434] {strides = array<i32>} : memref<80x128xi32, #tpu.memory_space<vmem>>, vector<1x16xi32>,
      %get3A_436 = vector.shape_cast %get3A_435 : vector<1x16xi32> to vector<16xi32>
      %and3A_437 = arith.constant 16383 : i32
      %and3A_438 = vector.broadcast %and3A_437 : i32 to vector<16xi32>
      %and3A_439 = arith.andi %get3A_436, %and3A_438 : vector<16xi32>
      %swap3A_440 = arith.constant 0 : index
      %swap3A_441 = tpu.vector_load %arg13[%swap3A_440] {strides = array<i32>} : memref<64xi32, #tpu.memory_space<vmem>>, vector<16xi32>,
      %swap3A_442 = vector.shape_cast %swap3A_441 : vector<16xi32> to vector<16xi32>
      %swap3A_443 = vector.shape_cast %and3A_439 : vector<16xi32> to vector<16xi32>
      tpu.vector_store %arg13[%swap3A_440], %swap3A_443 {strides = array<i32>} : memref<64xi32, #tpu.memory_space<vmem>>, vector<16xi32>,
      %get3A_444 = arith.index_cast %add3A_432 : i32 to index
      %get3A_445 = arith.constant 16 : index
      %get3A_446 = tpu.vector_load %arg8[%get3A_444, %get3A_445] {strides = array<i32>} : memref<80x128xi32, #tpu.memory_space<vmem>>, vector<1x16xi32>,
      %get3A_447 = vector.shape_cast %get3A_446 : vector<1x16xi32> to vector<16xi32>
      %and3A_448 = arith.constant 16383 : i32
      %and3A_449 = vector.broadcast %and3A_448 : i32 to vector<16xi32>
      %and3A_450 = arith.andi %get3A_447, %and3A_449 : vector<16xi32>
      %swap3A_451 = arith.constant 16 : index
      %swap3A_452 = tpu.vector_load %arg13[%swap3A_451] {strides = array<i32>} : memref<64xi32, #tpu.memory_space<vmem>>, vector<16xi32>,
      %swap3A_453 = vector.shape_cast %swap3A_452 : vector<16xi32> to vector<16xi32>
      %swap3A_454 = vector.shape_cast %and3A_450 : vector<16xi32> to vector<16xi32>
      tpu.vector_store %arg13[%swap3A_451], %swap3A_454 {strides = array<i32>} : memref<64xi32, #tpu.memory_space<vmem>>, vector<16xi32>,
      %get3A_455 = arith.index_cast %add3A_432 : i32 to index
      %get3A_456 = arith.constant 32 : index
      %get3A_457 = tpu.vector_load %arg8[%get3A_455, %get3A_456] {strides = array<i32>} : memref<80x128xi32, #tpu.memory_space<vmem>>, vector<1x16xi32>,
      %get3A_458 = vector.shape_cast %get3A_457 : vector<1x16xi32> to vector<16xi32>
      %and3A_459 = arith.constant 16383 : i32
      %and3A_460 = vector.broadcast %and3A_459 : i32 to vector<16xi32>
      %and3A_461 = arith.andi %get3A_458, %and3A_460 : vector<16xi32>
      %swap3A_462 = arith.constant 32 : index
      %swap3A_463 = tpu.vector_load %arg13[%swap3A_462] {strides = array<i32>} : memref<64xi32, #tpu.memory_space<vmem>>, vector<16xi32>,
      %swap3A_464 = vector.shape_cast %swap3A_463 : vector<16xi32> to vector<16xi32>
      %swap3A_465 = vector.shape_cast %and3A_461 : vector<16xi32> to vector<16xi32>
      tpu.vector_store %arg13[%swap3A_462], %swap3A_465 {strides = array<i32>} : memref<64xi32, #tpu.memory_space<vmem>>, vector<16xi32>,
      %get3A_466 = arith.index_cast %add3A_432 : i32 to index
      %get3A_467 = arith.constant 48 : index
      %get3A_468 = tpu.vector_load %arg8[%get3A_466, %get3A_467] {strides = array<i32>} : memref<80x128xi32, #tpu.memory_space<vmem>>, vector<1x16xi32>,
      %get3A_469 = vector.shape_cast %get3A_468 : vector<1x16xi32> to vector<16xi32>
      %and3A_470 = arith.constant 16383 : i32
      %and3A_471 = vector.broadcast %and3A_470 : i32 to vector<16xi32>
      %and3A_472 = arith.andi %get3A_469, %and3A_471 : vector<16xi32>
      %swap3A_473 = arith.constant 48 : index
      %swap3A_474 = tpu.vector_load %arg13[%swap3A_473] {strides = array<i32>} : memref<64xi32, #tpu.memory_space<vmem>>, vector<16xi32>,
      %swap3A_475 = vector.shape_cast %swap3A_474 : vector<16xi32> to vector<16xi32>
      %swap3A_476 = vector.shape_cast %and3A_472 : vector<16xi32> to vector<16xi32>
      tpu.vector_store %arg13[%swap3A_473], %swap3A_476 {strides = array<i32>} : memref<64xi32, #tpu.memory_space<vmem>>, vector<16xi32>,
      "tpu.region"() ({
        %run_scoped3A = tpu.sem_alloc : memref<!tpu.dma_semaphore, #tpu.memory_space<semaphore_mem>>
        %dma_start3A_828 = arith.constant 0 : i32
        %dma_start3A_829 = arith.constant 0 : i32
        %dma_start3A_830 = tpu.memref_slice %arg20[%dma_start3A_828, %dma_start3A_829] : memref<10240x128xf32, #tpu.memory_space<vmem_shared>> -> memref<10240x128xf32, #tpu.memory_space<vmem_shared>>
        tpu.enqueue_indirect_dma source(%arg15 : memref<64x128xf32, #tpu.memory_space<vmem>>) target(%dma_start3A_830 : memref<10240x128xf32, #tpu.memory_space<vmem_shared>>) offsets(%arg13 : memref<64xi32, #tpu.memory_space<vmem>>) semaphore(%run_scoped3A : memref<!tpu.dma_semaphore, #tpu.memory_space<semaphore_mem>>) {add = true}
        %dma_wait3A_831 = arith.constant 0 : i32
        %dma_wait3A_832 = arith.constant 0 : i32
        %dma_wait3A_833 = tpu.memref_slice %arg20[%dma_wait3A_831, %dma_wait3A_832] : memref<10240x128xf32, #tpu.memory_space<vmem_shared>> -> memref<10240x128xf32, #tpu.memory_space<vmem_shared>>
        tpu.wait_indirect_dma semaphore(%run_scoped3A : memref<!tpu.dma_semaphore, #tpu.memory_space<semaphore_mem>>) src(%arg15 : memref<64x128xf32, #tpu.memory_space<vmem>>) dst(%dma_wait3A_833 : memref<10240x128xf32, #tpu.memory_space<vmem_shared>>)
        tpu.yield
      }) : () -> ()
      %add3A_477 = arith.constant 2 : i32
      %add3A_478 = arith.addi %mul3A_427, %add3A_477 : i32
      %add3A_479 = arith.constant 0 : i32
      %add3A_480 = arith.addi %add3A_478, %add3A_479 : i32
      %get3A_481 = arith.index_cast %add3A_480 : i32 to index
      %get3A_482 = arith.constant 0 : index
      %get3A_483 = tpu.vector_load %arg8[%get3A_481, %get3A_482] {strides = array<i32>} : memref<80x128xi32, #tpu.memory_space<vmem>>, vector<1x16xi32>,
      %get3A_484 = vector.shape_cast %get3A_483 : vector<1x16xi32> to vector<16xi32>
      %shift_right_logical3A_485 = arith.constant 14 : i32
      %shift_right_logical3A_486 = vector.broadcast %shift_right_logical3A_485 : i32 to vector<16xi32>
      %shift_right_logical3A_487 = arith.shrui %get3A_484, %shift_right_logical3A_486 : vector<16xi32>
      %swap3A_488 = arith.constant 0 : index
      %swap3A_489 = tpu.vector_load %arg9[%swap3A_488] {strides = array<i32>} : memref<64xi32, #tpu.memory_space<vmem>>, vector<16xi32>,
      %swap3A_490 = vector.shape_cast %swap3A_489 : vector<16xi32> to vector<16xi32>
      %swap3A_491 = vector.shape_cast %shift_right_logical3A_487 : vector<16xi32> to vector<16xi32>
      tpu.vector_store %arg9[%swap3A_488], %swap3A_491 {strides = array<i32>} : memref<64xi32, #tpu.memory_space<vmem>>, vector<16xi32>,
      %get3A_492 = arith.index_cast %add3A_480 : i32 to index
      %get3A_493 = arith.constant 16 : index
      %get3A_494 = tpu.vector_load %arg8[%get3A_492, %get3A_493] {strides = array<i32>} : memref<80x128xi32, #tpu.memory_space<vmem>>, vector<1x16xi32>,
      %get3A_495 = vector.shape_cast %get3A_494 : vector<1x16xi32> to vector<16xi32>
      %shift_right_logical3A_496 = arith.constant 14 : i32
      %shift_right_logical3A_497 = vector.broadcast %shift_right_logical3A_496 : i32 to vector<16xi32>
      %shift_right_logical3A_498 = arith.shrui %get3A_495, %shift_right_logical3A_497 : vector<16xi32>
      %swap3A_499 = arith.constant 16 : index
      %swap3A_500 = tpu.vector_load %arg9[%swap3A_499] {strides = array<i32>} : memref<64xi32, #tpu.memory_space<vmem>>, vector<16xi32>,
      %swap3A_501 = vector.shape_cast %swap3A_500 : vector<16xi32> to vector<16xi32>
      %swap3A_502 = vector.shape_cast %shift_right_logical3A_498 : vector<16xi32> to vector<16xi32>
      tpu.vector_store %arg9[%swap3A_499], %swap3A_502 {strides = array<i32>} : memref<64xi32, #tpu.memory_space<vmem>>, vector<16xi32>,
      %get3A_503 = arith.index_cast %add3A_480 : i32 to index
      %get3A_504 = arith.constant 32 : index
      %get3A_505 = tpu.vector_load %arg8[%get3A_503, %get3A_504] {strides = array<i32>} : memref<80x128xi32, #tpu.memory_space<vmem>>, vector<1x16xi32>,
      %get3A_506 = vector.shape_cast %get3A_505 : vector<1x16xi32> to vector<16xi32>
      %shift_right_logical3A_507 = arith.constant 14 : i32
      %shift_right_logical3A_508 = vector.broadcast %shift_right_logical3A_507 : i32 to vector<16xi32>
      %shift_right_logical3A_509 = arith.shrui %get3A_506, %shift_right_logical3A_508 : vector<16xi32>
      %swap3A_510 = arith.constant 32 : index
      %swap3A_511 = tpu.vector_load %arg9[%swap3A_510] {strides = array<i32>} : memref<64xi32, #tpu.memory_space<vmem>>, vector<16xi32>,
      %swap3A_512 = vector.shape_cast %swap3A_511 : vector<16xi32> to vector<16xi32>
      %swap3A_513 = vector.shape_cast %shift_right_logical3A_509 : vector<16xi32> to vector<16xi32>
      tpu.vector_store %arg9[%swap3A_510], %swap3A_513 {strides = array<i32>} : memref<64xi32, #tpu.memory_space<vmem>>, vector<16xi32>,
      %get3A_514 = arith.index_cast %add3A_480 : i32 to index
      %get3A_515 = arith.constant 48 : index
      %get3A_516 = tpu.vector_load %arg8[%get3A_514, %get3A_515] {strides = array<i32>} : memref<80x128xi32, #tpu.memory_space<vmem>>, vector<1x16xi32>,
      %get3A_517 = vector.shape_cast %get3A_516 : vector<1x16xi32> to vector<16xi32>
      %shift_right_logical3A_518 = arith.constant 14 : i32
      %shift_right_logical3A_519 = vector.broadcast %shift_right_logical3A_518 : i32 to vector<16xi32>
      %shift_right_logical3A_520 = arith.shrui %get3A_517, %shift_right_logical3A_519 : vector<16xi32>
      %swap3A_521 = arith.constant 48 : index
      %swap3A_522 = tpu.vector_load %arg9[%swap3A_521] {strides = array<i32>} : memref<64xi32, #tpu.memory_space<vmem>>, vector<16xi32>,
      %swap3A_523 = vector.shape_cast %swap3A_522 : vector<16xi32> to vector<16xi32>
      %swap3A_524 = vector.shape_cast %shift_right_logical3A_520 : vector<16xi32> to vector<16xi32>
      tpu.vector_store %arg9[%swap3A_521], %swap3A_524 {strides = array<i32>} : memref<64xi32, #tpu.memory_space<vmem>>, vector<16xi32>,
      %dma_start3A_525 = arith.constant 0 : i32
      %dma_start3A_526 = arith.constant 0 : i32
      %dma_start3A_527 = tpu.memref_slice %arg2[%dma_start3A_525, %dma_start3A_526] : memref<10240x128xf32, #tpu.memory_space<hbm>> -> memref<10240x128xf32, #tpu.memory_space<hbm>>
      tpu.enqueue_indirect_dma source(%dma_start3A_527 : memref<10240x128xf32, #tpu.memory_space<hbm>>) target(%arg15 : memref<64x128xf32, #tpu.memory_space<vmem>>) offsets(%arg9 : memref<64xi32, #tpu.memory_space<vmem>>) semaphore(%arg22 : memref<!tpu.dma_semaphore, #tpu.memory_space<semaphore_mem>>)
      %dma_wait3A_528 = arith.constant 0 : i32
      %dma_wait3A_529 = arith.constant 0 : i32
      %dma_wait3A_530 = tpu.memref_slice %arg2[%dma_wait3A_528, %dma_wait3A_529] : memref<10240x128xf32, #tpu.memory_space<hbm>> -> memref<10240x128xf32, #tpu.memory_space<hbm>>
      tpu.wait_indirect_dma semaphore(%arg23 : memref<!tpu.dma_semaphore, #tpu.memory_space<semaphore_mem>>) src(%dma_wait3A_530 : memref<10240x128xf32, #tpu.memory_space<hbm>>) dst(%arg16 : memref<64x128xf32, #tpu.memory_space<vmem>>)
      %add3A_531 = arith.constant 0 : i32
      %add3A_532 = arith.addi %mul3A_427, %add3A_531 : i32
      %get3A_533 = arith.index_cast %add3A_532 : i32 to index
      %get3A_534 = arith.constant 64 : index
      %get3A_535 = tpu.vector_load %arg8[%get3A_533, %get3A_534] {strides = array<i32>} : memref<80x128xi32, #tpu.memory_space<vmem>>, vector<1x16xi32>,
      %get3A_536 = vector.shape_cast %get3A_535 : vector<1x16xi32> to vector<16xi32>
      %and3A_537 = arith.constant 16383 : i32
      %and3A_538 = vector.broadcast %and3A_537 : i32 to vector<16xi32>
      %and3A_539 = arith.andi %get3A_536, %and3A_538 : vector<16xi32>
      %swap3A_540 = arith.constant 0 : index
      %swap3A_541 = tpu.vector_load %arg13[%swap3A_540] {strides = array<i32>} : memref<64xi32, #tpu.memory_space<vmem>>, vector<16xi32>,
      %swap3A_542 = vector.shape_cast %swap3A_541 : vector<16xi32> to vector<16xi32>
      %swap3A_543 = vector.shape_cast %and3A_539 : vector<16xi32> to vector<16xi32>
      tpu.vector_store %arg13[%swap3A_540], %swap3A_543 {strides = array<i32>} : memref<64xi32, #tpu.memory_space<vmem>>, vector<16xi32>,
      %get3A_544 = arith.index_cast %add3A_532 : i32 to index
      %get3A_545 = arith.constant 80 : index
      %get3A_546 = tpu.vector_load %arg8[%get3A_544, %get3A_545] {strides = array<i32>} : memref<80x128xi32, #tpu.memory_space<vmem>>, vector<1x16xi32>,
      %get3A_547 = vector.shape_cast %get3A_546 : vector<1x16xi32> to vector<16xi32>
      %and3A_548 = arith.constant 16383 : i32
      %and3A_549 = vector.broadcast %and3A_548 : i32 to vector<16xi32>
      %and3A_550 = arith.andi %get3A_547, %and3A_549 : vector<16xi32>
      %swap3A_551 = arith.constant 16 : index
      %swap3A_552 = tpu.vector_load %arg13[%swap3A_551] {strides = array<i32>} : memref<64xi32, #tpu.memory_space<vmem>>, vector<16xi32>,
      %swap3A_553 = vector.shape_cast %swap3A_552 : vector<16xi32> to vector<16xi32>
      %swap3A_554 = vector.shape_cast %and3A_550 : vector<16xi32> to vector<16xi32>
      tpu.vector_store %arg13[%swap3A_551], %swap3A_554 {strides = array<i32>} : memref<64xi32, #tpu.memory_space<vmem>>, vector<16xi32>,
      %get3A_555 = arith.index_cast %add3A_532 : i32 to index
      %get3A_556 = arith.constant 96 : index
      %get3A_557 = tpu.vector_load %arg8[%get3A_555, %get3A_556] {strides = array<i32>} : memref<80x128xi32, #tpu.memory_space<vmem>>, vector<1x16xi32>,
      %get3A_558 = vector.shape_cast %get3A_557 : vector<1x16xi32> to vector<16xi32>
      %and3A_559 = arith.constant 16383 : i32
      %and3A_560 = vector.broadcast %and3A_559 : i32 to vector<16xi32>
      %and3A_561 = arith.andi %get3A_558, %and3A_560 : vector<16xi32>
      %swap3A_562 = arith.constant 32 : index
      %swap3A_563 = tpu.vector_load %arg13[%swap3A_562] {strides = array<i32>} : memref<64xi32, #tpu.memory_space<vmem>>, vector<16xi32>,
      %swap3A_564 = vector.shape_cast %swap3A_563 : vector<16xi32> to vector<16xi32>
      %swap3A_565 = vector.shape_cast %and3A_561 : vector<16xi32> to vector<16xi32>
      tpu.vector_store %arg13[%swap3A_562], %swap3A_565 {strides = array<i32>} : memref<64xi32, #tpu.memory_space<vmem>>, vector<16xi32>,
      %get3A_566 = arith.index_cast %add3A_532 : i32 to index
      %get3A_567 = arith.constant 112 : index
      %get3A_568 = tpu.vector_load %arg8[%get3A_566, %get3A_567] {strides = array<i32>} : memref<80x128xi32, #tpu.memory_space<vmem>>, vector<1x16xi32>,
      %get3A_569 = vector.shape_cast %get3A_568 : vector<1x16xi32> to vector<16xi32>
      %and3A_570 = arith.constant 16383 : i32
      %and3A_571 = vector.broadcast %and3A_570 : i32 to vector<16xi32>
      %and3A_572 = arith.andi %get3A_569, %and3A_571 : vector<16xi32>
      %swap3A_573 = arith.constant 48 : index
      %swap3A_574 = tpu.vector_load %arg13[%swap3A_573] {strides = array<i32>} : memref<64xi32, #tpu.memory_space<vmem>>, vector<16xi32>,
      %swap3A_575 = vector.shape_cast %swap3A_574 : vector<16xi32> to vector<16xi32>
      %swap3A_576 = vector.shape_cast %and3A_572 : vector<16xi32> to vector<16xi32>
      tpu.vector_store %arg13[%swap3A_573], %swap3A_576 {strides = array<i32>} : memref<64xi32, #tpu.memory_space<vmem>>, vector<16xi32>,
      "tpu.region"() ({
        %run_scoped3A = tpu.sem_alloc : memref<!tpu.dma_semaphore, #tpu.memory_space<semaphore_mem>>
        %dma_start3A_828 = arith.constant 0 : i32
        %dma_start3A_829 = arith.constant 0 : i32
        %dma_start3A_830 = tpu.memref_slice %arg20[%dma_start3A_828, %dma_start3A_829] : memref<10240x128xf32, #tpu.memory_space<vmem_shared>> -> memref<10240x128xf32, #tpu.memory_space<vmem_shared>>
        tpu.enqueue_indirect_dma source(%arg16 : memref<64x128xf32, #tpu.memory_space<vmem>>) target(%dma_start3A_830 : memref<10240x128xf32, #tpu.memory_space<vmem_shared>>) offsets(%arg13 : memref<64xi32, #tpu.memory_space<vmem>>) semaphore(%run_scoped3A : memref<!tpu.dma_semaphore, #tpu.memory_space<semaphore_mem>>) {add = true}
        %dma_wait3A_831 = arith.constant 0 : i32
        %dma_wait3A_832 = arith.constant 0 : i32
        %dma_wait3A_833 = tpu.memref_slice %arg20[%dma_wait3A_831, %dma_wait3A_832] : memref<10240x128xf32, #tpu.memory_space<vmem_shared>> -> memref<10240x128xf32, #tpu.memory_space<vmem_shared>>
        tpu.wait_indirect_dma semaphore(%run_scoped3A : memref<!tpu.dma_semaphore, #tpu.memory_space<semaphore_mem>>) src(%arg16 : memref<64x128xf32, #tpu.memory_space<vmem>>) dst(%dma_wait3A_833 : memref<10240x128xf32, #tpu.memory_space<vmem_shared>>)
        tpu.yield
      }) : () -> ()
      %add3A_577 = arith.constant 2 : i32
      %add3A_578 = arith.addi %mul3A_427, %add3A_577 : i32
      %add3A_579 = arith.constant 0 : i32
      %add3A_580 = arith.addi %add3A_578, %add3A_579 : i32
      %get3A_581 = arith.index_cast %add3A_580 : i32 to index
      %get3A_582 = arith.constant 64 : index
      %get3A_583 = tpu.vector_load %arg8[%get3A_581, %get3A_582] {strides = array<i32>} : memref<80x128xi32, #tpu.memory_space<vmem>>, vector<1x16xi32>,
      %get3A_584 = vector.shape_cast %get3A_583 : vector<1x16xi32> to vector<16xi32>
      %shift_right_logical3A_585 = arith.constant 14 : i32
      %shift_right_logical3A_586 = vector.broadcast %shift_right_logical3A_585 : i32 to vector<16xi32>
      %shift_right_logical3A_587 = arith.shrui %get3A_584, %shift_right_logical3A_586 : vector<16xi32>
      %swap3A_588 = arith.constant 0 : index
      %swap3A_589 = tpu.vector_load %arg10[%swap3A_588] {strides = array<i32>} : memref<64xi32, #tpu.memory_space<vmem>>, vector<16xi32>,
      %swap3A_590 = vector.shape_cast %swap3A_589 : vector<16xi32> to vector<16xi32>
      %swap3A_591 = vector.shape_cast %shift_right_logical3A_587 : vector<16xi32> to vector<16xi32>
      tpu.vector_store %arg10[%swap3A_588], %swap3A_591 {strides = array<i32>} : memref<64xi32, #tpu.memory_space<vmem>>, vector<16xi32>,
      %get3A_592 = arith.index_cast %add3A_580 : i32 to index
      %get3A_593 = arith.constant 80 : index
      %get3A_594 = tpu.vector_load %arg8[%get3A_592, %get3A_593] {strides = array<i32>} : memref<80x128xi32, #tpu.memory_space<vmem>>, vector<1x16xi32>,
      %get3A_595 = vector.shape_cast %get3A_594 : vector<1x16xi32> to vector<16xi32>
      %shift_right_logical3A_596 = arith.constant 14 : i32
      %shift_right_logical3A_597 = vector.broadcast %shift_right_logical3A_596 : i32 to vector<16xi32>
      %shift_right_logical3A_598 = arith.shrui %get3A_595, %shift_right_logical3A_597 : vector<16xi32>
      %swap3A_599 = arith.constant 16 : index
      %swap3A_600 = tpu.vector_load %arg10[%swap3A_599] {strides = array<i32>} : memref<64xi32, #tpu.memory_space<vmem>>, vector<16xi32>,
      %swap3A_601 = vector.shape_cast %swap3A_600 : vector<16xi32> to vector<16xi32>
      %swap3A_602 = vector.shape_cast %shift_right_logical3A_598 : vector<16xi32> to vector<16xi32>
      tpu.vector_store %arg10[%swap3A_599], %swap3A_602 {strides = array<i32>} : memref<64xi32, #tpu.memory_space<vmem>>, vector<16xi32>,
      %get3A_603 = arith.index_cast %add3A_580 : i32 to index
      %get3A_604 = arith.constant 96 : index
      %get3A_605 = tpu.vector_load %arg8[%get3A_603, %get3A_604] {strides = array<i32>} : memref<80x128xi32, #tpu.memory_space<vmem>>, vector<1x16xi32>,
      %get3A_606 = vector.shape_cast %get3A_605 : vector<1x16xi32> to vector<16xi32>
      %shift_right_logical3A_607 = arith.constant 14 : i32
      %shift_right_logical3A_608 = vector.broadcast %shift_right_logical3A_607 : i32 to vector<16xi32>
      %shift_right_logical3A_609 = arith.shrui %get3A_606, %shift_right_logical3A_608 : vector<16xi32>
      %swap3A_610 = arith.constant 32 : index
      %swap3A_611 = tpu.vector_load %arg10[%swap3A_610] {strides = array<i32>} : memref<64xi32, #tpu.memory_space<vmem>>, vector<16xi32>,
      %swap3A_612 = vector.shape_cast %swap3A_611 : vector<16xi32> to vector<16xi32>
      %swap3A_613 = vector.shape_cast %shift_right_logical3A_609 : vector<16xi32> to vector<16xi32>
      tpu.vector_store %arg10[%swap3A_610], %swap3A_613 {strides = array<i32>} : memref<64xi32, #tpu.memory_space<vmem>>, vector<16xi32>,
      %get3A_614 = arith.index_cast %add3A_580 : i32 to index
      %get3A_615 = arith.constant 112 : index
      %get3A_616 = tpu.vector_load %arg8[%get3A_614, %get3A_615] {strides = array<i32>} : memref<80x128xi32, #tpu.memory_space<vmem>>, vector<1x16xi32>,
      %get3A_617 = vector.shape_cast %get3A_616 : vector<1x16xi32> to vector<16xi32>
      %shift_right_logical3A_618 = arith.constant 14 : i32
      %shift_right_logical3A_619 = vector.broadcast %shift_right_logical3A_618 : i32 to vector<16xi32>
      %shift_right_logical3A_620 = arith.shrui %get3A_617, %shift_right_logical3A_619 : vector<16xi32>
      %swap3A_621 = arith.constant 48 : index
      %swap3A_622 = tpu.vector_load %arg10[%swap3A_621] {strides = array<i32>} : memref<64xi32, #tpu.memory_space<vmem>>, vector<16xi32>,
      %swap3A_623 = vector.shape_cast %swap3A_622 : vector<16xi32> to vector<16xi32>
      %swap3A_624 = vector.shape_cast %shift_right_logical3A_620 : vector<16xi32> to vector<16xi32>
      tpu.vector_store %arg10[%swap3A_621], %swap3A_624 {strides = array<i32>} : memref<64xi32, #tpu.memory_space<vmem>>, vector<16xi32>,
      %dma_start3A_625 = arith.constant 0 : i32
      %dma_start3A_626 = arith.constant 0 : i32
      %dma_start3A_627 = tpu.memref_slice %arg2[%dma_start3A_625, %dma_start3A_626] : memref<10240x128xf32, #tpu.memory_space<hbm>> -> memref<10240x128xf32, #tpu.memory_space<hbm>>
      tpu.enqueue_indirect_dma source(%dma_start3A_627 : memref<10240x128xf32, #tpu.memory_space<hbm>>) target(%arg16 : memref<64x128xf32, #tpu.memory_space<vmem>>) offsets(%arg10 : memref<64xi32, #tpu.memory_space<vmem>>) semaphore(%arg23 : memref<!tpu.dma_semaphore, #tpu.memory_space<semaphore_mem>>)
      %dma_wait3A_628 = arith.constant 0 : i32
      %dma_wait3A_629 = arith.constant 0 : i32
      %dma_wait3A_630 = tpu.memref_slice %arg2[%dma_wait3A_628, %dma_wait3A_629] : memref<10240x128xf32, #tpu.memory_space<hbm>> -> memref<10240x128xf32, #tpu.memory_space<hbm>>
      tpu.wait_indirect_dma semaphore(%arg24 : memref<!tpu.dma_semaphore, #tpu.memory_space<semaphore_mem>>) src(%dma_wait3A_630 : memref<10240x128xf32, #tpu.memory_space<hbm>>) dst(%arg17 : memref<64x128xf32, #tpu.memory_space<vmem>>)
      %add3A_631 = arith.constant 1 : i32
      %add3A_632 = arith.addi %mul3A_427, %add3A_631 : i32
      %get3A_633 = arith.index_cast %add3A_632 : i32 to index
      %get3A_634 = arith.constant 0 : index
      %get3A_635 = tpu.vector_load %arg8[%get3A_633, %get3A_634] {strides = array<i32>} : memref<80x128xi32, #tpu.memory_space<vmem>>, vector<1x16xi32>,
      %get3A_636 = vector.shape_cast %get3A_635 : vector<1x16xi32> to vector<16xi32>
      %and3A_637 = arith.constant 16383 : i32
      %and3A_638 = vector.broadcast %and3A_637 : i32 to vector<16xi32>
      %and3A_639 = arith.andi %get3A_636, %and3A_638 : vector<16xi32>
      %swap3A_640 = arith.constant 0 : index
      %swap3A_641 = tpu.vector_load %arg13[%swap3A_640] {strides = array<i32>} : memref<64xi32, #tpu.memory_space<vmem>>, vector<16xi32>,
      %swap3A_642 = vector.shape_cast %swap3A_641 : vector<16xi32> to vector<16xi32>
      %swap3A_643 = vector.shape_cast %and3A_639 : vector<16xi32> to vector<16xi32>
      tpu.vector_store %arg13[%swap3A_640], %swap3A_643 {strides = array<i32>} : memref<64xi32, #tpu.memory_space<vmem>>, vector<16xi32>,
      %get3A_644 = arith.index_cast %add3A_632 : i32 to index
      %get3A_645 = arith.constant 16 : index
      %get3A_646 = tpu.vector_load %arg8[%get3A_644, %get3A_645] {strides = array<i32>} : memref<80x128xi32, #tpu.memory_space<vmem>>, vector<1x16xi32>,
      %get3A_647 = vector.shape_cast %get3A_646 : vector<1x16xi32> to vector<16xi32>
      %and3A_648 = arith.constant 16383 : i32
      %and3A_649 = vector.broadcast %and3A_648 : i32 to vector<16xi32>
      %and3A_650 = arith.andi %get3A_647, %and3A_649 : vector<16xi32>
      %swap3A_651 = arith.constant 16 : index
      %swap3A_652 = tpu.vector_load %arg13[%swap3A_651] {strides = array<i32>} : memref<64xi32, #tpu.memory_space<vmem>>, vector<16xi32>,
      %swap3A_653 = vector.shape_cast %swap3A_652 : vector<16xi32> to vector<16xi32>
      %swap3A_654 = vector.shape_cast %and3A_650 : vector<16xi32> to vector<16xi32>
      tpu.vector_store %arg13[%swap3A_651], %swap3A_654 {strides = array<i32>} : memref<64xi32, #tpu.memory_space<vmem>>, vector<16xi32>,
      %get3A_655 = arith.index_cast %add3A_632 : i32 to index
      %get3A_656 = arith.constant 32 : index
      %get3A_657 = tpu.vector_load %arg8[%get3A_655, %get3A_656] {strides = array<i32>} : memref<80x128xi32, #tpu.memory_space<vmem>>, vector<1x16xi32>,
      %get3A_658 = vector.shape_cast %get3A_657 : vector<1x16xi32> to vector<16xi32>
      %and3A_659 = arith.constant 16383 : i32
      %and3A_660 = vector.broadcast %and3A_659 : i32 to vector<16xi32>
      %and3A_661 = arith.andi %get3A_658, %and3A_660 : vector<16xi32>
      %swap3A_662 = arith.constant 32 : index
      %swap3A_663 = tpu.vector_load %arg13[%swap3A_662] {strides = array<i32>} : memref<64xi32, #tpu.memory_space<vmem>>, vector<16xi32>,
      %swap3A_664 = vector.shape_cast %swap3A_663 : vector<16xi32> to vector<16xi32>
      %swap3A_665 = vector.shape_cast %and3A_661 : vector<16xi32> to vector<16xi32>
      tpu.vector_store %arg13[%swap3A_662], %swap3A_665 {strides = array<i32>} : memref<64xi32, #tpu.memory_space<vmem>>, vector<16xi32>,
      %get3A_666 = arith.index_cast %add3A_632 : i32 to index
      %get3A_667 = arith.constant 48 : index
      %get3A_668 = tpu.vector_load %arg8[%get3A_666, %get3A_667] {strides = array<i32>} : memref<80x128xi32, #tpu.memory_space<vmem>>, vector<1x16xi32>,
      %get3A_669 = vector.shape_cast %get3A_668 : vector<1x16xi32> to vector<16xi32>
      %and3A_670 = arith.constant 16383 : i32
      %and3A_671 = vector.broadcast %and3A_670 : i32 to vector<16xi32>
      %and3A_672 = arith.andi %get3A_669, %and3A_671 : vector<16xi32>
      %swap3A_673 = arith.constant 48 : index
      %swap3A_674 = tpu.vector_load %arg13[%swap3A_673] {strides = array<i32>} : memref<64xi32, #tpu.memory_space<vmem>>, vector<16xi32>,
      %swap3A_675 = vector.shape_cast %swap3A_674 : vector<16xi32> to vector<16xi32>
      %swap3A_676 = vector.shape_cast %and3A_672 : vector<16xi32> to vector<16xi32>
      tpu.vector_store %arg13[%swap3A_673], %swap3A_676 {strides = array<i32>} : memref<64xi32, #tpu.memory_space<vmem>>, vector<16xi32>,
      "tpu.region"() ({
        %run_scoped3A = tpu.sem_alloc : memref<!tpu.dma_semaphore, #tpu.memory_space<semaphore_mem>>
        %dma_start3A_828 = arith.constant 0 : i32
        %dma_start3A_829 = arith.constant 0 : i32
        %dma_start3A_830 = tpu.memref_slice %arg20[%dma_start3A_828, %dma_start3A_829] : memref<10240x128xf32, #tpu.memory_space<vmem_shared>> -> memref<10240x128xf32, #tpu.memory_space<vmem_shared>>
        tpu.enqueue_indirect_dma source(%arg17 : memref<64x128xf32, #tpu.memory_space<vmem>>) target(%dma_start3A_830 : memref<10240x128xf32, #tpu.memory_space<vmem_shared>>) offsets(%arg13 : memref<64xi32, #tpu.memory_space<vmem>>) semaphore(%run_scoped3A : memref<!tpu.dma_semaphore, #tpu.memory_space<semaphore_mem>>) {add = true}
        %dma_wait3A_831 = arith.constant 0 : i32
        %dma_wait3A_832 = arith.constant 0 : i32
        %dma_wait3A_833 = tpu.memref_slice %arg20[%dma_wait3A_831, %dma_wait3A_832] : memref<10240x128xf32, #tpu.memory_space<vmem_shared>> -> memref<10240x128xf32, #tpu.memory_space<vmem_shared>>
        tpu.wait_indirect_dma semaphore(%run_scoped3A : memref<!tpu.dma_semaphore, #tpu.memory_space<semaphore_mem>>) src(%arg17 : memref<64x128xf32, #tpu.memory_space<vmem>>) dst(%dma_wait3A_833 : memref<10240x128xf32, #tpu.memory_space<vmem_shared>>)
        tpu.yield
      }) : () -> ()
      %add3A_677 = arith.constant 2 : i32
      %add3A_678 = arith.addi %mul3A_427, %add3A_677 : i32
      %add3A_679 = arith.constant 1 : i32
      %add3A_680 = arith.addi %add3A_678, %add3A_679 : i32
      %get3A_681 = arith.index_cast %add3A_680 : i32 to index
      %get3A_682 = arith.constant 0 : index
      %get3A_683 = tpu.vector_load %arg8[%get3A_681, %get3A_682] {strides = array<i32>} : memref<80x128xi32, #tpu.memory_space<vmem>>, vector<1x16xi32>,
      %get3A_684 = vector.shape_cast %get3A_683 : vector<1x16xi32> to vector<16xi32>
      %shift_right_logical3A_685 = arith.constant 14 : i32
      %shift_right_logical3A_686 = vector.broadcast %shift_right_logical3A_685 : i32 to vector<16xi32>
      %shift_right_logical3A_687 = arith.shrui %get3A_684, %shift_right_logical3A_686 : vector<16xi32>
      %swap3A_688 = arith.constant 0 : index
      %swap3A_689 = tpu.vector_load %arg11[%swap3A_688] {strides = array<i32>} : memref<64xi32, #tpu.memory_space<vmem>>, vector<16xi32>,
      %swap3A_690 = vector.shape_cast %swap3A_689 : vector<16xi32> to vector<16xi32>
      %swap3A_691 = vector.shape_cast %shift_right_logical3A_687 : vector<16xi32> to vector<16xi32>
      tpu.vector_store %arg11[%swap3A_688], %swap3A_691 {strides = array<i32>} : memref<64xi32, #tpu.memory_space<vmem>>, vector<16xi32>,
      %get3A_692 = arith.index_cast %add3A_680 : i32 to index
      %get3A_693 = arith.constant 16 : index
      %get3A_694 = tpu.vector_load %arg8[%get3A_692, %get3A_693] {strides = array<i32>} : memref<80x128xi32, #tpu.memory_space<vmem>>, vector<1x16xi32>,
      %get3A_695 = vector.shape_cast %get3A_694 : vector<1x16xi32> to vector<16xi32>
      %shift_right_logical3A_696 = arith.constant 14 : i32
      %shift_right_logical3A_697 = vector.broadcast %shift_right_logical3A_696 : i32 to vector<16xi32>
      %shift_right_logical3A_698 = arith.shrui %get3A_695, %shift_right_logical3A_697 : vector<16xi32>
      %swap3A_699 = arith.constant 16 : index
      %swap3A_700 = tpu.vector_load %arg11[%swap3A_699] {strides = array<i32>} : memref<64xi32, #tpu.memory_space<vmem>>, vector<16xi32>,
      %swap3A_701 = vector.shape_cast %swap3A_700 : vector<16xi32> to vector<16xi32>
      %swap3A_702 = vector.shape_cast %shift_right_logical3A_698 : vector<16xi32> to vector<16xi32>
      tpu.vector_store %arg11[%swap3A_699], %swap3A_702 {strides = array<i32>} : memref<64xi32, #tpu.memory_space<vmem>>, vector<16xi32>,
      %get3A_703 = arith.index_cast %add3A_680 : i32 to index
      %get3A_704 = arith.constant 32 : index
      %get3A_705 = tpu.vector_load %arg8[%get3A_703, %get3A_704] {strides = array<i32>} : memref<80x128xi32, #tpu.memory_space<vmem>>, vector<1x16xi32>,
      %get3A_706 = vector.shape_cast %get3A_705 : vector<1x16xi32> to vector<16xi32>
      %shift_right_logical3A_707 = arith.constant 14 : i32
      %shift_right_logical3A_708 = vector.broadcast %shift_right_logical3A_707 : i32 to vector<16xi32>
      %shift_right_logical3A_709 = arith.shrui %get3A_706, %shift_right_logical3A_708 : vector<16xi32>
      %swap3A_710 = arith.constant 32 : index
      %swap3A_711 = tpu.vector_load %arg11[%swap3A_710] {strides = array<i32>} : memref<64xi32, #tpu.memory_space<vmem>>, vector<16xi32>,
      %swap3A_712 = vector.shape_cast %swap3A_711 : vector<16xi32> to vector<16xi32>
      %swap3A_713 = vector.shape_cast %shift_right_logical3A_709 : vector<16xi32> to vector<16xi32>
      tpu.vector_store %arg11[%swap3A_710], %swap3A_713 {strides = array<i32>} : memref<64xi32, #tpu.memory_space<vmem>>, vector<16xi32>,
      %get3A_714 = arith.index_cast %add3A_680 : i32 to index
      %get3A_715 = arith.constant 48 : index
      %get3A_716 = tpu.vector_load %arg8[%get3A_714, %get3A_715] {strides = array<i32>} : memref<80x128xi32, #tpu.memory_space<vmem>>, vector<1x16xi32>,
      %get3A_717 = vector.shape_cast %get3A_716 : vector<1x16xi32> to vector<16xi32>
      %shift_right_logical3A_718 = arith.constant 14 : i32
      %shift_right_logical3A_719 = vector.broadcast %shift_right_logical3A_718 : i32 to vector<16xi32>
      %shift_right_logical3A_720 = arith.shrui %get3A_717, %shift_right_logical3A_719 : vector<16xi32>
      %swap3A_721 = arith.constant 48 : index
      %swap3A_722 = tpu.vector_load %arg11[%swap3A_721] {strides = array<i32>} : memref<64xi32, #tpu.memory_space<vmem>>, vector<16xi32>,
      %swap3A_723 = vector.shape_cast %swap3A_722 : vector<16xi32> to vector<16xi32>
      %swap3A_724 = vector.shape_cast %shift_right_logical3A_720 : vector<16xi32> to vector<16xi32>
      tpu.vector_store %arg11[%swap3A_721], %swap3A_724 {strides = array<i32>} : memref<64xi32, #tpu.memory_space<vmem>>, vector<16xi32>,
      %dma_start3A_725 = arith.constant 0 : i32
      %dma_start3A_726 = arith.constant 0 : i32
      %dma_start3A_727 = tpu.memref_slice %arg2[%dma_start3A_725, %dma_start3A_726] : memref<10240x128xf32, #tpu.memory_space<hbm>> -> memref<10240x128xf32, #tpu.memory_space<hbm>>
      tpu.enqueue_indirect_dma source(%dma_start3A_727 : memref<10240x128xf32, #tpu.memory_space<hbm>>) target(%arg17 : memref<64x128xf32, #tpu.memory_space<vmem>>) offsets(%arg11 : memref<64xi32, #tpu.memory_space<vmem>>) semaphore(%arg24 : memref<!tpu.dma_semaphore, #tpu.memory_space<semaphore_mem>>)
      %dma_wait3A_728 = arith.constant 0 : i32
      %dma_wait3A_729 = arith.constant 0 : i32
      %dma_wait3A_730 = tpu.memref_slice %arg2[%dma_wait3A_728, %dma_wait3A_729] : memref<10240x128xf32, #tpu.memory_space<hbm>> -> memref<10240x128xf32, #tpu.memory_space<hbm>>
      tpu.wait_indirect_dma semaphore(%arg25 : memref<!tpu.dma_semaphore, #tpu.memory_space<semaphore_mem>>) src(%dma_wait3A_730 : memref<10240x128xf32, #tpu.memory_space<hbm>>) dst(%arg18 : memref<64x128xf32, #tpu.memory_space<vmem>>)
      %add3A_731 = arith.constant 1 : i32
      %add3A_732 = arith.addi %mul3A_427, %add3A_731 : i32
      %get3A_733 = arith.index_cast %add3A_732 : i32 to index
      %get3A_734 = arith.constant 64 : index
      %get3A_735 = tpu.vector_load %arg8[%get3A_733, %get3A_734] {strides = array<i32>} : memref<80x128xi32, #tpu.memory_space<vmem>>, vector<1x16xi32>,
      %get3A_736 = vector.shape_cast %get3A_735 : vector<1x16xi32> to vector<16xi32>
      %and3A_737 = arith.constant 16383 : i32
      %and3A_738 = vector.broadcast %and3A_737 : i32 to vector<16xi32>
      %and3A_739 = arith.andi %get3A_736, %and3A_738 : vector<16xi32>
      %swap3A_740 = arith.constant 0 : index
      %swap3A_741 = tpu.vector_load %arg13[%swap3A_740] {strides = array<i32>} : memref<64xi32, #tpu.memory_space<vmem>>, vector<16xi32>,
      %swap3A_742 = vector.shape_cast %swap3A_741 : vector<16xi32> to vector<16xi32>
      %swap3A_743 = vector.shape_cast %and3A_739 : vector<16xi32> to vector<16xi32>
      tpu.vector_store %arg13[%swap3A_740], %swap3A_743 {strides = array<i32>} : memref<64xi32, #tpu.memory_space<vmem>>, vector<16xi32>,
      %get3A_744 = arith.index_cast %add3A_732 : i32 to index
      %get3A_745 = arith.constant 80 : index
      %get3A_746 = tpu.vector_load %arg8[%get3A_744, %get3A_745] {strides = array<i32>} : memref<80x128xi32, #tpu.memory_space<vmem>>, vector<1x16xi32>,
      %get3A_747 = vector.shape_cast %get3A_746 : vector<1x16xi32> to vector<16xi32>
      %and3A_748 = arith.constant 16383 : i32
      %and3A_749 = vector.broadcast %and3A_748 : i32 to vector<16xi32>
      %and3A_750 = arith.andi %get3A_747, %and3A_749 : vector<16xi32>
      %swap3A_751 = arith.constant 16 : index
      %swap3A_752 = tpu.vector_load %arg13[%swap3A_751] {strides = array<i32>} : memref<64xi32, #tpu.memory_space<vmem>>, vector<16xi32>,
      %swap3A_753 = vector.shape_cast %swap3A_752 : vector<16xi32> to vector<16xi32>
      %swap3A_754 = vector.shape_cast %and3A_750 : vector<16xi32> to vector<16xi32>
      tpu.vector_store %arg13[%swap3A_751], %swap3A_754 {strides = array<i32>} : memref<64xi32, #tpu.memory_space<vmem>>, vector<16xi32>,
      %get3A_755 = arith.index_cast %add3A_732 : i32 to index
      %get3A_756 = arith.constant 96 : index
      %get3A_757 = tpu.vector_load %arg8[%get3A_755, %get3A_756] {strides = array<i32>} : memref<80x128xi32, #tpu.memory_space<vmem>>, vector<1x16xi32>,
      %get3A_758 = vector.shape_cast %get3A_757 : vector<1x16xi32> to vector<16xi32>
      %and3A_759 = arith.constant 16383 : i32
      %and3A_760 = vector.broadcast %and3A_759 : i32 to vector<16xi32>
      %and3A_761 = arith.andi %get3A_758, %and3A_760 : vector<16xi32>
      %swap3A_762 = arith.constant 32 : index
      %swap3A_763 = tpu.vector_load %arg13[%swap3A_762] {strides = array<i32>} : memref<64xi32, #tpu.memory_space<vmem>>, vector<16xi32>,
      %swap3A_764 = vector.shape_cast %swap3A_763 : vector<16xi32> to vector<16xi32>
      %swap3A_765 = vector.shape_cast %and3A_761 : vector<16xi32> to vector<16xi32>
      tpu.vector_store %arg13[%swap3A_762], %swap3A_765 {strides = array<i32>} : memref<64xi32, #tpu.memory_space<vmem>>, vector<16xi32>,
      %get3A_766 = arith.index_cast %add3A_732 : i32 to index
      %get3A_767 = arith.constant 112 : index
      %get3A_768 = tpu.vector_load %arg8[%get3A_766, %get3A_767] {strides = array<i32>} : memref<80x128xi32, #tpu.memory_space<vmem>>, vector<1x16xi32>,
      %get3A_769 = vector.shape_cast %get3A_768 : vector<1x16xi32> to vector<16xi32>
      %and3A_770 = arith.constant 16383 : i32
      %and3A_771 = vector.broadcast %and3A_770 : i32 to vector<16xi32>
      %and3A_772 = arith.andi %get3A_769, %and3A_771 : vector<16xi32>
      %swap3A_773 = arith.constant 48 : index
      %swap3A_774 = tpu.vector_load %arg13[%swap3A_773] {strides = array<i32>} : memref<64xi32, #tpu.memory_space<vmem>>, vector<16xi32>,
      %swap3A_775 = vector.shape_cast %swap3A_774 : vector<16xi32> to vector<16xi32>
      %swap3A_776 = vector.shape_cast %and3A_772 : vector<16xi32> to vector<16xi32>
      tpu.vector_store %arg13[%swap3A_773], %swap3A_776 {strides = array<i32>} : memref<64xi32, #tpu.memory_space<vmem>>, vector<16xi32>,
      "tpu.region"() ({
        %run_scoped3A = tpu.sem_alloc : memref<!tpu.dma_semaphore, #tpu.memory_space<semaphore_mem>>
        %dma_start3A_828 = arith.constant 0 : i32
        %dma_start3A_829 = arith.constant 0 : i32
        %dma_start3A_830 = tpu.memref_slice %arg20[%dma_start3A_828, %dma_start3A_829] : memref<10240x128xf32, #tpu.memory_space<vmem_shared>> -> memref<10240x128xf32, #tpu.memory_space<vmem_shared>>
        tpu.enqueue_indirect_dma source(%arg18 : memref<64x128xf32, #tpu.memory_space<vmem>>) target(%dma_start3A_830 : memref<10240x128xf32, #tpu.memory_space<vmem_shared>>) offsets(%arg13 : memref<64xi32, #tpu.memory_space<vmem>>) semaphore(%run_scoped3A : memref<!tpu.dma_semaphore, #tpu.memory_space<semaphore_mem>>) {add = true}
        %dma_wait3A_831 = arith.constant 0 : i32
        %dma_wait3A_832 = arith.constant 0 : i32
        %dma_wait3A_833 = tpu.memref_slice %arg20[%dma_wait3A_831, %dma_wait3A_832] : memref<10240x128xf32, #tpu.memory_space<vmem_shared>> -> memref<10240x128xf32, #tpu.memory_space<vmem_shared>>
        tpu.wait_indirect_dma semaphore(%run_scoped3A : memref<!tpu.dma_semaphore, #tpu.memory_space<semaphore_mem>>) src(%arg18 : memref<64x128xf32, #tpu.memory_space<vmem>>) dst(%dma_wait3A_833 : memref<10240x128xf32, #tpu.memory_space<vmem_shared>>)
        tpu.yield
      }) : () -> ()
      %add3A_777 = arith.constant 2 : i32
      %add3A_778 = arith.addi %mul3A_427, %add3A_777 : i32
      %add3A_779 = arith.constant 1 : i32
      %add3A_780 = arith.addi %add3A_778, %add3A_779 : i32
      %get3A_781 = arith.index_cast %add3A_780 : i32 to index
      %get3A_782 = arith.constant 64 : index
      %get3A_783 = tpu.vector_load %arg8[%get3A_781, %get3A_782] {strides = array<i32>} : memref<80x128xi32, #tpu.memory_space<vmem>>, vector<1x16xi32>,
      %get3A_784 = vector.shape_cast %get3A_783 : vector<1x16xi32> to vector<16xi32>
      %shift_right_logical3A_785 = arith.constant 14 : i32
      %shift_right_logical3A_786 = vector.broadcast %shift_right_logical3A_785 : i32 to vector<16xi32>
      %shift_right_logical3A_787 = arith.shrui %get3A_784, %shift_right_logical3A_786 : vector<16xi32>
      %swap3A_788 = arith.constant 0 : index
      %swap3A_789 = tpu.vector_load %arg12[%swap3A_788] {strides = array<i32>} : memref<64xi32, #tpu.memory_space<vmem>>, vector<16xi32>,
      %swap3A_790 = vector.shape_cast %swap3A_789 : vector<16xi32> to vector<16xi32>
      %swap3A_791 = vector.shape_cast %shift_right_logical3A_787 : vector<16xi32> to vector<16xi32>
      tpu.vector_store %arg12[%swap3A_788], %swap3A_791 {strides = array<i32>} : memref<64xi32, #tpu.memory_space<vmem>>, vector<16xi32>,
      %get3A_792 = arith.index_cast %add3A_780 : i32 to index
      %get3A_793 = arith.constant 80 : index
      %get3A_794 = tpu.vector_load %arg8[%get3A_792, %get3A_793] {strides = array<i32>} : memref<80x128xi32, #tpu.memory_space<vmem>>, vector<1x16xi32>,
      %get3A_795 = vector.shape_cast %get3A_794 : vector<1x16xi32> to vector<16xi32>
      %shift_right_logical3A_796 = arith.constant 14 : i32
      %shift_right_logical3A_797 = vector.broadcast %shift_right_logical3A_796 : i32 to vector<16xi32>
      %shift_right_logical3A_798 = arith.shrui %get3A_795, %shift_right_logical3A_797 : vector<16xi32>
      %swap3A_799 = arith.constant 16 : index
      %swap3A_800 = tpu.vector_load %arg12[%swap3A_799] {strides = array<i32>} : memref<64xi32, #tpu.memory_space<vmem>>, vector<16xi32>,
      %swap3A_801 = vector.shape_cast %swap3A_800 : vector<16xi32> to vector<16xi32>
      %swap3A_802 = vector.shape_cast %shift_right_logical3A_798 : vector<16xi32> to vector<16xi32>
      tpu.vector_store %arg12[%swap3A_799], %swap3A_802 {strides = array<i32>} : memref<64xi32, #tpu.memory_space<vmem>>, vector<16xi32>,
      %get3A_803 = arith.index_cast %add3A_780 : i32 to index
      %get3A_804 = arith.constant 96 : index
      %get3A_805 = tpu.vector_load %arg8[%get3A_803, %get3A_804] {strides = array<i32>} : memref<80x128xi32, #tpu.memory_space<vmem>>, vector<1x16xi32>,
      %get3A_806 = vector.shape_cast %get3A_805 : vector<1x16xi32> to vector<16xi32>
      %shift_right_logical3A_807 = arith.constant 14 : i32
      %shift_right_logical3A_808 = vector.broadcast %shift_right_logical3A_807 : i32 to vector<16xi32>
      %shift_right_logical3A_809 = arith.shrui %get3A_806, %shift_right_logical3A_808 : vector<16xi32>
      %swap3A_810 = arith.constant 32 : index
      %swap3A_811 = tpu.vector_load %arg12[%swap3A_810] {strides = array<i32>} : memref<64xi32, #tpu.memory_space<vmem>>, vector<16xi32>,
      %swap3A_812 = vector.shape_cast %swap3A_811 : vector<16xi32> to vector<16xi32>
      %swap3A_813 = vector.shape_cast %shift_right_logical3A_809 : vector<16xi32> to vector<16xi32>
      tpu.vector_store %arg12[%swap3A_810], %swap3A_813 {strides = array<i32>} : memref<64xi32, #tpu.memory_space<vmem>>, vector<16xi32>,
      %get3A_814 = arith.index_cast %add3A_780 : i32 to index
      %get3A_815 = arith.constant 112 : index
      %get3A_816 = tpu.vector_load %arg8[%get3A_814, %get3A_815] {strides = array<i32>} : memref<80x128xi32, #tpu.memory_space<vmem>>, vector<1x16xi32>,
      %get3A_817 = vector.shape_cast %get3A_816 : vector<1x16xi32> to vector<16xi32>
      %shift_right_logical3A_818 = arith.constant 14 : i32
      %shift_right_logical3A_819 = vector.broadcast %shift_right_logical3A_818 : i32 to vector<16xi32>
      %shift_right_logical3A_820 = arith.shrui %get3A_817, %shift_right_logical3A_819 : vector<16xi32>
      %swap3A_821 = arith.constant 48 : index
      %swap3A_822 = tpu.vector_load %arg12[%swap3A_821] {strides = array<i32>} : memref<64xi32, #tpu.memory_space<vmem>>, vector<16xi32>,
      %swap3A_823 = vector.shape_cast %swap3A_822 : vector<16xi32> to vector<16xi32>
      %swap3A_824 = vector.shape_cast %shift_right_logical3A_820 : vector<16xi32> to vector<16xi32>
      tpu.vector_store %arg12[%swap3A_821], %swap3A_824 {strides = array<i32>} : memref<64xi32, #tpu.memory_space<vmem>>, vector<16xi32>,
      %dma_start3A_825 = arith.constant 0 : i32
      %dma_start3A_826 = arith.constant 0 : i32
      %dma_start3A_827 = tpu.memref_slice %arg2[%dma_start3A_825, %dma_start3A_826] : memref<10240x128xf32, #tpu.memory_space<hbm>> -> memref<10240x128xf32, #tpu.memory_space<hbm>>
      tpu.enqueue_indirect_dma source(%dma_start3A_827 : memref<10240x128xf32, #tpu.memory_space<hbm>>) target(%arg18 : memref<64x128xf32, #tpu.memory_space<vmem>>) offsets(%arg12 : memref<64xi32, #tpu.memory_space<vmem>>) semaphore(%arg25 : memref<!tpu.dma_semaphore, #tpu.memory_space<semaphore_mem>>)
    }
    %scan3A_215 = arith.constant 39 : i32
    %dma_wait3A = arith.constant 0 : i32
    %dma_wait3A_216 = arith.constant 0 : i32
    %dma_wait3A_217 = tpu.memref_slice %arg2[%dma_wait3A, %dma_wait3A_216] : memref<10240x128xf32, #tpu.memory_space<hbm>> -> memref<10240x128xf32, #tpu.memory_space<hbm>>
    tpu.wait_indirect_dma semaphore(%arg22 : memref<!tpu.dma_semaphore, #tpu.memory_space<semaphore_mem>>) src(%dma_wait3A_217 : memref<10240x128xf32, #tpu.memory_space<hbm>>) dst(%arg15 : memref<64x128xf32, #tpu.memory_space<vmem>>)
    %get3A_218 = arith.constant 78 : i32
    %get3A_219 = arith.index_cast %get3A_218 : i32 to index
    %get3A_220 = arith.constant 0 : index
    %get3A_221 = tpu.vector_load %arg8[%get3A_219, %get3A_220] {strides = array<i32>} : memref<80x128xi32, #tpu.memory_space<vmem>>, vector<1x16xi32>,
    %get3A_222 = vector.shape_cast %get3A_221 : vector<1x16xi32> to vector<16xi32>
    %and3A = arith.constant 16383 : i32
    %and3A_223 = vector.broadcast %and3A : i32 to vector<16xi32>
    %and3A_224 = arith.andi %get3A_222, %and3A_223 : vector<16xi32>
    %swap3A_225 = arith.constant 0 : index
    %swap3A_226 = tpu.vector_load %arg13[%swap3A_225] {strides = array<i32>} : memref<64xi32, #tpu.memory_space<vmem>>, vector<16xi32>,
    %swap3A_227 = vector.shape_cast %swap3A_226 : vector<16xi32> to vector<16xi32>
    %swap3A_228 = vector.shape_cast %and3A_224 : vector<16xi32> to vector<16xi32>
    tpu.vector_store %arg13[%swap3A_225], %swap3A_228 {strides = array<i32>} : memref<64xi32, #tpu.memory_space<vmem>>, vector<16xi32>,
    %get3A_229 = arith.constant 78 : i32
    %get3A_230 = arith.index_cast %get3A_229 : i32 to index
    %get3A_231 = arith.constant 16 : index
    %get3A_232 = tpu.vector_load %arg8[%get3A_230, %get3A_231] {strides = array<i32>} : memref<80x128xi32, #tpu.memory_space<vmem>>, vector<1x16xi32>,
    %get3A_233 = vector.shape_cast %get3A_232 : vector<1x16xi32> to vector<16xi32>
    %and3A_234 = arith.constant 16383 : i32
    %and3A_235 = vector.broadcast %and3A_234 : i32 to vector<16xi32>
    %and3A_236 = arith.andi %get3A_233, %and3A_235 : vector<16xi32>
    %swap3A_237 = arith.constant 16 : index
    %swap3A_238 = tpu.vector_load %arg13[%swap3A_237] {strides = array<i32>} : memref<64xi32, #tpu.memory_space<vmem>>, vector<16xi32>,
    %swap3A_239 = vector.shape_cast %swap3A_238 : vector<16xi32> to vector<16xi32>
    %swap3A_240 = vector.shape_cast %and3A_236 : vector<16xi32> to vector<16xi32>
    tpu.vector_store %arg13[%swap3A_237], %swap3A_240 {strides = array<i32>} : memref<64xi32, #tpu.memory_space<vmem>>, vector<16xi32>,
    %get3A_241 = arith.constant 78 : i32
    %get3A_242 = arith.index_cast %get3A_241 : i32 to index
    %get3A_243 = arith.constant 32 : index
    %get3A_244 = tpu.vector_load %arg8[%get3A_242, %get3A_243] {strides = array<i32>} : memref<80x128xi32, #tpu.memory_space<vmem>>, vector<1x16xi32>,
    %get3A_245 = vector.shape_cast %get3A_244 : vector<1x16xi32> to vector<16xi32>
    %and3A_246 = arith.constant 16383 : i32
    %and3A_247 = vector.broadcast %and3A_246 : i32 to vector<16xi32>
    %and3A_248 = arith.andi %get3A_245, %and3A_247 : vector<16xi32>
    %swap3A_249 = arith.constant 32 : index
    %swap3A_250 = tpu.vector_load %arg13[%swap3A_249] {strides = array<i32>} : memref<64xi32, #tpu.memory_space<vmem>>, vector<16xi32>,
    %swap3A_251 = vector.shape_cast %swap3A_250 : vector<16xi32> to vector<16xi32>
    %swap3A_252 = vector.shape_cast %and3A_248 : vector<16xi32> to vector<16xi32>
    tpu.vector_store %arg13[%swap3A_249], %swap3A_252 {strides = array<i32>} : memref<64xi32, #tpu.memory_space<vmem>>, vector<16xi32>,
    %get3A_253 = arith.constant 78 : i32
    %get3A_254 = arith.index_cast %get3A_253 : i32 to index
    %get3A_255 = arith.constant 48 : index
    %get3A_256 = tpu.vector_load %arg8[%get3A_254, %get3A_255] {strides = array<i32>} : memref<80x128xi32, #tpu.memory_space<vmem>>, vector<1x16xi32>,
    %get3A_257 = vector.shape_cast %get3A_256 : vector<1x16xi32> to vector<16xi32>
    %and3A_258 = arith.constant 16383 : i32
    %and3A_259 = vector.broadcast %and3A_258 : i32 to vector<16xi32>
    %and3A_260 = arith.andi %get3A_257, %and3A_259 : vector<16xi32>
    %swap3A_261 = arith.constant 48 : index
    %swap3A_262 = tpu.vector_load %arg13[%swap3A_261] {strides = array<i32>} : memref<64xi32, #tpu.memory_space<vmem>>, vector<16xi32>,
    %swap3A_263 = vector.shape_cast %swap3A_262 : vector<16xi32> to vector<16xi32>
    %swap3A_264 = vector.shape_cast %and3A_260 : vector<16xi32> to vector<16xi32>
    tpu.vector_store %arg13[%swap3A_261], %swap3A_264 {strides = array<i32>} : memref<64xi32, #tpu.memory_space<vmem>>, vector<16xi32>,
    "tpu.region"() ({
      %run_scoped3A = tpu.sem_alloc : memref<!tpu.dma_semaphore, #tpu.memory_space<semaphore_mem>>
      %dma_start3A_425 = arith.constant 0 : i32
      %dma_start3A_426 = arith.constant 0 : i32
      %dma_start3A_427 = tpu.memref_slice %arg20[%dma_start3A_425, %dma_start3A_426] : memref<10240x128xf32, #tpu.memory_space<vmem_shared>> -> memref<10240x128xf32, #tpu.memory_space<vmem_shared>>
      tpu.enqueue_indirect_dma source(%arg15 : memref<64x128xf32, #tpu.memory_space<vmem>>) target(%dma_start3A_427 : memref<10240x128xf32, #tpu.memory_space<vmem_shared>>) offsets(%arg13 : memref<64xi32, #tpu.memory_space<vmem>>) semaphore(%run_scoped3A : memref<!tpu.dma_semaphore, #tpu.memory_space<semaphore_mem>>) {add = true}
      %dma_wait3A_428 = arith.constant 0 : i32
      %dma_wait3A_429 = arith.constant 0 : i32
      %dma_wait3A_430 = tpu.memref_slice %arg20[%dma_wait3A_428, %dma_wait3A_429] : memref<10240x128xf32, #tpu.memory_space<vmem_shared>> -> memref<10240x128xf32, #tpu.memory_space<vmem_shared>>
      tpu.wait_indirect_dma semaphore(%run_scoped3A : memref<!tpu.dma_semaphore, #tpu.memory_space<semaphore_mem>>) src(%arg15 : memref<64x128xf32, #tpu.memory_space<vmem>>) dst(%dma_wait3A_430 : memref<10240x128xf32, #tpu.memory_space<vmem_shared>>)
      tpu.yield
    }) : () -> ()
    %dma_wait3A_265 = arith.constant 0 : i32
    %dma_wait3A_266 = arith.constant 0 : i32
    %dma_wait3A_267 = tpu.memref_slice %arg2[%dma_wait3A_265, %dma_wait3A_266] : memref<10240x128xf32, #tpu.memory_space<hbm>> -> memref<10240x128xf32, #tpu.memory_space<hbm>>
    tpu.wait_indirect_dma semaphore(%arg23 : memref<!tpu.dma_semaphore, #tpu.memory_space<semaphore_mem>>) src(%dma_wait3A_267 : memref<10240x128xf32, #tpu.memory_space<hbm>>) dst(%arg16 : memref<64x128xf32, #tpu.memory_space<vmem>>)
    %get3A_268 = arith.constant 78 : i32
    %get3A_269 = arith.index_cast %get3A_268 : i32 to index
    %get3A_270 = arith.constant 64 : index
    %get3A_271 = tpu.vector_load %arg8[%get3A_269, %get3A_270] {strides = array<i32>} : memref<80x128xi32, #tpu.memory_space<vmem>>, vector<1x16xi32>,
    %get3A_272 = vector.shape_cast %get3A_271 : vector<1x16xi32> to vector<16xi32>
    %and3A_273 = arith.constant 16383 : i32
    %and3A_274 = vector.broadcast %and3A_273 : i32 to vector<16xi32>
    %and3A_275 = arith.andi %get3A_272, %and3A_274 : vector<16xi32>
    %swap3A_276 = arith.constant 0 : index
    %swap3A_277 = tpu.vector_load %arg13[%swap3A_276] {strides = array<i32>} : memref<64xi32, #tpu.memory_space<vmem>>, vector<16xi32>,
    %swap3A_278 = vector.shape_cast %swap3A_277 : vector<16xi32> to vector<16xi32>
    %swap3A_279 = vector.shape_cast %and3A_275 : vector<16xi32> to vector<16xi32>
    tpu.vector_store %arg13[%swap3A_276], %swap3A_279 {strides = array<i32>} : memref<64xi32, #tpu.memory_space<vmem>>, vector<16xi32>,
    %get3A_280 = arith.constant 78 : i32
    %get3A_281 = arith.index_cast %get3A_280 : i32 to index
    %get3A_282 = arith.constant 80 : index
    %get3A_283 = tpu.vector_load %arg8[%get3A_281, %get3A_282] {strides = array<i32>} : memref<80x128xi32, #tpu.memory_space<vmem>>, vector<1x16xi32>,
    %get3A_284 = vector.shape_cast %get3A_283 : vector<1x16xi32> to vector<16xi32>
    %and3A_285 = arith.constant 16383 : i32
    %and3A_286 = vector.broadcast %and3A_285 : i32 to vector<16xi32>
    %and3A_287 = arith.andi %get3A_284, %and3A_286 : vector<16xi32>
    %swap3A_288 = arith.constant 16 : index
    %swap3A_289 = tpu.vector_load %arg13[%swap3A_288] {strides = array<i32>} : memref<64xi32, #tpu.memory_space<vmem>>, vector<16xi32>,
    %swap3A_290 = vector.shape_cast %swap3A_289 : vector<16xi32> to vector<16xi32>
    %swap3A_291 = vector.shape_cast %and3A_287 : vector<16xi32> to vector<16xi32>
    tpu.vector_store %arg13[%swap3A_288], %swap3A_291 {strides = array<i32>} : memref<64xi32, #tpu.memory_space<vmem>>, vector<16xi32>,
    %get3A_292 = arith.constant 78 : i32
    %get3A_293 = arith.index_cast %get3A_292 : i32 to index
    %get3A_294 = arith.constant 96 : index
    %get3A_295 = tpu.vector_load %arg8[%get3A_293, %get3A_294] {strides = array<i32>} : memref<80x128xi32, #tpu.memory_space<vmem>>, vector<1x16xi32>,
    %get3A_296 = vector.shape_cast %get3A_295 : vector<1x16xi32> to vector<16xi32>
    %and3A_297 = arith.constant 16383 : i32
    %and3A_298 = vector.broadcast %and3A_297 : i32 to vector<16xi32>
    %and3A_299 = arith.andi %get3A_296, %and3A_298 : vector<16xi32>
    %swap3A_300 = arith.constant 32 : index
    %swap3A_301 = tpu.vector_load %arg13[%swap3A_300] {strides = array<i32>} : memref<64xi32, #tpu.memory_space<vmem>>, vector<16xi32>,
    %swap3A_302 = vector.shape_cast %swap3A_301 : vector<16xi32> to vector<16xi32>
    %swap3A_303 = vector.shape_cast %and3A_299 : vector<16xi32> to vector<16xi32>
    tpu.vector_store %arg13[%swap3A_300], %swap3A_303 {strides = array<i32>} : memref<64xi32, #tpu.memory_space<vmem>>, vector<16xi32>,
    %get3A_304 = arith.constant 78 : i32
    %get3A_305 = arith.index_cast %get3A_304 : i32 to index
    %get3A_306 = arith.constant 112 : index
    %get3A_307 = tpu.vector_load %arg8[%get3A_305, %get3A_306] {strides = array<i32>} : memref<80x128xi32, #tpu.memory_space<vmem>>, vector<1x16xi32>,
    %get3A_308 = vector.shape_cast %get3A_307 : vector<1x16xi32> to vector<16xi32>
    %and3A_309 = arith.constant 16383 : i32
    %and3A_310 = vector.broadcast %and3A_309 : i32 to vector<16xi32>
    %and3A_311 = arith.andi %get3A_308, %and3A_310 : vector<16xi32>
    %swap3A_312 = arith.constant 48 : index
    %swap3A_313 = tpu.vector_load %arg13[%swap3A_312] {strides = array<i32>} : memref<64xi32, #tpu.memory_space<vmem>>, vector<16xi32>,
    %swap3A_314 = vector.shape_cast %swap3A_313 : vector<16xi32> to vector<16xi32>
    %swap3A_315 = vector.shape_cast %and3A_311 : vector<16xi32> to vector<16xi32>
    tpu.vector_store %arg13[%swap3A_312], %swap3A_315 {strides = array<i32>} : memref<64xi32, #tpu.memory_space<vmem>>, vector<16xi32>,
    "tpu.region"() ({
      %run_scoped3A = tpu.sem_alloc : memref<!tpu.dma_semaphore, #tpu.memory_space<semaphore_mem>>
      %dma_start3A_425 = arith.constant 0 : i32
      %dma_start3A_426 = arith.constant 0 : i32
      %dma_start3A_427 = tpu.memref_slice %arg20[%dma_start3A_425, %dma_start3A_426] : memref<10240x128xf32, #tpu.memory_space<vmem_shared>> -> memref<10240x128xf32, #tpu.memory_space<vmem_shared>>
      tpu.enqueue_indirect_dma source(%arg16 : memref<64x128xf32, #tpu.memory_space<vmem>>) target(%dma_start3A_427 : memref<10240x128xf32, #tpu.memory_space<vmem_shared>>) offsets(%arg13 : memref<64xi32, #tpu.memory_space<vmem>>) semaphore(%run_scoped3A : memref<!tpu.dma_semaphore, #tpu.memory_space<semaphore_mem>>) {add = true}
      %dma_wait3A_428 = arith.constant 0 : i32
      %dma_wait3A_429 = arith.constant 0 : i32
      %dma_wait3A_430 = tpu.memref_slice %arg20[%dma_wait3A_428, %dma_wait3A_429] : memref<10240x128xf32, #tpu.memory_space<vmem_shared>> -> memref<10240x128xf32, #tpu.memory_space<vmem_shared>>
      tpu.wait_indirect_dma semaphore(%run_scoped3A : memref<!tpu.dma_semaphore, #tpu.memory_space<semaphore_mem>>) src(%arg16 : memref<64x128xf32, #tpu.memory_space<vmem>>) dst(%dma_wait3A_430 : memref<10240x128xf32, #tpu.memory_space<vmem_shared>>)
      tpu.yield
    }) : () -> ()
    %dma_wait3A_316 = arith.constant 0 : i32
    %dma_wait3A_317 = arith.constant 0 : i32
    %dma_wait3A_318 = tpu.memref_slice %arg2[%dma_wait3A_316, %dma_wait3A_317] : memref<10240x128xf32, #tpu.memory_space<hbm>> -> memref<10240x128xf32, #tpu.memory_space<hbm>>
    tpu.wait_indirect_dma semaphore(%arg24 : memref<!tpu.dma_semaphore, #tpu.memory_space<semaphore_mem>>) src(%dma_wait3A_318 : memref<10240x128xf32, #tpu.memory_space<hbm>>) dst(%arg17 : memref<64x128xf32, #tpu.memory_space<vmem>>)
    %get3A_319 = arith.constant 79 : i32
    %get3A_320 = arith.index_cast %get3A_319 : i32 to index
    %get3A_321 = arith.constant 0 : index
    %get3A_322 = tpu.vector_load %arg8[%get3A_320, %get3A_321] {strides = array<i32>} : memref<80x128xi32, #tpu.memory_space<vmem>>, vector<1x16xi32>,
    %get3A_323 = vector.shape_cast %get3A_322 : vector<1x16xi32> to vector<16xi32>
    %and3A_324 = arith.constant 16383 : i32
    %and3A_325 = vector.broadcast %and3A_324 : i32 to vector<16xi32>
    %and3A_326 = arith.andi %get3A_323, %and3A_325 : vector<16xi32>
    %swap3A_327 = arith.constant 0 : index
    %swap3A_328 = tpu.vector_load %arg13[%swap3A_327] {strides = array<i32>} : memref<64xi32, #tpu.memory_space<vmem>>, vector<16xi32>,
    %swap3A_329 = vector.shape_cast %swap3A_328 : vector<16xi32> to vector<16xi32>
    %swap3A_330 = vector.shape_cast %and3A_326 : vector<16xi32> to vector<16xi32>
    tpu.vector_store %arg13[%swap3A_327], %swap3A_330 {strides = array<i32>} : memref<64xi32, #tpu.memory_space<vmem>>, vector<16xi32>,
    %get3A_331 = arith.constant 79 : i32
    %get3A_332 = arith.index_cast %get3A_331 : i32 to index
    %get3A_333 = arith.constant 16 : index
    %get3A_334 = tpu.vector_load %arg8[%get3A_332, %get3A_333] {strides = array<i32>} : memref<80x128xi32, #tpu.memory_space<vmem>>, vector<1x16xi32>,
    %get3A_335 = vector.shape_cast %get3A_334 : vector<1x16xi32> to vector<16xi32>
    %and3A_336 = arith.constant 16383 : i32
    %and3A_337 = vector.broadcast %and3A_336 : i32 to vector<16xi32>
    %and3A_338 = arith.andi %get3A_335, %and3A_337 : vector<16xi32>
    %swap3A_339 = arith.constant 16 : index
    %swap3A_340 = tpu.vector_load %arg13[%swap3A_339] {strides = array<i32>} : memref<64xi32, #tpu.memory_space<vmem>>, vector<16xi32>,
    %swap3A_341 = vector.shape_cast %swap3A_340 : vector<16xi32> to vector<16xi32>
    %swap3A_342 = vector.shape_cast %and3A_338 : vector<16xi32> to vector<16xi32>
    tpu.vector_store %arg13[%swap3A_339], %swap3A_342 {strides = array<i32>} : memref<64xi32, #tpu.memory_space<vmem>>, vector<16xi32>,
    %get3A_343 = arith.constant 79 : i32
    %get3A_344 = arith.index_cast %get3A_343 : i32 to index
    %get3A_345 = arith.constant 32 : index
    %get3A_346 = tpu.vector_load %arg8[%get3A_344, %get3A_345] {strides = array<i32>} : memref<80x128xi32, #tpu.memory_space<vmem>>, vector<1x16xi32>,
    %get3A_347 = vector.shape_cast %get3A_346 : vector<1x16xi32> to vector<16xi32>
    %and3A_348 = arith.constant 16383 : i32
    %and3A_349 = vector.broadcast %and3A_348 : i32 to vector<16xi32>
    %and3A_350 = arith.andi %get3A_347, %and3A_349 : vector<16xi32>
    %swap3A_351 = arith.constant 32 : index
    %swap3A_352 = tpu.vector_load %arg13[%swap3A_351] {strides = array<i32>} : memref<64xi32, #tpu.memory_space<vmem>>, vector<16xi32>,
    %swap3A_353 = vector.shape_cast %swap3A_352 : vector<16xi32> to vector<16xi32>
    %swap3A_354 = vector.shape_cast %and3A_350 : vector<16xi32> to vector<16xi32>
    tpu.vector_store %arg13[%swap3A_351], %swap3A_354 {strides = array<i32>} : memref<64xi32, #tpu.memory_space<vmem>>, vector<16xi32>,
    %get3A_355 = arith.constant 79 : i32
    %get3A_356 = arith.index_cast %get3A_355 : i32 to index
    %get3A_357 = arith.constant 48 : index
    %get3A_358 = tpu.vector_load %arg8[%get3A_356, %get3A_357] {strides = array<i32>} : memref<80x128xi32, #tpu.memory_space<vmem>>, vector<1x16xi32>,
    %get3A_359 = vector.shape_cast %get3A_358 : vector<1x16xi32> to vector<16xi32>
    %and3A_360 = arith.constant 16383 : i32
    %and3A_361 = vector.broadcast %and3A_360 : i32 to vector<16xi32>
    %and3A_362 = arith.andi %get3A_359, %and3A_361 : vector<16xi32>
    %swap3A_363 = arith.constant 48 : index
    %swap3A_364 = tpu.vector_load %arg13[%swap3A_363] {strides = array<i32>} : memref<64xi32, #tpu.memory_space<vmem>>, vector<16xi32>,
    %swap3A_365 = vector.shape_cast %swap3A_364 : vector<16xi32> to vector<16xi32>
    %swap3A_366 = vector.shape_cast %and3A_362 : vector<16xi32> to vector<16xi32>
    tpu.vector_store %arg13[%swap3A_363], %swap3A_366 {strides = array<i32>} : memref<64xi32, #tpu.memory_space<vmem>>, vector<16xi32>,
    "tpu.region"() ({
      %run_scoped3A = tpu.sem_alloc : memref<!tpu.dma_semaphore, #tpu.memory_space<semaphore_mem>>
      %dma_start3A_425 = arith.constant 0 : i32
      %dma_start3A_426 = arith.constant 0 : i32
      %dma_start3A_427 = tpu.memref_slice %arg20[%dma_start3A_425, %dma_start3A_426] : memref<10240x128xf32, #tpu.memory_space<vmem_shared>> -> memref<10240x128xf32, #tpu.memory_space<vmem_shared>>
      tpu.enqueue_indirect_dma source(%arg17 : memref<64x128xf32, #tpu.memory_space<vmem>>) target(%dma_start3A_427 : memref<10240x128xf32, #tpu.memory_space<vmem_shared>>) offsets(%arg13 : memref<64xi32, #tpu.memory_space<vmem>>) semaphore(%run_scoped3A : memref<!tpu.dma_semaphore, #tpu.memory_space<semaphore_mem>>) {add = true}
      %dma_wait3A_428 = arith.constant 0 : i32
      %dma_wait3A_429 = arith.constant 0 : i32
      %dma_wait3A_430 = tpu.memref_slice %arg20[%dma_wait3A_428, %dma_wait3A_429] : memref<10240x128xf32, #tpu.memory_space<vmem_shared>> -> memref<10240x128xf32, #tpu.memory_space<vmem_shared>>
      tpu.wait_indirect_dma semaphore(%run_scoped3A : memref<!tpu.dma_semaphore, #tpu.memory_space<semaphore_mem>>) src(%arg17 : memref<64x128xf32, #tpu.memory_space<vmem>>) dst(%dma_wait3A_430 : memref<10240x128xf32, #tpu.memory_space<vmem_shared>>)
      tpu.yield
    }) : () -> ()
    %dma_wait3A_367 = arith.constant 0 : i32
    %dma_wait3A_368 = arith.constant 0 : i32
    %dma_wait3A_369 = tpu.memref_slice %arg2[%dma_wait3A_367, %dma_wait3A_368] : memref<10240x128xf32, #tpu.memory_space<hbm>> -> memref<10240x128xf32, #tpu.memory_space<hbm>>
    tpu.wait_indirect_dma semaphore(%arg25 : memref<!tpu.dma_semaphore, #tpu.memory_space<semaphore_mem>>) src(%dma_wait3A_369 : memref<10240x128xf32, #tpu.memory_space<hbm>>) dst(%arg18 : memref<64x128xf32, #tpu.memory_space<vmem>>)
    %get3A_370 = arith.constant 79 : i32
    %get3A_371 = arith.index_cast %get3A_370 : i32 to index
    %get3A_372 = arith.constant 64 : index
    %get3A_373 = tpu.vector_load %arg8[%get3A_371, %get3A_372] {strides = array<i32>} : memref<80x128xi32, #tpu.memory_space<vmem>>, vector<1x16xi32>,
    %get3A_374 = vector.shape_cast %get3A_373 : vector<1x16xi32> to vector<16xi32>
    %and3A_375 = arith.constant 16383 : i32
    %and3A_376 = vector.broadcast %and3A_375 : i32 to vector<16xi32>
    %and3A_377 = arith.andi %get3A_374, %and3A_376 : vector<16xi32>
    %swap3A_378 = arith.constant 0 : index
    %swap3A_379 = tpu.vector_load %arg13[%swap3A_378] {strides = array<i32>} : memref<64xi32, #tpu.memory_space<vmem>>, vector<16xi32>,
    %swap3A_380 = vector.shape_cast %swap3A_379 : vector<16xi32> to vector<16xi32>
    %swap3A_381 = vector.shape_cast %and3A_377 : vector<16xi32> to vector<16xi32>
    tpu.vector_store %arg13[%swap3A_378], %swap3A_381 {strides = array<i32>} : memref<64xi32, #tpu.memory_space<vmem>>, vector<16xi32>,
    %get3A_382 = arith.constant 79 : i32
    %get3A_383 = arith.index_cast %get3A_382 : i32 to index
    %get3A_384 = arith.constant 80 : index
    %get3A_385 = tpu.vector_load %arg8[%get3A_383, %get3A_384] {strides = array<i32>} : memref<80x128xi32, #tpu.memory_space<vmem>>, vector<1x16xi32>,
    %get3A_386 = vector.shape_cast %get3A_385 : vector<1x16xi32> to vector<16xi32>
    %and3A_387 = arith.constant 16383 : i32
    %and3A_388 = vector.broadcast %and3A_387 : i32 to vector<16xi32>
    %and3A_389 = arith.andi %get3A_386, %and3A_388 : vector<16xi32>
    %swap3A_390 = arith.constant 16 : index
    %swap3A_391 = tpu.vector_load %arg13[%swap3A_390] {strides = array<i32>} : memref<64xi32, #tpu.memory_space<vmem>>, vector<16xi32>,
    %swap3A_392 = vector.shape_cast %swap3A_391 : vector<16xi32> to vector<16xi32>
    %swap3A_393 = vector.shape_cast %and3A_389 : vector<16xi32> to vector<16xi32>
    tpu.vector_store %arg13[%swap3A_390], %swap3A_393 {strides = array<i32>} : memref<64xi32, #tpu.memory_space<vmem>>, vector<16xi32>,
    %get3A_394 = arith.constant 79 : i32
    %get3A_395 = arith.index_cast %get3A_394 : i32 to index
    %get3A_396 = arith.constant 96 : index
    %get3A_397 = tpu.vector_load %arg8[%get3A_395, %get3A_396] {strides = array<i32>} : memref<80x128xi32, #tpu.memory_space<vmem>>, vector<1x16xi32>,
    %get3A_398 = vector.shape_cast %get3A_397 : vector<1x16xi32> to vector<16xi32>
    %and3A_399 = arith.constant 16383 : i32
    %and3A_400 = vector.broadcast %and3A_399 : i32 to vector<16xi32>
    %and3A_401 = arith.andi %get3A_398, %and3A_400 : vector<16xi32>
    %swap3A_402 = arith.constant 32 : index
    %swap3A_403 = tpu.vector_load %arg13[%swap3A_402] {strides = array<i32>} : memref<64xi32, #tpu.memory_space<vmem>>, vector<16xi32>,
    %swap3A_404 = vector.shape_cast %swap3A_403 : vector<16xi32> to vector<16xi32>
    %swap3A_405 = vector.shape_cast %and3A_401 : vector<16xi32> to vector<16xi32>
    tpu.vector_store %arg13[%swap3A_402], %swap3A_405 {strides = array<i32>} : memref<64xi32, #tpu.memory_space<vmem>>, vector<16xi32>,
    %get3A_406 = arith.constant 79 : i32
    %get3A_407 = arith.index_cast %get3A_406 : i32 to index
    %get3A_408 = arith.constant 112 : index
    %get3A_409 = tpu.vector_load %arg8[%get3A_407, %get3A_408] {strides = array<i32>} : memref<80x128xi32, #tpu.memory_space<vmem>>, vector<1x16xi32>,
    %get3A_410 = vector.shape_cast %get3A_409 : vector<1x16xi32> to vector<16xi32>
    %and3A_411 = arith.constant 16383 : i32
    %and3A_412 = vector.broadcast %and3A_411 : i32 to vector<16xi32>
    %and3A_413 = arith.andi %get3A_410, %and3A_412 : vector<16xi32>
    %swap3A_414 = arith.constant 48 : index
    %swap3A_415 = tpu.vector_load %arg13[%swap3A_414] {strides = array<i32>} : memref<64xi32, #tpu.memory_space<vmem>>, vector<16xi32>,
    %swap3A_416 = vector.shape_cast %swap3A_415 : vector<16xi32> to vector<16xi32>
    %swap3A_417 = vector.shape_cast %and3A_413 : vector<16xi32> to vector<16xi32>
    tpu.vector_store %arg13[%swap3A_414], %swap3A_417 {strides = array<i32>} : memref<64xi32, #tpu.memory_space<vmem>>, vector<16xi32>,
    "tpu.region"() ({
      %run_scoped3A = tpu.sem_alloc : memref<!tpu.dma_semaphore, #tpu.memory_space<semaphore_mem>>
      %dma_start3A_425 = arith.constant 0 : i32
      %dma_start3A_426 = arith.constant 0 : i32
      %dma_start3A_427 = tpu.memref_slice %arg20[%dma_start3A_425, %dma_start3A_426] : memref<10240x128xf32, #tpu.memory_space<vmem_shared>> -> memref<10240x128xf32, #tpu.memory_space<vmem_shared>>
      tpu.enqueue_indirect_dma source(%arg18 : memref<64x128xf32, #tpu.memory_space<vmem>>) target(%dma_start3A_427 : memref<10240x128xf32, #tpu.memory_space<vmem_shared>>) offsets(%arg13 : memref<64xi32, #tpu.memory_space<vmem>>) semaphore(%run_scoped3A : memref<!tpu.dma_semaphore, #tpu.memory_space<semaphore_mem>>) {add = true}
      %dma_wait3A_428 = arith.constant 0 : i32
      %dma_wait3A_429 = arith.constant 0 : i32
      %dma_wait3A_430 = tpu.memref_slice %arg20[%dma_wait3A_428, %dma_wait3A_429] : memref<10240x128xf32, #tpu.memory_space<vmem_shared>> -> memref<10240x128xf32, #tpu.memory_space<vmem_shared>>
      tpu.wait_indirect_dma semaphore(%run_scoped3A : memref<!tpu.dma_semaphore, #tpu.memory_space<semaphore_mem>>) src(%arg18 : memref<64x128xf32, #tpu.memory_space<vmem>>) dst(%dma_wait3A_430 : memref<10240x128xf32, #tpu.memory_space<vmem_shared>>)
      tpu.yield
    }) : () -> ()
    %scan3A_418 = arith.constant 0 : i32
    %scan3A_419 = arith.constant 0 : i32
    %scan3A_420 = arith.constant 10 : i32
    %scan3A_421 = arith.addi %scan3A_419, %scan3A_420 : i32
    %scan3A_422 = arith.constant 1 : i32
    scf.for %scan3A_425 = %scan3A_419 to %scan3A_421 step %scan3A_422  : i32 {
      %mul3A_426 = arith.constant 8 : i32
      %mul3A_427 = arith.muli %scan3A_425, %mul3A_426 : i32
      %add3A_428 = arith.constant 0 : i32
      %add3A_429 = arith.addi %mul3A_427, %add3A_428 : i32
      %get3A_430 = arith.index_cast %add3A_429 : i32 to index
      %get3A_431 = arith.constant 0 : index
      %get3A_432 = tpu.vector_load %arg8[%get3A_430, %get3A_431] {strides = array<i32>} : memref<80x128xi32, #tpu.memory_space<vmem>>, vector<1x16xi32>,
      %get3A_433 = vector.shape_cast %get3A_432 : vector<1x16xi32> to vector<16xi32>
      %and3A_434 = arith.constant 16383 : i32
      %and3A_435 = vector.broadcast %and3A_434 : i32 to vector<16xi32>
      %and3A_436 = arith.andi %get3A_433, %and3A_435 : vector<16xi32>
      %swap3A_437 = arith.constant 0 : index
      %swap3A_438 = tpu.vector_load %arg14[%swap3A_437] {strides = array<i32>} : memref<1024xi32, #tpu.memory_space<vmem>>, vector<16xi32>,
      %swap3A_439 = vector.shape_cast %swap3A_438 : vector<16xi32> to vector<16xi32>
      %swap3A_440 = vector.shape_cast %and3A_436 : vector<16xi32> to vector<16xi32>
      tpu.vector_store %arg14[%swap3A_437], %swap3A_440 {strides = array<i32>} : memref<1024xi32, #tpu.memory_space<vmem>>, vector<16xi32>,
      %get3A_441 = arith.index_cast %add3A_429 : i32 to index
      %get3A_442 = arith.constant 16 : index
      %get3A_443 = tpu.vector_load %arg8[%get3A_441, %get3A_442] {strides = array<i32>} : memref<80x128xi32, #tpu.memory_space<vmem>>, vector<1x16xi32>,
      %get3A_444 = vector.shape_cast %get3A_443 : vector<1x16xi32> to vector<16xi32>
      %and3A_445 = arith.constant 16383 : i32
      %and3A_446 = vector.broadcast %and3A_445 : i32 to vector<16xi32>
      %and3A_447 = arith.andi %get3A_444, %and3A_446 : vector<16xi32>
      %swap3A_448 = arith.constant 16 : index
      %swap3A_449 = tpu.vector_load %arg14[%swap3A_448] {strides = array<i32>} : memref<1024xi32, #tpu.memory_space<vmem>>, vector<16xi32>,
      %swap3A_450 = vector.shape_cast %swap3A_449 : vector<16xi32> to vector<16xi32>
      %swap3A_451 = vector.shape_cast %and3A_447 : vector<16xi32> to vector<16xi32>
      tpu.vector_store %arg14[%swap3A_448], %swap3A_451 {strides = array<i32>} : memref<1024xi32, #tpu.memory_space<vmem>>, vector<16xi32>,
      %get3A_452 = arith.index_cast %add3A_429 : i32 to index
      %get3A_453 = arith.constant 32 : index
      %get3A_454 = tpu.vector_load %arg8[%get3A_452, %get3A_453] {strides = array<i32>} : memref<80x128xi32, #tpu.memory_space<vmem>>, vector<1x16xi32>,
      %get3A_455 = vector.shape_cast %get3A_454 : vector<1x16xi32> to vector<16xi32>
      %and3A_456 = arith.constant 16383 : i32
      %and3A_457 = vector.broadcast %and3A_456 : i32 to vector<16xi32>
      %and3A_458 = arith.andi %get3A_455, %and3A_457 : vector<16xi32>
      %swap3A_459 = arith.constant 32 : index
      %swap3A_460 = tpu.vector_load %arg14[%swap3A_459] {strides = array<i32>} : memref<1024xi32, #tpu.memory_space<vmem>>, vector<16xi32>,
      %swap3A_461 = vector.shape_cast %swap3A_460 : vector<16xi32> to vector<16xi32>
      %swap3A_462 = vector.shape_cast %and3A_458 : vector<16xi32> to vector<16xi32>
      tpu.vector_store %arg14[%swap3A_459], %swap3A_462 {strides = array<i32>} : memref<1024xi32, #tpu.memory_space<vmem>>, vector<16xi32>,
      %get3A_463 = arith.index_cast %add3A_429 : i32 to index
      %get3A_464 = arith.constant 48 : index
      %get3A_465 = tpu.vector_load %arg8[%get3A_463, %get3A_464] {strides = array<i32>} : memref<80x128xi32, #tpu.memory_space<vmem>>, vector<1x16xi32>,
      %get3A_466 = vector.shape_cast %get3A_465 : vector<1x16xi32> to vector<16xi32>
      %and3A_467 = arith.constant 16383 : i32
      %and3A_468 = vector.broadcast %and3A_467 : i32 to vector<16xi32>
      %and3A_469 = arith.andi %get3A_466, %and3A_468 : vector<16xi32>
      %swap3A_470 = arith.constant 48 : index
      %swap3A_471 = tpu.vector_load %arg14[%swap3A_470] {strides = array<i32>} : memref<1024xi32, #tpu.memory_space<vmem>>, vector<16xi32>,
      %swap3A_472 = vector.shape_cast %swap3A_471 : vector<16xi32> to vector<16xi32>
      %swap3A_473 = vector.shape_cast %and3A_469 : vector<16xi32> to vector<16xi32>
      tpu.vector_store %arg14[%swap3A_470], %swap3A_473 {strides = array<i32>} : memref<1024xi32, #tpu.memory_space<vmem>>, vector<16xi32>,
      %get3A_474 = arith.index_cast %add3A_429 : i32 to index
      %get3A_475 = arith.constant 64 : index
      %get3A_476 = tpu.vector_load %arg8[%get3A_474, %get3A_475] {strides = array<i32>} : memref<80x128xi32, #tpu.memory_space<vmem>>, vector<1x16xi32>,
      %get3A_477 = vector.shape_cast %get3A_476 : vector<1x16xi32> to vector<16xi32>
      %and3A_478 = arith.constant 16383 : i32
      %and3A_479 = vector.broadcast %and3A_478 : i32 to vector<16xi32>
      %and3A_480 = arith.andi %get3A_477, %and3A_479 : vector<16xi32>
      %swap3A_481 = arith.constant 64 : index
      %swap3A_482 = tpu.vector_load %arg14[%swap3A_481] {strides = array<i32>} : memref<1024xi32, #tpu.memory_space<vmem>>, vector<16xi32>,
      %swap3A_483 = vector.shape_cast %swap3A_482 : vector<16xi32> to vector<16xi32>
      %swap3A_484 = vector.shape_cast %and3A_480 : vector<16xi32> to vector<16xi32>
      tpu.vector_store %arg14[%swap3A_481], %swap3A_484 {strides = array<i32>} : memref<1024xi32, #tpu.memory_space<vmem>>, vector<16xi32>,
      %get3A_485 = arith.index_cast %add3A_429 : i32 to index
      %get3A_486 = arith.constant 80 : index
      %get3A_487 = tpu.vector_load %arg8[%get3A_485, %get3A_486] {strides = array<i32>} : memref<80x128xi32, #tpu.memory_space<vmem>>, vector<1x16xi32>,
      %get3A_488 = vector.shape_cast %get3A_487 : vector<1x16xi32> to vector<16xi32>
      %and3A_489 = arith.constant 16383 : i32
      %and3A_490 = vector.broadcast %and3A_489 : i32 to vector<16xi32>
      %and3A_491 = arith.andi %get3A_488, %and3A_490 : vector<16xi32>
      %swap3A_492 = arith.constant 80 : index
      %swap3A_493 = tpu.vector_load %arg14[%swap3A_492] {strides = array<i32>} : memref<1024xi32, #tpu.memory_space<vmem>>, vector<16xi32>,
      %swap3A_494 = vector.shape_cast %swap3A_493 : vector<16xi32> to vector<16xi32>
      %swap3A_495 = vector.shape_cast %and3A_491 : vector<16xi32> to vector<16xi32>
      tpu.vector_store %arg14[%swap3A_492], %swap3A_495 {strides = array<i32>} : memref<1024xi32, #tpu.memory_space<vmem>>, vector<16xi32>,
      %get3A_496 = arith.index_cast %add3A_429 : i32 to index
      %get3A_497 = arith.constant 96 : index
      %get3A_498 = tpu.vector_load %arg8[%get3A_496, %get3A_497] {strides = array<i32>} : memref<80x128xi32, #tpu.memory_space<vmem>>, vector<1x16xi32>,
      %get3A_499 = vector.shape_cast %get3A_498 : vector<1x16xi32> to vector<16xi32>
      %and3A_500 = arith.constant 16383 : i32
      %and3A_501 = vector.broadcast %and3A_500 : i32 to vector<16xi32>
      %and3A_502 = arith.andi %get3A_499, %and3A_501 : vector<16xi32>
      %swap3A_503 = arith.constant 96 : index
      %swap3A_504 = tpu.vector_load %arg14[%swap3A_503] {strides = array<i32>} : memref<1024xi32, #tpu.memory_space<vmem>>, vector<16xi32>,
      %swap3A_505 = vector.shape_cast %swap3A_504 : vector<16xi32> to vector<16xi32>
      %swap3A_506 = vector.shape_cast %and3A_502 : vector<16xi32> to vector<16xi32>
      tpu.vector_store %arg14[%swap3A_503], %swap3A_506 {strides = array<i32>} : memref<1024xi32, #tpu.memory_space<vmem>>, vector<16xi32>,
      %get3A_507 = arith.index_cast %add3A_429 : i32 to index
      %get3A_508 = arith.constant 112 : index
      %get3A_509 = tpu.vector_load %arg8[%get3A_507, %get3A_508] {strides = array<i32>} : memref<80x128xi32, #tpu.memory_space<vmem>>, vector<1x16xi32>,
      %get3A_510 = vector.shape_cast %get3A_509 : vector<1x16xi32> to vector<16xi32>
      %and3A_511 = arith.constant 16383 : i32
      %and3A_512 = vector.broadcast %and3A_511 : i32 to vector<16xi32>
      %and3A_513 = arith.andi %get3A_510, %and3A_512 : vector<16xi32>
      %swap3A_514 = arith.constant 112 : index
      %swap3A_515 = tpu.vector_load %arg14[%swap3A_514] {strides = array<i32>} : memref<1024xi32, #tpu.memory_space<vmem>>, vector<16xi32>,
      %swap3A_516 = vector.shape_cast %swap3A_515 : vector<16xi32> to vector<16xi32>
      %swap3A_517 = vector.shape_cast %and3A_513 : vector<16xi32> to vector<16xi32>
      tpu.vector_store %arg14[%swap3A_514], %swap3A_517 {strides = array<i32>} : memref<1024xi32, #tpu.memory_space<vmem>>, vector<16xi32>,
      %mul3A_518 = arith.constant 8 : i32
      %mul3A_519 = arith.muli %scan3A_425, %mul3A_518 : i32
      %add3A_520 = arith.constant 1 : i32
      %add3A_521 = arith.addi %mul3A_519, %add3A_520 : i32
      %get3A_522 = arith.index_cast %add3A_521 : i32 to index
      %get3A_523 = arith.constant 0 : index
      %get3A_524 = tpu.vector_load %arg8[%get3A_522, %get3A_523] {strides = array<i32>} : memref<80x128xi32, #tpu.memory_space<vmem>>, vector<1x16xi32>,
      %get3A_525 = vector.shape_cast %get3A_524 : vector<1x16xi32> to vector<16xi32>
      %and3A_526 = arith.constant 16383 : i32
      %and3A_527 = vector.broadcast %and3A_526 : i32 to vector<16xi32>
      %and3A_528 = arith.andi %get3A_525, %and3A_527 : vector<16xi32>
      %swap3A_529 = arith.constant 128 : index
      %swap3A_530 = tpu.vector_load %arg14[%swap3A_529] {strides = array<i32>} : memref<1024xi32, #tpu.memory_space<vmem>>, vector<16xi32>,
      %swap3A_531 = vector.shape_cast %swap3A_530 : vector<16xi32> to vector<16xi32>
      %swap3A_532 = vector.shape_cast %and3A_528 : vector<16xi32> to vector<16xi32>
      tpu.vector_store %arg14[%swap3A_529], %swap3A_532 {strides = array<i32>} : memref<1024xi32, #tpu.memory_space<vmem>>, vector<16xi32>,
      %get3A_533 = arith.index_cast %add3A_521 : i32 to index
      %get3A_534 = arith.constant 16 : index
      %get3A_535 = tpu.vector_load %arg8[%get3A_533, %get3A_534] {strides = array<i32>} : memref<80x128xi32, #tpu.memory_space<vmem>>, vector<1x16xi32>,
      %get3A_536 = vector.shape_cast %get3A_535 : vector<1x16xi32> to vector<16xi32>
      %and3A_537 = arith.constant 16383 : i32
      %and3A_538 = vector.broadcast %and3A_537 : i32 to vector<16xi32>
      %and3A_539 = arith.andi %get3A_536, %and3A_538 : vector<16xi32>
      %swap3A_540 = arith.constant 144 : index
      %swap3A_541 = tpu.vector_load %arg14[%swap3A_540] {strides = array<i32>} : memref<1024xi32, #tpu.memory_space<vmem>>, vector<16xi32>,
      %swap3A_542 = vector.shape_cast %swap3A_541 : vector<16xi32> to vector<16xi32>
      %swap3A_543 = vector.shape_cast %and3A_539 : vector<16xi32> to vector<16xi32>
      tpu.vector_store %arg14[%swap3A_540], %swap3A_543 {strides = array<i32>} : memref<1024xi32, #tpu.memory_space<vmem>>, vector<16xi32>,
      %get3A_544 = arith.index_cast %add3A_521 : i32 to index
      %get3A_545 = arith.constant 32 : index
      %get3A_546 = tpu.vector_load %arg8[%get3A_544, %get3A_545] {strides = array<i32>} : memref<80x128xi32, #tpu.memory_space<vmem>>, vector<1x16xi32>,
      %get3A_547 = vector.shape_cast %get3A_546 : vector<1x16xi32> to vector<16xi32>
      %and3A_548 = arith.constant 16383 : i32
      %and3A_549 = vector.broadcast %and3A_548 : i32 to vector<16xi32>
      %and3A_550 = arith.andi %get3A_547, %and3A_549 : vector<16xi32>
      %swap3A_551 = arith.constant 160 : index
      %swap3A_552 = tpu.vector_load %arg14[%swap3A_551] {strides = array<i32>} : memref<1024xi32, #tpu.memory_space<vmem>>, vector<16xi32>,
      %swap3A_553 = vector.shape_cast %swap3A_552 : vector<16xi32> to vector<16xi32>
      %swap3A_554 = vector.shape_cast %and3A_550 : vector<16xi32> to vector<16xi32>
      tpu.vector_store %arg14[%swap3A_551], %swap3A_554 {strides = array<i32>} : memref<1024xi32, #tpu.memory_space<vmem>>, vector<16xi32>,
      %get3A_555 = arith.index_cast %add3A_521 : i32 to index
      %get3A_556 = arith.constant 48 : index
      %get3A_557 = tpu.vector_load %arg8[%get3A_555, %get3A_556] {strides = array<i32>} : memref<80x128xi32, #tpu.memory_space<vmem>>, vector<1x16xi32>,
      %get3A_558 = vector.shape_cast %get3A_557 : vector<1x16xi32> to vector<16xi32>
      %and3A_559 = arith.constant 16383 : i32
      %and3A_560 = vector.broadcast %and3A_559 : i32 to vector<16xi32>
      %and3A_561 = arith.andi %get3A_558, %and3A_560 : vector<16xi32>
      %swap3A_562 = arith.constant 176 : index
      %swap3A_563 = tpu.vector_load %arg14[%swap3A_562] {strides = array<i32>} : memref<1024xi32, #tpu.memory_space<vmem>>, vector<16xi32>,
      %swap3A_564 = vector.shape_cast %swap3A_563 : vector<16xi32> to vector<16xi32>
      %swap3A_565 = vector.shape_cast %and3A_561 : vector<16xi32> to vector<16xi32>
      tpu.vector_store %arg14[%swap3A_562], %swap3A_565 {strides = array<i32>} : memref<1024xi32, #tpu.memory_space<vmem>>, vector<16xi32>,
      %get3A_566 = arith.index_cast %add3A_521 : i32 to index
      %get3A_567 = arith.constant 64 : index
      %get3A_568 = tpu.vector_load %arg8[%get3A_566, %get3A_567] {strides = array<i32>} : memref<80x128xi32, #tpu.memory_space<vmem>>, vector<1x16xi32>,
      %get3A_569 = vector.shape_cast %get3A_568 : vector<1x16xi32> to vector<16xi32>
      %and3A_570 = arith.constant 16383 : i32
      %and3A_571 = vector.broadcast %and3A_570 : i32 to vector<16xi32>
      %and3A_572 = arith.andi %get3A_569, %and3A_571 : vector<16xi32>
      %swap3A_573 = arith.constant 192 : index
      %swap3A_574 = tpu.vector_load %arg14[%swap3A_573] {strides = array<i32>} : memref<1024xi32, #tpu.memory_space<vmem>>, vector<16xi32>,
      %swap3A_575 = vector.shape_cast %swap3A_574 : vector<16xi32> to vector<16xi32>
      %swap3A_576 = vector.shape_cast %and3A_572 : vector<16xi32> to vector<16xi32>
      tpu.vector_store %arg14[%swap3A_573], %swap3A_576 {strides = array<i32>} : memref<1024xi32, #tpu.memory_space<vmem>>, vector<16xi32>,
      %get3A_577 = arith.index_cast %add3A_521 : i32 to index
      %get3A_578 = arith.constant 80 : index
      %get3A_579 = tpu.vector_load %arg8[%get3A_577, %get3A_578] {strides = array<i32>} : memref<80x128xi32, #tpu.memory_space<vmem>>, vector<1x16xi32>,
      %get3A_580 = vector.shape_cast %get3A_579 : vector<1x16xi32> to vector<16xi32>
      %and3A_581 = arith.constant 16383 : i32
      %and3A_582 = vector.broadcast %and3A_581 : i32 to vector<16xi32>
      %and3A_583 = arith.andi %get3A_580, %and3A_582 : vector<16xi32>
      %swap3A_584 = arith.constant 208 : index
      %swap3A_585 = tpu.vector_load %arg14[%swap3A_584] {strides = array<i32>} : memref<1024xi32, #tpu.memory_space<vmem>>, vector<16xi32>,
      %swap3A_586 = vector.shape_cast %swap3A_585 : vector<16xi32> to vector<16xi32>
      %swap3A_587 = vector.shape_cast %and3A_583 : vector<16xi32> to vector<16xi32>
      tpu.vector_store %arg14[%swap3A_584], %swap3A_587 {strides = array<i32>} : memref<1024xi32, #tpu.memory_space<vmem>>, vector<16xi32>,
      %get3A_588 = arith.index_cast %add3A_521 : i32 to index
      %get3A_589 = arith.constant 96 : index
      %get3A_590 = tpu.vector_load %arg8[%get3A_588, %get3A_589] {strides = array<i32>} : memref<80x128xi32, #tpu.memory_space<vmem>>, vector<1x16xi32>,
      %get3A_591 = vector.shape_cast %get3A_590 : vector<1x16xi32> to vector<16xi32>
      %and3A_592 = arith.constant 16383 : i32
      %and3A_593 = vector.broadcast %and3A_592 : i32 to vector<16xi32>
      %and3A_594 = arith.andi %get3A_591, %and3A_593 : vector<16xi32>
      %swap3A_595 = arith.constant 224 : index
      %swap3A_596 = tpu.vector_load %arg14[%swap3A_595] {strides = array<i32>} : memref<1024xi32, #tpu.memory_space<vmem>>, vector<16xi32>,
      %swap3A_597 = vector.shape_cast %swap3A_596 : vector<16xi32> to vector<16xi32>
      %swap3A_598 = vector.shape_cast %and3A_594 : vector<16xi32> to vector<16xi32>
      tpu.vector_store %arg14[%swap3A_595], %swap3A_598 {strides = array<i32>} : memref<1024xi32, #tpu.memory_space<vmem>>, vector<16xi32>,
      %get3A_599 = arith.index_cast %add3A_521 : i32 to index
      %get3A_600 = arith.constant 112 : index
      %get3A_601 = tpu.vector_load %arg8[%get3A_599, %get3A_600] {strides = array<i32>} : memref<80x128xi32, #tpu.memory_space<vmem>>, vector<1x16xi32>,
      %get3A_602 = vector.shape_cast %get3A_601 : vector<1x16xi32> to vector<16xi32>
      %and3A_603 = arith.constant 16383 : i32
      %and3A_604 = vector.broadcast %and3A_603 : i32 to vector<16xi32>
      %and3A_605 = arith.andi %get3A_602, %and3A_604 : vector<16xi32>
      %swap3A_606 = arith.constant 240 : index
      %swap3A_607 = tpu.vector_load %arg14[%swap3A_606] {strides = array<i32>} : memref<1024xi32, #tpu.memory_space<vmem>>, vector<16xi32>,
      %swap3A_608 = vector.shape_cast %swap3A_607 : vector<16xi32> to vector<16xi32>
      %swap3A_609 = vector.shape_cast %and3A_605 : vector<16xi32> to vector<16xi32>
      tpu.vector_store %arg14[%swap3A_606], %swap3A_609 {strides = array<i32>} : memref<1024xi32, #tpu.memory_space<vmem>>, vector<16xi32>,
      %mul3A_610 = arith.constant 8 : i32
      %mul3A_611 = arith.muli %scan3A_425, %mul3A_610 : i32
      %add3A_612 = arith.constant 2 : i32
      %add3A_613 = arith.addi %mul3A_611, %add3A_612 : i32
      %get3A_614 = arith.index_cast %add3A_613 : i32 to index
      %get3A_615 = arith.constant 0 : index
      %get3A_616 = tpu.vector_load %arg8[%get3A_614, %get3A_615] {strides = array<i32>} : memref<80x128xi32, #tpu.memory_space<vmem>>, vector<1x16xi32>,
      %get3A_617 = vector.shape_cast %get3A_616 : vector<1x16xi32> to vector<16xi32>
      %and3A_618 = arith.constant 16383 : i32
      %and3A_619 = vector.broadcast %and3A_618 : i32 to vector<16xi32>
      %and3A_620 = arith.andi %get3A_617, %and3A_619 : vector<16xi32>
      %swap3A_621 = arith.constant 256 : index
      %swap3A_622 = tpu.vector_load %arg14[%swap3A_621] {strides = array<i32>} : memref<1024xi32, #tpu.memory_space<vmem>>, vector<16xi32>,
      %swap3A_623 = vector.shape_cast %swap3A_622 : vector<16xi32> to vector<16xi32>
      %swap3A_624 = vector.shape_cast %and3A_620 : vector<16xi32> to vector<16xi32>
      tpu.vector_store %arg14[%swap3A_621], %swap3A_624 {strides = array<i32>} : memref<1024xi32, #tpu.memory_space<vmem>>, vector<16xi32>,
      %get3A_625 = arith.index_cast %add3A_613 : i32 to index
      %get3A_626 = arith.constant 16 : index
      %get3A_627 = tpu.vector_load %arg8[%get3A_625, %get3A_626] {strides = array<i32>} : memref<80x128xi32, #tpu.memory_space<vmem>>, vector<1x16xi32>,
      %get3A_628 = vector.shape_cast %get3A_627 : vector<1x16xi32> to vector<16xi32>
      %and3A_629 = arith.constant 16383 : i32
      %and3A_630 = vector.broadcast %and3A_629 : i32 to vector<16xi32>
      %and3A_631 = arith.andi %get3A_628, %and3A_630 : vector<16xi32>
      %swap3A_632 = arith.constant 272 : index
      %swap3A_633 = tpu.vector_load %arg14[%swap3A_632] {strides = array<i32>} : memref<1024xi32, #tpu.memory_space<vmem>>, vector<16xi32>,
      %swap3A_634 = vector.shape_cast %swap3A_633 : vector<16xi32> to vector<16xi32>
      %swap3A_635 = vector.shape_cast %and3A_631 : vector<16xi32> to vector<16xi32>
      tpu.vector_store %arg14[%swap3A_632], %swap3A_635 {strides = array<i32>} : memref<1024xi32, #tpu.memory_space<vmem>>, vector<16xi32>,
      %get3A_636 = arith.index_cast %add3A_613 : i32 to index
      %get3A_637 = arith.constant 32 : index
      %get3A_638 = tpu.vector_load %arg8[%get3A_636, %get3A_637] {strides = array<i32>} : memref<80x128xi32, #tpu.memory_space<vmem>>, vector<1x16xi32>,
      %get3A_639 = vector.shape_cast %get3A_638 : vector<1x16xi32> to vector<16xi32>
      %and3A_640 = arith.constant 16383 : i32
      %and3A_641 = vector.broadcast %and3A_640 : i32 to vector<16xi32>
      %and3A_642 = arith.andi %get3A_639, %and3A_641 : vector<16xi32>
      %swap3A_643 = arith.constant 288 : index
      %swap3A_644 = tpu.vector_load %arg14[%swap3A_643] {strides = array<i32>} : memref<1024xi32, #tpu.memory_space<vmem>>, vector<16xi32>,
      %swap3A_645 = vector.shape_cast %swap3A_644 : vector<16xi32> to vector<16xi32>
      %swap3A_646 = vector.shape_cast %and3A_642 : vector<16xi32> to vector<16xi32>
      tpu.vector_store %arg14[%swap3A_643], %swap3A_646 {strides = array<i32>} : memref<1024xi32, #tpu.memory_space<vmem>>, vector<16xi32>,
      %get3A_647 = arith.index_cast %add3A_613 : i32 to index
      %get3A_648 = arith.constant 48 : index
      %get3A_649 = tpu.vector_load %arg8[%get3A_647, %get3A_648] {strides = array<i32>} : memref<80x128xi32, #tpu.memory_space<vmem>>, vector<1x16xi32>,
      %get3A_650 = vector.shape_cast %get3A_649 : vector<1x16xi32> to vector<16xi32>
      %and3A_651 = arith.constant 16383 : i32
      %and3A_652 = vector.broadcast %and3A_651 : i32 to vector<16xi32>
      %and3A_653 = arith.andi %get3A_650, %and3A_652 : vector<16xi32>
      %swap3A_654 = arith.constant 304 : index
      %swap3A_655 = tpu.vector_load %arg14[%swap3A_654] {strides = array<i32>} : memref<1024xi32, #tpu.memory_space<vmem>>, vector<16xi32>,
      %swap3A_656 = vector.shape_cast %swap3A_655 : vector<16xi32> to vector<16xi32>
      %swap3A_657 = vector.shape_cast %and3A_653 : vector<16xi32> to vector<16xi32>
      tpu.vector_store %arg14[%swap3A_654], %swap3A_657 {strides = array<i32>} : memref<1024xi32, #tpu.memory_space<vmem>>, vector<16xi32>,
      %get3A_658 = arith.index_cast %add3A_613 : i32 to index
      %get3A_659 = arith.constant 64 : index
      %get3A_660 = tpu.vector_load %arg8[%get3A_658, %get3A_659] {strides = array<i32>} : memref<80x128xi32, #tpu.memory_space<vmem>>, vector<1x16xi32>,
      %get3A_661 = vector.shape_cast %get3A_660 : vector<1x16xi32> to vector<16xi32>
      %and3A_662 = arith.constant 16383 : i32
      %and3A_663 = vector.broadcast %and3A_662 : i32 to vector<16xi32>
      %and3A_664 = arith.andi %get3A_661, %and3A_663 : vector<16xi32>
      %swap3A_665 = arith.constant 320 : index
      %swap3A_666 = tpu.vector_load %arg14[%swap3A_665] {strides = array<i32>} : memref<1024xi32, #tpu.memory_space<vmem>>, vector<16xi32>,
      %swap3A_667 = vector.shape_cast %swap3A_666 : vector<16xi32> to vector<16xi32>
      %swap3A_668 = vector.shape_cast %and3A_664 : vector<16xi32> to vector<16xi32>
      tpu.vector_store %arg14[%swap3A_665], %swap3A_668 {strides = array<i32>} : memref<1024xi32, #tpu.memory_space<vmem>>, vector<16xi32>,
      %get3A_669 = arith.index_cast %add3A_613 : i32 to index
      %get3A_670 = arith.constant 80 : index
      %get3A_671 = tpu.vector_load %arg8[%get3A_669, %get3A_670] {strides = array<i32>} : memref<80x128xi32, #tpu.memory_space<vmem>>, vector<1x16xi32>,
      %get3A_672 = vector.shape_cast %get3A_671 : vector<1x16xi32> to vector<16xi32>
      %and3A_673 = arith.constant 16383 : i32
      %and3A_674 = vector.broadcast %and3A_673 : i32 to vector<16xi32>
      %and3A_675 = arith.andi %get3A_672, %and3A_674 : vector<16xi32>
      %swap3A_676 = arith.constant 336 : index
      %swap3A_677 = tpu.vector_load %arg14[%swap3A_676] {strides = array<i32>} : memref<1024xi32, #tpu.memory_space<vmem>>, vector<16xi32>,
      %swap3A_678 = vector.shape_cast %swap3A_677 : vector<16xi32> to vector<16xi32>
      %swap3A_679 = vector.shape_cast %and3A_675 : vector<16xi32> to vector<16xi32>
      tpu.vector_store %arg14[%swap3A_676], %swap3A_679 {strides = array<i32>} : memref<1024xi32, #tpu.memory_space<vmem>>, vector<16xi32>,
      %get3A_680 = arith.index_cast %add3A_613 : i32 to index
      %get3A_681 = arith.constant 96 : index
      %get3A_682 = tpu.vector_load %arg8[%get3A_680, %get3A_681] {strides = array<i32>} : memref<80x128xi32, #tpu.memory_space<vmem>>, vector<1x16xi32>,
      %get3A_683 = vector.shape_cast %get3A_682 : vector<1x16xi32> to vector<16xi32>
      %and3A_684 = arith.constant 16383 : i32
      %and3A_685 = vector.broadcast %and3A_684 : i32 to vector<16xi32>
      %and3A_686 = arith.andi %get3A_683, %and3A_685 : vector<16xi32>
      %swap3A_687 = arith.constant 352 : index
      %swap3A_688 = tpu.vector_load %arg14[%swap3A_687] {strides = array<i32>} : memref<1024xi32, #tpu.memory_space<vmem>>, vector<16xi32>,
      %swap3A_689 = vector.shape_cast %swap3A_688 : vector<16xi32> to vector<16xi32>
      %swap3A_690 = vector.shape_cast %and3A_686 : vector<16xi32> to vector<16xi32>
      tpu.vector_store %arg14[%swap3A_687], %swap3A_690 {strides = array<i32>} : memref<1024xi32, #tpu.memory_space<vmem>>, vector<16xi32>,
      %get3A_691 = arith.index_cast %add3A_613 : i32 to index
      %get3A_692 = arith.constant 112 : index
      %get3A_693 = tpu.vector_load %arg8[%get3A_691, %get3A_692] {strides = array<i32>} : memref<80x128xi32, #tpu.memory_space<vmem>>, vector<1x16xi32>,
      %get3A_694 = vector.shape_cast %get3A_693 : vector<1x16xi32> to vector<16xi32>
      %and3A_695 = arith.constant 16383 : i32
      %and3A_696 = vector.broadcast %and3A_695 : i32 to vector<16xi32>
      %and3A_697 = arith.andi %get3A_694, %and3A_696 : vector<16xi32>
      %swap3A_698 = arith.constant 368 : index
      %swap3A_699 = tpu.vector_load %arg14[%swap3A_698] {strides = array<i32>} : memref<1024xi32, #tpu.memory_space<vmem>>, vector<16xi32>,
      %swap3A_700 = vector.shape_cast %swap3A_699 : vector<16xi32> to vector<16xi32>
      %swap3A_701 = vector.shape_cast %and3A_697 : vector<16xi32> to vector<16xi32>
      tpu.vector_store %arg14[%swap3A_698], %swap3A_701 {strides = array<i32>} : memref<1024xi32, #tpu.memory_space<vmem>>, vector<16xi32>,
      %mul3A_702 = arith.constant 8 : i32
      %mul3A_703 = arith.muli %scan3A_425, %mul3A_702 : i32
      %add3A_704 = arith.constant 3 : i32
      %add3A_705 = arith.addi %mul3A_703, %add3A_704 : i32
      %get3A_706 = arith.index_cast %add3A_705 : i32 to index
      %get3A_707 = arith.constant 0 : index
      %get3A_708 = tpu.vector_load %arg8[%get3A_706, %get3A_707] {strides = array<i32>} : memref<80x128xi32, #tpu.memory_space<vmem>>, vector<1x16xi32>,
      %get3A_709 = vector.shape_cast %get3A_708 : vector<1x16xi32> to vector<16xi32>
      %and3A_710 = arith.constant 16383 : i32
      %and3A_711 = vector.broadcast %and3A_710 : i32 to vector<16xi32>
      %and3A_712 = arith.andi %get3A_709, %and3A_711 : vector<16xi32>
      %swap3A_713 = arith.constant 384 : index
      %swap3A_714 = tpu.vector_load %arg14[%swap3A_713] {strides = array<i32>} : memref<1024xi32, #tpu.memory_space<vmem>>, vector<16xi32>,
      %swap3A_715 = vector.shape_cast %swap3A_714 : vector<16xi32> to vector<16xi32>
      %swap3A_716 = vector.shape_cast %and3A_712 : vector<16xi32> to vector<16xi32>
      tpu.vector_store %arg14[%swap3A_713], %swap3A_716 {strides = array<i32>} : memref<1024xi32, #tpu.memory_space<vmem>>, vector<16xi32>,
      %get3A_717 = arith.index_cast %add3A_705 : i32 to index
      %get3A_718 = arith.constant 16 : index
      %get3A_719 = tpu.vector_load %arg8[%get3A_717, %get3A_718] {strides = array<i32>} : memref<80x128xi32, #tpu.memory_space<vmem>>, vector<1x16xi32>,
      %get3A_720 = vector.shape_cast %get3A_719 : vector<1x16xi32> to vector<16xi32>
      %and3A_721 = arith.constant 16383 : i32
      %and3A_722 = vector.broadcast %and3A_721 : i32 to vector<16xi32>
      %and3A_723 = arith.andi %get3A_720, %and3A_722 : vector<16xi32>
      %swap3A_724 = arith.constant 400 : index
      %swap3A_725 = tpu.vector_load %arg14[%swap3A_724] {strides = array<i32>} : memref<1024xi32, #tpu.memory_space<vmem>>, vector<16xi32>,
      %swap3A_726 = vector.shape_cast %swap3A_725 : vector<16xi32> to vector<16xi32>
      %swap3A_727 = vector.shape_cast %and3A_723 : vector<16xi32> to vector<16xi32>
      tpu.vector_store %arg14[%swap3A_724], %swap3A_727 {strides = array<i32>} : memref<1024xi32, #tpu.memory_space<vmem>>, vector<16xi32>,
      %get3A_728 = arith.index_cast %add3A_705 : i32 to index
      %get3A_729 = arith.constant 32 : index
      %get3A_730 = tpu.vector_load %arg8[%get3A_728, %get3A_729] {strides = array<i32>} : memref<80x128xi32, #tpu.memory_space<vmem>>, vector<1x16xi32>,
      %get3A_731 = vector.shape_cast %get3A_730 : vector<1x16xi32> to vector<16xi32>
      %and3A_732 = arith.constant 16383 : i32
      %and3A_733 = vector.broadcast %and3A_732 : i32 to vector<16xi32>
      %and3A_734 = arith.andi %get3A_731, %and3A_733 : vector<16xi32>
      %swap3A_735 = arith.constant 416 : index
      %swap3A_736 = tpu.vector_load %arg14[%swap3A_735] {strides = array<i32>} : memref<1024xi32, #tpu.memory_space<vmem>>, vector<16xi32>,
      %swap3A_737 = vector.shape_cast %swap3A_736 : vector<16xi32> to vector<16xi32>
      %swap3A_738 = vector.shape_cast %and3A_734 : vector<16xi32> to vector<16xi32>
      tpu.vector_store %arg14[%swap3A_735], %swap3A_738 {strides = array<i32>} : memref<1024xi32, #tpu.memory_space<vmem>>, vector<16xi32>,
      %get3A_739 = arith.index_cast %add3A_705 : i32 to index
      %get3A_740 = arith.constant 48 : index
      %get3A_741 = tpu.vector_load %arg8[%get3A_739, %get3A_740] {strides = array<i32>} : memref<80x128xi32, #tpu.memory_space<vmem>>, vector<1x16xi32>,
      %get3A_742 = vector.shape_cast %get3A_741 : vector<1x16xi32> to vector<16xi32>
      %and3A_743 = arith.constant 16383 : i32
      %and3A_744 = vector.broadcast %and3A_743 : i32 to vector<16xi32>
      %and3A_745 = arith.andi %get3A_742, %and3A_744 : vector<16xi32>
      %swap3A_746 = arith.constant 432 : index
      %swap3A_747 = tpu.vector_load %arg14[%swap3A_746] {strides = array<i32>} : memref<1024xi32, #tpu.memory_space<vmem>>, vector<16xi32>,
      %swap3A_748 = vector.shape_cast %swap3A_747 : vector<16xi32> to vector<16xi32>
      %swap3A_749 = vector.shape_cast %and3A_745 : vector<16xi32> to vector<16xi32>
      tpu.vector_store %arg14[%swap3A_746], %swap3A_749 {strides = array<i32>} : memref<1024xi32, #tpu.memory_space<vmem>>, vector<16xi32>,
      %get3A_750 = arith.index_cast %add3A_705 : i32 to index
      %get3A_751 = arith.constant 64 : index
      %get3A_752 = tpu.vector_load %arg8[%get3A_750, %get3A_751] {strides = array<i32>} : memref<80x128xi32, #tpu.memory_space<vmem>>, vector<1x16xi32>,
      %get3A_753 = vector.shape_cast %get3A_752 : vector<1x16xi32> to vector<16xi32>
      %and3A_754 = arith.constant 16383 : i32
      %and3A_755 = vector.broadcast %and3A_754 : i32 to vector<16xi32>
      %and3A_756 = arith.andi %get3A_753, %and3A_755 : vector<16xi32>
      %swap3A_757 = arith.constant 448 : index
      %swap3A_758 = tpu.vector_load %arg14[%swap3A_757] {strides = array<i32>} : memref<1024xi32, #tpu.memory_space<vmem>>, vector<16xi32>,
      %swap3A_759 = vector.shape_cast %swap3A_758 : vector<16xi32> to vector<16xi32>
      %swap3A_760 = vector.shape_cast %and3A_756 : vector<16xi32> to vector<16xi32>
      tpu.vector_store %arg14[%swap3A_757], %swap3A_760 {strides = array<i32>} : memref<1024xi32, #tpu.memory_space<vmem>>, vector<16xi32>,
      %get3A_761 = arith.index_cast %add3A_705 : i32 to index
      %get3A_762 = arith.constant 80 : index
      %get3A_763 = tpu.vector_load %arg8[%get3A_761, %get3A_762] {strides = array<i32>} : memref<80x128xi32, #tpu.memory_space<vmem>>, vector<1x16xi32>,
      %get3A_764 = vector.shape_cast %get3A_763 : vector<1x16xi32> to vector<16xi32>
      %and3A_765 = arith.constant 16383 : i32
      %and3A_766 = vector.broadcast %and3A_765 : i32 to vector<16xi32>
      %and3A_767 = arith.andi %get3A_764, %and3A_766 : vector<16xi32>
      %swap3A_768 = arith.constant 464 : index
      %swap3A_769 = tpu.vector_load %arg14[%swap3A_768] {strides = array<i32>} : memref<1024xi32, #tpu.memory_space<vmem>>, vector<16xi32>,
      %swap3A_770 = vector.shape_cast %swap3A_769 : vector<16xi32> to vector<16xi32>
      %swap3A_771 = vector.shape_cast %and3A_767 : vector<16xi32> to vector<16xi32>
      tpu.vector_store %arg14[%swap3A_768], %swap3A_771 {strides = array<i32>} : memref<1024xi32, #tpu.memory_space<vmem>>, vector<16xi32>,
      %get3A_772 = arith.index_cast %add3A_705 : i32 to index
      %get3A_773 = arith.constant 96 : index
      %get3A_774 = tpu.vector_load %arg8[%get3A_772, %get3A_773] {strides = array<i32>} : memref<80x128xi32, #tpu.memory_space<vmem>>, vector<1x16xi32>,
      %get3A_775 = vector.shape_cast %get3A_774 : vector<1x16xi32> to vector<16xi32>
      %and3A_776 = arith.constant 16383 : i32
      %and3A_777 = vector.broadcast %and3A_776 : i32 to vector<16xi32>
      %and3A_778 = arith.andi %get3A_775, %and3A_777 : vector<16xi32>
      %swap3A_779 = arith.constant 480 : index
      %swap3A_780 = tpu.vector_load %arg14[%swap3A_779] {strides = array<i32>} : memref<1024xi32, #tpu.memory_space<vmem>>, vector<16xi32>,
      %swap3A_781 = vector.shape_cast %swap3A_780 : vector<16xi32> to vector<16xi32>
      %swap3A_782 = vector.shape_cast %and3A_778 : vector<16xi32> to vector<16xi32>
      tpu.vector_store %arg14[%swap3A_779], %swap3A_782 {strides = array<i32>} : memref<1024xi32, #tpu.memory_space<vmem>>, vector<16xi32>,
      %get3A_783 = arith.index_cast %add3A_705 : i32 to index
      %get3A_784 = arith.constant 112 : index
      %get3A_785 = tpu.vector_load %arg8[%get3A_783, %get3A_784] {strides = array<i32>} : memref<80x128xi32, #tpu.memory_space<vmem>>, vector<1x16xi32>,
      %get3A_786 = vector.shape_cast %get3A_785 : vector<1x16xi32> to vector<16xi32>
      %and3A_787 = arith.constant 16383 : i32
      %and3A_788 = vector.broadcast %and3A_787 : i32 to vector<16xi32>
      %and3A_789 = arith.andi %get3A_786, %and3A_788 : vector<16xi32>
      %swap3A_790 = arith.constant 496 : index
      %swap3A_791 = tpu.vector_load %arg14[%swap3A_790] {strides = array<i32>} : memref<1024xi32, #tpu.memory_space<vmem>>, vector<16xi32>,
      %swap3A_792 = vector.shape_cast %swap3A_791 : vector<16xi32> to vector<16xi32>
      %swap3A_793 = vector.shape_cast %and3A_789 : vector<16xi32> to vector<16xi32>
      tpu.vector_store %arg14[%swap3A_790], %swap3A_793 {strides = array<i32>} : memref<1024xi32, #tpu.memory_space<vmem>>, vector<16xi32>,
      %mul3A_794 = arith.constant 8 : i32
      %mul3A_795 = arith.muli %scan3A_425, %mul3A_794 : i32
      %add3A_796 = arith.constant 4 : i32
      %add3A_797 = arith.addi %mul3A_795, %add3A_796 : i32
      %get3A_798 = arith.index_cast %add3A_797 : i32 to index
      %get3A_799 = arith.constant 0 : index
      %get3A_800 = tpu.vector_load %arg8[%get3A_798, %get3A_799] {strides = array<i32>} : memref<80x128xi32, #tpu.memory_space<vmem>>, vector<1x16xi32>,
      %get3A_801 = vector.shape_cast %get3A_800 : vector<1x16xi32> to vector<16xi32>
      %and3A_802 = arith.constant 16383 : i32
      %and3A_803 = vector.broadcast %and3A_802 : i32 to vector<16xi32>
      %and3A_804 = arith.andi %get3A_801, %and3A_803 : vector<16xi32>
      %swap3A_805 = arith.constant 512 : index
      %swap3A_806 = tpu.vector_load %arg14[%swap3A_805] {strides = array<i32>} : memref<1024xi32, #tpu.memory_space<vmem>>, vector<16xi32>,
      %swap3A_807 = vector.shape_cast %swap3A_806 : vector<16xi32> to vector<16xi32>
      %swap3A_808 = vector.shape_cast %and3A_804 : vector<16xi32> to vector<16xi32>
      tpu.vector_store %arg14[%swap3A_805], %swap3A_808 {strides = array<i32>} : memref<1024xi32, #tpu.memory_space<vmem>>, vector<16xi32>,
      %get3A_809 = arith.index_cast %add3A_797 : i32 to index
      %get3A_810 = arith.constant 16 : index
      %get3A_811 = tpu.vector_load %arg8[%get3A_809, %get3A_810] {strides = array<i32>} : memref<80x128xi32, #tpu.memory_space<vmem>>, vector<1x16xi32>,
      %get3A_812 = vector.shape_cast %get3A_811 : vector<1x16xi32> to vector<16xi32>
      %and3A_813 = arith.constant 16383 : i32
      %and3A_814 = vector.broadcast %and3A_813 : i32 to vector<16xi32>
      %and3A_815 = arith.andi %get3A_812, %and3A_814 : vector<16xi32>
      %swap3A_816 = arith.constant 528 : index
      %swap3A_817 = tpu.vector_load %arg14[%swap3A_816] {strides = array<i32>} : memref<1024xi32, #tpu.memory_space<vmem>>, vector<16xi32>,
      %swap3A_818 = vector.shape_cast %swap3A_817 : vector<16xi32> to vector<16xi32>
      %swap3A_819 = vector.shape_cast %and3A_815 : vector<16xi32> to vector<16xi32>
      tpu.vector_store %arg14[%swap3A_816], %swap3A_819 {strides = array<i32>} : memref<1024xi32, #tpu.memory_space<vmem>>, vector<16xi32>,
      %get3A_820 = arith.index_cast %add3A_797 : i32 to index
      %get3A_821 = arith.constant 32 : index
      %get3A_822 = tpu.vector_load %arg8[%get3A_820, %get3A_821] {strides = array<i32>} : memref<80x128xi32, #tpu.memory_space<vmem>>, vector<1x16xi32>,
      %get3A_823 = vector.shape_cast %get3A_822 : vector<1x16xi32> to vector<16xi32>
      %and3A_824 = arith.constant 16383 : i32
      %and3A_825 = vector.broadcast %and3A_824 : i32 to vector<16xi32>
      %and3A_826 = arith.andi %get3A_823, %and3A_825 : vector<16xi32>
      %swap3A_827 = arith.constant 544 : index
      %swap3A_828 = tpu.vector_load %arg14[%swap3A_827] {strides = array<i32>} : memref<1024xi32, #tpu.memory_space<vmem>>, vector<16xi32>,
      %swap3A_829 = vector.shape_cast %swap3A_828 : vector<16xi32> to vector<16xi32>
      %swap3A_830 = vector.shape_cast %and3A_826 : vector<16xi32> to vector<16xi32>
      tpu.vector_store %arg14[%swap3A_827], %swap3A_830 {strides = array<i32>} : memref<1024xi32, #tpu.memory_space<vmem>>, vector<16xi32>,
      %get3A_831 = arith.index_cast %add3A_797 : i32 to index
      %get3A_832 = arith.constant 48 : index
      %get3A_833 = tpu.vector_load %arg8[%get3A_831, %get3A_832] {strides = array<i32>} : memref<80x128xi32, #tpu.memory_space<vmem>>, vector<1x16xi32>,
      %get3A_834 = vector.shape_cast %get3A_833 : vector<1x16xi32> to vector<16xi32>
      %and3A_835 = arith.constant 16383 : i32
      %and3A_836 = vector.broadcast %and3A_835 : i32 to vector<16xi32>
      %and3A_837 = arith.andi %get3A_834, %and3A_836 : vector<16xi32>
      %swap3A_838 = arith.constant 560 : index
      %swap3A_839 = tpu.vector_load %arg14[%swap3A_838] {strides = array<i32>} : memref<1024xi32, #tpu.memory_space<vmem>>, vector<16xi32>,
      %swap3A_840 = vector.shape_cast %swap3A_839 : vector<16xi32> to vector<16xi32>
      %swap3A_841 = vector.shape_cast %and3A_837 : vector<16xi32> to vector<16xi32>
      tpu.vector_store %arg14[%swap3A_838], %swap3A_841 {strides = array<i32>} : memref<1024xi32, #tpu.memory_space<vmem>>, vector<16xi32>,
      %get3A_842 = arith.index_cast %add3A_797 : i32 to index
      %get3A_843 = arith.constant 64 : index
      %get3A_844 = tpu.vector_load %arg8[%get3A_842, %get3A_843] {strides = array<i32>} : memref<80x128xi32, #tpu.memory_space<vmem>>, vector<1x16xi32>,
      %get3A_845 = vector.shape_cast %get3A_844 : vector<1x16xi32> to vector<16xi32>
      %and3A_846 = arith.constant 16383 : i32
      %and3A_847 = vector.broadcast %and3A_846 : i32 to vector<16xi32>
      %and3A_848 = arith.andi %get3A_845, %and3A_847 : vector<16xi32>
      %swap3A_849 = arith.constant 576 : index
      %swap3A_850 = tpu.vector_load %arg14[%swap3A_849] {strides = array<i32>} : memref<1024xi32, #tpu.memory_space<vmem>>, vector<16xi32>,
      %swap3A_851 = vector.shape_cast %swap3A_850 : vector<16xi32> to vector<16xi32>
      %swap3A_852 = vector.shape_cast %and3A_848 : vector<16xi32> to vector<16xi32>
      tpu.vector_store %arg14[%swap3A_849], %swap3A_852 {strides = array<i32>} : memref<1024xi32, #tpu.memory_space<vmem>>, vector<16xi32>,
      %get3A_853 = arith.index_cast %add3A_797 : i32 to index
      %get3A_854 = arith.constant 80 : index
      %get3A_855 = tpu.vector_load %arg8[%get3A_853, %get3A_854] {strides = array<i32>} : memref<80x128xi32, #tpu.memory_space<vmem>>, vector<1x16xi32>,
      %get3A_856 = vector.shape_cast %get3A_855 : vector<1x16xi32> to vector<16xi32>
      %and3A_857 = arith.constant 16383 : i32
      %and3A_858 = vector.broadcast %and3A_857 : i32 to vector<16xi32>
      %and3A_859 = arith.andi %get3A_856, %and3A_858 : vector<16xi32>
      %swap3A_860 = arith.constant 592 : index
      %swap3A_861 = tpu.vector_load %arg14[%swap3A_860] {strides = array<i32>} : memref<1024xi32, #tpu.memory_space<vmem>>, vector<16xi32>,
      %swap3A_862 = vector.shape_cast %swap3A_861 : vector<16xi32> to vector<16xi32>
      %swap3A_863 = vector.shape_cast %and3A_859 : vector<16xi32> to vector<16xi32>
      tpu.vector_store %arg14[%swap3A_860], %swap3A_863 {strides = array<i32>} : memref<1024xi32, #tpu.memory_space<vmem>>, vector<16xi32>,
      %get3A_864 = arith.index_cast %add3A_797 : i32 to index
      %get3A_865 = arith.constant 96 : index
      %get3A_866 = tpu.vector_load %arg8[%get3A_864, %get3A_865] {strides = array<i32>} : memref<80x128xi32, #tpu.memory_space<vmem>>, vector<1x16xi32>,
      %get3A_867 = vector.shape_cast %get3A_866 : vector<1x16xi32> to vector<16xi32>
      %and3A_868 = arith.constant 16383 : i32
      %and3A_869 = vector.broadcast %and3A_868 : i32 to vector<16xi32>
      %and3A_870 = arith.andi %get3A_867, %and3A_869 : vector<16xi32>
      %swap3A_871 = arith.constant 608 : index
      %swap3A_872 = tpu.vector_load %arg14[%swap3A_871] {strides = array<i32>} : memref<1024xi32, #tpu.memory_space<vmem>>, vector<16xi32>,
      %swap3A_873 = vector.shape_cast %swap3A_872 : vector<16xi32> to vector<16xi32>
      %swap3A_874 = vector.shape_cast %and3A_870 : vector<16xi32> to vector<16xi32>
      tpu.vector_store %arg14[%swap3A_871], %swap3A_874 {strides = array<i32>} : memref<1024xi32, #tpu.memory_space<vmem>>, vector<16xi32>,
      %get3A_875 = arith.index_cast %add3A_797 : i32 to index
      %get3A_876 = arith.constant 112 : index
      %get3A_877 = tpu.vector_load %arg8[%get3A_875, %get3A_876] {strides = array<i32>} : memref<80x128xi32, #tpu.memory_space<vmem>>, vector<1x16xi32>,
      %get3A_878 = vector.shape_cast %get3A_877 : vector<1x16xi32> to vector<16xi32>
      %and3A_879 = arith.constant 16383 : i32
      %and3A_880 = vector.broadcast %and3A_879 : i32 to vector<16xi32>
      %and3A_881 = arith.andi %get3A_878, %and3A_880 : vector<16xi32>
      %swap3A_882 = arith.constant 624 : index
      %swap3A_883 = tpu.vector_load %arg14[%swap3A_882] {strides = array<i32>} : memref<1024xi32, #tpu.memory_space<vmem>>, vector<16xi32>,
      %swap3A_884 = vector.shape_cast %swap3A_883 : vector<16xi32> to vector<16xi32>
      %swap3A_885 = vector.shape_cast %and3A_881 : vector<16xi32> to vector<16xi32>
      tpu.vector_store %arg14[%swap3A_882], %swap3A_885 {strides = array<i32>} : memref<1024xi32, #tpu.memory_space<vmem>>, vector<16xi32>,
      %mul3A_886 = arith.constant 8 : i32
      %mul3A_887 = arith.muli %scan3A_425, %mul3A_886 : i32
      %add3A_888 = arith.constant 5 : i32
      %add3A_889 = arith.addi %mul3A_887, %add3A_888 : i32
      %get3A_890 = arith.index_cast %add3A_889 : i32 to index
      %get3A_891 = arith.constant 0 : index
      %get3A_892 = tpu.vector_load %arg8[%get3A_890, %get3A_891] {strides = array<i32>} : memref<80x128xi32, #tpu.memory_space<vmem>>, vector<1x16xi32>,
      %get3A_893 = vector.shape_cast %get3A_892 : vector<1x16xi32> to vector<16xi32>
      %and3A_894 = arith.constant 16383 : i32
      %and3A_895 = vector.broadcast %and3A_894 : i32 to vector<16xi32>
      %and3A_896 = arith.andi %get3A_893, %and3A_895 : vector<16xi32>
      %swap3A_897 = arith.constant 640 : index
      %swap3A_898 = tpu.vector_load %arg14[%swap3A_897] {strides = array<i32>} : memref<1024xi32, #tpu.memory_space<vmem>>, vector<16xi32>,
      %swap3A_899 = vector.shape_cast %swap3A_898 : vector<16xi32> to vector<16xi32>
      %swap3A_900 = vector.shape_cast %and3A_896 : vector<16xi32> to vector<16xi32>
      tpu.vector_store %arg14[%swap3A_897], %swap3A_900 {strides = array<i32>} : memref<1024xi32, #tpu.memory_space<vmem>>, vector<16xi32>,
      %get3A_901 = arith.index_cast %add3A_889 : i32 to index
      %get3A_902 = arith.constant 16 : index
      %get3A_903 = tpu.vector_load %arg8[%get3A_901, %get3A_902] {strides = array<i32>} : memref<80x128xi32, #tpu.memory_space<vmem>>, vector<1x16xi32>,
      %get3A_904 = vector.shape_cast %get3A_903 : vector<1x16xi32> to vector<16xi32>
      %and3A_905 = arith.constant 16383 : i32
      %and3A_906 = vector.broadcast %and3A_905 : i32 to vector<16xi32>
      %and3A_907 = arith.andi %get3A_904, %and3A_906 : vector<16xi32>
      %swap3A_908 = arith.constant 656 : index
      %swap3A_909 = tpu.vector_load %arg14[%swap3A_908] {strides = array<i32>} : memref<1024xi32, #tpu.memory_space<vmem>>, vector<16xi32>,
      %swap3A_910 = vector.shape_cast %swap3A_909 : vector<16xi32> to vector<16xi32>
      %swap3A_911 = vector.shape_cast %and3A_907 : vector<16xi32> to vector<16xi32>
      tpu.vector_store %arg14[%swap3A_908], %swap3A_911 {strides = array<i32>} : memref<1024xi32, #tpu.memory_space<vmem>>, vector<16xi32>,
      %get3A_912 = arith.index_cast %add3A_889 : i32 to index
      %get3A_913 = arith.constant 32 : index
      %get3A_914 = tpu.vector_load %arg8[%get3A_912, %get3A_913] {strides = array<i32>} : memref<80x128xi32, #tpu.memory_space<vmem>>, vector<1x16xi32>,
      %get3A_915 = vector.shape_cast %get3A_914 : vector<1x16xi32> to vector<16xi32>
      %and3A_916 = arith.constant 16383 : i32
      %and3A_917 = vector.broadcast %and3A_916 : i32 to vector<16xi32>
      %and3A_918 = arith.andi %get3A_915, %and3A_917 : vector<16xi32>
      %swap3A_919 = arith.constant 672 : index
      %swap3A_920 = tpu.vector_load %arg14[%swap3A_919] {strides = array<i32>} : memref<1024xi32, #tpu.memory_space<vmem>>, vector<16xi32>,
      %swap3A_921 = vector.shape_cast %swap3A_920 : vector<16xi32> to vector<16xi32>
      %swap3A_922 = vector.shape_cast %and3A_918 : vector<16xi32> to vector<16xi32>
      tpu.vector_store %arg14[%swap3A_919], %swap3A_922 {strides = array<i32>} : memref<1024xi32, #tpu.memory_space<vmem>>, vector<16xi32>,
      %get3A_923 = arith.index_cast %add3A_889 : i32 to index
      %get3A_924 = arith.constant 48 : index
      %get3A_925 = tpu.vector_load %arg8[%get3A_923, %get3A_924] {strides = array<i32>} : memref<80x128xi32, #tpu.memory_space<vmem>>, vector<1x16xi32>,
      %get3A_926 = vector.shape_cast %get3A_925 : vector<1x16xi32> to vector<16xi32>
      %and3A_927 = arith.constant 16383 : i32
      %and3A_928 = vector.broadcast %and3A_927 : i32 to vector<16xi32>
      %and3A_929 = arith.andi %get3A_926, %and3A_928 : vector<16xi32>
      %swap3A_930 = arith.constant 688 : index
      %swap3A_931 = tpu.vector_load %arg14[%swap3A_930] {strides = array<i32>} : memref<1024xi32, #tpu.memory_space<vmem>>, vector<16xi32>,
      %swap3A_932 = vector.shape_cast %swap3A_931 : vector<16xi32> to vector<16xi32>
      %swap3A_933 = vector.shape_cast %and3A_929 : vector<16xi32> to vector<16xi32>
      tpu.vector_store %arg14[%swap3A_930], %swap3A_933 {strides = array<i32>} : memref<1024xi32, #tpu.memory_space<vmem>>, vector<16xi32>,
      %get3A_934 = arith.index_cast %add3A_889 : i32 to index
      %get3A_935 = arith.constant 64 : index
      %get3A_936 = tpu.vector_load %arg8[%get3A_934, %get3A_935] {strides = array<i32>} : memref<80x128xi32, #tpu.memory_space<vmem>>, vector<1x16xi32>,
      %get3A_937 = vector.shape_cast %get3A_936 : vector<1x16xi32> to vector<16xi32>
      %and3A_938 = arith.constant 16383 : i32
      %and3A_939 = vector.broadcast %and3A_938 : i32 to vector<16xi32>
      %and3A_940 = arith.andi %get3A_937, %and3A_939 : vector<16xi32>
      %swap3A_941 = arith.constant 704 : index
      %swap3A_942 = tpu.vector_load %arg14[%swap3A_941] {strides = array<i32>} : memref<1024xi32, #tpu.memory_space<vmem>>, vector<16xi32>,
      %swap3A_943 = vector.shape_cast %swap3A_942 : vector<16xi32> to vector<16xi32>
      %swap3A_944 = vector.shape_cast %and3A_940 : vector<16xi32> to vector<16xi32>
      tpu.vector_store %arg14[%swap3A_941], %swap3A_944 {strides = array<i32>} : memref<1024xi32, #tpu.memory_space<vmem>>, vector<16xi32>,
      %get3A_945 = arith.index_cast %add3A_889 : i32 to index
      %get3A_946 = arith.constant 80 : index
      %get3A_947 = tpu.vector_load %arg8[%get3A_945, %get3A_946] {strides = array<i32>} : memref<80x128xi32, #tpu.memory_space<vmem>>, vector<1x16xi32>,
      %get3A_948 = vector.shape_cast %get3A_947 : vector<1x16xi32> to vector<16xi32>
      %and3A_949 = arith.constant 16383 : i32
      %and3A_950 = vector.broadcast %and3A_949 : i32 to vector<16xi32>
      %and3A_951 = arith.andi %get3A_948, %and3A_950 : vector<16xi32>
      %swap3A_952 = arith.constant 720 : index
      %swap3A_953 = tpu.vector_load %arg14[%swap3A_952] {strides = array<i32>} : memref<1024xi32, #tpu.memory_space<vmem>>, vector<16xi32>,
      %swap3A_954 = vector.shape_cast %swap3A_953 : vector<16xi32> to vector<16xi32>
      %swap3A_955 = vector.shape_cast %and3A_951 : vector<16xi32> to vector<16xi32>
      tpu.vector_store %arg14[%swap3A_952], %swap3A_955 {strides = array<i32>} : memref<1024xi32, #tpu.memory_space<vmem>>, vector<16xi32>,
      %get3A_956 = arith.index_cast %add3A_889 : i32 to index
      %get3A_957 = arith.constant 96 : index
      %get3A_958 = tpu.vector_load %arg8[%get3A_956, %get3A_957] {strides = array<i32>} : memref<80x128xi32, #tpu.memory_space<vmem>>, vector<1x16xi32>,
      %get3A_959 = vector.shape_cast %get3A_958 : vector<1x16xi32> to vector<16xi32>
      %and3A_960 = arith.constant 16383 : i32
      %and3A_961 = vector.broadcast %and3A_960 : i32 to vector<16xi32>
      %and3A_962 = arith.andi %get3A_959, %and3A_961 : vector<16xi32>
      %swap3A_963 = arith.constant 736 : index
      %swap3A_964 = tpu.vector_load %arg14[%swap3A_963] {strides = array<i32>} : memref<1024xi32, #tpu.memory_space<vmem>>, vector<16xi32>,
      %swap3A_965 = vector.shape_cast %swap3A_964 : vector<16xi32> to vector<16xi32>
      %swap3A_966 = vector.shape_cast %and3A_962 : vector<16xi32> to vector<16xi32>
      tpu.vector_store %arg14[%swap3A_963], %swap3A_966 {strides = array<i32>} : memref<1024xi32, #tpu.memory_space<vmem>>, vector<16xi32>,
      %get3A_967 = arith.index_cast %add3A_889 : i32 to index
      %get3A_968 = arith.constant 112 : index
      %get3A_969 = tpu.vector_load %arg8[%get3A_967, %get3A_968] {strides = array<i32>} : memref<80x128xi32, #tpu.memory_space<vmem>>, vector<1x16xi32>,
      %get3A_970 = vector.shape_cast %get3A_969 : vector<1x16xi32> to vector<16xi32>
      %and3A_971 = arith.constant 16383 : i32
      %and3A_972 = vector.broadcast %and3A_971 : i32 to vector<16xi32>
      %and3A_973 = arith.andi %get3A_970, %and3A_972 : vector<16xi32>
      %swap3A_974 = arith.constant 752 : index
      %swap3A_975 = tpu.vector_load %arg14[%swap3A_974] {strides = array<i32>} : memref<1024xi32, #tpu.memory_space<vmem>>, vector<16xi32>,
      %swap3A_976 = vector.shape_cast %swap3A_975 : vector<16xi32> to vector<16xi32>
      %swap3A_977 = vector.shape_cast %and3A_973 : vector<16xi32> to vector<16xi32>
      tpu.vector_store %arg14[%swap3A_974], %swap3A_977 {strides = array<i32>} : memref<1024xi32, #tpu.memory_space<vmem>>, vector<16xi32>,
      %mul3A_978 = arith.constant 8 : i32
      %mul3A_979 = arith.muli %scan3A_425, %mul3A_978 : i32
      %add3A_980 = arith.constant 6 : i32
      %add3A_981 = arith.addi %mul3A_979, %add3A_980 : i32
      %get3A_982 = arith.index_cast %add3A_981 : i32 to index
      %get3A_983 = arith.constant 0 : index
      %get3A_984 = tpu.vector_load %arg8[%get3A_982, %get3A_983] {strides = array<i32>} : memref<80x128xi32, #tpu.memory_space<vmem>>, vector<1x16xi32>,
      %get3A_985 = vector.shape_cast %get3A_984 : vector<1x16xi32> to vector<16xi32>
      %and3A_986 = arith.constant 16383 : i32
      %and3A_987 = vector.broadcast %and3A_986 : i32 to vector<16xi32>
      %and3A_988 = arith.andi %get3A_985, %and3A_987 : vector<16xi32>
      %swap3A_989 = arith.constant 768 : index
      %swap3A_990 = tpu.vector_load %arg14[%swap3A_989] {strides = array<i32>} : memref<1024xi32, #tpu.memory_space<vmem>>, vector<16xi32>,
      %swap3A_991 = vector.shape_cast %swap3A_990 : vector<16xi32> to vector<16xi32>
      %swap3A_992 = vector.shape_cast %and3A_988 : vector<16xi32> to vector<16xi32>
      tpu.vector_store %arg14[%swap3A_989], %swap3A_992 {strides = array<i32>} : memref<1024xi32, #tpu.memory_space<vmem>>, vector<16xi32>,
      %get3A_993 = arith.index_cast %add3A_981 : i32 to index
      %get3A_994 = arith.constant 16 : index
      %get3A_995 = tpu.vector_load %arg8[%get3A_993, %get3A_994] {strides = array<i32>} : memref<80x128xi32, #tpu.memory_space<vmem>>, vector<1x16xi32>,
      %get3A_996 = vector.shape_cast %get3A_995 : vector<1x16xi32> to vector<16xi32>
      %and3A_997 = arith.constant 16383 : i32
      %and3A_998 = vector.broadcast %and3A_997 : i32 to vector<16xi32>
      %and3A_999 = arith.andi %get3A_996, %and3A_998 : vector<16xi32>
      %swap3A_1000 = arith.constant 784 : index
      %swap3A_1001 = tpu.vector_load %arg14[%swap3A_1000] {strides = array<i32>} : memref<1024xi32, #tpu.memory_space<vmem>>, vector<16xi32>,
      %swap3A_1002 = vector.shape_cast %swap3A_1001 : vector<16xi32> to vector<16xi32>
      %swap3A_1003 = vector.shape_cast %and3A_999 : vector<16xi32> to vector<16xi32>
      tpu.vector_store %arg14[%swap3A_1000], %swap3A_1003 {strides = array<i32>} : memref<1024xi32, #tpu.memory_space<vmem>>, vector<16xi32>,
      %get3A_1004 = arith.index_cast %add3A_981 : i32 to index
      %get3A_1005 = arith.constant 32 : index
      %get3A_1006 = tpu.vector_load %arg8[%get3A_1004, %get3A_1005] {strides = array<i32>} : memref<80x128xi32, #tpu.memory_space<vmem>>, vector<1x16xi32>,
      %get3A_1007 = vector.shape_cast %get3A_1006 : vector<1x16xi32> to vector<16xi32>
      %and3A_1008 = arith.constant 16383 : i32
      %and3A_1009 = vector.broadcast %and3A_1008 : i32 to vector<16xi32>
      %and3A_1010 = arith.andi %get3A_1007, %and3A_1009 : vector<16xi32>
      %swap3A_1011 = arith.constant 800 : index
      %swap3A_1012 = tpu.vector_load %arg14[%swap3A_1011] {strides = array<i32>} : memref<1024xi32, #tpu.memory_space<vmem>>, vector<16xi32>,
      %swap3A_1013 = vector.shape_cast %swap3A_1012 : vector<16xi32> to vector<16xi32>
      %swap3A_1014 = vector.shape_cast %and3A_1010 : vector<16xi32> to vector<16xi32>
      tpu.vector_store %arg14[%swap3A_1011], %swap3A_1014 {strides = array<i32>} : memref<1024xi32, #tpu.memory_space<vmem>>, vector<16xi32>,
      %get3A_1015 = arith.index_cast %add3A_981 : i32 to index
      %get3A_1016 = arith.constant 48 : index
      %get3A_1017 = tpu.vector_load %arg8[%get3A_1015, %get3A_1016] {strides = array<i32>} : memref<80x128xi32, #tpu.memory_space<vmem>>, vector<1x16xi32>,
      %get3A_1018 = vector.shape_cast %get3A_1017 : vector<1x16xi32> to vector<16xi32>
      %and3A_1019 = arith.constant 16383 : i32
      %and3A_1020 = vector.broadcast %and3A_1019 : i32 to vector<16xi32>
      %and3A_1021 = arith.andi %get3A_1018, %and3A_1020 : vector<16xi32>
      %swap3A_1022 = arith.constant 816 : index
      %swap3A_1023 = tpu.vector_load %arg14[%swap3A_1022] {strides = array<i32>} : memref<1024xi32, #tpu.memory_space<vmem>>, vector<16xi32>,
      %swap3A_1024 = vector.shape_cast %swap3A_1023 : vector<16xi32> to vector<16xi32>
      %swap3A_1025 = vector.shape_cast %and3A_1021 : vector<16xi32> to vector<16xi32>
      tpu.vector_store %arg14[%swap3A_1022], %swap3A_1025 {strides = array<i32>} : memref<1024xi32, #tpu.memory_space<vmem>>, vector<16xi32>,
      %get3A_1026 = arith.index_cast %add3A_981 : i32 to index
      %get3A_1027 = arith.constant 64 : index
      %get3A_1028 = tpu.vector_load %arg8[%get3A_1026, %get3A_1027] {strides = array<i32>} : memref<80x128xi32, #tpu.memory_space<vmem>>, vector<1x16xi32>,
      %get3A_1029 = vector.shape_cast %get3A_1028 : vector<1x16xi32> to vector<16xi32>
      %and3A_1030 = arith.constant 16383 : i32
      %and3A_1031 = vector.broadcast %and3A_1030 : i32 to vector<16xi32>
      %and3A_1032 = arith.andi %get3A_1029, %and3A_1031 : vector<16xi32>
      %swap3A_1033 = arith.constant 832 : index
      %swap3A_1034 = tpu.vector_load %arg14[%swap3A_1033] {strides = array<i32>} : memref<1024xi32, #tpu.memory_space<vmem>>, vector<16xi32>,
      %swap3A_1035 = vector.shape_cast %swap3A_1034 : vector<16xi32> to vector<16xi32>
      %swap3A_1036 = vector.shape_cast %and3A_1032 : vector<16xi32> to vector<16xi32>
      tpu.vector_store %arg14[%swap3A_1033], %swap3A_1036 {strides = array<i32>} : memref<1024xi32, #tpu.memory_space<vmem>>, vector<16xi32>,
      %get3A_1037 = arith.index_cast %add3A_981 : i32 to index
      %get3A_1038 = arith.constant 80 : index
      %get3A_1039 = tpu.vector_load %arg8[%get3A_1037, %get3A_1038] {strides = array<i32>} : memref<80x128xi32, #tpu.memory_space<vmem>>, vector<1x16xi32>,
      %get3A_1040 = vector.shape_cast %get3A_1039 : vector<1x16xi32> to vector<16xi32>
      %and3A_1041 = arith.constant 16383 : i32
      %and3A_1042 = vector.broadcast %and3A_1041 : i32 to vector<16xi32>
      %and3A_1043 = arith.andi %get3A_1040, %and3A_1042 : vector<16xi32>
      %swap3A_1044 = arith.constant 848 : index
      %swap3A_1045 = tpu.vector_load %arg14[%swap3A_1044] {strides = array<i32>} : memref<1024xi32, #tpu.memory_space<vmem>>, vector<16xi32>,
      %swap3A_1046 = vector.shape_cast %swap3A_1045 : vector<16xi32> to vector<16xi32>
      %swap3A_1047 = vector.shape_cast %and3A_1043 : vector<16xi32> to vector<16xi32>
      tpu.vector_store %arg14[%swap3A_1044], %swap3A_1047 {strides = array<i32>} : memref<1024xi32, #tpu.memory_space<vmem>>, vector<16xi32>,
      %get3A_1048 = arith.index_cast %add3A_981 : i32 to index
      %get3A_1049 = arith.constant 96 : index
      %get3A_1050 = tpu.vector_load %arg8[%get3A_1048, %get3A_1049] {strides = array<i32>} : memref<80x128xi32, #tpu.memory_space<vmem>>, vector<1x16xi32>,
      %get3A_1051 = vector.shape_cast %get3A_1050 : vector<1x16xi32> to vector<16xi32>
      %and3A_1052 = arith.constant 16383 : i32
      %and3A_1053 = vector.broadcast %and3A_1052 : i32 to vector<16xi32>
      %and3A_1054 = arith.andi %get3A_1051, %and3A_1053 : vector<16xi32>
      %swap3A_1055 = arith.constant 864 : index
      %swap3A_1056 = tpu.vector_load %arg14[%swap3A_1055] {strides = array<i32>} : memref<1024xi32, #tpu.memory_space<vmem>>, vector<16xi32>,
      %swap3A_1057 = vector.shape_cast %swap3A_1056 : vector<16xi32> to vector<16xi32>
      %swap3A_1058 = vector.shape_cast %and3A_1054 : vector<16xi32> to vector<16xi32>
      tpu.vector_store %arg14[%swap3A_1055], %swap3A_1058 {strides = array<i32>} : memref<1024xi32, #tpu.memory_space<vmem>>, vector<16xi32>,
      %get3A_1059 = arith.index_cast %add3A_981 : i32 to index
      %get3A_1060 = arith.constant 112 : index
      %get3A_1061 = tpu.vector_load %arg8[%get3A_1059, %get3A_1060] {strides = array<i32>} : memref<80x128xi32, #tpu.memory_space<vmem>>, vector<1x16xi32>,
      %get3A_1062 = vector.shape_cast %get3A_1061 : vector<1x16xi32> to vector<16xi32>
      %and3A_1063 = arith.constant 16383 : i32
      %and3A_1064 = vector.broadcast %and3A_1063 : i32 to vector<16xi32>
      %and3A_1065 = arith.andi %get3A_1062, %and3A_1064 : vector<16xi32>
      %swap3A_1066 = arith.constant 880 : index
      %swap3A_1067 = tpu.vector_load %arg14[%swap3A_1066] {strides = array<i32>} : memref<1024xi32, #tpu.memory_space<vmem>>, vector<16xi32>,
      %swap3A_1068 = vector.shape_cast %swap3A_1067 : vector<16xi32> to vector<16xi32>
      %swap3A_1069 = vector.shape_cast %and3A_1065 : vector<16xi32> to vector<16xi32>
      tpu.vector_store %arg14[%swap3A_1066], %swap3A_1069 {strides = array<i32>} : memref<1024xi32, #tpu.memory_space<vmem>>, vector<16xi32>,
      %mul3A_1070 = arith.constant 8 : i32
      %mul3A_1071 = arith.muli %scan3A_425, %mul3A_1070 : i32
      %add3A_1072 = arith.constant 7 : i32
      %add3A_1073 = arith.addi %mul3A_1071, %add3A_1072 : i32
      %get3A_1074 = arith.index_cast %add3A_1073 : i32 to index
      %get3A_1075 = arith.constant 0 : index
      %get3A_1076 = tpu.vector_load %arg8[%get3A_1074, %get3A_1075] {strides = array<i32>} : memref<80x128xi32, #tpu.memory_space<vmem>>, vector<1x16xi32>,
      %get3A_1077 = vector.shape_cast %get3A_1076 : vector<1x16xi32> to vector<16xi32>
      %and3A_1078 = arith.constant 16383 : i32
      %and3A_1079 = vector.broadcast %and3A_1078 : i32 to vector<16xi32>
      %and3A_1080 = arith.andi %get3A_1077, %and3A_1079 : vector<16xi32>
      %swap3A_1081 = arith.constant 896 : index
      %swap3A_1082 = tpu.vector_load %arg14[%swap3A_1081] {strides = array<i32>} : memref<1024xi32, #tpu.memory_space<vmem>>, vector<16xi32>,
      %swap3A_1083 = vector.shape_cast %swap3A_1082 : vector<16xi32> to vector<16xi32>
      %swap3A_1084 = vector.shape_cast %and3A_1080 : vector<16xi32> to vector<16xi32>
      tpu.vector_store %arg14[%swap3A_1081], %swap3A_1084 {strides = array<i32>} : memref<1024xi32, #tpu.memory_space<vmem>>, vector<16xi32>,
      %get3A_1085 = arith.index_cast %add3A_1073 : i32 to index
      %get3A_1086 = arith.constant 16 : index
      %get3A_1087 = tpu.vector_load %arg8[%get3A_1085, %get3A_1086] {strides = array<i32>} : memref<80x128xi32, #tpu.memory_space<vmem>>, vector<1x16xi32>,
      %get3A_1088 = vector.shape_cast %get3A_1087 : vector<1x16xi32> to vector<16xi32>
      %and3A_1089 = arith.constant 16383 : i32
      %and3A_1090 = vector.broadcast %and3A_1089 : i32 to vector<16xi32>
      %and3A_1091 = arith.andi %get3A_1088, %and3A_1090 : vector<16xi32>
      %swap3A_1092 = arith.constant 912 : index
      %swap3A_1093 = tpu.vector_load %arg14[%swap3A_1092] {strides = array<i32>} : memref<1024xi32, #tpu.memory_space<vmem>>, vector<16xi32>,
      %swap3A_1094 = vector.shape_cast %swap3A_1093 : vector<16xi32> to vector<16xi32>
      %swap3A_1095 = vector.shape_cast %and3A_1091 : vector<16xi32> to vector<16xi32>
      tpu.vector_store %arg14[%swap3A_1092], %swap3A_1095 {strides = array<i32>} : memref<1024xi32, #tpu.memory_space<vmem>>, vector<16xi32>,
      %get3A_1096 = arith.index_cast %add3A_1073 : i32 to index
      %get3A_1097 = arith.constant 32 : index
      %get3A_1098 = tpu.vector_load %arg8[%get3A_1096, %get3A_1097] {strides = array<i32>} : memref<80x128xi32, #tpu.memory_space<vmem>>, vector<1x16xi32>,
      %get3A_1099 = vector.shape_cast %get3A_1098 : vector<1x16xi32> to vector<16xi32>
      %and3A_1100 = arith.constant 16383 : i32
      %and3A_1101 = vector.broadcast %and3A_1100 : i32 to vector<16xi32>
      %and3A_1102 = arith.andi %get3A_1099, %and3A_1101 : vector<16xi32>
      %swap3A_1103 = arith.constant 928 : index
      %swap3A_1104 = tpu.vector_load %arg14[%swap3A_1103] {strides = array<i32>} : memref<1024xi32, #tpu.memory_space<vmem>>, vector<16xi32>,
      %swap3A_1105 = vector.shape_cast %swap3A_1104 : vector<16xi32> to vector<16xi32>
      %swap3A_1106 = vector.shape_cast %and3A_1102 : vector<16xi32> to vector<16xi32>
      tpu.vector_store %arg14[%swap3A_1103], %swap3A_1106 {strides = array<i32>} : memref<1024xi32, #tpu.memory_space<vmem>>, vector<16xi32>,
      %get3A_1107 = arith.index_cast %add3A_1073 : i32 to index
      %get3A_1108 = arith.constant 48 : index
      %get3A_1109 = tpu.vector_load %arg8[%get3A_1107, %get3A_1108] {strides = array<i32>} : memref<80x128xi32, #tpu.memory_space<vmem>>, vector<1x16xi32>,
      %get3A_1110 = vector.shape_cast %get3A_1109 : vector<1x16xi32> to vector<16xi32>
      %and3A_1111 = arith.constant 16383 : i32
      %and3A_1112 = vector.broadcast %and3A_1111 : i32 to vector<16xi32>
      %and3A_1113 = arith.andi %get3A_1110, %and3A_1112 : vector<16xi32>
      %swap3A_1114 = arith.constant 944 : index
      %swap3A_1115 = tpu.vector_load %arg14[%swap3A_1114] {strides = array<i32>} : memref<1024xi32, #tpu.memory_space<vmem>>, vector<16xi32>,
      %swap3A_1116 = vector.shape_cast %swap3A_1115 : vector<16xi32> to vector<16xi32>
      %swap3A_1117 = vector.shape_cast %and3A_1113 : vector<16xi32> to vector<16xi32>
      tpu.vector_store %arg14[%swap3A_1114], %swap3A_1117 {strides = array<i32>} : memref<1024xi32, #tpu.memory_space<vmem>>, vector<16xi32>,
      %get3A_1118 = arith.index_cast %add3A_1073 : i32 to index
      %get3A_1119 = arith.constant 64 : index
      %get3A_1120 = tpu.vector_load %arg8[%get3A_1118, %get3A_1119] {strides = array<i32>} : memref<80x128xi32, #tpu.memory_space<vmem>>, vector<1x16xi32>,
      %get3A_1121 = vector.shape_cast %get3A_1120 : vector<1x16xi32> to vector<16xi32>
      %and3A_1122 = arith.constant 16383 : i32
      %and3A_1123 = vector.broadcast %and3A_1122 : i32 to vector<16xi32>
      %and3A_1124 = arith.andi %get3A_1121, %and3A_1123 : vector<16xi32>
      %swap3A_1125 = arith.constant 960 : index
      %swap3A_1126 = tpu.vector_load %arg14[%swap3A_1125] {strides = array<i32>} : memref<1024xi32, #tpu.memory_space<vmem>>, vector<16xi32>,
      %swap3A_1127 = vector.shape_cast %swap3A_1126 : vector<16xi32> to vector<16xi32>
      %swap3A_1128 = vector.shape_cast %and3A_1124 : vector<16xi32> to vector<16xi32>
      tpu.vector_store %arg14[%swap3A_1125], %swap3A_1128 {strides = array<i32>} : memref<1024xi32, #tpu.memory_space<vmem>>, vector<16xi32>,
      %get3A_1129 = arith.index_cast %add3A_1073 : i32 to index
      %get3A_1130 = arith.constant 80 : index
      %get3A_1131 = tpu.vector_load %arg8[%get3A_1129, %get3A_1130] {strides = array<i32>} : memref<80x128xi32, #tpu.memory_space<vmem>>, vector<1x16xi32>,
      %get3A_1132 = vector.shape_cast %get3A_1131 : vector<1x16xi32> to vector<16xi32>
      %and3A_1133 = arith.constant 16383 : i32
      %and3A_1134 = vector.broadcast %and3A_1133 : i32 to vector<16xi32>
      %and3A_1135 = arith.andi %get3A_1132, %and3A_1134 : vector<16xi32>
      %swap3A_1136 = arith.constant 976 : index
      %swap3A_1137 = tpu.vector_load %arg14[%swap3A_1136] {strides = array<i32>} : memref<1024xi32, #tpu.memory_space<vmem>>, vector<16xi32>,
      %swap3A_1138 = vector.shape_cast %swap3A_1137 : vector<16xi32> to vector<16xi32>
      %swap3A_1139 = vector.shape_cast %and3A_1135 : vector<16xi32> to vector<16xi32>
      tpu.vector_store %arg14[%swap3A_1136], %swap3A_1139 {strides = array<i32>} : memref<1024xi32, #tpu.memory_space<vmem>>, vector<16xi32>,
      %get3A_1140 = arith.index_cast %add3A_1073 : i32 to index
      %get3A_1141 = arith.constant 96 : index
      %get3A_1142 = tpu.vector_load %arg8[%get3A_1140, %get3A_1141] {strides = array<i32>} : memref<80x128xi32, #tpu.memory_space<vmem>>, vector<1x16xi32>,
      %get3A_1143 = vector.shape_cast %get3A_1142 : vector<1x16xi32> to vector<16xi32>
      %and3A_1144 = arith.constant 16383 : i32
      %and3A_1145 = vector.broadcast %and3A_1144 : i32 to vector<16xi32>
      %and3A_1146 = arith.andi %get3A_1143, %and3A_1145 : vector<16xi32>
      %swap3A_1147 = arith.constant 992 : index
      %swap3A_1148 = tpu.vector_load %arg14[%swap3A_1147] {strides = array<i32>} : memref<1024xi32, #tpu.memory_space<vmem>>, vector<16xi32>,
      %swap3A_1149 = vector.shape_cast %swap3A_1148 : vector<16xi32> to vector<16xi32>
      %swap3A_1150 = vector.shape_cast %and3A_1146 : vector<16xi32> to vector<16xi32>
      tpu.vector_store %arg14[%swap3A_1147], %swap3A_1150 {strides = array<i32>} : memref<1024xi32, #tpu.memory_space<vmem>>, vector<16xi32>,
      %get3A_1151 = arith.index_cast %add3A_1073 : i32 to index
      %get3A_1152 = arith.constant 112 : index
      %get3A_1153 = tpu.vector_load %arg8[%get3A_1151, %get3A_1152] {strides = array<i32>} : memref<80x128xi32, #tpu.memory_space<vmem>>, vector<1x16xi32>,
      %get3A_1154 = vector.shape_cast %get3A_1153 : vector<1x16xi32> to vector<16xi32>
      %and3A_1155 = arith.constant 16383 : i32
      %and3A_1156 = vector.broadcast %and3A_1155 : i32 to vector<16xi32>
      %and3A_1157 = arith.andi %get3A_1154, %and3A_1156 : vector<16xi32>
      %swap3A_1158 = arith.constant 1008 : index
      %swap3A_1159 = tpu.vector_load %arg14[%swap3A_1158] {strides = array<i32>} : memref<1024xi32, #tpu.memory_space<vmem>>, vector<16xi32>,
      %swap3A_1160 = vector.shape_cast %swap3A_1159 : vector<16xi32> to vector<16xi32>
      %swap3A_1161 = vector.shape_cast %and3A_1157 : vector<16xi32> to vector<16xi32>
      tpu.vector_store %arg14[%swap3A_1158], %swap3A_1161 {strides = array<i32>} : memref<1024xi32, #tpu.memory_space<vmem>>, vector<16xi32>,
      "tpu.region"() ({
        %run_scoped3A = tpu.sem_alloc : memref<!tpu.dma_semaphore, #tpu.memory_space<semaphore_mem>>
        %dma_start3A_1162 = arith.constant 0 : i32
        %dma_start3A_1163 = tpu.memref_slice %arg21[%dma_start3A_1162] : memref<10240xf32, #tpu.memory_space<vmem_shared>> -> memref<10240xf32, #tpu.memory_space<vmem_shared>>
        tpu.enqueue_indirect_dma source(%arg19 : memref<1024xf32, #tpu.memory_space<vmem>>) target(%dma_start3A_1163 : memref<10240xf32, #tpu.memory_space<vmem_shared>>) offsets(%arg14 : memref<1024xi32, #tpu.memory_space<vmem>>) semaphore(%run_scoped3A : memref<!tpu.dma_semaphore, #tpu.memory_space<semaphore_mem>>) {add = true}
        %dma_wait3A_1164 = arith.constant 0 : i32
        %dma_wait3A_1165 = tpu.memref_slice %arg21[%dma_wait3A_1164] : memref<10240xf32, #tpu.memory_space<vmem_shared>> -> memref<10240xf32, #tpu.memory_space<vmem_shared>>
        tpu.wait_indirect_dma semaphore(%run_scoped3A : memref<!tpu.dma_semaphore, #tpu.memory_space<semaphore_mem>>) src(%arg19 : memref<1024xf32, #tpu.memory_space<vmem>>) dst(%dma_wait3A_1165 : memref<10240xf32, #tpu.memory_space<vmem_shared>>)
        tpu.yield
      }) : () -> ()
    }
    %scan3A_423 = arith.constant 10 : i32
    %barrier3A_424 = arith.constant 0 : index
    tpu.barrier barrier_id(%barrier3A_424)
    "tpu.region"() ({
      %run_scoped3A = tpu.sem_alloc : memref<!tpu.dma_semaphore, #tpu.memory_space<semaphore_mem>>
      %dma_start3A_425 = arith.constant 0 : i32
      %dma_start3A_426 = tpu.memref_slice %arg6[%arg0, %mul3A_2, %dma_start3A_425] : memref<2x10240x128xf32, #tpu.memory_space<hbm>> -> memref<1x640x128xf32, #tpu.memory_space<hbm>>
      %dma_start3A_427 = tpu.memref_squeeze %dma_start3A_426 : memref<1x640x128xf32, #tpu.memory_space<hbm>> -> memref<640x128xf32, #tpu.memory_space<hbm>>
      %dma_start3A_428 = arith.constant 0 : i32
      %dma_start3A_429 = tpu.memref_slice %arg20[%mul3A_2, %dma_start3A_428] : memref<10240x128xf32, #tpu.memory_space<vmem_shared>> -> memref<640x128xf32, #tpu.memory_space<vmem_shared>>
      tpu.enqueue_dma source(%dma_start3A_429 : memref<640x128xf32, #tpu.memory_space<vmem_shared>>) target(%dma_start3A_427 : memref<640x128xf32, #tpu.memory_space<hbm>>) target_semaphore(%run_scoped3A : memref<!tpu.dma_semaphore, #tpu.memory_space<semaphore_mem>>)
      %dma_wait3A_430 = arith.constant 0 : i32
      %dma_wait3A_431 = tpu.memref_slice %arg6[%arg0, %mul3A_2, %dma_wait3A_430] : memref<2x10240x128xf32, #tpu.memory_space<hbm>> -> memref<1x640x128xf32, #tpu.memory_space<hbm>>
      %dma_wait3A_432 = tpu.memref_squeeze %dma_wait3A_431 : memref<1x640x128xf32, #tpu.memory_space<hbm>> -> memref<640x128xf32, #tpu.memory_space<hbm>>
      %dma_wait3A_433 = arith.constant 0 : i32
      %dma_wait3A_434 = tpu.memref_slice %arg20[%mul3A_2, %dma_wait3A_433] : memref<10240x128xf32, #tpu.memory_space<vmem_shared>> -> memref<640x128xf32, #tpu.memory_space<vmem_shared>>
      tpu.wait_dma2 semaphore(%run_scoped3A : memref<!tpu.dma_semaphore, #tpu.memory_space<semaphore_mem>>) src(%dma_wait3A_434 : memref<640x128xf32, #tpu.memory_space<vmem_shared>>) dst(%dma_wait3A_432 : memref<640x128xf32, #tpu.memory_space<hbm>>)
      tpu.yield
    }) : () -> ()
    "tpu.region"() ({
      %run_scoped3A = tpu.sem_alloc : memref<!tpu.dma_semaphore, #tpu.memory_space<semaphore_mem>>
      %dma_start3A_425 = tpu.memref_slice %arg7[%arg0, %mul3A_2] : memref<2x10240xf32, #tpu.memory_space<hbm>> -> memref<1x640xf32, #tpu.memory_space<hbm>>
      %dma_start3A_426 = tpu.memref_squeeze %dma_start3A_425 : memref<1x640xf32, #tpu.memory_space<hbm>> -> memref<640xf32, #tpu.memory_space<hbm>>
      %dma_start3A_427 = tpu.memref_slice %arg21[%mul3A_2] : memref<10240xf32, #tpu.memory_space<vmem_shared>> -> memref<640xf32, #tpu.memory_space<vmem_shared>>
      tpu.enqueue_dma source(%dma_start3A_427 : memref<640xf32, #tpu.memory_space<vmem_shared>>) target(%dma_start3A_426 : memref<640xf32, #tpu.memory_space<hbm>>) target_semaphore(%run_scoped3A : memref<!tpu.dma_semaphore, #tpu.memory_space<semaphore_mem>>)
      %dma_wait3A_428 = tpu.memref_slice %arg7[%arg0, %mul3A_2] : memref<2x10240xf32, #tpu.memory_space<hbm>> -> memref<1x640xf32, #tpu.memory_space<hbm>>
      %dma_wait3A_429 = tpu.memref_squeeze %dma_wait3A_428 : memref<1x640xf32, #tpu.memory_space<hbm>> -> memref<640xf32, #tpu.memory_space<hbm>>
      %dma_wait3A_430 = tpu.memref_slice %arg21[%mul3A_2] : memref<10240xf32, #tpu.memory_space<vmem_shared>> -> memref<640xf32, #tpu.memory_space<vmem_shared>>
      tpu.wait_dma2 semaphore(%run_scoped3A : memref<!tpu.dma_semaphore, #tpu.memory_space<semaphore_mem>>) src(%dma_wait3A_430 : memref<640xf32, #tpu.memory_space<vmem_shared>>) dst(%dma_wait3A_429 : memref<640xf32, #tpu.memory_space<hbm>>)
      tpu.yield
    }) : () -> ()
    return
  }
}

#map = affine_map<(d0, d1) -> (0)>
#map1 = affine_map<(d0, d1) -> (0, 0)>
module attributes {stable_mosaic.version = 14 : i64} {
  func.func @_sc_head_body(%arg0: i32, %arg1: i32, %arg2: memref<10240xf32, #tpu.memory_space<hbm>>, %arg3: memref<2560x128xi32, #tpu.memory_space<hbm>>, %arg4: memref<640xf32, #tpu.memory_space<hbm>>, %arg5: memref<10240xf32, #tpu.memory_space<hbm>>, %arg6: memref<10240xf32, #tpu.memory_space<hbm>>, %arg7: memref<10240xf32, #tpu.memory_space<hbm>>, %arg8: memref<160x128xi32, #tpu.memory_space<vmem>>, %arg9: memref<10240xf32, #tpu.memory_space<vmem>>, %arg10: memref<128xf32, #tpu.memory_space<vmem>>, %arg11: memref<128xf32, #tpu.memory_space<vmem>>, %arg12: memref<128xi32, #tpu.memory_space<vmem>>, %arg13: memref<128xi32, #tpu.memory_space<vmem>>, %arg14: memref<640xf32, #tpu.memory_space<vmem>>, %arg15: memref<640xf32, #tpu.memory_space<vmem>>, %arg16: memref<640xf32, #tpu.memory_space<vmem>>, %arg17: memref<640xf32, #tpu.memory_space<vmem>>, %arg18: memref<10240xf32, #tpu.memory_space<vmem_shared>>, %arg19: memref<!tpu.dma_semaphore, #tpu.memory_space<semaphore_mem>>, %arg20: memref<!tpu.dma_semaphore, #tpu.memory_space<semaphore_mem>>) attributes {dimension_semantics = [#tpu.dimension_semantics<core_parallel>, #tpu.dimension_semantics<subcore_parallel>], iteration_bounds = array<i64: 1, 16>, scalar_prefetch = 0 : i64, scratch_operands = 13 : i64, tpu.core_type = #tpu.core_type<sc_vector_subcore>, window_params = [{transform_indices = #map}, {transform_indices = #map1}, {transform_indices = #map}, {transform_indices = #map}, {transform_indices = #map}, {transform_indices = #map}]} {
    %mul3A = arith.constant 640 : i32
    %mul3A_0 = arith.muli %arg1, %mul3A : i32
    "tpu.region"() ({
      %run_scoped3A = tpu.sem_alloc : memref<!tpu.dma_semaphore, #tpu.memory_space<semaphore_mem>>
      %dma_start3A_256 = tpu.memref_slice %arg18[%mul3A_0] : memref<10240xf32, #tpu.memory_space<vmem_shared>> -> memref<640xf32, #tpu.memory_space<vmem_shared>>
      tpu.enqueue_dma source(%arg4 : memref<640xf32, #tpu.memory_space<hbm>>) target(%dma_start3A_256 : memref<640xf32, #tpu.memory_space<vmem_shared>>) target_semaphore(%run_scoped3A : memref<!tpu.dma_semaphore, #tpu.memory_space<semaphore_mem>>)
      %dma_wait3A_257 = tpu.memref_slice %arg18[%mul3A_0] : memref<10240xf32, #tpu.memory_space<vmem_shared>> -> memref<640xf32, #tpu.memory_space<vmem_shared>>
      tpu.wait_dma2 semaphore(%run_scoped3A : memref<!tpu.dma_semaphore, #tpu.memory_space<semaphore_mem>>) src(%arg4 : memref<640xf32, #tpu.memory_space<hbm>>) dst(%dma_wait3A_257 : memref<640xf32, #tpu.memory_space<vmem_shared>>)
      tpu.yield
    }) : () -> ()
    %mul3A_1 = arith.constant 160 : i32
    %mul3A_2 = arith.muli %arg1, %mul3A_1 : i32
    "tpu.region"() ({
      %run_scoped3A = tpu.sem_alloc : memref<!tpu.dma_semaphore, #tpu.memory_space<semaphore_mem>>
      %dma_start3A_256 = arith.constant 0 : i32
      %dma_start3A_257 = tpu.memref_slice %arg3[%mul3A_2, %dma_start3A_256] : memref<2560x128xi32, #tpu.memory_space<hbm>> -> memref<160x128xi32, #tpu.memory_space<hbm>>
      %dma_start3A_258 = arith.constant 0 : i32
      %dma_start3A_259 = tpu.memref_slice %arg3[%mul3A_2, %dma_start3A_258] : memref<2560x128xi32, #tpu.memory_space<hbm>> -> memref<160x128xi32, #tpu.memory_space<hbm>>
      tpu.enqueue_dma source(%dma_start3A_259 : memref<160x128xi32, #tpu.memory_space<hbm>>) target(%arg8 : memref<160x128xi32, #tpu.memory_space<vmem>>) target_semaphore(%run_scoped3A : memref<!tpu.dma_semaphore, #tpu.memory_space<semaphore_mem>>)
      %dma_wait3A_260 = arith.constant 0 : i32
      %dma_wait3A_261 = tpu.memref_slice %arg3[%mul3A_2, %dma_wait3A_260] : memref<2560x128xi32, #tpu.memory_space<hbm>> -> memref<160x128xi32, #tpu.memory_space<hbm>>
      %dma_wait3A_262 = arith.constant 0 : i32
      %dma_wait3A_263 = tpu.memref_slice %arg3[%mul3A_2, %dma_wait3A_262] : memref<2560x128xi32, #tpu.memory_space<hbm>> -> memref<160x128xi32, #tpu.memory_space<hbm>>
      tpu.wait_dma2 semaphore(%run_scoped3A : memref<!tpu.dma_semaphore, #tpu.memory_space<semaphore_mem>>) src(%dma_wait3A_263 : memref<160x128xi32, #tpu.memory_space<hbm>>) dst(%arg8 : memref<160x128xi32, #tpu.memory_space<vmem>>)
      tpu.yield
    }) : () -> ()
    "tpu.region"() ({
      %run_scoped3A = tpu.sem_alloc : memref<!tpu.dma_semaphore, #tpu.memory_space<semaphore_mem>>
      tpu.enqueue_dma source(%arg2 : memref<10240xf32, #tpu.memory_space<hbm>>) target(%arg9 : memref<10240xf32, #tpu.memory_space<vmem>>) target_semaphore(%run_scoped3A : memref<!tpu.dma_semaphore, #tpu.memory_space<semaphore_mem>>)
      tpu.wait_dma2 semaphore(%run_scoped3A : memref<!tpu.dma_semaphore, #tpu.memory_space<semaphore_mem>>) src(%arg2 : memref<10240xf32, #tpu.memory_space<hbm>>) dst(%arg9 : memref<10240xf32, #tpu.memory_space<vmem>>)
      tpu.yield
    }) : () -> ()
    %barrier3A = arith.constant 0 : index
    tpu.barrier barrier_id(%barrier3A)
    %get3A = arith.constant 0 : i32
    %get3A_3 = arith.index_cast %get3A : i32 to index
    %get3A_4 = arith.constant 0 : index
    %get3A_5 = tpu.vector_load %arg8[%get3A_3, %get3A_4] {strides = array<i32>} : memref<160x128xi32, #tpu.memory_space<vmem>>, vector<16xi32>,
    %shift_right_logical3A = arith.constant 14 : i32
    %shift_right_logical3A_6 = vector.broadcast %shift_right_logical3A : i32 to vector<16xi32>
    %shift_right_logical3A_7 = arith.shrui %get3A_5, %shift_right_logical3A_6 : vector<16xi32>
    %and3A = arith.constant 16383 : i32
    %and3A_8 = vector.broadcast %and3A : i32 to vector<16xi32>
    %and3A_9 = arith.andi %get3A_5, %and3A_8 : vector<16xi32>
    %swap3A = arith.constant 0 : index
    %swap3A_10 = tpu.vector_load %arg12[%swap3A] {strides = array<i32>} : memref<128xi32, #tpu.memory_space<vmem>>, vector<16xi32>,
    tpu.vector_store %arg12[%swap3A], %and3A_9 {strides = array<i32>} : memref<128xi32, #tpu.memory_space<vmem>>, vector<16xi32>,
    %gather3A = tpu.vector_load_idx %arg9[%shift_right_logical3A_7] : memref<10240xf32, #tpu.memory_space<vmem>>[vector<16xi32>], vector<16xf32>,
    %swap3A_11 = arith.constant 0 : index
    %swap3A_12 = tpu.vector_load %arg10[%swap3A_11] {strides = array<i32>} : memref<128xf32, #tpu.memory_space<vmem>>, vector<16xf32>,
    tpu.vector_store %arg10[%swap3A_11], %gather3A {strides = array<i32>} : memref<128xf32, #tpu.memory_space<vmem>>, vector<16xf32>,
    %get3A_13 = arith.constant 0 : i32
    %get3A_14 = arith.index_cast %get3A_13 : i32 to index
    %get3A_15 = arith.constant 16 : index
    %get3A_16 = tpu.vector_load %arg8[%get3A_14, %get3A_15] {strides = array<i32>} : memref<160x128xi32, #tpu.memory_space<vmem>>, vector<16xi32>,
    %shift_right_logical3A_17 = arith.constant 14 : i32
    %shift_right_logical3A_18 = vector.broadcast %shift_right_logical3A_17 : i32 to vector<16xi32>
    %shift_right_logical3A_19 = arith.shrui %get3A_16, %shift_right_logical3A_18 : vector<16xi32>
    %and3A_20 = arith.constant 16383 : i32
    %and3A_21 = vector.broadcast %and3A_20 : i32 to vector<16xi32>
    %and3A_22 = arith.andi %get3A_16, %and3A_21 : vector<16xi32>
    %swap3A_23 = arith.constant 16 : index
    %swap3A_24 = tpu.vector_load %arg12[%swap3A_23] {strides = array<i32>} : memref<128xi32, #tpu.memory_space<vmem>>, vector<16xi32>,
    tpu.vector_store %arg12[%swap3A_23], %and3A_22 {strides = array<i32>} : memref<128xi32, #tpu.memory_space<vmem>>, vector<16xi32>,
    %gather3A_25 = tpu.vector_load_idx %arg9[%shift_right_logical3A_19] : memref<10240xf32, #tpu.memory_space<vmem>>[vector<16xi32>], vector<16xf32>,
    %swap3A_26 = arith.constant 16 : index
    %swap3A_27 = tpu.vector_load %arg10[%swap3A_26] {strides = array<i32>} : memref<128xf32, #tpu.memory_space<vmem>>, vector<16xf32>,
    tpu.vector_store %arg10[%swap3A_26], %gather3A_25 {strides = array<i32>} : memref<128xf32, #tpu.memory_space<vmem>>, vector<16xf32>,
    %get3A_28 = arith.constant 0 : i32
    %get3A_29 = arith.index_cast %get3A_28 : i32 to index
    %get3A_30 = arith.constant 32 : index
    %get3A_31 = tpu.vector_load %arg8[%get3A_29, %get3A_30] {strides = array<i32>} : memref<160x128xi32, #tpu.memory_space<vmem>>, vector<16xi32>,
    %shift_right_logical3A_32 = arith.constant 14 : i32
    %shift_right_logical3A_33 = vector.broadcast %shift_right_logical3A_32 : i32 to vector<16xi32>
    %shift_right_logical3A_34 = arith.shrui %get3A_31, %shift_right_logical3A_33 : vector<16xi32>
    %and3A_35 = arith.constant 16383 : i32
    %and3A_36 = vector.broadcast %and3A_35 : i32 to vector<16xi32>
    %and3A_37 = arith.andi %get3A_31, %and3A_36 : vector<16xi32>
    %swap3A_38 = arith.constant 32 : index
    %swap3A_39 = tpu.vector_load %arg12[%swap3A_38] {strides = array<i32>} : memref<128xi32, #tpu.memory_space<vmem>>, vector<16xi32>,
    tpu.vector_store %arg12[%swap3A_38], %and3A_37 {strides = array<i32>} : memref<128xi32, #tpu.memory_space<vmem>>, vector<16xi32>,
    %gather3A_40 = tpu.vector_load_idx %arg9[%shift_right_logical3A_34] : memref<10240xf32, #tpu.memory_space<vmem>>[vector<16xi32>], vector<16xf32>,
    %swap3A_41 = arith.constant 32 : index
    %swap3A_42 = tpu.vector_load %arg10[%swap3A_41] {strides = array<i32>} : memref<128xf32, #tpu.memory_space<vmem>>, vector<16xf32>,
    tpu.vector_store %arg10[%swap3A_41], %gather3A_40 {strides = array<i32>} : memref<128xf32, #tpu.memory_space<vmem>>, vector<16xf32>,
    %get3A_43 = arith.constant 0 : i32
    %get3A_44 = arith.index_cast %get3A_43 : i32 to index
    %get3A_45 = arith.constant 48 : index
    %get3A_46 = tpu.vector_load %arg8[%get3A_44, %get3A_45] {strides = array<i32>} : memref<160x128xi32, #tpu.memory_space<vmem>>, vector<16xi32>,
    %shift_right_logical3A_47 = arith.constant 14 : i32
    %shift_right_logical3A_48 = vector.broadcast %shift_right_logical3A_47 : i32 to vector<16xi32>
    %shift_right_logical3A_49 = arith.shrui %get3A_46, %shift_right_logical3A_48 : vector<16xi32>
    %and3A_50 = arith.constant 16383 : i32
    %and3A_51 = vector.broadcast %and3A_50 : i32 to vector<16xi32>
    %and3A_52 = arith.andi %get3A_46, %and3A_51 : vector<16xi32>
    %swap3A_53 = arith.constant 48 : index
    %swap3A_54 = tpu.vector_load %arg12[%swap3A_53] {strides = array<i32>} : memref<128xi32, #tpu.memory_space<vmem>>, vector<16xi32>,
    tpu.vector_store %arg12[%swap3A_53], %and3A_52 {strides = array<i32>} : memref<128xi32, #tpu.memory_space<vmem>>, vector<16xi32>,
    %gather3A_55 = tpu.vector_load_idx %arg9[%shift_right_logical3A_49] : memref<10240xf32, #tpu.memory_space<vmem>>[vector<16xi32>], vector<16xf32>,
    %swap3A_56 = arith.constant 48 : index
    %swap3A_57 = tpu.vector_load %arg10[%swap3A_56] {strides = array<i32>} : memref<128xf32, #tpu.memory_space<vmem>>, vector<16xf32>,
    tpu.vector_store %arg10[%swap3A_56], %gather3A_55 {strides = array<i32>} : memref<128xf32, #tpu.memory_space<vmem>>, vector<16xf32>,
    %get3A_58 = arith.constant 0 : i32
    %get3A_59 = arith.index_cast %get3A_58 : i32 to index
    %get3A_60 = arith.constant 64 : index
    %get3A_61 = tpu.vector_load %arg8[%get3A_59, %get3A_60] {strides = array<i32>} : memref<160x128xi32, #tpu.memory_space<vmem>>, vector<16xi32>,
    %shift_right_logical3A_62 = arith.constant 14 : i32
    %shift_right_logical3A_63 = vector.broadcast %shift_right_logical3A_62 : i32 to vector<16xi32>
    %shift_right_logical3A_64 = arith.shrui %get3A_61, %shift_right_logical3A_63 : vector<16xi32>
    %and3A_65 = arith.constant 16383 : i32
    %and3A_66 = vector.broadcast %and3A_65 : i32 to vector<16xi32>
    %and3A_67 = arith.andi %get3A_61, %and3A_66 : vector<16xi32>
    %swap3A_68 = arith.constant 64 : index
    %swap3A_69 = tpu.vector_load %arg12[%swap3A_68] {strides = array<i32>} : memref<128xi32, #tpu.memory_space<vmem>>, vector<16xi32>,
    tpu.vector_store %arg12[%swap3A_68], %and3A_67 {strides = array<i32>} : memref<128xi32, #tpu.memory_space<vmem>>, vector<16xi32>,
    %gather3A_70 = tpu.vector_load_idx %arg9[%shift_right_logical3A_64] : memref<10240xf32, #tpu.memory_space<vmem>>[vector<16xi32>], vector<16xf32>,
    %swap3A_71 = arith.constant 64 : index
    %swap3A_72 = tpu.vector_load %arg10[%swap3A_71] {strides = array<i32>} : memref<128xf32, #tpu.memory_space<vmem>>, vector<16xf32>,
    tpu.vector_store %arg10[%swap3A_71], %gather3A_70 {strides = array<i32>} : memref<128xf32, #tpu.memory_space<vmem>>, vector<16xf32>,
    %get3A_73 = arith.constant 0 : i32
    %get3A_74 = arith.index_cast %get3A_73 : i32 to index
    %get3A_75 = arith.constant 80 : index
    %get3A_76 = tpu.vector_load %arg8[%get3A_74, %get3A_75] {strides = array<i32>} : memref<160x128xi32, #tpu.memory_space<vmem>>, vector<16xi32>,
    %shift_right_logical3A_77 = arith.constant 14 : i32
    %shift_right_logical3A_78 = vector.broadcast %shift_right_logical3A_77 : i32 to vector<16xi32>
    %shift_right_logical3A_79 = arith.shrui %get3A_76, %shift_right_logical3A_78 : vector<16xi32>
    %and3A_80 = arith.constant 16383 : i32
    %and3A_81 = vector.broadcast %and3A_80 : i32 to vector<16xi32>
    %and3A_82 = arith.andi %get3A_76, %and3A_81 : vector<16xi32>
    %swap3A_83 = arith.constant 80 : index
    %swap3A_84 = tpu.vector_load %arg12[%swap3A_83] {strides = array<i32>} : memref<128xi32, #tpu.memory_space<vmem>>, vector<16xi32>,
    tpu.vector_store %arg12[%swap3A_83], %and3A_82 {strides = array<i32>} : memref<128xi32, #tpu.memory_space<vmem>>, vector<16xi32>,
    %gather3A_85 = tpu.vector_load_idx %arg9[%shift_right_logical3A_79] : memref<10240xf32, #tpu.memory_space<vmem>>[vector<16xi32>], vector<16xf32>,
    %swap3A_86 = arith.constant 80 : index
    %swap3A_87 = tpu.vector_load %arg10[%swap3A_86] {strides = array<i32>} : memref<128xf32, #tpu.memory_space<vmem>>, vector<16xf32>,
    tpu.vector_store %arg10[%swap3A_86], %gather3A_85 {strides = array<i32>} : memref<128xf32, #tpu.memory_space<vmem>>, vector<16xf32>,
    %get3A_88 = arith.constant 0 : i32
    %get3A_89 = arith.index_cast %get3A_88 : i32 to index
    %get3A_90 = arith.constant 96 : index
    %get3A_91 = tpu.vector_load %arg8[%get3A_89, %get3A_90] {strides = array<i32>} : memref<160x128xi32, #tpu.memory_space<vmem>>, vector<16xi32>,
    %shift_right_logical3A_92 = arith.constant 14 : i32
    %shift_right_logical3A_93 = vector.broadcast %shift_right_logical3A_92 : i32 to vector<16xi32>
    %shift_right_logical3A_94 = arith.shrui %get3A_91, %shift_right_logical3A_93 : vector<16xi32>
    %and3A_95 = arith.constant 16383 : i32
    %and3A_96 = vector.broadcast %and3A_95 : i32 to vector<16xi32>
    %and3A_97 = arith.andi %get3A_91, %and3A_96 : vector<16xi32>
    %swap3A_98 = arith.constant 96 : index
    %swap3A_99 = tpu.vector_load %arg12[%swap3A_98] {strides = array<i32>} : memref<128xi32, #tpu.memory_space<vmem>>, vector<16xi32>,
    tpu.vector_store %arg12[%swap3A_98], %and3A_97 {strides = array<i32>} : memref<128xi32, #tpu.memory_space<vmem>>, vector<16xi32>,
    %gather3A_100 = tpu.vector_load_idx %arg9[%shift_right_logical3A_94] : memref<10240xf32, #tpu.memory_space<vmem>>[vector<16xi32>], vector<16xf32>,
    %swap3A_101 = arith.constant 96 : index
    %swap3A_102 = tpu.vector_load %arg10[%swap3A_101] {strides = array<i32>} : memref<128xf32, #tpu.memory_space<vmem>>, vector<16xf32>,
    tpu.vector_store %arg10[%swap3A_101], %gather3A_100 {strides = array<i32>} : memref<128xf32, #tpu.memory_space<vmem>>, vector<16xf32>,
    %get3A_103 = arith.constant 0 : i32
    %get3A_104 = arith.index_cast %get3A_103 : i32 to index
    %get3A_105 = arith.constant 112 : index
    %get3A_106 = tpu.vector_load %arg8[%get3A_104, %get3A_105] {strides = array<i32>} : memref<160x128xi32, #tpu.memory_space<vmem>>, vector<16xi32>,
    %shift_right_logical3A_107 = arith.constant 14 : i32
    %shift_right_logical3A_108 = vector.broadcast %shift_right_logical3A_107 : i32 to vector<16xi32>
    %shift_right_logical3A_109 = arith.shrui %get3A_106, %shift_right_logical3A_108 : vector<16xi32>
    %and3A_110 = arith.constant 16383 : i32
    %and3A_111 = vector.broadcast %and3A_110 : i32 to vector<16xi32>
    %and3A_112 = arith.andi %get3A_106, %and3A_111 : vector<16xi32>
    %swap3A_113 = arith.constant 112 : index
    %swap3A_114 = tpu.vector_load %arg12[%swap3A_113] {strides = array<i32>} : memref<128xi32, #tpu.memory_space<vmem>>, vector<16xi32>,
    tpu.vector_store %arg12[%swap3A_113], %and3A_112 {strides = array<i32>} : memref<128xi32, #tpu.memory_space<vmem>>, vector<16xi32>,
    %gather3A_115 = tpu.vector_load_idx %arg9[%shift_right_logical3A_109] : memref<10240xf32, #tpu.memory_space<vmem>>[vector<16xi32>], vector<16xf32>,
    %swap3A_116 = arith.constant 112 : index
    %swap3A_117 = tpu.vector_load %arg10[%swap3A_116] {strides = array<i32>} : memref<128xf32, #tpu.memory_space<vmem>>, vector<16xf32>,
    tpu.vector_store %arg10[%swap3A_116], %gather3A_115 {strides = array<i32>} : memref<128xf32, #tpu.memory_space<vmem>>, vector<16xf32>,
    %dma_start3A = arith.constant 0 : i32
    %dma_start3A_118 = tpu.memref_slice %arg18[%dma_start3A] : memref<10240xf32, #tpu.memory_space<vmem_shared>> -> memref<10240xf32, #tpu.memory_space<vmem_shared>>
    tpu.enqueue_indirect_dma source(%arg10 : memref<128xf32, #tpu.memory_space<vmem>>) target(%dma_start3A_118 : memref<10240xf32, #tpu.memory_space<vmem_shared>>) offsets(%arg12 : memref<128xi32, #tpu.memory_space<vmem>>) semaphore(%arg19 : memref<!tpu.dma_semaphore, #tpu.memory_space<semaphore_mem>>) {add = true}
    %get3A_119 = arith.constant 1 : i32
    %get3A_120 = arith.index_cast %get3A_119 : i32 to index
    %get3A_121 = arith.constant 0 : index
    %get3A_122 = tpu.vector_load %arg8[%get3A_120, %get3A_121] {strides = array<i32>} : memref<160x128xi32, #tpu.memory_space<vmem>>, vector<16xi32>,
    %shift_right_logical3A_123 = arith.constant 14 : i32
    %shift_right_logical3A_124 = vector.broadcast %shift_right_logical3A_123 : i32 to vector<16xi32>
    %shift_right_logical3A_125 = arith.shrui %get3A_122, %shift_right_logical3A_124 : vector<16xi32>
    %and3A_126 = arith.constant 16383 : i32
    %and3A_127 = vector.broadcast %and3A_126 : i32 to vector<16xi32>
    %and3A_128 = arith.andi %get3A_122, %and3A_127 : vector<16xi32>
    %swap3A_129 = arith.constant 0 : index
    %swap3A_130 = tpu.vector_load %arg13[%swap3A_129] {strides = array<i32>} : memref<128xi32, #tpu.memory_space<vmem>>, vector<16xi32>,
    tpu.vector_store %arg13[%swap3A_129], %and3A_128 {strides = array<i32>} : memref<128xi32, #tpu.memory_space<vmem>>, vector<16xi32>,
    %gather3A_131 = tpu.vector_load_idx %arg9[%shift_right_logical3A_125] : memref<10240xf32, #tpu.memory_space<vmem>>[vector<16xi32>], vector<16xf32>,
    %swap3A_132 = arith.constant 0 : index
    %swap3A_133 = tpu.vector_load %arg11[%swap3A_132] {strides = array<i32>} : memref<128xf32, #tpu.memory_space<vmem>>, vector<16xf32>,
    tpu.vector_store %arg11[%swap3A_132], %gather3A_131 {strides = array<i32>} : memref<128xf32, #tpu.memory_space<vmem>>, vector<16xf32>,
    %get3A_134 = arith.constant 1 : i32
    %get3A_135 = arith.index_cast %get3A_134 : i32 to index
    %get3A_136 = arith.constant 16 : index
    %get3A_137 = tpu.vector_load %arg8[%get3A_135, %get3A_136] {strides = array<i32>} : memref<160x128xi32, #tpu.memory_space<vmem>>, vector<16xi32>,
    %shift_right_logical3A_138 = arith.constant 14 : i32
    %shift_right_logical3A_139 = vector.broadcast %shift_right_logical3A_138 : i32 to vector<16xi32>
    %shift_right_logical3A_140 = arith.shrui %get3A_137, %shift_right_logical3A_139 : vector<16xi32>
    %and3A_141 = arith.constant 16383 : i32
    %and3A_142 = vector.broadcast %and3A_141 : i32 to vector<16xi32>
    %and3A_143 = arith.andi %get3A_137, %and3A_142 : vector<16xi32>
    %swap3A_144 = arith.constant 16 : index
    %swap3A_145 = tpu.vector_load %arg13[%swap3A_144] {strides = array<i32>} : memref<128xi32, #tpu.memory_space<vmem>>, vector<16xi32>,
    tpu.vector_store %arg13[%swap3A_144], %and3A_143 {strides = array<i32>} : memref<128xi32, #tpu.memory_space<vmem>>, vector<16xi32>,
    %gather3A_146 = tpu.vector_load_idx %arg9[%shift_right_logical3A_140] : memref<10240xf32, #tpu.memory_space<vmem>>[vector<16xi32>], vector<16xf32>,
    %swap3A_147 = arith.constant 16 : index
    %swap3A_148 = tpu.vector_load %arg11[%swap3A_147] {strides = array<i32>} : memref<128xf32, #tpu.memory_space<vmem>>, vector<16xf32>,
    tpu.vector_store %arg11[%swap3A_147], %gather3A_146 {strides = array<i32>} : memref<128xf32, #tpu.memory_space<vmem>>, vector<16xf32>,
    %get3A_149 = arith.constant 1 : i32
    %get3A_150 = arith.index_cast %get3A_149 : i32 to index
    %get3A_151 = arith.constant 32 : index
    %get3A_152 = tpu.vector_load %arg8[%get3A_150, %get3A_151] {strides = array<i32>} : memref<160x128xi32, #tpu.memory_space<vmem>>, vector<16xi32>,
    %shift_right_logical3A_153 = arith.constant 14 : i32
    %shift_right_logical3A_154 = vector.broadcast %shift_right_logical3A_153 : i32 to vector<16xi32>
    %shift_right_logical3A_155 = arith.shrui %get3A_152, %shift_right_logical3A_154 : vector<16xi32>
    %and3A_156 = arith.constant 16383 : i32
    %and3A_157 = vector.broadcast %and3A_156 : i32 to vector<16xi32>
    %and3A_158 = arith.andi %get3A_152, %and3A_157 : vector<16xi32>
    %swap3A_159 = arith.constant 32 : index
    %swap3A_160 = tpu.vector_load %arg13[%swap3A_159] {strides = array<i32>} : memref<128xi32, #tpu.memory_space<vmem>>, vector<16xi32>,
    tpu.vector_store %arg13[%swap3A_159], %and3A_158 {strides = array<i32>} : memref<128xi32, #tpu.memory_space<vmem>>, vector<16xi32>,
    %gather3A_161 = tpu.vector_load_idx %arg9[%shift_right_logical3A_155] : memref<10240xf32, #tpu.memory_space<vmem>>[vector<16xi32>], vector<16xf32>,
    %swap3A_162 = arith.constant 32 : index
    %swap3A_163 = tpu.vector_load %arg11[%swap3A_162] {strides = array<i32>} : memref<128xf32, #tpu.memory_space<vmem>>, vector<16xf32>,
    tpu.vector_store %arg11[%swap3A_162], %gather3A_161 {strides = array<i32>} : memref<128xf32, #tpu.memory_space<vmem>>, vector<16xf32>,
    %get3A_164 = arith.constant 1 : i32
    %get3A_165 = arith.index_cast %get3A_164 : i32 to index
    %get3A_166 = arith.constant 48 : index
    %get3A_167 = tpu.vector_load %arg8[%get3A_165, %get3A_166] {strides = array<i32>} : memref<160x128xi32, #tpu.memory_space<vmem>>, vector<16xi32>,
    %shift_right_logical3A_168 = arith.constant 14 : i32
    %shift_right_logical3A_169 = vector.broadcast %shift_right_logical3A_168 : i32 to vector<16xi32>
    %shift_right_logical3A_170 = arith.shrui %get3A_167, %shift_right_logical3A_169 : vector<16xi32>
    %and3A_171 = arith.constant 16383 : i32
    %and3A_172 = vector.broadcast %and3A_171 : i32 to vector<16xi32>
    %and3A_173 = arith.andi %get3A_167, %and3A_172 : vector<16xi32>
    %swap3A_174 = arith.constant 48 : index
    %swap3A_175 = tpu.vector_load %arg13[%swap3A_174] {strides = array<i32>} : memref<128xi32, #tpu.memory_space<vmem>>, vector<16xi32>,
    tpu.vector_store %arg13[%swap3A_174], %and3A_173 {strides = array<i32>} : memref<128xi32, #tpu.memory_space<vmem>>, vector<16xi32>,
    %gather3A_176 = tpu.vector_load_idx %arg9[%shift_right_logical3A_170] : memref<10240xf32, #tpu.memory_space<vmem>>[vector<16xi32>], vector<16xf32>,
    %swap3A_177 = arith.constant 48 : index
    %swap3A_178 = tpu.vector_load %arg11[%swap3A_177] {strides = array<i32>} : memref<128xf32, #tpu.memory_space<vmem>>, vector<16xf32>,
    tpu.vector_store %arg11[%swap3A_177], %gather3A_176 {strides = array<i32>} : memref<128xf32, #tpu.memory_space<vmem>>, vector<16xf32>,
    %get3A_179 = arith.constant 1 : i32
    %get3A_180 = arith.index_cast %get3A_179 : i32 to index
    %get3A_181 = arith.constant 64 : index
    %get3A_182 = tpu.vector_load %arg8[%get3A_180, %get3A_181] {strides = array<i32>} : memref<160x128xi32, #tpu.memory_space<vmem>>, vector<16xi32>,
    %shift_right_logical3A_183 = arith.constant 14 : i32
    %shift_right_logical3A_184 = vector.broadcast %shift_right_logical3A_183 : i32 to vector<16xi32>
    %shift_right_logical3A_185 = arith.shrui %get3A_182, %shift_right_logical3A_184 : vector<16xi32>
    %and3A_186 = arith.constant 16383 : i32
    %and3A_187 = vector.broadcast %and3A_186 : i32 to vector<16xi32>
    %and3A_188 = arith.andi %get3A_182, %and3A_187 : vector<16xi32>
    %swap3A_189 = arith.constant 64 : index
    %swap3A_190 = tpu.vector_load %arg13[%swap3A_189] {strides = array<i32>} : memref<128xi32, #tpu.memory_space<vmem>>, vector<16xi32>,
    tpu.vector_store %arg13[%swap3A_189], %and3A_188 {strides = array<i32>} : memref<128xi32, #tpu.memory_space<vmem>>, vector<16xi32>,
    %gather3A_191 = tpu.vector_load_idx %arg9[%shift_right_logical3A_185] : memref<10240xf32, #tpu.memory_space<vmem>>[vector<16xi32>], vector<16xf32>,
    %swap3A_192 = arith.constant 64 : index
    %swap3A_193 = tpu.vector_load %arg11[%swap3A_192] {strides = array<i32>} : memref<128xf32, #tpu.memory_space<vmem>>, vector<16xf32>,
    tpu.vector_store %arg11[%swap3A_192], %gather3A_191 {strides = array<i32>} : memref<128xf32, #tpu.memory_space<vmem>>, vector<16xf32>,
    %get3A_194 = arith.constant 1 : i32
    %get3A_195 = arith.index_cast %get3A_194 : i32 to index
    %get3A_196 = arith.constant 80 : index
    %get3A_197 = tpu.vector_load %arg8[%get3A_195, %get3A_196] {strides = array<i32>} : memref<160x128xi32, #tpu.memory_space<vmem>>, vector<16xi32>,
    %shift_right_logical3A_198 = arith.constant 14 : i32
    %shift_right_logical3A_199 = vector.broadcast %shift_right_logical3A_198 : i32 to vector<16xi32>
    %shift_right_logical3A_200 = arith.shrui %get3A_197, %shift_right_logical3A_199 : vector<16xi32>
    %and3A_201 = arith.constant 16383 : i32
    %and3A_202 = vector.broadcast %and3A_201 : i32 to vector<16xi32>
    %and3A_203 = arith.andi %get3A_197, %and3A_202 : vector<16xi32>
    %swap3A_204 = arith.constant 80 : index
    %swap3A_205 = tpu.vector_load %arg13[%swap3A_204] {strides = array<i32>} : memref<128xi32, #tpu.memory_space<vmem>>, vector<16xi32>,
    tpu.vector_store %arg13[%swap3A_204], %and3A_203 {strides = array<i32>} : memref<128xi32, #tpu.memory_space<vmem>>, vector<16xi32>,
    %gather3A_206 = tpu.vector_load_idx %arg9[%shift_right_logical3A_200] : memref<10240xf32, #tpu.memory_space<vmem>>[vector<16xi32>], vector<16xf32>,
    %swap3A_207 = arith.constant 80 : index
    %swap3A_208 = tpu.vector_load %arg11[%swap3A_207] {strides = array<i32>} : memref<128xf32, #tpu.memory_space<vmem>>, vector<16xf32>,
    tpu.vector_store %arg11[%swap3A_207], %gather3A_206 {strides = array<i32>} : memref<128xf32, #tpu.memory_space<vmem>>, vector<16xf32>,
    %get3A_209 = arith.constant 1 : i32
    %get3A_210 = arith.index_cast %get3A_209 : i32 to index
    %get3A_211 = arith.constant 96 : index
    %get3A_212 = tpu.vector_load %arg8[%get3A_210, %get3A_211] {strides = array<i32>} : memref<160x128xi32, #tpu.memory_space<vmem>>, vector<16xi32>,
    %shift_right_logical3A_213 = arith.constant 14 : i32
    %shift_right_logical3A_214 = vector.broadcast %shift_right_logical3A_213 : i32 to vector<16xi32>
    %shift_right_logical3A_215 = arith.shrui %get3A_212, %shift_right_logical3A_214 : vector<16xi32>
    %and3A_216 = arith.constant 16383 : i32
    %and3A_217 = vector.broadcast %and3A_216 : i32 to vector<16xi32>
    %and3A_218 = arith.andi %get3A_212, %and3A_217 : vector<16xi32>
    %swap3A_219 = arith.constant 96 : index
    %swap3A_220 = tpu.vector_load %arg13[%swap3A_219] {strides = array<i32>} : memref<128xi32, #tpu.memory_space<vmem>>, vector<16xi32>,
    tpu.vector_store %arg13[%swap3A_219], %and3A_218 {strides = array<i32>} : memref<128xi32, #tpu.memory_space<vmem>>, vector<16xi32>,
    %gather3A_221 = tpu.vector_load_idx %arg9[%shift_right_logical3A_215] : memref<10240xf32, #tpu.memory_space<vmem>>[vector<16xi32>], vector<16xf32>,
    %swap3A_222 = arith.constant 96 : index
    %swap3A_223 = tpu.vector_load %arg11[%swap3A_222] {strides = array<i32>} : memref<128xf32, #tpu.memory_space<vmem>>, vector<16xf32>,
    tpu.vector_store %arg11[%swap3A_222], %gather3A_221 {strides = array<i32>} : memref<128xf32, #tpu.memory_space<vmem>>, vector<16xf32>,
    %get3A_224 = arith.constant 1 : i32
    %get3A_225 = arith.index_cast %get3A_224 : i32 to index
    %get3A_226 = arith.constant 112 : index
    %get3A_227 = tpu.vector_load %arg8[%get3A_225, %get3A_226] {strides = array<i32>} : memref<160x128xi32, #tpu.memory_space<vmem>>, vector<16xi32>,
    %shift_right_logical3A_228 = arith.constant 14 : i32
    %shift_right_logical3A_229 = vector.broadcast %shift_right_logical3A_228 : i32 to vector<16xi32>
    %shift_right_logical3A_230 = arith.shrui %get3A_227, %shift_right_logical3A_229 : vector<16xi32>
    %and3A_231 = arith.constant 16383 : i32
    %and3A_232 = vector.broadcast %and3A_231 : i32 to vector<16xi32>
    %and3A_233 = arith.andi %get3A_227, %and3A_232 : vector<16xi32>
    %swap3A_234 = arith.constant 112 : index
    %swap3A_235 = tpu.vector_load %arg13[%swap3A_234] {strides = array<i32>} : memref<128xi32, #tpu.memory_space<vmem>>, vector<16xi32>,
    tpu.vector_store %arg13[%swap3A_234], %and3A_233 {strides = array<i32>} : memref<128xi32, #tpu.memory_space<vmem>>, vector<16xi32>,
    %gather3A_236 = tpu.vector_load_idx %arg9[%shift_right_logical3A_230] : memref<10240xf32, #tpu.memory_space<vmem>>[vector<16xi32>], vector<16xf32>,
    %swap3A_237 = arith.constant 112 : index
    %swap3A_238 = tpu.vector_load %arg11[%swap3A_237] {strides = array<i32>} : memref<128xf32, #tpu.memory_space<vmem>>, vector<16xf32>,
    tpu.vector_store %arg11[%swap3A_237], %gather3A_236 {strides = array<i32>} : memref<128xf32, #tpu.memory_space<vmem>>, vector<16xf32>,
    %dma_start3A_239 = arith.constant 0 : i32
    %dma_start3A_240 = tpu.memref_slice %arg18[%dma_start3A_239] : memref<10240xf32, #tpu.memory_space<vmem_shared>> -> memref<10240xf32, #tpu.memory_space<vmem_shared>>
    tpu.enqueue_indirect_dma source(%arg11 : memref<128xf32, #tpu.memory_space<vmem>>) target(%dma_start3A_240 : memref<10240xf32, #tpu.memory_space<vmem_shared>>) offsets(%arg13 : memref<128xi32, #tpu.memory_space<vmem>>) semaphore(%arg20 : memref<!tpu.dma_semaphore, #tpu.memory_space<semaphore_mem>>) {add = true}
    %scan3A = arith.constant 0 : i32
    %scan3A_241 = arith.constant 0 : i32
    %scan3A_242 = arith.constant 79 : i32
    %scan3A_243 = arith.addi %scan3A_241, %scan3A_242 : i32
    %scan3A_244 = arith.constant 1 : i32
    scf.for %scan3A_256 = %scan3A_241 to %scan3A_243 step %scan3A_244  : i32 {
      %mul3A_257 = arith.constant 2 : i32
      %mul3A_258 = arith.muli %scan3A_256, %mul3A_257 : i32
      %dma_wait3A_259 = arith.constant 0 : i32
      %dma_wait3A_260 = tpu.memref_slice %arg18[%dma_wait3A_259] : memref<10240xf32, #tpu.memory_space<vmem_shared>> -> memref<10240xf32, #tpu.memory_space<vmem_shared>>
      tpu.wait_indirect_dma semaphore(%arg19 : memref<!tpu.dma_semaphore, #tpu.memory_space<semaphore_mem>>) src(%arg10 : memref<128xf32, #tpu.memory_space<vmem>>) dst(%dma_wait3A_260 : memref<10240xf32, #tpu.memory_space<vmem_shared>>)
      %add3A = arith.constant 2 : i32
      %add3A_261 = arith.addi %mul3A_258, %add3A : i32
      %get3A_262 = arith.index_cast %add3A_261 : i32 to index
      %get3A_263 = arith.constant 0 : index
      %get3A_264 = tpu.vector_load %arg8[%get3A_262, %get3A_263] {strides = array<i32>} : memref<160x128xi32, #tpu.memory_space<vmem>>, vector<16xi32>,
      %shift_right_logical3A_265 = arith.constant 14 : i32
      %shift_right_logical3A_266 = vector.broadcast %shift_right_logical3A_265 : i32 to vector<16xi32>
      %shift_right_logical3A_267 = arith.shrui %get3A_264, %shift_right_logical3A_266 : vector<16xi32>
      %and3A_268 = arith.constant 16383 : i32
      %and3A_269 = vector.broadcast %and3A_268 : i32 to vector<16xi32>
      %and3A_270 = arith.andi %get3A_264, %and3A_269 : vector<16xi32>
      %swap3A_271 = arith.constant 0 : index
      %swap3A_272 = tpu.vector_load %arg12[%swap3A_271] {strides = array<i32>} : memref<128xi32, #tpu.memory_space<vmem>>, vector<16xi32>,
      tpu.vector_store %arg12[%swap3A_271], %and3A_270 {strides = array<i32>} : memref<128xi32, #tpu.memory_space<vmem>>, vector<16xi32>,
      %gather3A_273 = tpu.vector_load_idx %arg9[%shift_right_logical3A_267] : memref<10240xf32, #tpu.memory_space<vmem>>[vector<16xi32>], vector<16xf32>,
      %swap3A_274 = arith.constant 0 : index
      %swap3A_275 = tpu.vector_load %arg10[%swap3A_274] {strides = array<i32>} : memref<128xf32, #tpu.memory_space<vmem>>, vector<16xf32>,
      tpu.vector_store %arg10[%swap3A_274], %gather3A_273 {strides = array<i32>} : memref<128xf32, #tpu.memory_space<vmem>>, vector<16xf32>,
      %get3A_276 = arith.index_cast %add3A_261 : i32 to index
      %get3A_277 = arith.constant 16 : index
      %get3A_278 = tpu.vector_load %arg8[%get3A_276, %get3A_277] {strides = array<i32>} : memref<160x128xi32, #tpu.memory_space<vmem>>, vector<16xi32>,
      %shift_right_logical3A_279 = arith.constant 14 : i32
      %shift_right_logical3A_280 = vector.broadcast %shift_right_logical3A_279 : i32 to vector<16xi32>
      %shift_right_logical3A_281 = arith.shrui %get3A_278, %shift_right_logical3A_280 : vector<16xi32>
      %and3A_282 = arith.constant 16383 : i32
      %and3A_283 = vector.broadcast %and3A_282 : i32 to vector<16xi32>
      %and3A_284 = arith.andi %get3A_278, %and3A_283 : vector<16xi32>
      %swap3A_285 = arith.constant 16 : index
      %swap3A_286 = tpu.vector_load %arg12[%swap3A_285] {strides = array<i32>} : memref<128xi32, #tpu.memory_space<vmem>>, vector<16xi32>,
      tpu.vector_store %arg12[%swap3A_285], %and3A_284 {strides = array<i32>} : memref<128xi32, #tpu.memory_space<vmem>>, vector<16xi32>,
      %gather3A_287 = tpu.vector_load_idx %arg9[%shift_right_logical3A_281] : memref<10240xf32, #tpu.memory_space<vmem>>[vector<16xi32>], vector<16xf32>,
      %swap3A_288 = arith.constant 16 : index
      %swap3A_289 = tpu.vector_load %arg10[%swap3A_288] {strides = array<i32>} : memref<128xf32, #tpu.memory_space<vmem>>, vector<16xf32>,
      tpu.vector_store %arg10[%swap3A_288], %gather3A_287 {strides = array<i32>} : memref<128xf32, #tpu.memory_space<vmem>>, vector<16xf32>,
      %get3A_290 = arith.index_cast %add3A_261 : i32 to index
      %get3A_291 = arith.constant 32 : index
      %get3A_292 = tpu.vector_load %arg8[%get3A_290, %get3A_291] {strides = array<i32>} : memref<160x128xi32, #tpu.memory_space<vmem>>, vector<16xi32>,
      %shift_right_logical3A_293 = arith.constant 14 : i32
      %shift_right_logical3A_294 = vector.broadcast %shift_right_logical3A_293 : i32 to vector<16xi32>
      %shift_right_logical3A_295 = arith.shrui %get3A_292, %shift_right_logical3A_294 : vector<16xi32>
      %and3A_296 = arith.constant 16383 : i32
      %and3A_297 = vector.broadcast %and3A_296 : i32 to vector<16xi32>
      %and3A_298 = arith.andi %get3A_292, %and3A_297 : vector<16xi32>
      %swap3A_299 = arith.constant 32 : index
      %swap3A_300 = tpu.vector_load %arg12[%swap3A_299] {strides = array<i32>} : memref<128xi32, #tpu.memory_space<vmem>>, vector<16xi32>,
      tpu.vector_store %arg12[%swap3A_299], %and3A_298 {strides = array<i32>} : memref<128xi32, #tpu.memory_space<vmem>>, vector<16xi32>,
      %gather3A_301 = tpu.vector_load_idx %arg9[%shift_right_logical3A_295] : memref<10240xf32, #tpu.memory_space<vmem>>[vector<16xi32>], vector<16xf32>,
      %swap3A_302 = arith.constant 32 : index
      %swap3A_303 = tpu.vector_load %arg10[%swap3A_302] {strides = array<i32>} : memref<128xf32, #tpu.memory_space<vmem>>, vector<16xf32>,
      tpu.vector_store %arg10[%swap3A_302], %gather3A_301 {strides = array<i32>} : memref<128xf32, #tpu.memory_space<vmem>>, vector<16xf32>,
      %get3A_304 = arith.index_cast %add3A_261 : i32 to index
      %get3A_305 = arith.constant 48 : index
      %get3A_306 = tpu.vector_load %arg8[%get3A_304, %get3A_305] {strides = array<i32>} : memref<160x128xi32, #tpu.memory_space<vmem>>, vector<16xi32>,
      %shift_right_logical3A_307 = arith.constant 14 : i32
      %shift_right_logical3A_308 = vector.broadcast %shift_right_logical3A_307 : i32 to vector<16xi32>
      %shift_right_logical3A_309 = arith.shrui %get3A_306, %shift_right_logical3A_308 : vector<16xi32>
      %and3A_310 = arith.constant 16383 : i32
      %and3A_311 = vector.broadcast %and3A_310 : i32 to vector<16xi32>
      %and3A_312 = arith.andi %get3A_306, %and3A_311 : vector<16xi32>
      %swap3A_313 = arith.constant 48 : index
      %swap3A_314 = tpu.vector_load %arg12[%swap3A_313] {strides = array<i32>} : memref<128xi32, #tpu.memory_space<vmem>>, vector<16xi32>,
      tpu.vector_store %arg12[%swap3A_313], %and3A_312 {strides = array<i32>} : memref<128xi32, #tpu.memory_space<vmem>>, vector<16xi32>,
      %gather3A_315 = tpu.vector_load_idx %arg9[%shift_right_logical3A_309] : memref<10240xf32, #tpu.memory_space<vmem>>[vector<16xi32>], vector<16xf32>,
      %swap3A_316 = arith.constant 48 : index
      %swap3A_317 = tpu.vector_load %arg10[%swap3A_316] {strides = array<i32>} : memref<128xf32, #tpu.memory_space<vmem>>, vector<16xf32>,
      tpu.vector_store %arg10[%swap3A_316], %gather3A_315 {strides = array<i32>} : memref<128xf32, #tpu.memory_space<vmem>>, vector<16xf32>,
      %get3A_318 = arith.index_cast %add3A_261 : i32 to index
      %get3A_319 = arith.constant 64 : index
      %get3A_320 = tpu.vector_load %arg8[%get3A_318, %get3A_319] {strides = array<i32>} : memref<160x128xi32, #tpu.memory_space<vmem>>, vector<16xi32>,
      %shift_right_logical3A_321 = arith.constant 14 : i32
      %shift_right_logical3A_322 = vector.broadcast %shift_right_logical3A_321 : i32 to vector<16xi32>
      %shift_right_logical3A_323 = arith.shrui %get3A_320, %shift_right_logical3A_322 : vector<16xi32>
      %and3A_324 = arith.constant 16383 : i32
      %and3A_325 = vector.broadcast %and3A_324 : i32 to vector<16xi32>
      %and3A_326 = arith.andi %get3A_320, %and3A_325 : vector<16xi32>
      %swap3A_327 = arith.constant 64 : index
      %swap3A_328 = tpu.vector_load %arg12[%swap3A_327] {strides = array<i32>} : memref<128xi32, #tpu.memory_space<vmem>>, vector<16xi32>,
      tpu.vector_store %arg12[%swap3A_327], %and3A_326 {strides = array<i32>} : memref<128xi32, #tpu.memory_space<vmem>>, vector<16xi32>,
      %gather3A_329 = tpu.vector_load_idx %arg9[%shift_right_logical3A_323] : memref<10240xf32, #tpu.memory_space<vmem>>[vector<16xi32>], vector<16xf32>,
      %swap3A_330 = arith.constant 64 : index
      %swap3A_331 = tpu.vector_load %arg10[%swap3A_330] {strides = array<i32>} : memref<128xf32, #tpu.memory_space<vmem>>, vector<16xf32>,
      tpu.vector_store %arg10[%swap3A_330], %gather3A_329 {strides = array<i32>} : memref<128xf32, #tpu.memory_space<vmem>>, vector<16xf32>,
      %get3A_332 = arith.index_cast %add3A_261 : i32 to index
      %get3A_333 = arith.constant 80 : index
      %get3A_334 = tpu.vector_load %arg8[%get3A_332, %get3A_333] {strides = array<i32>} : memref<160x128xi32, #tpu.memory_space<vmem>>, vector<16xi32>,
      %shift_right_logical3A_335 = arith.constant 14 : i32
      %shift_right_logical3A_336 = vector.broadcast %shift_right_logical3A_335 : i32 to vector<16xi32>
      %shift_right_logical3A_337 = arith.shrui %get3A_334, %shift_right_logical3A_336 : vector<16xi32>
      %and3A_338 = arith.constant 16383 : i32
      %and3A_339 = vector.broadcast %and3A_338 : i32 to vector<16xi32>
      %and3A_340 = arith.andi %get3A_334, %and3A_339 : vector<16xi32>
      %swap3A_341 = arith.constant 80 : index
      %swap3A_342 = tpu.vector_load %arg12[%swap3A_341] {strides = array<i32>} : memref<128xi32, #tpu.memory_space<vmem>>, vector<16xi32>,
      tpu.vector_store %arg12[%swap3A_341], %and3A_340 {strides = array<i32>} : memref<128xi32, #tpu.memory_space<vmem>>, vector<16xi32>,
      %gather3A_343 = tpu.vector_load_idx %arg9[%shift_right_logical3A_337] : memref<10240xf32, #tpu.memory_space<vmem>>[vector<16xi32>], vector<16xf32>,
      %swap3A_344 = arith.constant 80 : index
      %swap3A_345 = tpu.vector_load %arg10[%swap3A_344] {strides = array<i32>} : memref<128xf32, #tpu.memory_space<vmem>>, vector<16xf32>,
      tpu.vector_store %arg10[%swap3A_344], %gather3A_343 {strides = array<i32>} : memref<128xf32, #tpu.memory_space<vmem>>, vector<16xf32>,
      %get3A_346 = arith.index_cast %add3A_261 : i32 to index
      %get3A_347 = arith.constant 96 : index
      %get3A_348 = tpu.vector_load %arg8[%get3A_346, %get3A_347] {strides = array<i32>} : memref<160x128xi32, #tpu.memory_space<vmem>>, vector<16xi32>,
      %shift_right_logical3A_349 = arith.constant 14 : i32
      %shift_right_logical3A_350 = vector.broadcast %shift_right_logical3A_349 : i32 to vector<16xi32>
      %shift_right_logical3A_351 = arith.shrui %get3A_348, %shift_right_logical3A_350 : vector<16xi32>
      %and3A_352 = arith.constant 16383 : i32
      %and3A_353 = vector.broadcast %and3A_352 : i32 to vector<16xi32>
      %and3A_354 = arith.andi %get3A_348, %and3A_353 : vector<16xi32>
      %swap3A_355 = arith.constant 96 : index
      %swap3A_356 = tpu.vector_load %arg12[%swap3A_355] {strides = array<i32>} : memref<128xi32, #tpu.memory_space<vmem>>, vector<16xi32>,
      tpu.vector_store %arg12[%swap3A_355], %and3A_354 {strides = array<i32>} : memref<128xi32, #tpu.memory_space<vmem>>, vector<16xi32>,
      %gather3A_357 = tpu.vector_load_idx %arg9[%shift_right_logical3A_351] : memref<10240xf32, #tpu.memory_space<vmem>>[vector<16xi32>], vector<16xf32>,
      %swap3A_358 = arith.constant 96 : index
      %swap3A_359 = tpu.vector_load %arg10[%swap3A_358] {strides = array<i32>} : memref<128xf32, #tpu.memory_space<vmem>>, vector<16xf32>,
      tpu.vector_store %arg10[%swap3A_358], %gather3A_357 {strides = array<i32>} : memref<128xf32, #tpu.memory_space<vmem>>, vector<16xf32>,
      %get3A_360 = arith.index_cast %add3A_261 : i32 to index
      %get3A_361 = arith.constant 112 : index
      %get3A_362 = tpu.vector_load %arg8[%get3A_360, %get3A_361] {strides = array<i32>} : memref<160x128xi32, #tpu.memory_space<vmem>>, vector<16xi32>,
      %shift_right_logical3A_363 = arith.constant 14 : i32
      %shift_right_logical3A_364 = vector.broadcast %shift_right_logical3A_363 : i32 to vector<16xi32>
      %shift_right_logical3A_365 = arith.shrui %get3A_362, %shift_right_logical3A_364 : vector<16xi32>
      %and3A_366 = arith.constant 16383 : i32
      %and3A_367 = vector.broadcast %and3A_366 : i32 to vector<16xi32>
      %and3A_368 = arith.andi %get3A_362, %and3A_367 : vector<16xi32>
      %swap3A_369 = arith.constant 112 : index
      %swap3A_370 = tpu.vector_load %arg12[%swap3A_369] {strides = array<i32>} : memref<128xi32, #tpu.memory_space<vmem>>, vector<16xi32>,
      tpu.vector_store %arg12[%swap3A_369], %and3A_368 {strides = array<i32>} : memref<128xi32, #tpu.memory_space<vmem>>, vector<16xi32>,
      %gather3A_371 = tpu.vector_load_idx %arg9[%shift_right_logical3A_365] : memref<10240xf32, #tpu.memory_space<vmem>>[vector<16xi32>], vector<16xf32>,
      %swap3A_372 = arith.constant 112 : index
      %swap3A_373 = tpu.vector_load %arg10[%swap3A_372] {strides = array<i32>} : memref<128xf32, #tpu.memory_space<vmem>>, vector<16xf32>,
      tpu.vector_store %arg10[%swap3A_372], %gather3A_371 {strides = array<i32>} : memref<128xf32, #tpu.memory_space<vmem>>, vector<16xf32>,
      %dma_start3A_374 = arith.constant 0 : i32
      %dma_start3A_375 = tpu.memref_slice %arg18[%dma_start3A_374] : memref<10240xf32, #tpu.memory_space<vmem_shared>> -> memref<10240xf32, #tpu.memory_space<vmem_shared>>
      tpu.enqueue_indirect_dma source(%arg10 : memref<128xf32, #tpu.memory_space<vmem>>) target(%dma_start3A_375 : memref<10240xf32, #tpu.memory_space<vmem_shared>>) offsets(%arg12 : memref<128xi32, #tpu.memory_space<vmem>>) semaphore(%arg19 : memref<!tpu.dma_semaphore, #tpu.memory_space<semaphore_mem>>) {add = true}
      %dma_wait3A_376 = arith.constant 0 : i32
      %dma_wait3A_377 = tpu.memref_slice %arg18[%dma_wait3A_376] : memref<10240xf32, #tpu.memory_space<vmem_shared>> -> memref<10240xf32, #tpu.memory_space<vmem_shared>>
      tpu.wait_indirect_dma semaphore(%arg20 : memref<!tpu.dma_semaphore, #tpu.memory_space<semaphore_mem>>) src(%arg11 : memref<128xf32, #tpu.memory_space<vmem>>) dst(%dma_wait3A_377 : memref<10240xf32, #tpu.memory_space<vmem_shared>>)
      %add3A_378 = arith.constant 3 : i32
      %add3A_379 = arith.addi %mul3A_258, %add3A_378 : i32
      %get3A_380 = arith.index_cast %add3A_379 : i32 to index
      %get3A_381 = arith.constant 0 : index
      %get3A_382 = tpu.vector_load %arg8[%get3A_380, %get3A_381] {strides = array<i32>} : memref<160x128xi32, #tpu.memory_space<vmem>>, vector<16xi32>,
      %shift_right_logical3A_383 = arith.constant 14 : i32
      %shift_right_logical3A_384 = vector.broadcast %shift_right_logical3A_383 : i32 to vector<16xi32>
      %shift_right_logical3A_385 = arith.shrui %get3A_382, %shift_right_logical3A_384 : vector<16xi32>
      %and3A_386 = arith.constant 16383 : i32
      %and3A_387 = vector.broadcast %and3A_386 : i32 to vector<16xi32>
      %and3A_388 = arith.andi %get3A_382, %and3A_387 : vector<16xi32>
      %swap3A_389 = arith.constant 0 : index
      %swap3A_390 = tpu.vector_load %arg13[%swap3A_389] {strides = array<i32>} : memref<128xi32, #tpu.memory_space<vmem>>, vector<16xi32>,
      tpu.vector_store %arg13[%swap3A_389], %and3A_388 {strides = array<i32>} : memref<128xi32, #tpu.memory_space<vmem>>, vector<16xi32>,
      %gather3A_391 = tpu.vector_load_idx %arg9[%shift_right_logical3A_385] : memref<10240xf32, #tpu.memory_space<vmem>>[vector<16xi32>], vector<16xf32>,
      %swap3A_392 = arith.constant 0 : index
      %swap3A_393 = tpu.vector_load %arg11[%swap3A_392] {strides = array<i32>} : memref<128xf32, #tpu.memory_space<vmem>>, vector<16xf32>,
      tpu.vector_store %arg11[%swap3A_392], %gather3A_391 {strides = array<i32>} : memref<128xf32, #tpu.memory_space<vmem>>, vector<16xf32>,
      %get3A_394 = arith.index_cast %add3A_379 : i32 to index
      %get3A_395 = arith.constant 16 : index
      %get3A_396 = tpu.vector_load %arg8[%get3A_394, %get3A_395] {strides = array<i32>} : memref<160x128xi32, #tpu.memory_space<vmem>>, vector<16xi32>,
      %shift_right_logical3A_397 = arith.constant 14 : i32
      %shift_right_logical3A_398 = vector.broadcast %shift_right_logical3A_397 : i32 to vector<16xi32>
      %shift_right_logical3A_399 = arith.shrui %get3A_396, %shift_right_logical3A_398 : vector<16xi32>
      %and3A_400 = arith.constant 16383 : i32
      %and3A_401 = vector.broadcast %and3A_400 : i32 to vector<16xi32>
      %and3A_402 = arith.andi %get3A_396, %and3A_401 : vector<16xi32>
      %swap3A_403 = arith.constant 16 : index
      %swap3A_404 = tpu.vector_load %arg13[%swap3A_403] {strides = array<i32>} : memref<128xi32, #tpu.memory_space<vmem>>, vector<16xi32>,
      tpu.vector_store %arg13[%swap3A_403], %and3A_402 {strides = array<i32>} : memref<128xi32, #tpu.memory_space<vmem>>, vector<16xi32>,
      %gather3A_405 = tpu.vector_load_idx %arg9[%shift_right_logical3A_399] : memref<10240xf32, #tpu.memory_space<vmem>>[vector<16xi32>], vector<16xf32>,
      %swap3A_406 = arith.constant 16 : index
      %swap3A_407 = tpu.vector_load %arg11[%swap3A_406] {strides = array<i32>} : memref<128xf32, #tpu.memory_space<vmem>>, vector<16xf32>,
      tpu.vector_store %arg11[%swap3A_406], %gather3A_405 {strides = array<i32>} : memref<128xf32, #tpu.memory_space<vmem>>, vector<16xf32>,
      %get3A_408 = arith.index_cast %add3A_379 : i32 to index
      %get3A_409 = arith.constant 32 : index
      %get3A_410 = tpu.vector_load %arg8[%get3A_408, %get3A_409] {strides = array<i32>} : memref<160x128xi32, #tpu.memory_space<vmem>>, vector<16xi32>,
      %shift_right_logical3A_411 = arith.constant 14 : i32
      %shift_right_logical3A_412 = vector.broadcast %shift_right_logical3A_411 : i32 to vector<16xi32>
      %shift_right_logical3A_413 = arith.shrui %get3A_410, %shift_right_logical3A_412 : vector<16xi32>
      %and3A_414 = arith.constant 16383 : i32
      %and3A_415 = vector.broadcast %and3A_414 : i32 to vector<16xi32>
      %and3A_416 = arith.andi %get3A_410, %and3A_415 : vector<16xi32>
      %swap3A_417 = arith.constant 32 : index
      %swap3A_418 = tpu.vector_load %arg13[%swap3A_417] {strides = array<i32>} : memref<128xi32, #tpu.memory_space<vmem>>, vector<16xi32>,
      tpu.vector_store %arg13[%swap3A_417], %and3A_416 {strides = array<i32>} : memref<128xi32, #tpu.memory_space<vmem>>, vector<16xi32>,
      %gather3A_419 = tpu.vector_load_idx %arg9[%shift_right_logical3A_413] : memref<10240xf32, #tpu.memory_space<vmem>>[vector<16xi32>], vector<16xf32>,
      %swap3A_420 = arith.constant 32 : index
      %swap3A_421 = tpu.vector_load %arg11[%swap3A_420] {strides = array<i32>} : memref<128xf32, #tpu.memory_space<vmem>>, vector<16xf32>,
      tpu.vector_store %arg11[%swap3A_420], %gather3A_419 {strides = array<i32>} : memref<128xf32, #tpu.memory_space<vmem>>, vector<16xf32>,
      %get3A_422 = arith.index_cast %add3A_379 : i32 to index
      %get3A_423 = arith.constant 48 : index
      %get3A_424 = tpu.vector_load %arg8[%get3A_422, %get3A_423] {strides = array<i32>} : memref<160x128xi32, #tpu.memory_space<vmem>>, vector<16xi32>,
      %shift_right_logical3A_425 = arith.constant 14 : i32
      %shift_right_logical3A_426 = vector.broadcast %shift_right_logical3A_425 : i32 to vector<16xi32>
      %shift_right_logical3A_427 = arith.shrui %get3A_424, %shift_right_logical3A_426 : vector<16xi32>
      %and3A_428 = arith.constant 16383 : i32
      %and3A_429 = vector.broadcast %and3A_428 : i32 to vector<16xi32>
      %and3A_430 = arith.andi %get3A_424, %and3A_429 : vector<16xi32>
      %swap3A_431 = arith.constant 48 : index
      %swap3A_432 = tpu.vector_load %arg13[%swap3A_431] {strides = array<i32>} : memref<128xi32, #tpu.memory_space<vmem>>, vector<16xi32>,
      tpu.vector_store %arg13[%swap3A_431], %and3A_430 {strides = array<i32>} : memref<128xi32, #tpu.memory_space<vmem>>, vector<16xi32>,
      %gather3A_433 = tpu.vector_load_idx %arg9[%shift_right_logical3A_427] : memref<10240xf32, #tpu.memory_space<vmem>>[vector<16xi32>], vector<16xf32>,
      %swap3A_434 = arith.constant 48 : index
      %swap3A_435 = tpu.vector_load %arg11[%swap3A_434] {strides = array<i32>} : memref<128xf32, #tpu.memory_space<vmem>>, vector<16xf32>,
      tpu.vector_store %arg11[%swap3A_434], %gather3A_433 {strides = array<i32>} : memref<128xf32, #tpu.memory_space<vmem>>, vector<16xf32>,
      %get3A_436 = arith.index_cast %add3A_379 : i32 to index
      %get3A_437 = arith.constant 64 : index
      %get3A_438 = tpu.vector_load %arg8[%get3A_436, %get3A_437] {strides = array<i32>} : memref<160x128xi32, #tpu.memory_space<vmem>>, vector<16xi32>,
      %shift_right_logical3A_439 = arith.constant 14 : i32
      %shift_right_logical3A_440 = vector.broadcast %shift_right_logical3A_439 : i32 to vector<16xi32>
      %shift_right_logical3A_441 = arith.shrui %get3A_438, %shift_right_logical3A_440 : vector<16xi32>
      %and3A_442 = arith.constant 16383 : i32
      %and3A_443 = vector.broadcast %and3A_442 : i32 to vector<16xi32>
      %and3A_444 = arith.andi %get3A_438, %and3A_443 : vector<16xi32>
      %swap3A_445 = arith.constant 64 : index
      %swap3A_446 = tpu.vector_load %arg13[%swap3A_445] {strides = array<i32>} : memref<128xi32, #tpu.memory_space<vmem>>, vector<16xi32>,
      tpu.vector_store %arg13[%swap3A_445], %and3A_444 {strides = array<i32>} : memref<128xi32, #tpu.memory_space<vmem>>, vector<16xi32>,
      %gather3A_447 = tpu.vector_load_idx %arg9[%shift_right_logical3A_441] : memref<10240xf32, #tpu.memory_space<vmem>>[vector<16xi32>], vector<16xf32>,
      %swap3A_448 = arith.constant 64 : index
      %swap3A_449 = tpu.vector_load %arg11[%swap3A_448] {strides = array<i32>} : memref<128xf32, #tpu.memory_space<vmem>>, vector<16xf32>,
      tpu.vector_store %arg11[%swap3A_448], %gather3A_447 {strides = array<i32>} : memref<128xf32, #tpu.memory_space<vmem>>, vector<16xf32>,
      %get3A_450 = arith.index_cast %add3A_379 : i32 to index
      %get3A_451 = arith.constant 80 : index
      %get3A_452 = tpu.vector_load %arg8[%get3A_450, %get3A_451] {strides = array<i32>} : memref<160x128xi32, #tpu.memory_space<vmem>>, vector<16xi32>,
      %shift_right_logical3A_453 = arith.constant 14 : i32
      %shift_right_logical3A_454 = vector.broadcast %shift_right_logical3A_453 : i32 to vector<16xi32>
      %shift_right_logical3A_455 = arith.shrui %get3A_452, %shift_right_logical3A_454 : vector<16xi32>
      %and3A_456 = arith.constant 16383 : i32
      %and3A_457 = vector.broadcast %and3A_456 : i32 to vector<16xi32>
      %and3A_458 = arith.andi %get3A_452, %and3A_457 : vector<16xi32>
      %swap3A_459 = arith.constant 80 : index
      %swap3A_460 = tpu.vector_load %arg13[%swap3A_459] {strides = array<i32>} : memref<128xi32, #tpu.memory_space<vmem>>, vector<16xi32>,
      tpu.vector_store %arg13[%swap3A_459], %and3A_458 {strides = array<i32>} : memref<128xi32, #tpu.memory_space<vmem>>, vector<16xi32>,
      %gather3A_461 = tpu.vector_load_idx %arg9[%shift_right_logical3A_455] : memref<10240xf32, #tpu.memory_space<vmem>>[vector<16xi32>], vector<16xf32>,
      %swap3A_462 = arith.constant 80 : index
      %swap3A_463 = tpu.vector_load %arg11[%swap3A_462] {strides = array<i32>} : memref<128xf32, #tpu.memory_space<vmem>>, vector<16xf32>,
      tpu.vector_store %arg11[%swap3A_462], %gather3A_461 {strides = array<i32>} : memref<128xf32, #tpu.memory_space<vmem>>, vector<16xf32>,
      %get3A_464 = arith.index_cast %add3A_379 : i32 to index
      %get3A_465 = arith.constant 96 : index
      %get3A_466 = tpu.vector_load %arg8[%get3A_464, %get3A_465] {strides = array<i32>} : memref<160x128xi32, #tpu.memory_space<vmem>>, vector<16xi32>,
      %shift_right_logical3A_467 = arith.constant 14 : i32
      %shift_right_logical3A_468 = vector.broadcast %shift_right_logical3A_467 : i32 to vector<16xi32>
      %shift_right_logical3A_469 = arith.shrui %get3A_466, %shift_right_logical3A_468 : vector<16xi32>
      %and3A_470 = arith.constant 16383 : i32
      %and3A_471 = vector.broadcast %and3A_470 : i32 to vector<16xi32>
      %and3A_472 = arith.andi %get3A_466, %and3A_471 : vector<16xi32>
      %swap3A_473 = arith.constant 96 : index
      %swap3A_474 = tpu.vector_load %arg13[%swap3A_473] {strides = array<i32>} : memref<128xi32, #tpu.memory_space<vmem>>, vector<16xi32>,
      tpu.vector_store %arg13[%swap3A_473], %and3A_472 {strides = array<i32>} : memref<128xi32, #tpu.memory_space<vmem>>, vector<16xi32>,
      %gather3A_475 = tpu.vector_load_idx %arg9[%shift_right_logical3A_469] : memref<10240xf32, #tpu.memory_space<vmem>>[vector<16xi32>], vector<16xf32>,
      %swap3A_476 = arith.constant 96 : index
      %swap3A_477 = tpu.vector_load %arg11[%swap3A_476] {strides = array<i32>} : memref<128xf32, #tpu.memory_space<vmem>>, vector<16xf32>,
      tpu.vector_store %arg11[%swap3A_476], %gather3A_475 {strides = array<i32>} : memref<128xf32, #tpu.memory_space<vmem>>, vector<16xf32>,
      %get3A_478 = arith.index_cast %add3A_379 : i32 to index
      %get3A_479 = arith.constant 112 : index
      %get3A_480 = tpu.vector_load %arg8[%get3A_478, %get3A_479] {strides = array<i32>} : memref<160x128xi32, #tpu.memory_space<vmem>>, vector<16xi32>,
      %shift_right_logical3A_481 = arith.constant 14 : i32
      %shift_right_logical3A_482 = vector.broadcast %shift_right_logical3A_481 : i32 to vector<16xi32>
      %shift_right_logical3A_483 = arith.shrui %get3A_480, %shift_right_logical3A_482 : vector<16xi32>
      %and3A_484 = arith.constant 16383 : i32
      %and3A_485 = vector.broadcast %and3A_484 : i32 to vector<16xi32>
      %and3A_486 = arith.andi %get3A_480, %and3A_485 : vector<16xi32>
      %swap3A_487 = arith.constant 112 : index
      %swap3A_488 = tpu.vector_load %arg13[%swap3A_487] {strides = array<i32>} : memref<128xi32, #tpu.memory_space<vmem>>, vector<16xi32>,
      tpu.vector_store %arg13[%swap3A_487], %and3A_486 {strides = array<i32>} : memref<128xi32, #tpu.memory_space<vmem>>, vector<16xi32>,
      %gather3A_489 = tpu.vector_load_idx %arg9[%shift_right_logical3A_483] : memref<10240xf32, #tpu.memory_space<vmem>>[vector<16xi32>], vector<16xf32>,
      %swap3A_490 = arith.constant 112 : index
      %swap3A_491 = tpu.vector_load %arg11[%swap3A_490] {strides = array<i32>} : memref<128xf32, #tpu.memory_space<vmem>>, vector<16xf32>,
      tpu.vector_store %arg11[%swap3A_490], %gather3A_489 {strides = array<i32>} : memref<128xf32, #tpu.memory_space<vmem>>, vector<16xf32>,
      %dma_start3A_492 = arith.constant 0 : i32
      %dma_start3A_493 = tpu.memref_slice %arg18[%dma_start3A_492] : memref<10240xf32, #tpu.memory_space<vmem_shared>> -> memref<10240xf32, #tpu.memory_space<vmem_shared>>
      tpu.enqueue_indirect_dma source(%arg11 : memref<128xf32, #tpu.memory_space<vmem>>) target(%dma_start3A_493 : memref<10240xf32, #tpu.memory_space<vmem_shared>>) offsets(%arg13 : memref<128xi32, #tpu.memory_space<vmem>>) semaphore(%arg20 : memref<!tpu.dma_semaphore, #tpu.memory_space<semaphore_mem>>) {add = true}
    }
    %scan3A_245 = arith.constant 79 : i32
    %dma_wait3A = arith.constant 0 : i32
    %dma_wait3A_246 = tpu.memref_slice %arg18[%dma_wait3A] : memref<10240xf32, #tpu.memory_space<vmem_shared>> -> memref<10240xf32, #tpu.memory_space<vmem_shared>>
    tpu.wait_indirect_dma semaphore(%arg19 : memref<!tpu.dma_semaphore, #tpu.memory_space<semaphore_mem>>) src(%arg10 : memref<128xf32, #tpu.memory_space<vmem>>) dst(%dma_wait3A_246 : memref<10240xf32, #tpu.memory_space<vmem_shared>>)
    %dma_wait3A_247 = arith.constant 0 : i32
    %dma_wait3A_248 = tpu.memref_slice %arg18[%dma_wait3A_247] : memref<10240xf32, #tpu.memory_space<vmem_shared>> -> memref<10240xf32, #tpu.memory_space<vmem_shared>>
    tpu.wait_indirect_dma semaphore(%arg20 : memref<!tpu.dma_semaphore, #tpu.memory_space<semaphore_mem>>) src(%arg11 : memref<128xf32, #tpu.memory_space<vmem>>) dst(%dma_wait3A_248 : memref<10240xf32, #tpu.memory_space<vmem_shared>>)
    %barrier3A_249 = arith.constant 0 : index
    tpu.barrier barrier_id(%barrier3A_249)
    "tpu.region"() ({
      %run_scoped3A = tpu.sem_alloc : memref<!tpu.dma_semaphore, #tpu.memory_space<semaphore_mem>>
      %dma_start3A_256 = tpu.memref_slice %arg18[%mul3A_0] : memref<10240xf32, #tpu.memory_space<vmem_shared>> -> memref<640xf32, #tpu.memory_space<vmem_shared>>
      %dma_start3A_257 = tpu.memref_slice %arg18[%mul3A_0] : memref<10240xf32, #tpu.memory_space<vmem_shared>> -> memref<640xf32, #tpu.memory_space<vmem_shared>>
      tpu.enqueue_dma source(%dma_start3A_257 : memref<640xf32, #tpu.memory_space<vmem_shared>>) target(%arg14 : memref<640xf32, #tpu.memory_space<vmem>>) target_semaphore(%run_scoped3A : memref<!tpu.dma_semaphore, #tpu.memory_space<semaphore_mem>>)
      %dma_wait3A_258 = tpu.memref_slice %arg18[%mul3A_0] : memref<10240xf32, #tpu.memory_space<vmem_shared>> -> memref<640xf32, #tpu.memory_space<vmem_shared>>
      %dma_wait3A_259 = tpu.memref_slice %arg18[%mul3A_0] : memref<10240xf32, #tpu.memory_space<vmem_shared>> -> memref<640xf32, #tpu.memory_space<vmem_shared>>
      tpu.wait_dma2 semaphore(%run_scoped3A : memref<!tpu.dma_semaphore, #tpu.memory_space<semaphore_mem>>) src(%dma_wait3A_259 : memref<640xf32, #tpu.memory_space<vmem_shared>>) dst(%arg14 : memref<640xf32, #tpu.memory_space<vmem>>)
      tpu.yield
    }) : () -> ()
    "tpu.region"() ({
      %run_scoped3A = tpu.sem_alloc : memref<!tpu.dma_semaphore, #tpu.memory_space<semaphore_mem>>
      %dma_start3A_256 = tpu.memref_slice %arg5[%mul3A_0] : memref<10240xf32, #tpu.memory_space<hbm>> -> memref<640xf32, #tpu.memory_space<hbm>>
      %dma_start3A_257 = tpu.memref_slice %arg5[%mul3A_0] : memref<10240xf32, #tpu.memory_space<hbm>> -> memref<640xf32, #tpu.memory_space<hbm>>
      tpu.enqueue_dma source(%dma_start3A_257 : memref<640xf32, #tpu.memory_space<hbm>>) target(%arg15 : memref<640xf32, #tpu.memory_space<vmem>>) target_semaphore(%run_scoped3A : memref<!tpu.dma_semaphore, #tpu.memory_space<semaphore_mem>>)
      %dma_wait3A_258 = tpu.memref_slice %arg5[%mul3A_0] : memref<10240xf32, #tpu.memory_space<hbm>> -> memref<640xf32, #tpu.memory_space<hbm>>
      %dma_wait3A_259 = tpu.memref_slice %arg5[%mul3A_0] : memref<10240xf32, #tpu.memory_space<hbm>> -> memref<640xf32, #tpu.memory_space<hbm>>
      tpu.wait_dma2 semaphore(%run_scoped3A : memref<!tpu.dma_semaphore, #tpu.memory_space<semaphore_mem>>) src(%dma_wait3A_259 : memref<640xf32, #tpu.memory_space<hbm>>) dst(%arg15 : memref<640xf32, #tpu.memory_space<vmem>>)
      tpu.yield
    }) : () -> ()
    "tpu.region"() ({
      %run_scoped3A = tpu.sem_alloc : memref<!tpu.dma_semaphore, #tpu.memory_space<semaphore_mem>>
      %dma_start3A_256 = tpu.memref_slice %arg6[%mul3A_0] : memref<10240xf32, #tpu.memory_space<hbm>> -> memref<640xf32, #tpu.memory_space<hbm>>
      %dma_start3A_257 = tpu.memref_slice %arg6[%mul3A_0] : memref<10240xf32, #tpu.memory_space<hbm>> -> memref<640xf32, #tpu.memory_space<hbm>>
      tpu.enqueue_dma source(%dma_start3A_257 : memref<640xf32, #tpu.memory_space<hbm>>) target(%arg16 : memref<640xf32, #tpu.memory_space<vmem>>) target_semaphore(%run_scoped3A : memref<!tpu.dma_semaphore, #tpu.memory_space<semaphore_mem>>)
      %dma_wait3A_258 = tpu.memref_slice %arg6[%mul3A_0] : memref<10240xf32, #tpu.memory_space<hbm>> -> memref<640xf32, #tpu.memory_space<hbm>>
      %dma_wait3A_259 = tpu.memref_slice %arg6[%mul3A_0] : memref<10240xf32, #tpu.memory_space<hbm>> -> memref<640xf32, #tpu.memory_space<hbm>>
      tpu.wait_dma2 semaphore(%run_scoped3A : memref<!tpu.dma_semaphore, #tpu.memory_space<semaphore_mem>>) src(%dma_wait3A_259 : memref<640xf32, #tpu.memory_space<hbm>>) dst(%arg16 : memref<640xf32, #tpu.memory_space<vmem>>)
      tpu.yield
    }) : () -> ()
    %scan3A_250 = arith.constant 0 : i32
    %scan3A_251 = arith.constant 0 : i32
    %scan3A_252 = arith.constant 40 : i32
    %scan3A_253 = arith.addi %scan3A_251, %scan3A_252 : i32
    %scan3A_254 = arith.constant 1 : i32
    scf.for %scan3A_256 = %scan3A_251 to %scan3A_253 step %scan3A_254  : i32 {
      %mul3A_257 = arith.constant 16 : i32
      %mul3A_258 = arith.muli %scan3A_256, %mul3A_257 : i32
      %get3A_259 = arith.index_cast %mul3A_258 : i32 to index
      %get3A_260 = tpu.vector_load %arg14[%get3A_259] {strides = array<i32>} : memref<640xf32, #tpu.memory_space<vmem>>, vector<16xf32>,
      %get3A_261 = arith.index_cast %mul3A_258 : i32 to index
      %get3A_262 = tpu.vector_load %arg15[%get3A_261] {strides = array<i32>} : memref<640xf32, #tpu.memory_space<vmem>>, vector<16xf32>,
      %mul3A_263 = arith.mulf %get3A_260, %get3A_262 : vector<16xf32>
      %get3A_264 = arith.index_cast %mul3A_258 : i32 to index
      %get3A_265 = tpu.vector_load %arg16[%get3A_264] {strides = array<i32>} : memref<640xf32, #tpu.memory_space<vmem>>, vector<16xf32>,
      %add3A = arith.addf %mul3A_263, %get3A_265 : vector<16xf32>
      %swap3A_266 = arith.index_cast %mul3A_258 : i32 to index
      %swap3A_267 = tpu.vector_load %arg17[%swap3A_266] {strides = array<i32>} : memref<640xf32, #tpu.memory_space<vmem>>, vector<16xf32>,
      tpu.vector_store %arg17[%swap3A_266], %add3A {strides = array<i32>} : memref<640xf32, #tpu.memory_space<vmem>>, vector<16xf32>,
    }
    %scan3A_255 = arith.constant 40 : i32
    "tpu.region"() ({
      %run_scoped3A = tpu.sem_alloc : memref<!tpu.dma_semaphore, #tpu.memory_space<semaphore_mem>>
      %dma_start3A_256 = tpu.memref_slice %arg7[%mul3A_0] : memref<10240xf32, #tpu.memory_space<hbm>> -> memref<640xf32, #tpu.memory_space<hbm>>
      %dma_start3A_257 = tpu.memref_slice %arg7[%mul3A_0] : memref<10240xf32, #tpu.memory_space<hbm>> -> memref<640xf32, #tpu.memory_space<hbm>>
      tpu.enqueue_dma source(%arg17 : memref<640xf32, #tpu.memory_space<vmem>>) target(%dma_start3A_257 : memref<640xf32, #tpu.memory_space<hbm>>) target_semaphore(%run_scoped3A : memref<!tpu.dma_semaphore, #tpu.memory_space<semaphore_mem>>)
      %dma_wait3A_258 = tpu.memref_slice %arg7[%mul3A_0] : memref<10240xf32, #tpu.memory_space<hbm>> -> memref<640xf32, #tpu.memory_space<hbm>>
      %dma_wait3A_259 = tpu.memref_slice %arg7[%mul3A_0] : memref<10240xf32, #tpu.memory_space<hbm>> -> memref<640xf32, #tpu.memory_space<hbm>>
      tpu.wait_dma2 semaphore(%run_scoped3A : memref<!tpu.dma_semaphore, #tpu.memory_space<semaphore_mem>>) src(%arg17 : memref<640xf32, #tpu.memory_space<vmem>>) dst(%dma_wait3A_259 : memref<640xf32, #tpu.memory_space<hbm>>)
      tpu.yield
    }) : () -> ()
    return
  }
}

module attributes {stable_mosaic.version = 14 : i64} {
  func.func @_dense1_body(%arg0: i32, %arg1: memref<256x128xf32, #tpu.memory_space<vmem>>, %arg2: memref<256x1xi32, #tpu.memory_space<vmem>>, %arg3: memref<50x16xf32, #tpu.memory_space<vmem>>, %arg4: memref<144x128xf32, #tpu.memory_space<vmem>>, %arg5: memref<144x128xf32, #tpu.memory_space<vmem>>, %arg6: memref<1x128xf32, #tpu.memory_space<vmem>>, %arg7: memref<256x128xf32, #tpu.memory_space<vmem>>, %arg8: memref<256x128xf32, #tpu.memory_space<vmem>>) attributes {dimension_semantics = [#tpu.dimension_semantics<arbitrary>], iteration_bounds = array<i64: 40>, scalar_prefetch = 0 : i64, scratch_operands = 0 : i64, tpu.core_type = #tpu.core_type<tc>, window_params = [{transform_indices = @transform_0, window_bounds = array<i64: 256, 128>}, {transform_indices = @transform_1, window_bounds = array<i64: 256, 1>}, {pipeline_mode = #tpu.pipeline_mode<synchronous>, transform_indices = @transform_2, window_bounds = array<i64: 50, 16>}, {pipeline_mode = #tpu.pipeline_mode<synchronous>, transform_indices = @transform_3, window_bounds = array<i64: 144, 128>}, {pipeline_mode = #tpu.pipeline_mode<synchronous>, transform_indices = @transform_4, window_bounds = array<i64: 144, 128>}, {pipeline_mode = #tpu.pipeline_mode<synchronous>, transform_indices = @transform_5, window_bounds = array<i64: 1, 128>}, {transform_indices = @transform_6, window_bounds = array<i64: 256, 128>}, {transform_indices = @transform_7, window_bounds = array<i64: 256, 128>}]} {
    %get3A = arith.constant 0 : index
    %get3A_0 = arith.constant 0 : index
    %get3A_1 = vector.load %arg1[%get3A, %get3A_0] : memref<256x128xf32, #tpu.memory_space<vmem>>, vector<256x128xf32>
    %get3A_2 = arith.constant 0 : index
    %get3A_3 = arith.constant 0 : index
    %get3A_4 = vector.load %arg2[%get3A_2, %get3A_3] : memref<256x1xi32, #tpu.memory_space<vmem>>, vector<256x1xi32>
    %iota3A = tpu.iota {dimensions = array<i32: 1>} : vector<256x50xi32>
    %eq3A = vector.broadcast %get3A_4 : vector<256x1xi32> to vector<256x50xi32>
    %eq3A_5 = arith.cmpi eq, %eq3A, %iota3A : vector<256x50xi32>
    %convert_element_type3A = arith.extui %eq3A_5 : vector<256x50xi1> to vector<256x50xi32>
    %convert_element_type3A_6 = arith.sitofp %convert_element_type3A : vector<256x50xi32> to vector<256x50xf32>
    %get3A_7 = arith.constant 0 : index
    %get3A_8 = arith.constant 0 : index
    %get3A_9 = vector.load %arg3[%get3A_7, %get3A_8] : memref<50x16xf32, #tpu.memory_space<vmem>>, vector<50x16xf32>
    %dot_general3A = arith.constant dense<0.000000e+00> : vector<256x16xf32>
    %dot_general3A_10 = tpu.matmul %convert_element_type3A_6, %get3A_9, %dot_general3A {dimension_numbers = #tpu.dot_dimension_numbers<[1], [0], [0], [1], [0, 0, 1, 1], [], []>, transpose_lhs_hint = false} : vector<256x50xf32>, vector<50x16xf32>, vector<256x16xf32> -> vector<256x16xf32>
    %get3A_11 = arith.constant 0 : index
    %get3A_12 = arith.constant 0 : index
    %get3A_13 = vector.load %arg4[%get3A_11, %get3A_12] : memref<144x128xf32, #tpu.memory_space<vmem>>, vector<144x128xf32>
    %get3A_14 = arith.constant 0 : index
    %get3A_15 = arith.constant 0 : index
    %get3A_16 = vector.load %arg5[%get3A_14, %get3A_15] : memref<144x128xf32, #tpu.memory_space<vmem>>, vector<144x128xf32>
    %slice3A = vector.extract_strided_slice %get3A_13 {offsets = [0, 0], sizes = [128, 128], strides = [1, 1]} : vector<144x128xf32> to vector<128x128xf32>
    %dot_general3A_17 = arith.constant dense<0.000000e+00> : vector<256x128xf32>
    %dot_general3A_18 = tpu.matmul %get3A_1, %slice3A, %dot_general3A_17 {dimension_numbers = #tpu.dot_dimension_numbers<[1], [0], [0], [1], [0, 0, 1, 1], [], []>, transpose_lhs_hint = false} : vector<256x128xf32>, vector<128x128xf32>, vector<256x128xf32> -> vector<256x128xf32>
    %slice3A_19 = vector.extract_strided_slice %get3A_13 {offsets = [128, 0], sizes = [16, 128], strides = [1, 1]} : vector<144x128xf32> to vector<16x128xf32>
    %dot_general3A_20 = arith.constant dense<0.000000e+00> : vector<256x128xf32>
    %dot_general3A_21 = tpu.matmul %dot_general3A_10, %slice3A_19, %dot_general3A_20 {dimension_numbers = #tpu.dot_dimension_numbers<[1], [0], [0], [1], [0, 0, 1, 1], [], []>, transpose_lhs_hint = false} : vector<256x16xf32>, vector<16x128xf32>, vector<256x128xf32> -> vector<256x128xf32>
    %add3A = arith.addf %dot_general3A_18, %dot_general3A_21 : vector<256x128xf32>
    %slice3A_22 = vector.extract_strided_slice %get3A_16 {offsets = [0, 0], sizes = [128, 128], strides = [1, 1]} : vector<144x128xf32> to vector<128x128xf32>
    %dot_general3A_23 = arith.constant dense<0.000000e+00> : vector<256x128xf32>
    %dot_general3A_24 = tpu.matmul %get3A_1, %slice3A_22, %dot_general3A_23 {dimension_numbers = #tpu.dot_dimension_numbers<[1], [0], [0], [1], [0, 0, 1, 1], [], []>, transpose_lhs_hint = false} : vector<256x128xf32>, vector<128x128xf32>, vector<256x128xf32> -> vector<256x128xf32>
    %slice3A_25 = vector.extract_strided_slice %get3A_16 {offsets = [128, 0], sizes = [16, 128], strides = [1, 1]} : vector<144x128xf32> to vector<16x128xf32>
    %dot_general3A_26 = arith.constant dense<0.000000e+00> : vector<256x128xf32>
    %dot_general3A_27 = tpu.matmul %dot_general3A_10, %slice3A_25, %dot_general3A_26 {dimension_numbers = #tpu.dot_dimension_numbers<[1], [0], [0], [1], [0, 0, 1, 1], [], []>, transpose_lhs_hint = false} : vector<256x16xf32>, vector<16x128xf32>, vector<256x128xf32> -> vector<256x128xf32>
    %add3A_28 = arith.addf %dot_general3A_24, %dot_general3A_27 : vector<256x128xf32>
    %get3A_29 = arith.constant 0 : index
    %get3A_30 = arith.constant 0 : index
    %get3A_31 = vector.load %arg6[%get3A_29, %get3A_30] : memref<1x128xf32, #tpu.memory_space<vmem>>, vector<1x128xf32>
    %add3A_32 = vector.broadcast %get3A_31 : vector<1x128xf32> to vector<256x128xf32>
    %add3A_33 = arith.addf %add3A_28, %add3A_32 : vector<256x128xf32>
    %swap3A = arith.constant 0 : index
    %swap3A_34 = arith.constant 0 : index
    %swap3A_35 = vector.load %arg7[%swap3A, %swap3A_34] : memref<256x128xf32, #tpu.memory_space<vmem>>, vector<256x128xf32>
    tpu.vector_store %arg7[%swap3A, %swap3A_34], %add3A {strides = array<i32>} : memref<256x128xf32, #tpu.memory_space<vmem>>, vector<256x128xf32>,
    %swap3A_36 = arith.constant 0 : index
    %swap3A_37 = arith.constant 0 : index
    %swap3A_38 = vector.load %arg8[%swap3A_36, %swap3A_37] : memref<256x128xf32, #tpu.memory_space<vmem>>, vector<256x128xf32>
    tpu.vector_store %arg8[%swap3A_36, %swap3A_37], %add3A_33 {strides = array<i32>} : memref<256x128xf32, #tpu.memory_space<vmem>>, vector<256x128xf32>,
    return
  }
  func.func @transform_0(%arg0: i32) -> (i32, i32) {
    %c0_i32 = arith.constant 0 : i32
    %c0_i32_0 = arith.constant 0 : i32
    return %arg0, %c0_i32 : i32, i32
  }
  func.func @transform_1(%arg0: i32) -> (i32, i32) {
    %c0_i32 = arith.constant 0 : i32
    %c0_i32_0 = arith.constant 0 : i32
    return %arg0, %c0_i32 : i32, i32
  }
  func.func @transform_2(%arg0: i32) -> (i32, i32) {
    %c0_i32 = arith.constant 0 : i32
    %c0_i32_0 = arith.constant 0 : i32
    %c0_i32_1 = arith.constant 0 : i32
    return %c0_i32, %c0_i32_0 : i32, i32
  }
  func.func @transform_3(%arg0: i32) -> (i32, i32) {
    %c0_i32 = arith.constant 0 : i32
    %c0_i32_0 = arith.constant 0 : i32
    %c0_i32_1 = arith.constant 0 : i32
    return %c0_i32, %c0_i32_0 : i32, i32
  }
  func.func @transform_4(%arg0: i32) -> (i32, i32) {
    %c0_i32 = arith.constant 0 : i32
    %c0_i32_0 = arith.constant 0 : i32
    %c0_i32_1 = arith.constant 0 : i32
    return %c0_i32, %c0_i32_0 : i32, i32
  }
  func.func @transform_5(%arg0: i32) -> (i32, i32) {
    %c0_i32 = arith.constant 0 : i32
    %c0_i32_0 = arith.constant 0 : i32
    %c0_i32_1 = arith.constant 0 : i32
    return %c0_i32, %c0_i32_0 : i32, i32
  }
  func.func @transform_6(%arg0: i32) -> (i32, i32) {
    %c0_i32 = arith.constant 0 : i32
    %c0_i32_0 = arith.constant 0 : i32
    return %arg0, %c0_i32 : i32, i32
  }
  func.func @transform_7(%arg0: i32) -> (i32, i32) {
    %c0_i32 = arith.constant 0 : i32
    %c0_i32_0 = arith.constant 0 : i32
    return %arg0, %c0_i32 : i32, i32
  }
}

module attributes {stable_mosaic.version = 14 : i64} {
  func.func @_dense2_body(%arg0: i32, %arg1: memref<256x128xf32, #tpu.memory_space<vmem>>, %arg2: memref<256x128xf32, #tpu.memory_space<vmem>>, %arg3: memref<256x1xf32, #tpu.memory_space<vmem>>, %arg4: memref<256x1xf32, #tpu.memory_space<vmem>>, %arg5: memref<256x128xf32, #tpu.memory_space<vmem>>, %arg6: memref<1x128xf32, #tpu.memory_space<vmem>>, %arg7: memref<1x128xf32, #tpu.memory_space<vmem>>, %arg8: memref<1x1xf32, #tpu.memory_space<vmem>>, %arg9: memref<256x1xf32, #tpu.memory_space<vmem>>, %arg10: memref<256x1xf32, #tpu.memory_space<vmem>>, %arg11: memref<256x1xf32, #tpu.memory_space<vmem>>) attributes {dimension_semantics = [#tpu.dimension_semantics<arbitrary>], iteration_bounds = array<i64: 40>, scalar_prefetch = 0 : i64, scratch_operands = 0 : i64, tpu.core_type = #tpu.core_type<tc>, window_params = [{transform_indices = @transform_0, window_bounds = array<i64: 256, 128>}, {transform_indices = @transform_1, window_bounds = array<i64: 256, 128>}, {transform_indices = @transform_2, window_bounds = array<i64: 256, 1>}, {transform_indices = @transform_3, window_bounds = array<i64: 256, 1>}, {transform_indices = @transform_4, window_bounds = array<i64: 256, 128>}, {pipeline_mode = #tpu.pipeline_mode<synchronous>, transform_indices = @transform_5, window_bounds = array<i64: 1, 128>}, {pipeline_mode = #tpu.pipeline_mode<synchronous>, transform_indices = @transform_6, window_bounds = array<i64: 1, 128>}, {pipeline_mode = #tpu.pipeline_mode<synchronous>, transform_indices = @transform_7, window_bounds = array<i64: 1, 1>}, {transform_indices = @transform_8, window_bounds = array<i64: 256, 1>}, {transform_indices = @transform_9, window_bounds = array<i64: 256, 1>}, {transform_indices = @transform_10, window_bounds = array<i64: 256, 1>}]} {
    %get3A = arith.constant 0 : index
    %get3A_0 = arith.constant 0 : index
    %get3A_1 = vector.load %arg3[%get3A, %get3A_0] : memref<256x1xf32, #tpu.memory_space<vmem>>, vector<256x1xf32>
    %get3A_2 = arith.constant 0 : index
    %get3A_3 = arith.constant 0 : index
    %get3A_4 = vector.load %arg4[%get3A_2, %get3A_3] : memref<256x1xf32, #tpu.memory_space<vmem>>, vector<256x1xf32>
    %add3A = arith.addf %get3A_1, %get3A_4 : vector<256x1xf32>
    %max3A = arith.constant 1.000000e+00 : f32
    %max3A_5 = vector.broadcast %max3A : f32 to vector<256x1xf32>
    %max3A_6 = arith.maximumf %add3A, %max3A_5 : vector<256x1xf32>
    %div3A = arith.constant 1.000000e+00 : f32
    %div3A_7 = vector.broadcast %div3A : f32 to vector<256x1xf32>
    %div3A_8 = arith.divf %div3A_7, %max3A_6 : vector<256x1xf32>
    %get3A_9 = arith.constant 0 : index
    %get3A_10 = arith.constant 0 : index
    %get3A_11 = vector.load %arg1[%get3A_9, %get3A_10] : memref<256x128xf32, #tpu.memory_space<vmem>>, vector<256x128xf32>
    %get3A_12 = arith.constant 0 : index
    %get3A_13 = arith.constant 0 : index
    %get3A_14 = vector.load %arg2[%get3A_12, %get3A_13] : memref<256x128xf32, #tpu.memory_space<vmem>>, vector<256x128xf32>
    %add3A_15 = arith.addf %get3A_11, %get3A_14 : vector<256x128xf32>
    %mul3A = vector.broadcast %div3A_8 : vector<256x1xf32> to vector<256x128xf32>
    %mul3A_16 = arith.mulf %add3A_15, %mul3A : vector<256x128xf32>
    %get3A_17 = arith.constant 0 : index
    %get3A_18 = arith.constant 0 : index
    %get3A_19 = vector.load %arg5[%get3A_17, %get3A_18] : memref<256x128xf32, #tpu.memory_space<vmem>>, vector<256x128xf32>
    %add3A_20 = arith.addf %mul3A_16, %get3A_19 : vector<256x128xf32>
    %max3A_21 = arith.constant 0.000000e+00 : f32
    %max3A_22 = vector.broadcast %max3A_21 : f32 to vector<256x128xf32>
    %max3A_23 = arith.maximumf %add3A_20, %max3A_22 : vector<256x128xf32>
    %get3A_24 = arith.constant 0 : index
    %get3A_25 = arith.constant 0 : index
    %get3A_26 = vector.load %arg6[%get3A_24, %get3A_25] : memref<1x128xf32, #tpu.memory_space<vmem>>, vector<1x128xf32>
    %mul3A_27 = vector.broadcast %get3A_26 : vector<1x128xf32> to vector<256x128xf32>
    %mul3A_28 = arith.mulf %max3A_23, %mul3A_27 : vector<256x128xf32>
    %reduce_sum3A = arith.constant dense<0.000000e+00> : vector<256xf32>
    %reduce_sum3A_29 = vector.multi_reduction <add>, %mul3A_28, %reduce_sum3A [1] : vector<256x128xf32> to vector<256xf32>
    %broadcast_in_dim3A = vector.shape_cast %reduce_sum3A_29 : vector<256xf32> to vector<256x1xf32>
    %swap3A = arith.constant 0 : index
    %swap3A_30 = arith.constant 0 : index
    %swap3A_31 = vector.load %arg9[%swap3A, %swap3A_30] : memref<256x1xf32, #tpu.memory_space<vmem>>, vector<256x1xf32>
    tpu.vector_store %arg9[%swap3A, %swap3A_30], %broadcast_in_dim3A {strides = array<i32>} : memref<256x1xf32, #tpu.memory_space<vmem>>, vector<256x1xf32>,
    %get3A_32 = arith.constant 0 : index
    %get3A_33 = arith.constant 0 : index
    %get3A_34 = vector.load %arg7[%get3A_32, %get3A_33] : memref<1x128xf32, #tpu.memory_space<vmem>>, vector<1x128xf32>
    %mul3A_35 = vector.broadcast %get3A_34 : vector<1x128xf32> to vector<256x128xf32>
    %mul3A_36 = arith.mulf %max3A_23, %mul3A_35 : vector<256x128xf32>
    %reduce_sum3A_37 = arith.constant dense<0.000000e+00> : vector<256xf32>
    %reduce_sum3A_38 = vector.multi_reduction <add>, %mul3A_36, %reduce_sum3A_37 [1] : vector<256x128xf32> to vector<256xf32>
    %broadcast_in_dim3A_39 = vector.shape_cast %reduce_sum3A_38 : vector<256xf32> to vector<256x1xf32>
    %get3A_40 = arith.constant 0 : index
    %get3A_41 = arith.constant 0 : index
    %get3A_42 = vector.load %arg8[%get3A_40, %get3A_41] : memref<1x1xf32, #tpu.memory_space<vmem>>, vector<1x1xf32>
    %add3A_43 = vector.broadcast %get3A_42 : vector<1x1xf32> to vector<256x1xf32>
    %add3A_44 = arith.addf %broadcast_in_dim3A_39, %add3A_43 : vector<256x1xf32>
    %swap3A_45 = arith.constant 0 : index
    %swap3A_46 = arith.constant 0 : index
    %swap3A_47 = vector.load %arg10[%swap3A_45, %swap3A_46] : memref<256x1xf32, #tpu.memory_space<vmem>>, vector<256x1xf32>
    tpu.vector_store %arg10[%swap3A_45, %swap3A_46], %add3A_44 {strides = array<i32>} : memref<256x1xf32, #tpu.memory_space<vmem>>, vector<256x1xf32>,
    %swap3A_48 = arith.constant 0 : index
    %swap3A_49 = arith.constant 0 : index
    %swap3A_50 = vector.load %arg11[%swap3A_48, %swap3A_49] : memref<256x1xf32, #tpu.memory_space<vmem>>, vector<256x1xf32>
    tpu.vector_store %arg11[%swap3A_48, %swap3A_49], %div3A_8 {strides = array<i32>} : memref<256x1xf32, #tpu.memory_space<vmem>>, vector<256x1xf32>,
    return
  }
  func.func @transform_0(%arg0: i32) -> (i32, i32) {
    %c0_i32 = arith.constant 0 : i32
    %c0_i32_0 = arith.constant 0 : i32
    return %arg0, %c0_i32 : i32, i32
  }
  func.func @transform_1(%arg0: i32) -> (i32, i32) {
    %c0_i32 = arith.constant 0 : i32
    %c0_i32_0 = arith.constant 0 : i32
    return %arg0, %c0_i32 : i32, i32
  }
  func.func @transform_2(%arg0: i32) -> (i32, i32) {
    %c0_i32 = arith.constant 0 : i32
    %c0_i32_0 = arith.constant 0 : i32
    return %arg0, %c0_i32 : i32, i32
  }
  func.func @transform_3(%arg0: i32) -> (i32, i32) {
    %c0_i32 = arith.constant 0 : i32
    %c0_i32_0 = arith.constant 0 : i32
    return %arg0, %c0_i32 : i32, i32
  }
  func.func @transform_4(%arg0: i32) -> (i32, i32) {
    %c0_i32 = arith.constant 0 : i32
    %c0_i32_0 = arith.constant 0 : i32
    return %arg0, %c0_i32 : i32, i32
  }
  func.func @transform_5(%arg0: i32) -> (i32, i32) {
    %c0_i32 = arith.constant 0 : i32
    %c0_i32_0 = arith.constant 0 : i32
    %c0_i32_1 = arith.constant 0 : i32
    return %c0_i32, %c0_i32_0 : i32, i32
  }
  func.func @transform_6(%arg0: i32) -> (i32, i32) {
    %c0_i32 = arith.constant 0 : i32
    %c0_i32_0 = arith.constant 0 : i32
    %c0_i32_1 = arith.constant 0 : i32
    return %c0_i32, %c0_i32_0 : i32, i32
  }
  func.func @transform_7(%arg0: i32) -> (i32, i32) {
    %c0_i32 = arith.constant 0 : i32
    %c0_i32_0 = arith.constant 0 : i32
    %c0_i32_1 = arith.constant 0 : i32
    return %c0_i32, %c0_i32_0 : i32, i32
  }
  func.func @transform_8(%arg0: i32) -> (i32, i32) {
    %c0_i32 = arith.constant 0 : i32
    %c0_i32_0 = arith.constant 0 : i32
    return %arg0, %c0_i32 : i32, i32
  }
  func.func @transform_9(%arg0: i32) -> (i32, i32) {
    %c0_i32 = arith.constant 0 : i32
    %c0_i32_0 = arith.constant 0 : i32
    return %arg0, %c0_i32 : i32, i32
  }
  func.func @transform_10(%arg0: i32) -> (i32, i32) {
    %c0_i32 = arith.constant 0 : i32
    %c0_i32_0 = arith.constant 0 : i32
    return %arg0, %c0_i32 : i32, i32
  }
}

</mosaic_0001>

<sc_bundles>
// kernel: kernel.6.cloned.1.call-start
scs
__scs_entry_jumppad:
0x0: {  	(pc) =	sbr.rel $0x88, $3  }
0x1: {  	(tag) =	ssettag $0x0;
	lr =	simm.s32 $0x1  }
0x2: {  	[smem:$0x3F97] =	sst lr;
	_ =	strace $0xD0000000  }
0x3: {  	_ = 	snop  }
0x4: {  	_ = 	snop  }
0x5: {  	_ = 	snop  }
0x6: {  	_ = 	snop  }
0x7: {  	_ = 	snop  }
__scs_overlays_trampoline_lowered:
0x8: {  	[smem:$0x3FA6] =	sst s0  }
0x9: {  	[smem:$0x3FA7] =	sst s1  }
0xa: {  	[smem:$0x3FA8] =	sst s2  }
0xb: {  	[smem:$0x3FA9] =	sst s3  }
0xc: {  	[smem:$0x3FAA] =	sst s4  }
0xd: {  	[smem:$0x3FAB] =	sst s5  }
0xe: {  	[smem:$0x3FAC] =	sst s6  }
0xf: {  	[smem:$0x3FAD] =	sst s7  }
0x10: {  	[smem:$0x3FAE] =	sst s8  }
0x11: {  	[smem:$0x3FAF] =	sst s9;
	s0 =	simm.s32 @!p0 $0x0  }
0x12: {  	s1 =	sld [smem:$0x3F95];
	s0 =	simm.s32 @p0 $0x1  }
0x13: {  	[smem:$0x3FB0] =	sst s0;
	s0 =	simm.s32 @!p1 $0x0  }
0x14: {  	s2 =	sld [smem:$0x3F94];
	s0 =	simm.s32 @p1 $0x1  }
0x15: {  	[smem:$0x3FB1] =	sst s0;
	s0 =	simm.s32 @!p2 $0x0  }
0x16: {  	s3 =	sld [smem:$0x3FDB];
	s0 =	simm.s32 @p2 $0x1  }
0x17: {  	s4 =	simm.s32 $0x1BF5;
	[smem:$0x3FB3] =	sst s0  }
0x18: {  	s0 =	sld [smem:$0x3F96];
	_ =	swait.ge [sflag:s4], $0x0  }
0x19: {  	s7 =	sld [smem:$0x3F97]  }
0x1a: {  	s8 =	sadd.s32 $0xFFFFE003, lr  }
0x1b: {  	s9 =	sadd.s32 $0xFFFFFEF7, lr;
	s5 =	simm.s32 $0xFFFFFFFF;
	p2 =	slt.u32 s8, $0xFFFFF086  }
0x1c: {  	p1 =	slt.u32 s9, $0xF7A;
	s5 =	simm.s32 @!p2 $0x0  }
0x1d: {  	s5 =	simm.s32 @p1 $0x1;
	p0 =	seq.s32 s7, s2  }
0x1e: {  	s7 =	smul.u32 @!p0 $0xF7A, s2;
	p2 =	seq.s32 @!p0 s5, $0x0  }
0x1f: {  	s9 =	smul.u32 $0xF7A, s1;
	s8 =	simm.s32 @!p0 $0x1BF5;
	p2 =	por !p2, p0  }
0x20: {  	[sflag:s8] =	ssyncset.s32 @!p0 $0xFFFFF086;
	s6 =	sadd.s32 @!p0 s3, s7;
	s7 =	simm.s32 @!p0 $0x108  }
0x21: {  	s3 =	sadd.s32 s3, s9;
	s6 =	sadd.s32 @!p0 $0x88, s6;
	s7 =	simm.s32 @p2 $0x1082  }
0x22: {  	[simem:s7], [sflag:s8] =	dma.local @!p0 [hbm:s6], $0xF7A  }
0x23: {  	s9 =	sor.u32 $0xD0000000, s2;
	s6 =	simm.s32 $0x108;
	_ =	swait.ge @!p0 [sflag:s8], $0x0  }
0x24: {  	s3 =	sadd.s32 $0x88, s3;
	s6 =	simm.s32 @!p1 $0x1082;
	[sflag:s4] =	ssyncset.s32 $0xFFFFF086  }
0x25: {  	[simem:s6], [sflag:s4] =	dma.local [hbm:s3], $0xF7A  }
0x26: {  	[smem:$0x3F97] =	sst s1;
	(tag) =	ssettag s2;
	_ =	strace s9  }
0x27: {  	s1 =	sld [smem:$0x3FA7]  }
0x28: {  	s2 =	sld [smem:$0x3FA8]  }
0x29: {  	s4 =	sld [smem:$0x3FAA]  }
0x2a: {  	p0 =	seq.s32 s5, $0x0;
	s5 =	sld [smem:$0x3FAB]  }
0x2b: {  	s6 =	sld [smem:$0x3FAC]  }
0x2c: {  	s7 =	sld [smem:$0x3FAD]  }
0x2d: {  	s3 =	simm.s32 $0x108;
	s8 =	sld [smem:$0x3FAE]  }
0x2e: {  	s3 =	simm.s32 @!p0 $0x1082;
	s9 =	sld [smem:$0x3FAF]  }
0x2f: {  	lr =	sadd.s32 s0, s3;
	s0 =	sld [smem:$0x3FA6]  }
0x30: {  	s3 =	sld [smem:$0x3FA9]  }
0x31: {  	[smem:$0x3FB2] =	sst s10  }
0x32: {  	s10 =	sld [smem:$0x3FB0];
	_ =	sdelay $0x3  }
0x33: {  	p0 =	seq.s32 s10, $0x1;
	s10 =	sld [smem:$0x3FB2];
	_ =	sdelay $0x3  }
0x34: {  	[smem:$0x3FB2] =	sst s10  }
0x35: {  	s10 =	sld [smem:$0x3FB1];
	_ =	sdelay $0x3  }
0x36: {  	p1 =	seq.s32 s10, $0x1;
	s10 =	sld [smem:$0x3FB2];
	_ =	sdelay $0x3  }
0x37: {  	[smem:$0x3FB2] =	sst s10  }
0x38: {  	s10 =	sld [smem:$0x3FB3]  }
0x39: {  	_ = 	snop;
	(pc) =	sbr.ind lr, $3  }
0x3a: {  	_ = 	snop  }
0x3b: {  	_ = 	snop  }
0x3c: {  	p2 =	seq.s32 s10, $0x1;
	s10 =	sld [smem:$0x3FB2]  }
0x3d: {  	_ =	shalt  }
0x3e: {  	_ =	shalt  }
0x3f: {  	_ =	shalt  }
0x40: {  	_ =	shalt  }
0x41: {  	_ =	shalt  }
0x42: {  	_ =	shalt  }
0x43: {  	_ =	shalt  }
0x44: {  	_ =	shalt  }
0x45: {  	_ =	shalt  }
0x46: {  	_ =	shalt  }
0x47: {  	_ =	shalt  }
0x48: {  	_ =	shalt  }
0x49: {  	_ =	shalt  }
0x4a: {  	_ =	shalt  }
0x4b: {  	_ =	shalt  }
0x4c: {  	_ =	shalt  }
0x4d: {  	_ =	shalt  }
0x4e: {  	_ =	shalt  }
0x4f: {  	_ =	shalt  }
0x50: {  	_ =	shalt  }
0x51: {  	_ =	shalt  }
0x52: {  	_ =	shalt  }
0x53: {  	_ =	shalt  }
0x54: {  	_ =	shalt  }
0x55: {  	_ =	shalt  }
0x56: {  	_ =	shalt  }
0x57: {  	_ =	shalt  }
0x58: {  	_ =	shalt  }
0x59: {  	_ =	shalt  }
0x5a: {  	_ =	shalt  }
0x5b: {  	_ =	shalt  }
0x5c: {  	_ =	shalt  }
0x5d: {  	_ =	shalt  }
0x5e: {  	_ =	shalt  }
0x5f: {  	_ =	shalt  }
0x60: {  	_ =	shalt  }
0x61: {  	_ =	shalt  }
0x62: {  	_ =	shalt  }
0x63: {  	_ =	shalt  }
0x64: {  	_ =	shalt  }
0x65: {  	_ =	shalt  }
0x66: {  	_ =	shalt  }
0x67: {  	_ =	shalt  }
0x68: {  	_ =	shalt  }
0x69: {  	_ =	shalt  }
0x6a: {  	_ =	shalt  }
0x6b: {  	_ =	shalt  }
0x6c: {  	_ =	shalt  }
0x6d: {  	_ =	shalt  }
0x6e: {  	_ =	shalt  }
0x6f: {  	_ =	shalt  }
0x70: {  	_ =	shalt  }
0x71: {  	_ =	shalt  }
0x72: {  	_ =	shalt  }
0x73: {  	_ =	shalt  }
0x74: {  	_ =	shalt  }
0x75: {  	_ =	shalt  }
0x76: {  	_ =	shalt  }
0x77: {  	_ =	shalt  }
0x78: {  	_ =	shalt  }
0x79: {  	_ =	shalt  }
0x7a: {  	_ =	shalt  }
0x7b: {  	_ =	shalt  }
0x7c: {  	_ =	shalt  }
0x7d: {  	_ =	shalt  }
0x7e: {  	_ =	shalt  }
0x7f: {  	_ =	shalt  }
0x80: {  	_ =	shalt  }
0x81: {  	_ =	shalt  }
0x82: {  	_ =	shalt  }
0x83: {  	_ =	shalt  }
0x84: {  	_ =	shalt  }
0x85: {  	_ =	shalt  }
0x86: {  	_ =	shalt  }
0x87: {  	_ =	shalt  }
.Lfunc_end0:
.L_simem_size_0:
called_computation_lowered:
.L_overlay_start_0:
0x88: {  	s2 =	sld [smem:$0x3FD9]  }
0x89: {  	s3 =	sld [smem:$0x3FFE];
	_ =	sdelay $0x1  }
0x8a: {  	s1 =	srdreg.scid  }
0x8b: {  	s0 =	sand.u32 $0x1, s1  }
0x8c: {  	s16 =	sshll.u32 s0, $0xA;
	s2 =	sadd.s32 s3, s2  }
0x8d: {  	s2 =	sadd.s32 s2, s16  }
0x8e: {  	[smem:$0x3FBE] =	sst s2  }
0x8f: {  	_ = 	snop  }
0x90: {  	(tm) =	ssettm $0x1  }
0x91: {  	s17 =	sld [smem:$0x3FFB];
	_ =	sdelay $0x3  }
0x92: {  	_ =	strace s17  }
0x93: {  	s2 =	sld [smem:$0x3FFC];
	_ =	sdelay $0x3  }
0x94: {  	_ =	strace s2  }
0x95: {  	s2 =	sld [smem:$0x3FFD];
	_ =	sdelay $0x3  }
0x96: {  	_ =	strace s2  }
0x97: {  	_ =	strace $0x8FFFFFFF  }
0x98: {  	s18 =	sld [smem:$0x3FDB];
	_ =	sdelay $0x1  }
0x99: {  	s19 =	simm.s32 $_scs_section_size  }
0x9a: {  	s4 =	simm.s32 $_size__tile_overlayer_lowered;
	s5 =	simm.s32 $_tile_overlayer_lowered  }
0x9b: {  	s22 =	simm.s32 $0x1BFF;
	s21 =	sshll.u32 s5, $0x1;
	s2 =	sadd.s32 s19, s18  }
0x9c: {  	s6 =	simm.s32 $0x0;
	s20 =	sshll.u32 s4, $0x1;
	s4 =	sadd.s32 s21, s2  }
0x9d: {  	[timem:s6], [sflag:s22] =	dma.local [hbm:s4], s20  }
0x9e: {  	_ =	swait.ge [sflag:s22], s20  }
0x9f: {  	s3 =	ssub.s32 $0x0, s20;
	[sflag:s22] =	ssyncset.done $0x0  }
0xa0: {  	[sflag:s22] =	ssyncadd.s32 s3;
	_ =	sdelay $0x1  }
0xa1: {  	s23 =	simm.s32 $0x1B8B  }
0xa2: {  	_ =	swait.ge [sflag:s23], $0x1  }
0xa3: {  	[sflag:s23] =	ssyncset.done $0x0  }
0xa4: {  	s25 =	simm.s32 $0x1B8E;
	s24 =	sld [smem:$0x3FFE];
	[sflag:s23] =	ssyncadd.s32 $0xFFFFFFFF  }
0xa5: {  	s26 =	simm.s32 $execute0_lowered;
	[smem:$0x3FD2] =	sst s25  }
0xa6: {  	s4 =	sshll.u32 s26, $0x1;
	_ =	strace $0x80000046;
	[dreg:$0x1] =	wrdreg $0xFFFFFFFF  }
0xa7: {  	s28 =	simm.s32 $_size_execute0_lowered;
	s2 =	sadd.s32 s2, s4;
	[dreg:$0x0] =	wrdreg $0x0  }
0xa8: {  	s4 =	sshll.u32 s28, $0x1;
	[dreg:$0x2] =	wrdreg s2  }
0xa9: {  	[dreg:$0x3] =	wrdreg s4  }
0xaa: {  	[dreg:$0x4] =	wrdreg $0xC0  }
0xab: {  	_ =	task [dreg:s6], $0x5FFFF  }
0xac: {  	[dreg:$0x1] =	wrdreg $0xFFFFFFFF  }
0xad: {  	[dreg:$0x0] =	wrdreg $0x60  }
0xae: {  	[dreg:$0x2] =	wrdreg s24  }
0xaf: {  	[dreg:$0x3] =	wrdreg $0xB2800  }
0xb0: {  	[dreg:$0x4] =	wrdreg $0x1F2800  }
0xb1: {  	[dreg:$0x5] =	wrdreg $0x9  }
0xb2: {  	_ =	task.clear_ibuf [dreg:s6], $0x6FFFF;
	_ =	strace $0x90000046  }
0xb3: {  	s29 =	simm.s32 $0x9;
	_ =	strace $0x80000048  }
0xb4: {  	_ =	swait.ge [sflag:s29], $0x1  }
0xb5: {  	[sflag:s29] =	ssyncadd.s32 $0xFFFFFFFF  }
0xb6: {  	_ =	strace $0x90000048  }
0xb7: {  	_ =	sfence  }
0xb8: {  	s30 =	sld [smem:$0x0];
	_ =	sdelay $0x2  }
0xb9: {  	s31 =	sshll.u32 s1, $0xD;
	s1 =	sshrl.u32 s1, $0x2  }
0xba: {  	s3 =	sand.u32 $0x4000, s31;
	s1 =	sadd.s32 s1, s30  }
0xbb: {  	s0 =	sor.u32 s3, s0;
	s1 =	sshll.u32 s1, $0x11  }
0xbc: {  	s0 =	sor.u32 s1, s0  }
0xbd: {  	s0 =	sadd.s32 $0x8F2B, s0  }
0xbe: {  	[sflag:s0] =	ssyncadd.remote.s32 $0x1  }
0xbf: {  	_ =	sfence.sel $0xFFFF  }
0xc0: {  	[dreg:$0x0] =	wrdreg $0xFFFFFFFF;
	(pc) =	sbr.abs _section_cstart, $3  }
0xc1: {  	[dreg:$0x1] =	wrdreg $0xFFFFFFFF  }
0xc2: {  	_ =	task.clear_ibuf [dreg:s6], $0x2FFFF;
	_ =	strace $0x9FFFFFFF  }
0xc3: {  	(tm) =	ssettm $0x7FFFFFFF  }
tec
execute0_lowered:
.L_overlay_start_1:
0x0: {  	(tag) =	ssettag $0x1  }
0x1: {  	s0 =	srdreg.scid  }
0x2: {  	s11 =	stileid.u32;
	s1 =	rddreg [dreg:$0x0]  }
0x3: {  	s2 =	rddreg [dreg:$0x1];
	s14 =	simm.s32 $0x5;
	s16 =	simm.s32 $0x40  }
0x4: {  	s17 =	simm.s32 $0x2800;
	s18 =	simm.s32 $0x2E80;
	s28 =	simm.s32 $0x2  }
0x5: {  	s29 =	simm.s32 $0x3;
	s30 =	simm.s32 $0x4;
	s8 =	smul.u32 $0x14000, s11  }
0x6: {  	s31 =	simm.s32 $0x400;
	s0 =	sand.u32 $0x1, s0;
	s19 =	smul.u32 $0x500, s11  }
0x7: {  	s3 =	sshll.u32 s11, $0x1;
	s5 =	sadd.s32 $0xB600, s1;
	s21 =	smul.u32 $0x50000, s11  }
0x8: {  	s9 =	sadd.s32 $0x5B800, s1;
	s10 =	sadd.s32 $0x5B600, s1;
	s23 =	smul.u32 $0xA00, s11  }
0x9: {  	s25 =	sshll.u32 s11, $0x6;
	s4 =	sor.u32 s0, s3;
	s3 =	rddreg [dreg:$0x2]  }
0xa: {  	s7 =	smul.u32 $0x140000, s0;
	s20 =	sshll.u32 s0, $0x7;
	s0 =	ssub.s32 $0x2, s0  }
0xb: {  	s6 =	smul.u32 $0x500, s4;
	s4 =	simm.s32 $0x0;
	s22 =	sshrl.u32 s0, $0x1  }
0xc: {  	s24 =	sshrl.u32 s21, $0x2;
	s26 =	sshrl.u32 s23, $0x2;
	s21 =	simm.s32 $0x2900  }
0xd: {  	s23 =	simm.s32 $0x2980;
	[smem:$0x7FF] =	sst s4;
	s7 =	sadd.s32 s8, s7  }
0xe: {  	s8 =	sor.u32 s20, s19;
	s0 =	ssub.s32 s0, s22;
	s13 =	sadd.s32 s24, s2  }
0xf: {  	s15 =	sadd.s32 s26, s3;
	s19 =	simm.s32 $0x2880;
	s20 =	simm.s32 $0x4E80  }
0x10: {  	s22 =	simm.s32 $0x6E80;
	s24 =	simm.s32 $0x8E80;
	s26 =	simm.s32 $0x2A00  }
0x11: {  	_ =	strace $0x80000047;
	s6 =	sadd.s32 s6, s1;
	[dreg:$0x4] =	wrdreg s9  }
0x12: {  	s7 =	sshrl.u32 s7, $0x3;
	[dreg:$0x5] =	wrdreg s10;
	s8 =	sshrl.u32 s8, $0x3  }
0x13: {  	s12 =	smax.u32 s0, $0x1;
	s13 =	sshrl.u32 s13, $0x3;
	s15 =	sshrl.u32 s15, $0x3  }
0x14: {  	s0 =	simm.s32 $0xAE80;
	s7 =	sadd.s32 s7, s1;
	s1 =	sadd.s32 s8, s1  }
0x15: {  	s8 =	sor.u32 $0x1C05, s25;
	s9 =	sadd.s32 $0x1600, s6;
	s25 =	simm.s32 $0x1  }
0x16: {  	v0 =	vimm.f32 $1.000000000e+00;
	s10 =	sadd.s32 $0x5E000, s7;
	s11 =	sadd.s32 $0xAE000, s1;
	s1 =	simm.s32 $0x2A80  }
.LBB2_1:
0x17: {  	s6 =	rddreg [dreg:$0x4]  }
0x18: {  	[spmem:s13], [sflag:s8] =	dma.local [hbm:s6], $0x2800  }
0x19: {  	_ =	swait.ge [sflag:s14], $0x2800  }
0x1a: {  	[sflag:s14] =	ssyncset.done $0x0  }
0x1b: {  	s7 =	rddreg [dreg:$0x5];
	[sflag:s14] =	ssyncadd.s32 $0xFFFFD800  }
0x1c: {  	[spmem:s15], [sflag:s8] =	dma.local [hbm:s7], $0x50  }
0x1d: {  	_ =	swait.ge [sflag:s14], $0x50  }
0x1e: {  	[sflag:s14] =	ssyncset.done $0x0  }
0x1f: {  	s6 =	simm.s32 $0x40;
	s7 =	simm.s32 $0x0;
	[sflag:s14] =	ssyncadd.s32 $0xFFFFFFB0  }
.LBB2_2:
0x20: {  	p0 =	sne.s32 s6, $0xFC0;
	[tilespmem:s7+$0xAE80] =	vst v0;
	s7 =	smov.u32 s6;
	s6 =	sadd.s32 $0x40, s6  }
.Ltmp0:
0x21: {  	(pc) =	sbr.rel @p0 .LBB2_2-.Ltmp0, $2  }
0x22: {  	_ =	sdelay $0x2  }
0x23: {  	s7 =	sshra.s32 s7, $0x2  }
0x24: {  	[tilespmem:s7+$0xAE80] =	vst v0;
	s6 =	simm.s32 $0x0  }
0x25: {  	[tilespmem:s6], [sflag:$0x5] =	stream.linear.gather [hbm4b:s9+s6], $0x2800, $0x38;
	[tilespmem:$0x1F500] =	vst v63  }
0x26: {  	_ =	swait.ge [sflag:s14], $0x2800  }
0x27: {  	[sflag:s14] =	ssyncset.done $0x0  }
0x28: {  	[sflag:s14] =	ssyncadd.s32 $0xFFFFD800  }
0x29: {  	[bflag:$0x0] =	sbarrier.arrive $0xFFFF  }
0x2a: {  	v1 =	vld [tilespmem:$0x0]  }
0x2b: {  	v2 =	vld [tilespmem:$0x10]  }
0x2c: {  	v3 =	vld [tilespmem:$0x20]  }
0x2d: {  	v4 =	vld [tilespmem:$0x30];
	_ =	sdelay $0x1  }
0x2e: {  	v1 =	vshrl.u32 v1, $0xE  }
0x2f: {  	[tilespmem:$0x2800] =	vst v1;
	v1 =	vshrl.u32 v2, $0xE  }
0x30: {  	[tilespmem:$0x2810] =	vst v1;
	v1 =	vshrl.u32 v3, $0xE  }
0x31: {  	[tilespmem:$0x2820] =	vst v1;
	v1 =	vshrl.u32 v4, $0xE  }
0x32: {  	[tilespmem:$0x2830] =	vst v1  }
0x33: {  	[tilespmem:s18], [sflag:$0x1] =	stream.indirect.gather [hbm4b:s5+s16], $0x80, s17, s16, $0xb8;
	[tilespmem:$0x1F500] =	vst v63  }
0x34: {  	v1 =	vld [tilespmem:$0x40]  }
0x35: {  	v2 =	vld [tilespmem:$0x50]  }
0x36: {  	v3 =	vld [tilespmem:$0x60]  }
0x37: {  	v61 =	vld [tilespmem:$0x70];
	_ =	sdelay $0x1  }
0x38: {  	v1 =	vshrl.u32 v1, $0xE  }
0x39: {  	[tilespmem:$0x2880] =	vst v1;
	v1 =	vshrl.u32 v2, $0xE  }
0x3a: {  	[tilespmem:$0x2890] =	vst v1;
	v1 =	vshrl.u32 v3, $0xE  }
0x3b: {  	[tilespmem:$0x28A0] =	vst v1;
	v1 =	vshrl.u32 v61, $0xE  }
0x3c: {  	[tilespmem:$0x28B0] =	vst v1  }
0x3d: {  	[tilespmem:s20], [sflag:$0x2] =	stream.indirect.gather [hbm4b:s5+s16], $0x80, s19, s16, $0xb8;
	[tilespmem:$0x1F500] =	vst v63  }
0x3e: {  	v1 =	vld [tilespmem:$0x80]  }
0x3f: {  	v2 =	vld [tilespmem:$0x90]  }
0x40: {  	v3 =	vld [tilespmem:$0xA0]  }
0x41: {  	v62 =	vld [tilespmem:$0xB0];
	_ =	sdelay $0x1  }
0x42: {  	v1 =	vshrl.u32 v1, $0xE  }
0x43: {  	[tilespmem:$0x2900] =	vst v1;
	v1 =	vshrl.u32 v2, $0xE  }
0x44: {  	[tilespmem:$0x2910] =	vst v1;
	v1 =	vshrl.u32 v3, $0xE  }
0x45: {  	[tilespmem:$0x2920] =	vst v1;
	v1 =	vshrl.u32 v62, $0xE  }
0x46: {  	[tilespmem:$0x2930] =	vst v1  }
0x47: {  	[tilespmem:s22], [sflag:$0x3] =	stream.indirect.gather [hbm4b:s5+s16], $0x80, s21, s16, $0xb8;
	[tilespmem:$0x1F500] =	vst v63  }
0x48: {  	v1 =	vld [tilespmem:$0xC0]  }
0x49: {  	v2 =	vld [tilespmem:$0xD0]  }
0x4a: {  	v3 =	vld [tilespmem:$0xE0]  }
0x4b: {  	v63 =	vld [tilespmem:$0xF0];
	_ =	sdelay $0x1  }
0x4c: {  	v1 =	vshrl.u32 v1, $0xE  }
0x4d: {  	[tilespmem:$0x2980] =	vst v1;
	v1 =	vshrl.u32 v2, $0xE  }
0x4e: {  	[tilespmem:$0x2990] =	vst v1;
	v1 =	vshrl.u32 v3, $0xE  }
0x4f: {  	[tilespmem:$0x29A0] =	vst v1;
	v1 =	vshrl.u32 v63, $0xE  }
0x50: {  	[tilespmem:$0x29B0] =	vst v1  }
0x51: {  	[tilespmem:s24], [sflag:$0x4] =	stream.indirect.gather [hbm4b:s5+s16], $0x80, s23, s16, $0xb8;
	[tilespmem:$0x1F500] =	vst v63  }
0x52: {  	_ =	swait.ge [sflag:s25], $0x2000  }
0x53: {  	[sflag:s25] =	ssyncset.done $0x0  }
0x54: {  	s7 =	simm.s32 $0x0;
	[sflag:s25] =	ssyncadd.s32 $0xFFFFE000  }
0x55: {  	v1 =	vld [tilespmem:s7+$0x0];
	_ =	sdelay $0x4  }
0x56: {  	v1 =	vand.u32 $0x3FFF, v1  }
0x57: {  	[tilespmem:$0x2A00] =	vst v1  }
0x58: {  	v1 =	vld [tilespmem:s7+$0x10];
	_ =	sdelay $0x4  }
0x59: {  	v1 =	vand.u32 $0x3FFF, v1  }
0x5a: {  	[tilespmem:$0x2A10] =	vst v1  }
0x5b: {  	v1 =	vld [tilespmem:s7+$0x20];
	_ =	sdelay $0x4  }
0x5c: {  	v1 =	vand.u32 $0x3FFF, v1  }
0x5d: {  	[tilespmem:$0x2A20] =	vst v1  }
0x5e: {  	v1 =	vld [tilespmem:s7+$0x30];
	_ =	sdelay $0x4  }
0x5f: {  	v1 =	vand.u32 $0x3FFF, v1  }
0x60: {  	[tilespmem:$0x2A30] =	vst v1  }
0x61: {  	[spmem:s2] =	stream.indirect.scatter.add.f32 [tilespmem:s18], [sflag:$0x5], $0x80, s26, s16, $0xb8;
	[tilespmem:$0x1F500] =	vst v63  }
0x62: {  	_ =	swait.ge [sflag:s14], $0x2000  }
0x63: {  	[sflag:s14] =	ssyncset.done $0x0  }
0x64: {  	[sflag:s14] =	ssyncadd.s32 $0xFFFFE000  }
0x65: {  	v1 =	vld [tilespmem:s7+$0x100];
	_ =	sdelay $0x4  }
0x66: {  	v1 =	vshrl.u32 v1, $0xE  }
0x67: {  	[tilespmem:$0x2800] =	vst v1  }
0x68: {  	v1 =	vld [tilespmem:s7+$0x110];
	_ =	sdelay $0x4  }
0x69: {  	v1 =	vshrl.u32 v1, $0xE  }
0x6a: {  	[tilespmem:$0x2810] =	vst v1  }
0x6b: {  	v1 =	vld [tilespmem:s7+$0x120];
	_ =	sdelay $0x4  }
0x6c: {  	v1 =	vshrl.u32 v1, $0xE  }
0x6d: {  	[tilespmem:$0x2820] =	vst v1  }
0x6e: {  	v1 =	vld [tilespmem:s7+$0x130];
	_ =	sdelay $0x4  }
0x6f: {  	v1 =	vshrl.u32 v1, $0xE  }
0x70: {  	[tilespmem:$0x2830] =	vst v1  }
0x71: {  	[tilespmem:s18], [sflag:$0x1] =	stream.indirect.gather [hbm4b:s5+s16], $0x80, s17, s16, $0xb8;
	[tilespmem:$0x1F500] =	vst v63  }
0x72: {  	_ =	swait.ge [sflag:s28], $0x2000  }
0x73: {  	[sflag:s28] =	ssyncset.done $0x0  }
0x74: {  	[sflag:s28] =	ssyncadd.s32 $0xFFFFE000  }
0x75: {  	v1 =	vld [tilespmem:s7+$0x40];
	_ =	sdelay $0x4  }
0x76: {  	v1 =	vand.u32 $0x3FFF, v1  }
0x77: {  	[tilespmem:$0x2A00] =	vst v1  }
0x78: {  	v1 =	vld [tilespmem:s7+$0x50];
	_ =	sdelay $0x4  }
0x79: {  	v1 =	vand.u32 $0x3FFF, v1  }
0x7a: {  	[tilespmem:$0x2A10] =	vst v1  }
0x7b: {  	v1 =	vld [tilespmem:s7+$0x60];
	_ =	sdelay $0x4  }
0x7c: {  	v1 =	vand.u32 $0x3FFF, v1  }
0x7d: {  	[tilespmem:$0x2A20] =	vst v1  }
0x7e: {  	v1 =	vld [tilespmem:s7+$0x70];
	_ =	sdelay $0x4  }
0x7f: {  	v1 =	vand.u32 $0x3FFF, v1  }
0x80: {  	[tilespmem:$0x2A30] =	vst v1  }
0x81: {  	[spmem:s2] =	stream.indirect.scatter.add.f32 [tilespmem:s20], [sflag:$0x5], $0x80, s26, s16, $0xb8;
	[tilespmem:$0x1F500] =	vst v63  }
0x82: {  	_ =	swait.ge [sflag:s14], $0x2000  }
0x83: {  	[sflag:s14] =	ssyncset.done $0x0  }
0x84: {  	[sflag:s14] =	ssyncadd.s32 $0xFFFFE000  }
0x85: {  	v1 =	vld [tilespmem:s7+$0x140];
	_ =	sdelay $0x4  }
0x86: {  	v1 =	vshrl.u32 v1, $0xE  }
0x87: {  	[tilespmem:$0x2880] =	vst v1  }
0x88: {  	v1 =	vld [tilespmem:s7+$0x150];
	_ =	sdelay $0x4  }
0x89: {  	v1 =	vshrl.u32 v1, $0xE  }
0x8a: {  	[tilespmem:$0x2890] =	vst v1  }
0x8b: {  	v1 =	vld [tilespmem:s7+$0x160];
	_ =	sdelay $0x4  }
0x8c: {  	v1 =	vshrl.u32 v1, $0xE  }
0x8d: {  	[tilespmem:$0x28A0] =	vst v1  }
0x8e: {  	v1 =	vld [tilespmem:s7+$0x170];
	_ =	sdelay $0x4  }
0x8f: {  	v1 =	vshrl.u32 v1, $0xE  }
0x90: {  	[tilespmem:$0x28B0] =	vst v1  }
0x91: {  	[tilespmem:s20], [sflag:$0x2] =	stream.indirect.gather [hbm4b:s5+s16], $0x80, s19, s16, $0xb8;
	[tilespmem:$0x1F500] =	vst v63  }
0x92: {  	_ =	swait.ge [sflag:s29], $0x2000  }
0x93: {  	[sflag:s29] =	ssyncset.done $0x0  }
0x94: {  	[sflag:s29] =	ssyncadd.s32 $0xFFFFE000  }
0x95: {  	v1 =	vld [tilespmem:s7+$0x80];
	_ =	sdelay $0x4  }
0x96: {  	v1 =	vand.u32 $0x3FFF, v1  }
0x97: {  	[tilespmem:$0x2A00] =	vst v1  }
0x98: {  	v1 =	vld [tilespmem:s7+$0x90];
	_ =	sdelay $0x4  }
0x99: {  	v1 =	vand.u32 $0x3FFF, v1  }
0x9a: {  	[tilespmem:$0x2A10] =	vst v1  }
0x9b: {  	v1 =	vld [tilespmem:s7+$0xA0];
	_ =	sdelay $0x4  }
0x9c: {  	v1 =	vand.u32 $0x3FFF, v1  }
0x9d: {  	[tilespmem:$0x2A20] =	vst v1  }
0x9e: {  	v1 =	vld [tilespmem:s7+$0xB0];
	_ =	sdelay $0x4  }
0x9f: {  	v1 =	vand.u32 $0x3FFF, v1  }
0xa0: {  	[tilespmem:$0x2A30] =	vst v1  }
0xa1: {  	[spmem:s2] =	stream.indirect.scatter.add.f32 [tilespmem:s22], [sflag:$0x5], $0x80, s26, s16, $0xb8;
	[tilespmem:$0x1F500] =	vst v63  }
0xa2: {  	_ =	swait.ge [sflag:s14], $0x2000  }
0xa3: {  	[sflag:s14] =	ssyncset.done $0x0  }
0xa4: {  	[sflag:s14] =	ssyncadd.s32 $0xFFFFE000  }
0xa5: {  	v1 =	vld [tilespmem:s7+$0x180];
	_ =	sdelay $0x4  }
0xa6: {  	v1 =	vshrl.u32 v1, $0xE  }
0xa7: {  	[tilespmem:$0x2900] =	vst v1  }
0xa8: {  	v1 =	vld [tilespmem:s7+$0x190];
	_ =	sdelay $0x4  }
0xa9: {  	v1 =	vshrl.u32 v1, $0xE  }
0xaa: {  	[tilespmem:$0x2910] =	vst v1  }
0xab: {  	v1 =	vld [tilespmem:s7+$0x1A0];
	_ =	sdelay $0x4  }
0xac: {  	v1 =	vshrl.u32 v1, $0xE  }
0xad: {  	[tilespmem:$0x2920] =	vst v1  }
0xae: {  	v1 =	vld [tilespmem:s7+$0x1B0];
	_ =	sdelay $0x4  }
0xaf: {  	v1 =	vshrl.u32 v1, $0xE  }
0xb0: {  	[tilespmem:$0x2930] =	vst v1  }
0xb1: {  	[tilespmem:s22], [sflag:$0x3] =	stream.indirect.gather [hbm4b:s5+s16], $0x80, s21, s16, $0xb8;
	[tilespmem:$0x1F500] =	vst v63  }
0xb2: {  	_ =	swait.ge [sflag:s30], $0x2000  }
0xb3: {  	[sflag:s30] =	ssyncset.done $0x0  }
0xb4: {  	[sflag:s30] =	ssyncadd.s32 $0xFFFFE000  }
0xb5: {  	v1 =	vld [tilespmem:s7+$0xC0];
	_ =	sdelay $0x4  }
0xb6: {  	v1 =	vand.u32 $0x3FFF, v1  }
0xb7: {  	[tilespmem:$0x2A00] =	vst v1  }
0xb8: {  	v1 =	vld [tilespmem:s7+$0xD0];
	_ =	sdelay $0x4  }
0xb9: {  	v1 =	vand.u32 $0x3FFF, v1  }
0xba: {  	[tilespmem:$0x2A10] =	vst v1  }
0xbb: {  	v1 =	vld [tilespmem:s7+$0xE0];
	_ =	sdelay $0x4  }
0xbc: {  	v1 =	vand.u32 $0x3FFF, v1  }
0xbd: {  	[tilespmem:$0x2A20] =	vst v1  }
0xbe: {  	v1 =	vld [tilespmem:s7+$0xF0];
	_ =	sdelay $0x4  }
0xbf: {  	v1 =	vand.u32 $0x3FFF, v1  }
0xc0: {  	[tilespmem:$0x2A30] =	vst v1  }
0xc1: {  	[spmem:s2] =	stream.indirect.scatter.add.f32 [tilespmem:s24], [sflag:$0x5], $0x80, s26, s16, $0xb8;
	[tilespmem:$0x1F500] =	vst v63  }
0xc2: {  	_ =	swait.ge [sflag:s14], $0x2000  }
0xc3: {  	[sflag:s14] =	ssyncset.done $0x0  }
0xc4: {  	[sflag:s14] =	ssyncadd.s32 $0xFFFFE000  }
0xc5: {  	v1 =	vld [tilespmem:s7+$0x1C0];
	_ =	sdelay $0x4  }
0xc6: {  	v1 =	vshrl.u32 v1, $0xE  }
0xc7: {  	[tilespmem:$0x2980] =	vst v1  }
0xc8: {  	v1 =	vld [tilespmem:s7+$0x1D0];
	_ =	sdelay $0x4  }
0xc9: {  	v1 =	vshrl.u32 v1, $0xE  }
0xca: {  	[tilespmem:$0x2990] =	vst v1  }
0xcb: {  	v1 =	vld [tilespmem:s7+$0x1E0];
	_ =	sdelay $0x4  }
0xcc: {  	v1 =	vshrl.u32 v1, $0xE  }
0xcd: {  	[tilespmem:$0x29A0] =	vst v1  }
0xce: {  	v1 =	vld [tilespmem:s7+$0x1F0];
	_ =	sdelay $0x4  }
0xcf: {  	v1 =	vshrl.u32 v1, $0xE  }
0xd0: {  	s6 =	simm.s32 $0x400;
	[tilespmem:$0x29B0] =	vst v1  }
.LBB2_4:
0xd1: {  	[tilespmem:s24], [sflag:$0x4] =	stream.indirect.gather [hbm4b:s5+s16], $0x80, s23, s16, $0xb8;
	[tilespmem:$0x1F500] =	vst v63  }
0xd2: {  	s7 =	smov.u32 s6  }
0xd3: {  	p0 =	sne.s32 s6, $0x9800;
	s6 =	sadd.s32 $0x400, s6;
	_ =	swait.ge [sflag:s25], $0x2000  }
0xd4: {  	[sflag:s25] =	ssyncset.done $0x0  }
0xd5: {  	s7 =	sshra.s32 s7, $0x2;
	[sflag:s25] =	ssyncadd.s32 $0xFFFFE000  }
0xd6: {  	v1 =	vld [tilespmem:s7+$0x0];
	_ =	sdelay $0x4  }
0xd7: {  	v1 =	vand.u32 $0x3FFF, v1  }
0xd8: {  	[tilespmem:$0x2A00] =	vst v1  }
0xd9: {  	v1 =	vld [tilespmem:s7+$0x10];
	_ =	sdelay $0x4  }
0xda: {  	v1 =	vand.u32 $0x3FFF, v1  }
0xdb: {  	[tilespmem:$0x2A10] =	vst v1  }
0xdc: {  	v1 =	vld [tilespmem:s7+$0x20];
	_ =	sdelay $0x4  }
0xdd: {  	v1 =	vand.u32 $0x3FFF, v1  }
0xde: {  	[tilespmem:$0x2A20] =	vst v1  }
0xdf: {  	v1 =	vld [tilespmem:s7+$0x30];
	_ =	sdelay $0x4  }
0xe0: {  	v1 =	vand.u32 $0x3FFF, v1  }
0xe1: {  	[tilespmem:$0x2A30] =	vst v1  }
0xe2: {  	[spmem:s2] =	stream.indirect.scatter.add.f32 [tilespmem:s18], [sflag:$0x5], $0x80, s26, s16, $0xb8;
	[tilespmem:$0x1F500] =	vst v63  }
0xe3: {  	_ =	swait.ge [sflag:s14], $0x2000  }
0xe4: {  	[sflag:s14] =	ssyncset.done $0x0  }
0xe5: {  	[sflag:s14] =	ssyncadd.s32 $0xFFFFE000  }
0xe6: {  	v1 =	vld [tilespmem:s7+$0x100];
	_ =	sdelay $0x4  }
0xe7: {  	v1 =	vshrl.u32 v1, $0xE  }
0xe8: {  	[tilespmem:$0x2800] =	vst v1  }
0xe9: {  	v1 =	vld [tilespmem:s7+$0x110];
	_ =	sdelay $0x4  }
0xea: {  	v1 =	vshrl.u32 v1, $0xE  }
0xeb: {  	[tilespmem:$0x2810] =	vst v1  }
0xec: {  	v1 =	vld [tilespmem:s7+$0x120];
	_ =	sdelay $0x4  }
0xed: {  	v1 =	vshrl.u32 v1, $0xE  }
0xee: {  	[tilespmem:$0x2820] =	vst v1  }
0xef: {  	v1 =	vld [tilespmem:s7+$0x130];
	_ =	sdelay $0x4  }
0xf0: {  	v1 =	vshrl.u32 v1, $0xE  }
0xf1: {  	[tilespmem:$0x2830] =	vst v1  }
0xf2: {  	[tilespmem:s18], [sflag:$0x1] =	stream.indirect.gather [hbm4b:s5+s16], $0x80, s17, s16, $0xb8;
	[tilespmem:$0x1F500] =	vst v63  }
0xf3: {  	_ =	swait.ge [sflag:s28], $0x2000  }
0xf4: {  	[sflag:s28] =	ssyncset.done $0x0  }
0xf5: {  	[sflag:s28] =	ssyncadd.s32 $0xFFFFE000  }
0xf6: {  	v1 =	vld [tilespmem:s7+$0x40];
	_ =	sdelay $0x4  }
0xf7: {  	v1 =	vand.u32 $0x3FFF, v1  }
0xf8: {  	[tilespmem:$0x2A00] =	vst v1  }
0xf9: {  	v1 =	vld [tilespmem:s7+$0x50];
	_ =	sdelay $0x4  }
0xfa: {  	v1 =	vand.u32 $0x3FFF, v1  }
0xfb: {  	[tilespmem:$0x2A10] =	vst v1  }
0xfc: {  	v1 =	vld [tilespmem:s7+$0x60];
	_ =	sdelay $0x4  }
0xfd: {  	v1 =	vand.u32 $0x3FFF, v1  }
0xfe: {  	[tilespmem:$0x2A20] =	vst v1  }
0xff: {  	v1 =	vld [tilespmem:s7+$0x70];
	_ =	sdelay $0x4  }
0x100: {  	v1 =	vand.u32 $0x3FFF, v1  }
0x101: {  	[tilespmem:$0x2A30] =	vst v1  }
0x102: {  	[spmem:s2] =	stream.indirect.scatter.add.f32 [tilespmem:s20], [sflag:$0x5], $0x80, s26, s16, $0xb8;
	[tilespmem:$0x1F500] =	vst v63  }
0x103: {  	_ =	swait.ge [sflag:s14], $0x2000  }
0x104: {  	[sflag:s14] =	ssyncset.done $0x0  }
0x105: {  	[sflag:s14] =	ssyncadd.s32 $0xFFFFE000  }
0x106: {  	v1 =	vld [tilespmem:s7+$0x140];
	_ =	sdelay $0x4  }
0x107: {  	v1 =	vshrl.u32 v1, $0xE  }
0x108: {  	[tilespmem:$0x2880] =	vst v1  }
0x109: {  	v1 =	vld [tilespmem:s7+$0x150];
	_ =	sdelay $0x4  }
0x10a: {  	v1 =	vshrl.u32 v1, $0xE  }
0x10b: {  	[tilespmem:$0x2890] =	vst v1  }
0x10c: {  	v1 =	vld [tilespmem:s7+$0x160];
	_ =	sdelay $0x4  }
0x10d: {  	v1 =	vshrl.u32 v1, $0xE  }
0x10e: {  	[tilespmem:$0x28A0] =	vst v1  }
0x10f: {  	v1 =	vld [tilespmem:s7+$0x170];
	_ =	sdelay $0x4  }
0x110: {  	v1 =	vshrl.u32 v1, $0xE  }
0x111: {  	[tilespmem:$0x28B0] =	vst v1  }
0x112: {  	[tilespmem:s20], [sflag:$0x2] =	stream.indirect.gather [hbm4b:s5+s16], $0x80, s19, s16, $0xb8;
	[tilespmem:$0x1F500] =	vst v63  }
0x113: {  	_ =	swait.ge [sflag:s29], $0x2000  }
0x114: {  	[sflag:s29] =	ssyncset.done $0x0  }
0x115: {  	[sflag:s29] =	ssyncadd.s32 $0xFFFFE000  }
0x116: {  	v1 =	vld [tilespmem:s7+$0x80];
	_ =	sdelay $0x4  }
0x117: {  	v1 =	vand.u32 $0x3FFF, v1  }
0x118: {  	[tilespmem:$0x2A00] =	vst v1  }
0x119: {  	v1 =	vld [tilespmem:s7+$0x90];
	_ =	sdelay $0x4  }
0x11a: {  	v1 =	vand.u32 $0x3FFF, v1  }
0x11b: {  	[tilespmem:$0x2A10] =	vst v1  }
0x11c: {  	v1 =	vld [tilespmem:s7+$0xA0];
	_ =	sdelay $0x4  }
0x11d: {  	v1 =	vand.u32 $0x3FFF, v1  }
0x11e: {  	[tilespmem:$0x2A20] =	vst v1  }
0x11f: {  	v1 =	vld [tilespmem:s7+$0xB0];
	_ =	sdelay $0x4  }
0x120: {  	v1 =	vand.u32 $0x3FFF, v1  }
0x121: {  	[tilespmem:$0x2A30] =	vst v1  }
0x122: {  	[spmem:s2] =	stream.indirect.scatter.add.f32 [tilespmem:s22], [sflag:$0x5], $0x80, s26, s16, $0xb8;
	[tilespmem:$0x1F500] =	vst v63  }
0x123: {  	_ =	swait.ge [sflag:s14], $0x2000  }
0x124: {  	[sflag:s14] =	ssyncset.done $0x0  }
0x125: {  	[sflag:s14] =	ssyncadd.s32 $0xFFFFE000  }
0x126: {  	v1 =	vld [tilespmem:s7+$0x180];
	_ =	sdelay $0x4  }
0x127: {  	v1 =	vshrl.u32 v1, $0xE  }
0x128: {  	[tilespmem:$0x2900] =	vst v1  }
0x129: {  	v1 =	vld [tilespmem:s7+$0x190];
	_ =	sdelay $0x4  }
0x12a: {  	v1 =	vshrl.u32 v1, $0xE  }
0x12b: {  	[tilespmem:$0x2910] =	vst v1  }
0x12c: {  	v1 =	vld [tilespmem:s7+$0x1A0];
	_ =	sdelay $0x4  }
0x12d: {  	v1 =	vshrl.u32 v1, $0xE  }
0x12e: {  	[tilespmem:$0x2920] =	vst v1  }
0x12f: {  	v1 =	vld [tilespmem:s7+$0x1B0];
	_ =	sdelay $0x4  }
0x130: {  	v1 =	vshrl.u32 v1, $0xE  }
0x131: {  	[tilespmem:$0x2930] =	vst v1  }
0x132: {  	[tilespmem:s22], [sflag:$0x3] =	stream.indirect.gather [hbm4b:s5+s16], $0x80, s21, s16, $0xb8;
	[tilespmem:$0x1F500] =	vst v63  }
0x133: {  	_ =	swait.ge [sflag:s30], $0x2000  }
0x134: {  	[sflag:s30] =	ssyncset.done $0x0  }
0x135: {  	[sflag:s30] =	ssyncadd.s32 $0xFFFFE000  }
0x136: {  	v1 =	vld [tilespmem:s7+$0xC0];
	_ =	sdelay $0x4  }
0x137: {  	v1 =	vand.u32 $0x3FFF, v1  }
0x138: {  	[tilespmem:$0x2A00] =	vst v1  }
0x139: {  	v1 =	vld [tilespmem:s7+$0xD0];
	_ =	sdelay $0x4  }
0x13a: {  	v1 =	vand.u32 $0x3FFF, v1  }
0x13b: {  	[tilespmem:$0x2A10] =	vst v1  }
0x13c: {  	v1 =	vld [tilespmem:s7+$0xE0];
	_ =	sdelay $0x4  }
0x13d: {  	v1 =	vand.u32 $0x3FFF, v1  }
0x13e: {  	[tilespmem:$0x2A20] =	vst v1  }
0x13f: {  	v1 =	vld [tilespmem:s7+$0xF0];
	_ =	sdelay $0x4  }
0x140: {  	v1 =	vand.u32 $0x3FFF, v1  }
0x141: {  	[tilespmem:$0x2A30] =	vst v1  }
0x142: {  	[spmem:s2] =	stream.indirect.scatter.add.f32 [tilespmem:s24], [sflag:$0x5], $0x80, s26, s16, $0xb8;
	[tilespmem:$0x1F500] =	vst v63  }
0x143: {  	_ =	swait.ge [sflag:s14], $0x2000  }
0x144: {  	[sflag:s14] =	ssyncset.done $0x0  }
0x145: {  	[sflag:s14] =	ssyncadd.s32 $0xFFFFE000  }
0x146: {  	v1 =	vld [tilespmem:s7+$0x1C0];
	_ =	sdelay $0x4  }
0x147: {  	v1 =	vshrl.u32 v1, $0xE  }
0x148: {  	[tilespmem:$0x2980] =	vst v1  }
0x149: {  	v1 =	vld [tilespmem:s7+$0x1D0];
	_ =	sdelay $0x4  }
0x14a: {  	v1 =	vshrl.u32 v1, $0xE  }
0x14b: {  	[tilespmem:$0x2990] =	vst v1  }
0x14c: {  	v1 =	vld [tilespmem:s7+$0x1E0];
	_ =	sdelay $0x4  }
0x14d: {  	v1 =	vshrl.u32 v1, $0xE  }
0x14e: {  	[tilespmem:$0x29A0] =	vst v1  }
0x14f: {  	v1 =	vld [tilespmem:s7+$0x1F0];
	_ =	sdelay $0x1  }
.Ltmp1:
0x150: {  	(pc) =	sbr.rel @p0 .LBB2_4-.Ltmp1, $3  }
0x151: {  	_ =	sdelay $0x1  }
0x152: {  	v1 =	vshrl.u32 v1, $0xE  }
0x153: {  	[tilespmem:$0x29B0] =	vst v1  }
0x154: {  	[tilespmem:s24], [sflag:$0x4] =	stream.indirect.gather [hbm4b:s5+s16], $0x80, s23, s16, $0xb8;
	[tilespmem:$0x1F500] =	vst v63  }
0x155: {  	_ =	swait.ge [sflag:s25], $0x2000  }
0x156: {  	[sflag:s25] =	ssyncset.done $0x0  }
0x157: {  	[sflag:s25] =	ssyncadd.s32 $0xFFFFE000  }
0x158: {  	v1 =	vld [tilespmem:$0x2700]  }
0x159: {  	v2 =	vld [tilespmem:$0x2710]  }
0x15a: {  	v3 =	vld [tilespmem:$0x2720]  }
0x15b: {  	v4 =	vld [tilespmem:$0x2730];
	_ =	sdelay $0x1  }
0x15c: {  	v1 =	vand.u32 $0x3FFF, v1  }
0x15d: {  	[tilespmem:$0x2A00] =	vst v1;
	v1 =	vand.u32 $0x3FFF, v2  }
0x15e: {  	[tilespmem:$0x2A10] =	vst v1;
	v1 =	vand.u32 $0x3FFF, v3  }
0x15f: {  	[tilespmem:$0x2A20] =	vst v1;
	v1 =	vand.u32 $0x3FFF, v4  }
0x160: {  	[tilespmem:$0x2A30] =	vst v1  }
0x161: {  	[spmem:s2] =	stream.indirect.scatter.add.f32 [tilespmem:s18], [sflag:$0x5], $0x80, s26, s16, $0xb8;
	[tilespmem:$0x1F500] =	vst v63  }
0x162: {  	_ =	swait.ge [sflag:s14], $0x2000  }
0x163: {  	[sflag:s14] =	ssyncset.done $0x0  }
0x164: {  	[sflag:s14] =	ssyncadd.s32 $0xFFFFE000  }
0x165: {  	_ =	swait.ge [sflag:s28], $0x2000  }
0x166: {  	[sflag:s28] =	ssyncset.done $0x0  }
0x167: {  	[sflag:s28] =	ssyncadd.s32 $0xFFFFE000  }
0x168: {  	v1 =	vld [tilespmem:$0x2740]  }
0x169: {  	v2 =	vld [tilespmem:$0x2750]  }
0x16a: {  	v3 =	vld [tilespmem:$0x2760]  }
0x16b: {  	v61 =	vld [tilespmem:$0x2770];
	_ =	sdelay $0x1  }
0x16c: {  	v1 =	vand.u32 $0x3FFF, v1  }
0x16d: {  	[tilespmem:$0x2A00] =	vst v1;
	v1 =	vand.u32 $0x3FFF, v2  }
0x16e: {  	[tilespmem:$0x2A10] =	vst v1;
	v1 =	vand.u32 $0x3FFF, v3  }
0x16f: {  	[tilespmem:$0x2A20] =	vst v1;
	v1 =	vand.u32 $0x3FFF, v61  }
0x170: {  	[tilespmem:$0x2A30] =	vst v1  }
0x171: {  	[spmem:s2] =	stream.indirect.scatter.add.f32 [tilespmem:s20], [sflag:$0x5], $0x80, s26, s16, $0xb8;
	[tilespmem:$0x1F500] =	vst v63  }
0x172: {  	_ =	swait.ge [sflag:s14], $0x2000  }
0x173: {  	[sflag:s14] =	ssyncset.done $0x0  }
0x174: {  	[sflag:s14] =	ssyncadd.s32 $0xFFFFE000  }
0x175: {  	_ =	swait.ge [sflag:s29], $0x2000  }
0x176: {  	[sflag:s29] =	ssyncset.done $0x0  }
0x177: {  	[sflag:s29] =	ssyncadd.s32 $0xFFFFE000  }
0x178: {  	v1 =	vld [tilespmem:$0x2780]  }
0x179: {  	v2 =	vld [tilespmem:$0x2790]  }
0x17a: {  	v3 =	vld [tilespmem:$0x27A0]  }
0x17b: {  	v62 =	vld [tilespmem:$0x27B0];
	_ =	sdelay $0x1  }
0x17c: {  	v1 =	vand.u32 $0x3FFF, v1  }
0x17d: {  	[tilespmem:$0x2A00] =	vst v1;
	v1 =	vand.u32 $0x3FFF, v2  }
0x17e: {  	[tilespmem:$0x2A10] =	vst v1;
	v1 =	vand.u32 $0x3FFF, v3  }
0x17f: {  	[tilespmem:$0x2A20] =	vst v1;
	v1 =	vand.u32 $0x3FFF, v62  }
0x180: {  	[tilespmem:$0x2A30] =	vst v1  }
0x181: {  	[spmem:s2] =	stream.indirect.scatter.add.f32 [tilespmem:s22], [sflag:$0x5], $0x80, s26, s16, $0xb8;
	[tilespmem:$0x1F500] =	vst v63  }
0x182: {  	_ =	swait.ge [sflag:s14], $0x2000  }
0x183: {  	[sflag:s14] =	ssyncset.done $0x0  }
0x184: {  	[sflag:s14] =	ssyncadd.s32 $0xFFFFE000  }
0x185: {  	_ =	swait.ge [sflag:s30], $0x2000  }
0x186: {  	[sflag:s30] =	ssyncset.done $0x0  }
0x187: {  	[sflag:s30] =	ssyncadd.s32 $0xFFFFE000  }
0x188: {  	v1 =	vld [tilespmem:$0x27C0]  }
0x189: {  	v2 =	vld [tilespmem:$0x27D0]  }
0x18a: {  	v3 =	vld [tilespmem:$0x27E0]  }
0x18b: {  	v63 =	vld [tilespmem:$0x27F0];
	_ =	sdelay $0x1  }
0x18c: {  	v1 =	vand.u32 $0x3FFF, v1  }
0x18d: {  	[tilespmem:$0x2A00] =	vst v1;
	v1 =	vand.u32 $0x3FFF, v2  }
0x18e: {  	[tilespmem:$0x2A10] =	vst v1;
	v1 =	vand.u32 $0x3FFF, v3  }
0x18f: {  	[tilespmem:$0x2A20] =	vst v1;
	v1 =	vand.u32 $0x3FFF, v63  }
0x190: {  	[tilespmem:$0x2A30] =	vst v1  }
0x191: {  	[spmem:s2] =	stream.indirect.scatter.add.f32 [tilespmem:s24], [sflag:$0x5], $0x80, s26, s16, $0xb8;
	[tilespmem:$0x1F500] =	vst v63  }
0x192: {  	_ =	swait.ge [sflag:s14], $0x2000  }
0x193: {  	[sflag:s14] =	ssyncset.done $0x0  }
0x194: {  	s6 =	simm.s32 $0x0;
	[sflag:s14] =	ssyncadd.s32 $0xFFFFE000  }
.LBB2_6:
0x195: {  	s7 =	sshra.s32 s6, $0x2  }
0x196: {  	v1 =	vld [tilespmem:s7+$0x0];
	_ =	sdelay $0x4  }
0x197: {  	v1 =	vand.u32 $0x3FFF, v1  }
0x198: {  	[tilespmem:$0x2A80] =	vst v1  }
0x199: {  	v1 =	vld [tilespmem:s7+$0x10];
	_ =	sdelay $0x4  }
0x19a: {  	v1 =	vand.u32 $0x3FFF, v1  }
0x19b: {  	[tilespmem:$0x2A90] =	vst v1  }
0x19c: {  	v1 =	vld [tilespmem:s7+$0x20];
	_ =	sdelay $0x4  }
0x19d: {  	v1 =	vand.u32 $0x3FFF, v1  }
0x19e: {  	[tilespmem:$0x2AA0] =	vst v1  }
0x19f: {  	v1 =	vld [tilespmem:s7+$0x30];
	_ =	sdelay $0x4  }
0x1a0: {  	v1 =	vand.u32 $0x3FFF, v1  }
0x1a1: {  	[tilespmem:$0x2AB0] =	vst v1  }
0x1a2: {  	v1 =	vld [tilespmem:s7+$0x40];
	_ =	sdelay $0x4  }
0x1a3: {  	v1 =	vand.u32 $0x3FFF, v1  }
0x1a4: {  	[tilespmem:$0x2AC0] =	vst v1  }
0x1a5: {  	v1 =	vld [tilespmem:s7+$0x50];
	_ =	sdelay $0x4  }
0x1a6: {  	v1 =	vand.u32 $0x3FFF, v1  }
0x1a7: {  	[tilespmem:$0x2AD0] =	vst v1  }
0x1a8: {  	v1 =	vld [tilespmem:s7+$0x60];
	_ =	sdelay $0x4  }
0x1a9: {  	v1 =	vand.u32 $0x3FFF, v1  }
0x1aa: {  	[tilespmem:$0x2AE0] =	vst v1  }
0x1ab: {  	v1 =	vld [tilespmem:s7+$0x70];
	_ =	sdelay $0x4  }
0x1ac: {  	v1 =	vand.u32 $0x3FFF, v1  }
0x1ad: {  	[tilespmem:$0x2AF0] =	vst v1  }
0x1ae: {  	v1 =	vld [tilespmem:s7+$0x80];
	_ =	sdelay $0x4  }
0x1af: {  	v1 =	vand.u32 $0x3FFF, v1  }
0x1b0: {  	[tilespmem:$0x2B00] =	vst v1  }
0x1b1: {  	v1 =	vld [tilespmem:s7+$0x90];
	_ =	sdelay $0x4  }
0x1b2: {  	v1 =	vand.u32 $0x3FFF, v1  }
0x1b3: {  	[tilespmem:$0x2B10] =	vst v1  }
0x1b4: {  	v1 =	vld [tilespmem:s7+$0xA0];
	_ =	sdelay $0x4  }
0x1b5: {  	v1 =	vand.u32 $0x3FFF, v1  }
0x1b6: {  	[tilespmem:$0x2B20] =	vst v1  }
0x1b7: {  	v1 =	vld [tilespmem:s7+$0xB0];
	_ =	sdelay $0x4  }
0x1b8: {  	v1 =	vand.u32 $0x3FFF, v1  }
0x1b9: {  	[tilespmem:$0x2B30] =	vst v1  }
0x1ba: {  	v1 =	vld [tilespmem:s7+$0xC0];
	_ =	sdelay $0x4  }
0x1bb: {  	v1 =	vand.u32 $0x3FFF, v1  }
0x1bc: {  	[tilespmem:$0x2B40] =	vst v1  }
0x1bd: {  	v1 =	vld [tilespmem:s7+$0xD0];
	_ =	sdelay $0x4  }
0x1be: {  	v1 =	vand.u32 $0x3FFF, v1  }
0x1bf: {  	[tilespmem:$0x2B50] =	vst v1  }
0x1c0: {  	v1 =	vld [tilespmem:s7+$0xE0];
	_ =	sdelay $0x4  }
0x1c1: {  	v1 =	vand.u32 $0x3FFF, v1  }
0x1c2: {  	[tilespmem:$0x2B60] =	vst v1  }
0x1c3: {  	v1 =	vld [tilespmem:s7+$0xF0];
	_ =	sdelay $0x4  }
0x1c4: {  	v1 =	vand.u32 $0x3FFF, v1  }
0x1c5: {  	[tilespmem:$0x2B70] =	vst v1  }
0x1c6: {  	v1 =	vld [tilespmem:s7+$0x100];
	_ =	sdelay $0x4  }
0x1c7: {  	v1 =	vand.u32 $0x3FFF, v1  }
0x1c8: {  	[tilespmem:$0x2B80] =	vst v1  }
0x1c9: {  	v1 =	vld [tilespmem:s7+$0x110];
	_ =	sdelay $0x4  }
0x1ca: {  	v1 =	vand.u32 $0x3FFF, v1  }
0x1cb: {  	[tilespmem:$0x2B90] =	vst v1  }
0x1cc: {  	v1 =	vld [tilespmem:s7+$0x120];
	_ =	sdelay $0x4  }
0x1cd: {  	v1 =	vand.u32 $0x3FFF, v1  }
0x1ce: {  	[tilespmem:$0x2BA0] =	vst v1  }
0x1cf: {  	v1 =	vld [tilespmem:s7+$0x130];
	_ =	sdelay $0x4  }
0x1d0: {  	v1 =	vand.u32 $0x3FFF, v1  }
0x1d1: {  	[tilespmem:$0x2BB0] =	vst v1  }
0x1d2: {  	v1 =	vld [tilespmem:s7+$0x140];
	_ =	sdelay $0x4  }
0x1d3: {  	v1 =	vand.u32 $0x3FFF, v1  }
0x1d4: {  	[tilespmem:$0x2BC0] =	vst v1  }
0x1d5: {  	v1 =	vld [tilespmem:s7+$0x150];
	_ =	sdelay $0x4  }
0x1d6: {  	v1 =	vand.u32 $0x3FFF, v1  }
0x1d7: {  	[tilespmem:$0x2BD0] =	vst v1  }
0x1d8: {  	v1 =	vld [tilespmem:s7+$0x160];
	_ =	sdelay $0x4  }
0x1d9: {  	v1 =	vand.u32 $0x3FFF, v1  }
0x1da: {  	[tilespmem:$0x2BE0] =	vst v1  }
0x1db: {  	v1 =	vld [tilespmem:s7+$0x170];
	_ =	sdelay $0x4  }
0x1dc: {  	v1 =	vand.u32 $0x3FFF, v1  }
0x1dd: {  	[tilespmem:$0x2BF0] =	vst v1  }
0x1de: {  	v1 =	vld [tilespmem:s7+$0x180];
	_ =	sdelay $0x4  }
0x1df: {  	v1 =	vand.u32 $0x3FFF, v1  }
0x1e0: {  	[tilespmem:$0x2C00] =	vst v1  }
0x1e1: {  	v1 =	vld [tilespmem:s7+$0x190];
	_ =	sdelay $0x4  }
0x1e2: {  	v1 =	vand.u32 $0x3FFF, v1  }
0x1e3: {  	[tilespmem:$0x2C10] =	vst v1  }
0x1e4: {  	v1 =	vld [tilespmem:s7+$0x1A0];
	_ =	sdelay $0x4  }
0x1e5: {  	v1 =	vand.u32 $0x3FFF, v1  }
0x1e6: {  	[tilespmem:$0x2C20] =	vst v1  }
0x1e7: {  	v1 =	vld [tilespmem:s7+$0x1B0];
	_ =	sdelay $0x4  }
0x1e8: {  	v1 =	vand.u32 $0x3FFF, v1  }
0x1e9: {  	[tilespmem:$0x2C30] =	vst v1  }
0x1ea: {  	v1 =	vld [tilespmem:s7+$0x1C0];
	_ =	sdelay $0x4  }
0x1eb: {  	v1 =	vand.u32 $0x3FFF, v1  }
0x1ec: {  	[tilespmem:$0x2C40] =	vst v1  }
0x1ed: {  	v1 =	vld [tilespmem:s7+$0x1D0];
	_ =	sdelay $0x4  }
0x1ee: {  	v1 =	vand.u32 $0x3FFF, v1  }
0x1ef: {  	[tilespmem:$0x2C50] =	vst v1  }
0x1f0: {  	v1 =	vld [tilespmem:s7+$0x1E0];
	_ =	sdelay $0x4  }
0x1f1: {  	v1 =	vand.u32 $0x3FFF, v1  }
0x1f2: {  	[tilespmem:$0x2C60] =	vst v1  }
0x1f3: {  	v1 =	vld [tilespmem:s7+$0x1F0];
	_ =	sdelay $0x4  }
0x1f4: {  	v1 =	vand.u32 $0x3FFF, v1  }
0x1f5: {  	[tilespmem:$0x2C70] =	vst v1  }
0x1f6: {  	v1 =	vld [tilespmem:s7+$0x200];
	_ =	sdelay $0x4  }
0x1f7: {  	v1 =	vand.u32 $0x3FFF, v1  }
0x1f8: {  	[tilespmem:$0x2C80] =	vst v1  }
0x1f9: {  	v1 =	vld [tilespmem:s7+$0x210];
	_ =	sdelay $0x4  }
0x1fa: {  	v1 =	vand.u32 $0x3FFF, v1  }
0x1fb: {  	[tilespmem:$0x2C90] =	vst v1  }
0x1fc: {  	v1 =	vld [tilespmem:s7+$0x220];
	_ =	sdelay $0x4  }
0x1fd: {  	v1 =	vand.u32 $0x3FFF, v1  }
0x1fe: {  	[tilespmem:$0x2CA0] =	vst v1  }
0x1ff: {  	v1 =	vld [tilespmem:s7+$0x230];
	_ =	sdelay $0x4  }
0x200: {  	v1 =	vand.u32 $0x3FFF, v1  }
0x201: {  	[tilespmem:$0x2CB0] =	vst v1  }
0x202: {  	v1 =	vld [tilespmem:s7+$0x240];
	_ =	sdelay $0x4  }
0x203: {  	v1 =	vand.u32 $0x3FFF, v1  }
0x204: {  	[tilespmem:$0x2CC0] =	vst v1  }
0x205: {  	v1 =	vld [tilespmem:s7+$0x250];
	_ =	sdelay $0x4  }
0x206: {  	v1 =	vand.u32 $0x3FFF, v1  }
0x207: {  	[tilespmem:$0x2CD0] =	vst v1  }
0x208: {  	v1 =	vld [tilespmem:s7+$0x260];
	_ =	sdelay $0x4  }
0x209: {  	v1 =	vand.u32 $0x3FFF, v1  }
0x20a: {  	[tilespmem:$0x2CE0] =	vst v1  }
0x20b: {  	v1 =	vld [tilespmem:s7+$0x270];
	_ =	sdelay $0x4  }
0x20c: {  	v1 =	vand.u32 $0x3FFF, v1  }
0x20d: {  	[tilespmem:$0x2CF0] =	vst v1  }
0x20e: {  	v1 =	vld [tilespmem:s7+$0x280];
	_ =	sdelay $0x4  }
0x20f: {  	v1 =	vand.u32 $0x3FFF, v1  }
0x210: {  	[tilespmem:$0x2D00] =	vst v1  }
0x211: {  	v1 =	vld [tilespmem:s7+$0x290];
	_ =	sdelay $0x4  }
0x212: {  	v1 =	vand.u32 $0x3FFF, v1  }
0x213: {  	[tilespmem:$0x2D10] =	vst v1  }
0x214: {  	v1 =	vld [tilespmem:s7+$0x2A0];
	_ =	sdelay $0x4  }
0x215: {  	v1 =	vand.u32 $0x3FFF, v1  }
0x216: {  	[tilespmem:$0x2D20] =	vst v1  }
0x217: {  	v1 =	vld [tilespmem:s7+$0x2B0];
	_ =	sdelay $0x4  }
0x218: {  	v1 =	vand.u32 $0x3FFF, v1  }
0x219: {  	[tilespmem:$0x2D30] =	vst v1  }
0x21a: {  	v1 =	vld [tilespmem:s7+$0x2C0];
	_ =	sdelay $0x4  }
0x21b: {  	v1 =	vand.u32 $0x3FFF, v1  }
0x21c: {  	[tilespmem:$0x2D40] =	vst v1  }
0x21d: {  	v1 =	vld [tilespmem:s7+$0x2D0];
	_ =	sdelay $0x4  }
0x21e: {  	v1 =	vand.u32 $0x3FFF, v1  }
0x21f: {  	[tilespmem:$0x2D50] =	vst v1  }
0x220: {  	v1 =	vld [tilespmem:s7+$0x2E0];
	_ =	sdelay $0x4  }
0x221: {  	v1 =	vand.u32 $0x3FFF, v1  }
0x222: {  	[tilespmem:$0x2D60] =	vst v1  }
0x223: {  	v1 =	vld [tilespmem:s7+$0x2F0];
	_ =	sdelay $0x4  }
0x224: {  	v1 =	vand.u32 $0x3FFF, v1  }
0x225: {  	[tilespmem:$0x2D70] =	vst v1  }
0x226: {  	v1 =	vld [tilespmem:s7+$0x300];
	_ =	sdelay $0x4  }
0x227: {  	v1 =	vand.u32 $0x3FFF, v1  }
0x228: {  	[tilespmem:$0x2D80] =	vst v1  }
0x229: {  	v1 =	vld [tilespmem:s7+$0x310];
	_ =	sdelay $0x4  }
0x22a: {  	v1 =	vand.u32 $0x3FFF, v1  }
0x22b: {  	[tilespmem:$0x2D90] =	vst v1  }
0x22c: {  	v1 =	vld [tilespmem:s7+$0x320];
	_ =	sdelay $0x4  }
0x22d: {  	v1 =	vand.u32 $0x3FFF, v1  }
0x22e: {  	[tilespmem:$0x2DA0] =	vst v1  }
0x22f: {  	v1 =	vld [tilespmem:s7+$0x330];
	_ =	sdelay $0x4  }
0x230: {  	v1 =	vand.u32 $0x3FFF, v1  }
0x231: {  	[tilespmem:$0x2DB0] =	vst v1  }
0x232: {  	v1 =	vld [tilespmem:s7+$0x340];
	_ =	sdelay $0x4  }
0x233: {  	v1 =	vand.u32 $0x3FFF, v1  }
0x234: {  	[tilespmem:$0x2DC0] =	vst v1  }
0x235: {  	v1 =	vld [tilespmem:s7+$0x350];
	_ =	sdelay $0x4  }
0x236: {  	v1 =	vand.u32 $0x3FFF, v1  }
0x237: {  	[tilespmem:$0x2DD0] =	vst v1  }
0x238: {  	v1 =	vld [tilespmem:s7+$0x360];
	_ =	sdelay $0x4  }
0x239: {  	v1 =	vand.u32 $0x3FFF, v1  }
0x23a: {  	[tilespmem:$0x2DE0] =	vst v1  }
0x23b: {  	v1 =	vld [tilespmem:s7+$0x370];
	_ =	sdelay $0x4  }
0x23c: {  	v1 =	vand.u32 $0x3FFF, v1  }
0x23d: {  	[tilespmem:$0x2DF0] =	vst v1  }
0x23e: {  	v1 =	vld [tilespmem:s7+$0x380];
	_ =	sdelay $0x4  }
0x23f: {  	v1 =	vand.u32 $0x3FFF, v1  }
0x240: {  	[tilespmem:$0x2E00] =	vst v1  }
0x241: {  	v1 =	vld [tilespmem:s7+$0x390];
	_ =	sdelay $0x4  }
0x242: {  	v1 =	vand.u32 $0x3FFF, v1  }
0x243: {  	[tilespmem:$0x2E10] =	vst v1  }
0x244: {  	v1 =	vld [tilespmem:s7+$0x3A0];
	_ =	sdelay $0x4  }
0x245: {  	v1 =	vand.u32 $0x3FFF, v1  }
0x246: {  	[tilespmem:$0x2E20] =	vst v1  }
0x247: {  	v1 =	vld [tilespmem:s7+$0x3B0];
	_ =	sdelay $0x4  }
0x248: {  	v1 =	vand.u32 $0x3FFF, v1  }
0x249: {  	[tilespmem:$0x2E30] =	vst v1  }
0x24a: {  	v1 =	vld [tilespmem:s7+$0x3C0];
	_ =	sdelay $0x4  }
0x24b: {  	v1 =	vand.u32 $0x3FFF, v1  }
0x24c: {  	[tilespmem:$0x2E40] =	vst v1  }
0x24d: {  	v1 =	vld [tilespmem:s7+$0x3D0];
	_ =	sdelay $0x4  }
0x24e: {  	v1 =	vand.u32 $0x3FFF, v1  }
0x24f: {  	[tilespmem:$0x2E50] =	vst v1  }
0x250: {  	v1 =	vld [tilespmem:s7+$0x3E0];
	_ =	sdelay $0x4  }
0x251: {  	v1 =	vand.u32 $0x3FFF, v1  }
0x252: {  	[tilespmem:$0x2E60] =	vst v1  }
0x253: {  	v1 =	vld [tilespmem:s7+$0x3F0];
	_ =	sdelay $0x4  }
0x254: {  	p0 =	sne.s32 s6, $0x9000;
	v1 =	vand.u32 $0x3FFF, v1  }
.Ltmp2:
0x255: {  	[tilespmem:$0x2E70] =	vst v1;
	(pc) =	sbr.rel @p0 .LBB2_6-.Ltmp2, $4  }
0x256: {  	[spmem:s3] =	stream.indirect.scatter.add.f32 [tilespmem:s0], [sflag:$0x5], $0x1, s1, s31, $0xb8;
	[tilespmem:$0x1F500] =	vst v63  }
0x257: {  	_ =	swait.ge [sflag:s14], $0x400  }
0x258: {  	[sflag:s14] =	ssyncset.done $0x0  }
0x259: {  	s6 =	sadd.s32 $0x1000, s6;
	[sflag:s14] =	ssyncadd.s32 $0xFFFFFC00  }
0x25a: {  	[bflag:$0x0] =	sbarrier.arrive $0xFFFF  }
0x25b: {  	[hbm:s10], [sflag:s8] =	dma.local [spmem:s13], $0x2800  }
0x25c: {  	s4 =	sadd.s32 $0x1, s4;
	_ =	swait.ge [sflag:s14], $0x2800  }
0x25d: {  	s6 =	simm.s32 $0x20;
	p0 =	sne.s32 s4, s12;
	[sflag:s14] =	ssyncset.done $0x0  }
.Ltmp3:
0x25e: {  	s7 =	simm.s32 $0x10;
	[sflag:s14] =	ssyncadd.s32 $0xFFFFD800;
	(pc) =	sbr.rel @p0 .LBB2_1-.Ltmp3, $4  }
0x25f: {  	[hbm:s11@s6], [sflag:s8] =	dma.strided [spmem:s15@s7], $0x50, s25, $0x10   }
0x260: {  	_ =	swait.ge [sflag:s14], $0x50  }
0x261: {  	[sflag:s14] =	ssyncset.done $0x0  }
0x262: {  	[sflag:s14] =	ssyncadd.s32 $0xFFFFFFB0  }
0x263: {  	_ =	sfence.sel $0x180000  }
0x264: {  	[bflag:$0x0] =	sbarrier.arrive $0xFFFF  }
0x265: {  	_ =	strace $0x90000047  }
0x266: {  	s0 =	stileid.u32;
	[bflag:$0x2] =	sbarrier.arrive $0xFFFF  }
0x267: {  	p0 =	sne.s32 s0, $0x0;
	s0 =	rddreg [dreg:$0x3]  }
0x268: {  	s0 =	sadd.s32 @!p0 $0x100000, s0  }
0x269: {  	[sflag:s0] =	ssyncadd.tile.s32 @!p0 $0x1;
	_ =	shalt  }
.Lfunc_end2:
_tile_overlayer_lowered:
.L_overlay_start_2:
0x26a: {  	(tag) =	ssettag $0x2  }
0x26b: {  	s0 =	rddreg [dreg:$0x0];
	s2 =	stileid.u32  }
0x26c: {  	s1 =	rddreg [dreg:$0x1];
	p0 =	sne.s32 s2, $0x0  }
0x26d: {  	s3 =	rddreg [dreg:$0x2];
	[bflag:$0x3] =	sbarrier.arrive $0xFFFF;
	s2 =	simm.s32 @!p0 $0x1C05  }
0x26e: {  	[timem:s3], [sflag:s2] =	dma.local @!p0 [hbm:s0], s1  }
0x26f: {  	s0 =	simm.s32 @!p0 $0x5  }
0x270: {  	_ =	swait.ge @!p0 [sflag:s0], s1  }
0x271: {  	s1 =	ssub.s32 @!p0 $0x0, s1;
	[sflag:s0] =	ssyncset.done @!p0 $0x0  }
0x272: {  	[sflag:s0] =	ssyncadd.s32 @!p0 s1  }
0x273: {  	[bflag:$0x3] =	sbarrier.arrive $0xFFFF  }
0x274: {  	_ =	shalt  }

// kernel: kernel.9.cloned.1.call-start
scs
__scs_entry_jumppad:
0x0: {  	(pc) =	sbr.rel $0x88, $3  }
0x1: {  	(tag) =	ssettag $0x0;
	lr =	simm.s32 $0x1  }
0x2: {  	[smem:$0x3F97] =	sst lr;
	_ =	strace $0xD0000000  }
0x3: {  	_ = 	snop  }
0x4: {  	_ = 	snop  }
0x5: {  	_ = 	snop  }
0x6: {  	_ = 	snop  }
0x7: {  	_ = 	snop  }
__scs_overlays_trampoline_lowered:
0x8: {  	[smem:$0x3FA6] =	sst s0  }
0x9: {  	[smem:$0x3FA7] =	sst s1  }
0xa: {  	[smem:$0x3FA8] =	sst s2  }
0xb: {  	[smem:$0x3FA9] =	sst s3  }
0xc: {  	[smem:$0x3FAA] =	sst s4  }
0xd: {  	[smem:$0x3FAB] =	sst s5  }
0xe: {  	[smem:$0x3FAC] =	sst s6  }
0xf: {  	[smem:$0x3FAD] =	sst s7  }
0x10: {  	[smem:$0x3FAE] =	sst s8  }
0x11: {  	[smem:$0x3FAF] =	sst s9;
	s0 =	simm.s32 @!p0 $0x0  }
0x12: {  	s1 =	sld [smem:$0x3F95];
	s0 =	simm.s32 @p0 $0x1  }
0x13: {  	[smem:$0x3FB0] =	sst s0;
	s0 =	simm.s32 @!p1 $0x0  }
0x14: {  	s2 =	sld [smem:$0x3F94];
	s0 =	simm.s32 @p1 $0x1  }
0x15: {  	[smem:$0x3FB1] =	sst s0;
	s0 =	simm.s32 @!p2 $0x0  }
0x16: {  	s3 =	sld [smem:$0x3FDB];
	s0 =	simm.s32 @p2 $0x1  }
0x17: {  	s4 =	simm.s32 $0x1BF5;
	[smem:$0x3FB3] =	sst s0  }
0x18: {  	s0 =	sld [smem:$0x3F96];
	_ =	swait.ge [sflag:s4], $0x0  }
0x19: {  	s7 =	sld [smem:$0x3F97]  }
0x1a: {  	s8 =	sadd.s32 $0xFFFFE003, lr  }
0x1b: {  	s9 =	sadd.s32 $0xFFFFFEF7, lr;
	s5 =	simm.s32 $0xFFFFFFFF;
	p2 =	slt.u32 s8, $0xFFFFF086  }
0x1c: {  	p1 =	slt.u32 s9, $0xF7A;
	s5 =	simm.s32 @!p2 $0x0  }
0x1d: {  	s5 =	simm.s32 @p1 $0x1;
	p0 =	seq.s32 s7, s2  }
0x1e: {  	s7 =	smul.u32 @!p0 $0xF7A, s2;
	p2 =	seq.s32 @!p0 s5, $0x0  }
0x1f: {  	s9 =	smul.u32 $0xF7A, s1;
	s8 =	simm.s32 @!p0 $0x1BF5;
	p2 =	por !p2, p0  }
0x20: {  	[sflag:s8] =	ssyncset.s32 @!p0 $0xFFFFF086;
	s6 =	sadd.s32 @!p0 s3, s7;
	s7 =	simm.s32 @!p0 $0x108  }
0x21: {  	s3 =	sadd.s32 s3, s9;
	s6 =	sadd.s32 @!p0 $0x88, s6;
	s7 =	simm.s32 @p2 $0x1082  }
0x22: {  	[simem:s7], [sflag:s8] =	dma.local @!p0 [hbm:s6], $0xF7A  }
0x23: {  	s9 =	sor.u32 $0xD0000000, s2;
	s6 =	simm.s32 $0x108;
	_ =	swait.ge @!p0 [sflag:s8], $0x0  }
0x24: {  	s3 =	sadd.s32 $0x88, s3;
	s6 =	simm.s32 @!p1 $0x1082;
	[sflag:s4] =	ssyncset.s32 $0xFFFFF086  }
0x25: {  	[simem:s6], [sflag:s4] =	dma.local [hbm:s3], $0xF7A  }
0x26: {  	[smem:$0x3F97] =	sst s1;
	(tag) =	ssettag s2;
	_ =	strace s9  }
0x27: {  	s1 =	sld [smem:$0x3FA7]  }
0x28: {  	s2 =	sld [smem:$0x3FA8]  }
0x29: {  	s4 =	sld [smem:$0x3FAA]  }
0x2a: {  	p0 =	seq.s32 s5, $0x0;
	s5 =	sld [smem:$0x3FAB]  }
0x2b: {  	s6 =	sld [smem:$0x3FAC]  }
0x2c: {  	s7 =	sld [smem:$0x3FAD]  }
0x2d: {  	s3 =	simm.s32 $0x108;
	s8 =	sld [smem:$0x3FAE]  }
0x2e: {  	s3 =	simm.s32 @!p0 $0x1082;
	s9 =	sld [smem:$0x3FAF]  }
0x2f: {  	lr =	sadd.s32 s0, s3;
	s0 =	sld [smem:$0x3FA6]  }
0x30: {  	s3 =	sld [smem:$0x3FA9]  }
0x31: {  	[smem:$0x3FB2] =	sst s10  }
0x32: {  	s10 =	sld [smem:$0x3FB0];
	_ =	sdelay $0x3  }
0x33: {  	p0 =	seq.s32 s10, $0x1;
	s10 =	sld [smem:$0x3FB2];
	_ =	sdelay $0x3  }
0x34: {  	[smem:$0x3FB2] =	sst s10  }
0x35: {  	s10 =	sld [smem:$0x3FB1];
	_ =	sdelay $0x3  }
0x36: {  	p1 =	seq.s32 s10, $0x1;
	s10 =	sld [smem:$0x3FB2];
	_ =	sdelay $0x3  }
0x37: {  	[smem:$0x3FB2] =	sst s10  }
0x38: {  	s10 =	sld [smem:$0x3FB3]  }
0x39: {  	_ = 	snop;
	(pc) =	sbr.ind lr, $3  }
0x3a: {  	_ = 	snop  }
0x3b: {  	_ = 	snop  }
0x3c: {  	p2 =	seq.s32 s10, $0x1;
	s10 =	sld [smem:$0x3FB2]  }
0x3d: {  	_ =	shalt  }
0x3e: {  	_ =	shalt  }
0x3f: {  	_ =	shalt  }
0x40: {  	_ =	shalt  }
0x41: {  	_ =	shalt  }
0x42: {  	_ =	shalt  }
0x43: {  	_ =	shalt  }
0x44: {  	_ =	shalt  }
0x45: {  	_ =	shalt  }
0x46: {  	_ =	shalt  }
0x47: {  	_ =	shalt  }
0x48: {  	_ =	shalt  }
0x49: {  	_ =	shalt  }
0x4a: {  	_ =	shalt  }
0x4b: {  	_ =	shalt  }
0x4c: {  	_ =	shalt  }
0x4d: {  	_ =	shalt  }
0x4e: {  	_ =	shalt  }
0x4f: {  	_ =	shalt  }
0x50: {  	_ =	shalt  }
0x51: {  	_ =	shalt  }
0x52: {  	_ =	shalt  }
0x53: {  	_ =	shalt  }
0x54: {  	_ =	shalt  }
0x55: {  	_ =	shalt  }
0x56: {  	_ =	shalt  }
0x57: {  	_ =	shalt  }
0x58: {  	_ =	shalt  }
0x59: {  	_ =	shalt  }
0x5a: {  	_ =	shalt  }
0x5b: {  	_ =	shalt  }
0x5c: {  	_ =	shalt  }
0x5d: {  	_ =	shalt  }
0x5e: {  	_ =	shalt  }
0x5f: {  	_ =	shalt  }
0x60: {  	_ =	shalt  }
0x61: {  	_ =	shalt  }
0x62: {  	_ =	shalt  }
0x63: {  	_ =	shalt  }
0x64: {  	_ =	shalt  }
0x65: {  	_ =	shalt  }
0x66: {  	_ =	shalt  }
0x67: {  	_ =	shalt  }
0x68: {  	_ =	shalt  }
0x69: {  	_ =	shalt  }
0x6a: {  	_ =	shalt  }
0x6b: {  	_ =	shalt  }
0x6c: {  	_ =	shalt  }
0x6d: {  	_ =	shalt  }
0x6e: {  	_ =	shalt  }
0x6f: {  	_ =	shalt  }
0x70: {  	_ =	shalt  }
0x71: {  	_ =	shalt  }
0x72: {  	_ =	shalt  }
0x73: {  	_ =	shalt  }
0x74: {  	_ =	shalt  }
0x75: {  	_ =	shalt  }
0x76: {  	_ =	shalt  }
0x77: {  	_ =	shalt  }
0x78: {  	_ =	shalt  }
0x79: {  	_ =	shalt  }
0x7a: {  	_ =	shalt  }
0x7b: {  	_ =	shalt  }
0x7c: {  	_ =	shalt  }
0x7d: {  	_ =	shalt  }
0x7e: {  	_ =	shalt  }
0x7f: {  	_ =	shalt  }
0x80: {  	_ =	shalt  }
0x81: {  	_ =	shalt  }
0x82: {  	_ =	shalt  }
0x83: {  	_ =	shalt  }
0x84: {  	_ =	shalt  }
0x85: {  	_ =	shalt  }
0x86: {  	_ =	shalt  }
0x87: {  	_ =	shalt  }
.Lfunc_end0:
.L_simem_size_0:
called_computation.1_lowered:
.L_overlay_start_0:
0x88: {  	s0 =	sld [smem:$0x3FD9]  }
0x89: {  	s1 =	sld [smem:$0x3FFE];
	_ =	sdelay $0x3  }
0x8a: {  	s0 =	sadd.s32 s1, s0  }
0x8b: {  	[smem:$0x3FBE] =	sst s0  }
0x8c: {  	_ = 	snop  }
0x8d: {  	s0 =	sld [smem:$0x3FD0];
	(tm) =	ssettm $0x1  }
0x8e: {  	s16 =	sld [smem:$0x3FFB];
	_ =	sdelay $0x3  }
0x8f: {  	_ =	strace s16  }
0x90: {  	s1 =	sld [smem:$0x3FFC];
	_ =	sdelay $0x3  }
0x91: {  	_ =	strace s1  }
0x92: {  	s1 =	sld [smem:$0x3FFD];
	_ =	sdelay $0x3  }
0x93: {  	_ =	strace s1  }
0x94: {  	_ =	strace $0x8FFFFFFF  }
0x95: {  	s17 =	sld [smem:$0x3FDB];
	_ =	sdelay $0x1  }
0x96: {  	s2 =	simm.s32 $_scs_section_size  }
0x97: {  	s3 =	simm.s32 $_size__tile_overlayer_lowered;
	s4 =	simm.s32 $_tile_overlayer_lowered  }
0x98: {  	s20 =	simm.s32 $0x1BFF;
	s19 =	sshll.u32 s4, $0x1;
	s1 =	sadd.s32 s2, s17  }
0x99: {  	s5 =	simm.s32 $0x0;
	s18 =	sshll.u32 s3, $0x1;
	s3 =	sadd.s32 s19, s1  }
0x9a: {  	[timem:s5], [sflag:s20] =	dma.local [hbm:s3], s18  }
0x9b: {  	_ =	swait.ge [sflag:s20], s18  }
0x9c: {  	s2 =	ssub.s32 $0x0, s18;
	[sflag:s20] =	ssyncset.done $0x0  }
0x9d: {  	[sflag:s20] =	ssyncadd.s32 s2;
	_ =	sdelay $0x1  }
0x9e: {  	s21 =	simm.s32 $0x1B8B  }
0x9f: {  	_ =	swait.ge [sflag:s21], $0x1  }
0xa0: {  	[sflag:s21] =	ssyncset.done $0x0  }
0xa1: {  	s23 =	simm.s32 $0x1B8E;
	s22 =	sld [smem:$0x3FFE];
	[sflag:s21] =	ssyncadd.s32 $0xFFFFFFFF  }
0xa2: {  	s24 =	simm.s32 $execute0_lowered;
	[smem:$0x3FD2] =	sst s23  }
0xa3: {  	s3 =	sshll.u32 s24, $0x1;
	_ =	strace $0x80000049;
	[dreg:$0x1] =	wrdreg $0xFFFFFFFF  }
0xa4: {  	s25 =	simm.s32 $_size_execute0_lowered;
	s1 =	sadd.s32 s1, s3;
	[dreg:$0x0] =	wrdreg $0x0  }
0xa5: {  	s3 =	sshll.u32 s25, $0x1;
	[dreg:$0x2] =	wrdreg s1  }
0xa6: {  	[dreg:$0x3] =	wrdreg s3  }
0xa7: {  	[dreg:$0x4] =	wrdreg $0xC0  }
0xa8: {  	_ =	task [dreg:s5], $0x5FFFF  }
0xa9: {  	[dreg:$0x1] =	wrdreg $0xFFFFFFFF  }
0xaa: {  	[dreg:$0x0] =	wrdreg $0x60  }
0xab: {  	[dreg:$0x2] =	wrdreg s22  }
0xac: {  	[dreg:$0x3] =	wrdreg s0  }
0xad: {  	[dreg:$0x4] =	wrdreg $0x84000  }
0xae: {  	[dreg:$0x5] =	wrdreg $0x9  }
0xaf: {  	_ =	task.clear_ibuf [dreg:s5], $0x6FFFF;
	_ =	strace $0x90000049  }
0xb0: {  	s26 =	simm.s32 $0x9;
	_ =	strace $0x8000004B  }
0xb1: {  	_ =	swait.ge [sflag:s26], $0x1  }
0xb2: {  	[sflag:s26] =	ssyncadd.s32 $0xFFFFFFFF  }
0xb3: {  	_ =	strace $0x9000004B  }
0xb4: {  	_ =	sfence  }
0xb5: {  	s28 =	sld [smem:$0x0];
	_ =	sdelay $0x1  }
0xb6: {  	s29 =	srdreg.scid  }
0xb7: {  	s30 =	sshll.u32 s29, $0xD;
	s31 =	sshrl.u32 s29, $0x2  }
0xb8: {  	s2 =	sand.u32 $0x4000, s30;
	s1 =	sand.u32 $0x1, s29;
	s0 =	sadd.s32 s31, s28  }
0xb9: {  	s1 =	sor.u32 s2, s1;
	s0 =	sshll.u32 s0, $0x11  }
0xba: {  	s0 =	sor.u32 s0, s1  }
0xbb: {  	s0 =	sadd.s32 $0x8F2B, s0  }
0xbc: {  	[sflag:s0] =	ssyncadd.remote.s32 $0x1  }
0xbd: {  	_ =	sfence.sel $0xFFFF  }
0xbe: {  	[dreg:$0x0] =	wrdreg $0xFFFFFFFF;
	(pc) =	sbr.abs _section_cstart, $3  }
0xbf: {  	[dreg:$0x1] =	wrdreg $0xFFFFFFFF  }
0xc0: {  	_ =	task.clear_ibuf [dreg:s5], $0x2FFFF;
	_ =	strace $0x9FFFFFFF  }
0xc1: {  	(tm) =	ssettm $0x7FFFFFFF  }
tec
execute0_lowered:
.L_overlay_start_1:
0x0: {  	(tag) =	ssettag $0x1  }
0x1: {  	s10 =	rddreg [dreg:$0x0]  }
0x2: {  	s2 =	rddreg [dreg:$0x1]  }
0x3: {  	s5 =	rddreg [dreg:$0x2];
	s1 =	stileid.u32  }
0x4: {  	s0 =	rddreg [dreg:$0x3];
	s7 =	simm.s32 $0x0;
	s3 =	smul.u32 $0x280, s1  }
0x5: {  	s30 =	simm.s32 $0x3;
	[smem:$0x7FF] =	sst s7;
	s6 =	sshll.u32 s1, $0x6  }
0x6: {  	s8 =	sadd.s32 $0x5B600, s10;
	s29 =	smul.u32 $0xA00, s1;
	s4 =	sadd.s32 s3, s5  }
0x7: {  	_ =	strace $0x8000004A;
	s6 =	sor.u32 $0x1C03, s6;
	s9 =	sshrl.u32 s4, $0x3  }
0x8: {  	[spmem:s9], [sflag:s6] =	dma.local [hbm:s8], $0x50  }
0x9: {  	_ =	swait.ge [sflag:s30], $0x50  }
0xa: {  	s6 =	sadd.s32 s29, s10;
	[sflag:s30] =	ssyncset.done $0x0  }
0xb: {  	s6 =	sadd.s32 $0x1600, s6;
	[sflag:s30] =	ssyncadd.s32 $0xFFFFFFB0  }
0xc: {  	[tilespmem:s7], [sflag:$0x3] =	stream.linear.gather [hbm4b:s6+s7], $0x5000, $0x38;
	[tilespmem:$0x8680] =	vst v63  }
0xd: {  	_ =	swait.ge [sflag:s30], $0x5000  }
0xe: {  	[sflag:s30] =	ssyncset.done $0x0  }
0xf: {  	s31 =	sadd.s32 $0xB600, s10;
	s6 =	simm.s32 $0x5000;
	[sflag:s30] =	ssyncadd.s32 $0xFFFFB000  }
0x10: {  	[tilespmem:s6], [sflag:$0x3] =	stream.linear.gather [hbm4b:s31+s7], $0x2800, $0x38;
	[tilespmem:$0x8680] =	vst v63  }
0x11: {  	_ =	swait.ge [sflag:s30], $0x2800  }
0x12: {  	[sflag:s30] =	ssyncset.done $0x0  }
0x13: {  	[sflag:s30] =	ssyncadd.s32 $0xFFFFD800  }
0x14: {  	[bflag:$0x0] =	sbarrier.arrive $0xFFFF  }
0x15: {  	v0 =	vld [tilespmem:$0x0];
	_ =	sdelay $0x4  }
0x16: {  	v1 =	vshrl.u32 v0, $0xE  }
0x17: {  	v2 =	vld [tilespmem:$0x10];
	_ =	sdelay $0x1  }
0x18: {  	v0 =	vand.u32 $0x3FFF, v0  }
0x19: {  	[tilespmem:$0x7900] =	vst v0  }
0x1a: {  	v0 =	vld.idx.msk [tilespmem:v1+s6+$0x0], $0xffff  }
0x1b: {  	v22 =	vshrl.u32 v2, $0xE  }
0x1c: {  	v3 =	vld [tilespmem:$0x20]  }
0x1d: {  	v23 =	vand.u32 $0x3FFF, v2  }
0x1e: {  	[tilespmem:$0x7910] =	vst v23  }
0x1f: {  	[tilespmem:$0x7800] =	vst v0  }
0x20: {  	v0 =	vld.idx.msk [tilespmem:v22+s6+$0x0], $0xffff  }
0x21: {  	v24 =	vshrl.u32 v3, $0xE  }
0x22: {  	v25 =	vld [tilespmem:$0x30]  }
0x23: {  	v26 =	vand.u32 $0x3FFF, v3  }
0x24: {  	[tilespmem:$0x7920] =	vst v26  }
0x25: {  	[tilespmem:$0x7810] =	vst v0  }
0x26: {  	v0 =	vld.idx.msk [tilespmem:v24+s6+$0x0], $0xffff  }
0x27: {  	v27 =	vshrl.u32 v25, $0xE  }
0x28: {  	v28 =	vld [tilespmem:$0x40]  }
0x29: {  	v29 =	vand.u32 $0x3FFF, v25  }
0x2a: {  	[tilespmem:$0x7930] =	vst v29  }
0x2b: {  	[tilespmem:$0x7820] =	vst v0  }
0x2c: {  	v0 =	vld.idx.msk [tilespmem:v27+s6+$0x0], $0xffff  }
0x2d: {  	v30 =	vshrl.u32 v28, $0xE  }
0x2e: {  	v31 =	vld [tilespmem:$0x50]  }
0x2f: {  	v32 =	vand.u32 $0x3FFF, v28  }
0x30: {  	[tilespmem:$0x7940] =	vst v32  }
0x31: {  	[tilespmem:$0x7830] =	vst v0  }
0x32: {  	v0 =	vld.idx.msk [tilespmem:v30+s6+$0x0], $0xffff  }
0x33: {  	v33 =	vshrl.u32 v31, $0xE  }
0x34: {  	v34 =	vld [tilespmem:$0x60]  }
0x35: {  	v35 =	vand.u32 $0x3FFF, v31  }
0x36: {  	[tilespmem:$0x7950] =	vst v35  }
0x37: {  	[tilespmem:$0x7840] =	vst v0  }
0x38: {  	v0 =	vld.idx.msk [tilespmem:v33+s6+$0x0], $0xffff  }
0x39: {  	v36 =	vshrl.u32 v34, $0xE  }
0x3a: {  	v37 =	vld [tilespmem:$0x70]  }
0x3b: {  	v38 =	vand.u32 $0x3FFF, v34  }
0x3c: {  	[tilespmem:$0x7960] =	vst v38  }
0x3d: {  	[tilespmem:$0x7850] =	vst v0  }
0x3e: {  	v0 =	vld.idx.msk [tilespmem:v36+s6+$0x0], $0xffff  }
0x3f: {  	v39 =	vshrl.u32 v37, $0xE;
	_ =	sdelay $0x1  }
0x40: {  	v40 =	vand.u32 $0x3FFF, v37  }
0x41: {  	[tilespmem:$0x7970] =	vst v40  }
0x42: {  	[tilespmem:$0x7860] =	vst v0  }
0x43: {  	v0 =	vld.idx.msk [tilespmem:v39+s6+$0x0], $0xffff;
	_ =	sdelay $0x4  }
0x44: {  	s8 =	simm.s32 $0x7900;
	s9 =	simm.s32 $0x7800;
	s7 =	simm.s32 $0x80;
	[tilespmem:$0x7870] =	vst v0  }
0x45: {  	[spmem:s5] =	stream.indirect.scatter.add.f32 [tilespmem:s9], [sflag:$0x1], $0x1, s8, s7, $0xb8;
	[tilespmem:$0x8680] =	vst v63  }
0x46: {  	v41 =	vld [tilespmem:$0x80];
	_ =	sdelay $0x4  }
0x47: {  	v42 =	vshrl.u32 v41, $0xE  }
0x48: {  	v43 =	vld [tilespmem:$0x90];
	_ =	sdelay $0x1  }
0x49: {  	v0 =	vand.u32 $0x3FFF, v41  }
0x4a: {  	[tilespmem:$0x7980] =	vst v0  }
0x4b: {  	v0 =	vld.idx.msk [tilespmem:v42+s6+$0x0], $0xffff  }
0x4c: {  	v44 =	vshrl.u32 v43, $0xE  }
0x4d: {  	v45 =	vld [tilespmem:$0xA0]  }
0x4e: {  	v46 =	vand.u32 $0x3FFF, v43  }
0x4f: {  	[tilespmem:$0x7990] =	vst v46  }
0x50: {  	[tilespmem:$0x7880] =	vst v0  }
0x51: {  	v0 =	vld.idx.msk [tilespmem:v44+s6+$0x0], $0xffff  }
0x52: {  	v47 =	vshrl.u32 v45, $0xE  }
0x53: {  	v48 =	vld [tilespmem:$0xB0]  }
0x54: {  	v49 =	vand.u32 $0x3FFF, v45  }
0x55: {  	[tilespmem:$0x79A0] =	vst v49  }
0x56: {  	[tilespmem:$0x7890] =	vst v0  }
0x57: {  	v0 =	vld.idx.msk [tilespmem:v47+s6+$0x0], $0xffff  }
0x58: {  	v50 =	vshrl.u32 v48, $0xE  }
0x59: {  	v51 =	vld [tilespmem:$0xC0]  }
0x5a: {  	v52 =	vand.u32 $0x3FFF, v48  }
0x5b: {  	[tilespmem:$0x79B0] =	vst v52  }
0x5c: {  	[tilespmem:$0x78A0] =	vst v0  }
0x5d: {  	v0 =	vld.idx.msk [tilespmem:v50+s6+$0x0], $0xffff  }
0x5e: {  	v53 =	vshrl.u32 v51, $0xE  }
0x5f: {  	v54 =	vld [tilespmem:$0xD0]  }
0x60: {  	v55 =	vand.u32 $0x3FFF, v51  }
0x61: {  	[tilespmem:$0x79C0] =	vst v55  }
0x62: {  	[tilespmem:$0x78B0] =	vst v0  }
0x63: {  	v0 =	vld.idx.msk [tilespmem:v53+s6+$0x0], $0xffff  }
0x64: {  	v56 =	vshrl.u32 v54, $0xE  }
0x65: {  	v57 =	vld [tilespmem:$0xE0]  }
0x66: {  	v58 =	vand.u32 $0x3FFF, v54  }
0x67: {  	[tilespmem:$0x79D0] =	vst v58  }
0x68: {  	[tilespmem:$0x78C0] =	vst v0  }
0x69: {  	v0 =	vld.idx.msk [tilespmem:v56+s6+$0x0], $0xffff  }
0x6a: {  	v59 =	vshrl.u32 v57, $0xE  }
0x6b: {  	v60 =	vld [tilespmem:$0xF0]  }
0x6c: {  	v61 =	vand.u32 $0x3FFF, v57  }
0x6d: {  	[tilespmem:$0x79E0] =	vst v61  }
0x6e: {  	[tilespmem:$0x78D0] =	vst v0  }
0x6f: {  	v0 =	vld.idx.msk [tilespmem:v59+s6+$0x0], $0xffff  }
0x70: {  	v62 =	vshrl.u32 v60, $0xE;
	_ =	sdelay $0x1  }
0x71: {  	v63 =	vand.u32 $0x3FFF, v60  }
0x72: {  	[tilespmem:$0x79F0] =	vst v63  }
0x73: {  	[tilespmem:$0x78E0] =	vst v0  }
0x74: {  	v0 =	vld.idx.msk [tilespmem:v62+s6+$0x0], $0xffff;
	_ =	sdelay $0x2  }
0x75: {  	s12 =	simm.s32 $0x7980  }
0x76: {  	s13 =	simm.s32 $0x7880;
	s14 =	simm.s32 $0x7C0;
	s15 =	simm.s32 $0x1  }
0x77: {  	s16 =	simm.s32 $0x2;
	s11 =	sadd.s32 $0xBC00, s10;
	s10 =	sadd.s32 $0xC200, s10;
	[tilespmem:$0x78F0] =	vst v0  }
0x78: {  	[spmem:s5] =	stream.indirect.scatter.add.f32 [tilespmem:s13], [sflag:$0x2], $0x1, s12, s7, $0xb8;
	[tilespmem:$0x8680] =	vst v63  }
.LBB2_1:
0x79: {  	_ =	swait.ge [sflag:s15], $0x80  }
0x7a: {  	[sflag:s15] =	ssyncset.done $0x0  }
0x7b: {  	s17 =	sshra.s32 s14, $0x2;
	[sflag:s15] =	ssyncadd.s32 $0xFFFFFF80  }
0x7c: {  	v0 =	vld [tilespmem:s17+$0xFFFFFF10];
	_ =	sdelay $0x4  }
0x7d: {  	v1 =	vshrl.u32 v0, $0xE;
	_ =	sdelay $0x2  }
0x7e: {  	v0 =	vand.u32 $0x3FFF, v0  }
0x7f: {  	[tilespmem:$0x7900] =	vst v0  }
0x80: {  	v0 =	vld.idx.msk [tilespmem:v1+s6+$0x0], $0xffff;
	_ =	sdelay $0x4  }
0x81: {  	[tilespmem:$0x7800] =	vst v0  }
0x82: {  	v0 =	vld [tilespmem:s17+$0xFFFFFF20];
	_ =	sdelay $0x4  }
0x83: {  	v48 =	vshrl.u32 v0, $0xE;
	_ =	sdelay $0x2  }
0x84: {  	v0 =	vand.u32 $0x3FFF, v0  }
0x85: {  	[tilespmem:$0x7910] =	vst v0  }
0x86: {  	v0 =	vld.idx.msk [tilespmem:v48+s6+$0x0], $0xffff;
	_ =	sdelay $0x4  }
0x87: {  	[tilespmem:$0x7810] =	vst v0  }
0x88: {  	v0 =	vld [tilespmem:s17+$0xFFFFFF30];
	_ =	sdelay $0x4  }
0x89: {  	v49 =	vshrl.u32 v0, $0xE;
	_ =	sdelay $0x2  }
0x8a: {  	v0 =	vand.u32 $0x3FFF, v0  }
0x8b: {  	[tilespmem:$0x7920] =	vst v0  }
0x8c: {  	v0 =	vld.idx.msk [tilespmem:v49+s6+$0x0], $0xffff;
	_ =	sdelay $0x4  }
0x8d: {  	[tilespmem:$0x7820] =	vst v0  }
0x8e: {  	v0 =	vld [tilespmem:s17+$0xFFFFFF40];
	_ =	sdelay $0x4  }
0x8f: {  	v50 =	vshrl.u32 v0, $0xE;
	_ =	sdelay $0x2  }
0x90: {  	v0 =	vand.u32 $0x3FFF, v0  }
0x91: {  	[tilespmem:$0x7930] =	vst v0  }
0x92: {  	v0 =	vld.idx.msk [tilespmem:v50+s6+$0x0], $0xffff;
	_ =	sdelay $0x4  }
0x93: {  	[tilespmem:$0x7830] =	vst v0  }
0x94: {  	v0 =	vld [tilespmem:s17+$0xFFFFFF50];
	_ =	sdelay $0x4  }
0x95: {  	v51 =	vshrl.u32 v0, $0xE;
	_ =	sdelay $0x2  }
0x96: {  	v0 =	vand.u32 $0x3FFF, v0  }
0x97: {  	[tilespmem:$0x7940] =	vst v0  }
0x98: {  	v0 =	vld.idx.msk [tilespmem:v51+s6+$0x0], $0xffff;
	_ =	sdelay $0x4  }
0x99: {  	[tilespmem:$0x7840] =	vst v0  }
0x9a: {  	v0 =	vld [tilespmem:s17+$0xFFFFFF60];
	_ =	sdelay $0x4  }
0x9b: {  	v52 =	vshrl.u32 v0, $0xE;
	_ =	sdelay $0x2  }
0x9c: {  	v0 =	vand.u32 $0x3FFF, v0  }
0x9d: {  	[tilespmem:$0x7950] =	vst v0  }
0x9e: {  	v0 =	vld.idx.msk [tilespmem:v52+s6+$0x0], $0xffff;
	_ =	sdelay $0x4  }
0x9f: {  	[tilespmem:$0x7850] =	vst v0  }
0xa0: {  	v0 =	vld [tilespmem:s17+$0xFFFFFF70];
	_ =	sdelay $0x4  }
0xa1: {  	v53 =	vshrl.u32 v0, $0xE;
	_ =	sdelay $0x2  }
0xa2: {  	v0 =	vand.u32 $0x3FFF, v0  }
0xa3: {  	[tilespmem:$0x7960] =	vst v0  }
0xa4: {  	v0 =	vld.idx.msk [tilespmem:v53+s6+$0x0], $0xffff;
	_ =	sdelay $0x4  }
0xa5: {  	[tilespmem:$0x7860] =	vst v0  }
0xa6: {  	v0 =	vld [tilespmem:s17+$0xFFFFFF80];
	_ =	sdelay $0x4  }
0xa7: {  	v54 =	vshrl.u32 v0, $0xE;
	_ =	sdelay $0x2  }
0xa8: {  	v0 =	vand.u32 $0x3FFF, v0  }
0xa9: {  	[tilespmem:$0x7970] =	vst v0  }
0xaa: {  	v0 =	vld.idx.msk [tilespmem:v54+s6+$0x0], $0xffff;
	_ =	sdelay $0x4  }
0xab: {  	[tilespmem:$0x7870] =	vst v0  }
0xac: {  	[spmem:s5] =	stream.indirect.scatter.add.f32 [tilespmem:s9], [sflag:$0x1], $0x1, s8, s7, $0xb8;
	[tilespmem:$0x8680] =	vst v63  }
0xad: {  	_ =	swait.ge [sflag:s16], $0x80  }
0xae: {  	[sflag:s16] =	ssyncset.done $0x0  }
0xaf: {  	[sflag:s16] =	ssyncadd.s32 $0xFFFFFF80  }
0xb0: {  	v55 =	vld [tilespmem:s17+$0xFFFFFF90];
	_ =	sdelay $0x4  }
0xb1: {  	v56 =	vshrl.u32 v55, $0xE;
	_ =	sdelay $0x2  }
0xb2: {  	v0 =	vand.u32 $0x3FFF, v55  }
0xb3: {  	[tilespmem:$0x7980] =	vst v0  }
0xb4: {  	v0 =	vld.idx.msk [tilespmem:v56+s6+$0x0], $0xffff;
	_ =	sdelay $0x4  }
0xb5: {  	[tilespmem:$0x7880] =	vst v0  }
0xb6: {  	v0 =	vld [tilespmem:s17+$0xFFFFFFA0];
	_ =	sdelay $0x4  }
0xb7: {  	v57 =	vshrl.u32 v0, $0xE;
	_ =	sdelay $0x2  }
0xb8: {  	v0 =	vand.u32 $0x3FFF, v0  }
0xb9: {  	[tilespmem:$0x7990] =	vst v0  }
0xba: {  	v0 =	vld.idx.msk [tilespmem:v57+s6+$0x0], $0xffff;
	_ =	sdelay $0x4  }
0xbb: {  	[tilespmem:$0x7890] =	vst v0  }
0xbc: {  	v0 =	vld [tilespmem:s17+$0xFFFFFFB0];
	_ =	sdelay $0x4  }
0xbd: {  	v58 =	vshrl.u32 v0, $0xE;
	_ =	sdelay $0x2  }
0xbe: {  	v0 =	vand.u32 $0x3FFF, v0  }
0xbf: {  	[tilespmem:$0x79A0] =	vst v0  }
0xc0: {  	v0 =	vld.idx.msk [tilespmem:v58+s6+$0x0], $0xffff;
	_ =	sdelay $0x4  }
0xc1: {  	[tilespmem:$0x78A0] =	vst v0  }
0xc2: {  	v0 =	vld [tilespmem:s17+$0xFFFFFFC0];
	_ =	sdelay $0x4  }
0xc3: {  	v59 =	vshrl.u32 v0, $0xE;
	_ =	sdelay $0x2  }
0xc4: {  	v0 =	vand.u32 $0x3FFF, v0  }
0xc5: {  	[tilespmem:$0x79B0] =	vst v0  }
0xc6: {  	v0 =	vld.idx.msk [tilespmem:v59+s6+$0x0], $0xffff;
	_ =	sdelay $0x4  }
0xc7: {  	[tilespmem:$0x78B0] =	vst v0  }
0xc8: {  	v0 =	vld [tilespmem:s17+$0xFFFFFFD0];
	_ =	sdelay $0x4  }
0xc9: {  	v60 =	vshrl.u32 v0, $0xE;
	_ =	sdelay $0x2  }
0xca: {  	v0 =	vand.u32 $0x3FFF, v0  }
0xcb: {  	[tilespmem:$0x79C0] =	vst v0  }
0xcc: {  	v0 =	vld.idx.msk [tilespmem:v60+s6+$0x0], $0xffff;
	_ =	sdelay $0x4  }
0xcd: {  	[tilespmem:$0x78C0] =	vst v0  }
0xce: {  	v0 =	vld [tilespmem:s17+$0xFFFFFFE0];
	_ =	sdelay $0x4  }
0xcf: {  	v61 =	vshrl.u32 v0, $0xE;
	_ =	sdelay $0x2  }
0xd0: {  	v0 =	vand.u32 $0x3FFF, v0  }
0xd1: {  	[tilespmem:$0x79D0] =	vst v0  }
0xd2: {  	v0 =	vld.idx.msk [tilespmem:v61+s6+$0x0], $0xffff;
	_ =	sdelay $0x4  }
0xd3: {  	[tilespmem:$0x78D0] =	vst v0  }
0xd4: {  	v0 =	vld [tilespmem:s17+$0xFFFFFFF0];
	_ =	sdelay $0x4  }
0xd5: {  	v62 =	vshrl.u32 v0, $0xE;
	_ =	sdelay $0x2  }
0xd6: {  	v0 =	vand.u32 $0x3FFF, v0  }
0xd7: {  	[tilespmem:$0x79E0] =	vst v0  }
0xd8: {  	v0 =	vld.idx.msk [tilespmem:v62+s6+$0x0], $0xffff;
	_ =	sdelay $0x4  }
0xd9: {  	[tilespmem:$0x78E0] =	vst v0  }
0xda: {  	v0 =	vld [tilespmem:s17+$0x0];
	_ =	sdelay $0x4  }
0xdb: {  	v63 =	vshrl.u32 v0, $0xE;
	_ =	sdelay $0x2  }
0xdc: {  	v0 =	vand.u32 $0x3FFF, v0  }
0xdd: {  	[tilespmem:$0x79F0] =	vst v0  }
0xde: {  	v0 =	vld.idx.msk [tilespmem:v63+s6+$0x0], $0xffff  }
0xdf: {  	p0 =	sne.s32 s14, $0x13FC0  }
.Ltmp0:
0xe0: {  	_ = 	snop;
	(pc) =	sbr.rel @p0 .LBB2_1-.Ltmp0, $3  }
0xe1: {  	_ =	sdelay $0x1  }
0xe2: {  	s14 =	sadd.s32 $0x400, s14;
	[tilespmem:$0x78F0] =	vst v0  }
0xe3: {  	[spmem:s5] =	stream.indirect.scatter.add.f32 [tilespmem:s13], [sflag:$0x2], $0x1, s12, s7, $0xb8;
	[tilespmem:$0x8680] =	vst v63  }
0xe4: {  	s5 =	simm.s32 $0x1  }
0xe5: {  	_ =	swait.ge [sflag:s5], $0x80  }
0xe6: {  	[sflag:s5] =	ssyncset.done $0x0  }
0xe7: {  	s25 =	simm.s32 $0x2;
	[sflag:s5] =	ssyncadd.s32 $0xFFFFFF80  }
0xe8: {  	_ =	swait.ge [sflag:s25], $0x80  }
0xe9: {  	[sflag:s25] =	ssyncset.done $0x0  }
0xea: {  	[sflag:s25] =	ssyncadd.s32 $0xFFFFFF80  }
0xeb: {  	s26 =	simm.s32 $0x7A00;
	s28 =	simm.s32 $0x3;
	[bflag:$0x0] =	sbarrier.arrive $0xFFFF  }
0xec: {  	[tilespmem:s26], [sflag:$0x3] =	stream.linear.gather [spmem:s4], $0x280, $0x38;
	[tilespmem:$0x8680] =	vst v63  }
0xed: {  	_ =	swait.ge [sflag:s28], $0x280  }
0xee: {  	s3 =	sshrl.u32 s3, $0x3;
	s6 =	simm.s32 $0x0;
	[sflag:s28] =	ssyncset.done $0x0  }
0xef: {  	s7 =	simm.s32 $0x7C80;
	s29 =	sadd.s32 s11, s3;
	[sflag:s28] =	ssyncadd.s32 $0xFFFFFD80  }
0xf0: {  	[tilespmem:s7], [sflag:$0x3] =	stream.linear.gather [hbm4b:s29+s6], $0x280, $0x38;
	[tilespmem:$0x8680] =	vst v63  }
0xf1: {  	_ =	swait.ge [sflag:s28], $0x280  }
0xf2: {  	[sflag:s28] =	ssyncset.done $0x0  }
0xf3: {  	s31 =	simm.s32 $0x7F00;
	s30 =	sadd.s32 s10, s3;
	[sflag:s28] =	ssyncadd.s32 $0xFFFFFD80  }
0xf4: {  	[tilespmem:s31], [sflag:$0x3] =	stream.linear.gather [hbm4b:s30+s6], $0x280, $0x38;
	[tilespmem:$0x8680] =	vst v63  }
0xf5: {  	_ =	swait.ge [sflag:s28], $0x280  }
0xf6: {  	[sflag:s28] =	ssyncset.done $0x0  }
0xf7: {  	s4 =	simm.s32 $0x0;
	[sflag:s28] =	ssyncadd.s32 $0xFFFFFD80  }
0xf8: {  	v0 =	vld [tilespmem:s4+$0x7A00]  }
0xf9: {  	v1 =	vld [tilespmem:s4+$0x7C80];
	_ =	sdelay $0x1  }
0xfa: {  	v2 =	vld [tilespmem:s4+$0x7F00]  }
0xfb: {  	s5 =	simm.s32 $0x40  }
.LBB2_3:
0xfc: {  	s6 =	sshra.s32 s5, $0x2;
	p0 =	sne.s32 s5, $0x9C0  }
.Ltmp1:
0xfd: {  	s5 =	sadd.s32 $0x40, s5;
	v3 =	vmul.f32 v1, v0;
	v0 =	vld [tilespmem:s6+$0x7A00];
	(pc) =	sbr.rel @p0 .LBB2_3-.Ltmp1, $4  }
0xfe: {  	v1 =	vld [tilespmem:s6+$0x7C80]  }
0xff: {  	v3 =	vadd.f32 v2, v3  }
0x100: {  	v2 =	vld [tilespmem:s6+$0x7F00]  }
0x101: {  	[tilespmem:s4+$0x8180] =	vst v3;
	s4 =	smov.u32 s6  }
0x102: {  	_ = 	snop  }
0x103: {  	v0 =	vmul.f32 v1, v0;
	_ =	sdelay $0x1  }
0x104: {  	v0 =	vadd.f32 v2, v0  }
0x105: {  	s2 =	sadd.s32 s2, s3  }
0x106: {  	s29 =	simm.s32 $0x0;
	s30 =	simm.s32 $0x8180;
	s31 =	simm.s32 $0x3;
	[tilespmem:s4+$0x8180] =	vst v0  }
0x107: {  	[hbm4b:s2+s29] =	stream.linear.scatter [tilespmem:s30], [sflag:$0x3], $0x280, $0x38;
	[tilespmem:$0x8680] =	vst v63  }
0x108: {  	_ =	swait.ge [sflag:s31], $0x280  }
0x109: {  	[sflag:s31] =	ssyncset.done $0x0  }
0x10a: {  	[sflag:s31] =	ssyncadd.s32 $0xFFFFFD80  }
0x10b: {  	_ =	sfence.sel $0x180000  }
0x10c: {  	[bflag:$0x0] =	sbarrier.arrive $0xFFFF  }
0x10d: {  	p0 =	sne.s32 s1, $0x0;
	_ =	strace $0x9000004A  }
0x10e: {  	s0 =	sadd.s32 @!p0 $0x100000, s0;
	[bflag:$0x2] =	sbarrier.arrive $0xFFFF  }
0x10f: {  	[sflag:s0] =	ssyncadd.tile.s32 @!p0 $0x1;
	_ =	shalt  }
.Lfunc_end2:
_tile_overlayer_lowered:
.L_overlay_start_2:
0x110: {  	(tag) =	ssettag $0x2  }
0x111: {  	s0 =	rddreg [dreg:$0x0];
	s2 =	stileid.u32  }
0x112: {  	s1 =	rddreg [dreg:$0x1];
	p0 =	sne.s32 s2, $0x0  }
0x113: {  	s3 =	rddreg [dreg:$0x2];
	[bflag:$0x3] =	sbarrier.arrive $0xFFFF;
	s2 =	simm.s32 @!p0 $0x1C03  }
0x114: {  	[timem:s3], [sflag:s2] =	dma.local @!p0 [hbm:s0], s1  }
0x115: {  	s0 =	simm.s32 @!p0 $0x3  }
0x116: {  	_ =	swait.ge @!p0 [sflag:s0], s1  }
0x117: {  	s1 =	ssub.s32 @!p0 $0x0, s1;
	[sflag:s0] =	ssyncset.done @!p0 $0x0  }
0x118: {  	[sflag:s0] =	ssyncadd.s32 @!p0 s1  }
0x119: {  	[bflag:$0x3] =	sbarrier.arrive $0xFFFF  }
0x11a: {  	_ =	shalt  }

</sc_bundles>
